<compile_context>
chip_gen: v7x
topology: tpu7x:2x2x1
jax: 0.10.2.dev20260603
libtpu: 0.0.44.dev20260713+nightly
codegen_flags: <defaults>
</compile_context>

<pallas_src>
import functools

import jax
import jax.numpy as jnp
from jax import lax
from jax.experimental import pallas as pl
from jax.experimental.pallas import tpu as pltpu
from jax.experimental.pallas import tpu_sc as plsc

N = 10000
E = 320000
D = 128

NC, NS, L = 2, 16, 16
NW = NC * NS
CHUNK = 128
N_BLOCKS = 79
N_PAD = N_BLOCKS * 128
CHUNKS_PER_TILE = 80
E_PAD = NW * CHUNKS_PER_TILE * CHUNK
ROWS_PER_TILE = N_PAD // NS

_mesh = plsc.VectorSubcoreMesh(core_axis_name="c", subcore_axis_name="s")


def _tile_ids():
    cid = lax.axis_index("c")
    sid = lax.axis_index("s")
    return cid, sid


DW = D


@functools.partial(
    pl.kernel,
    out_type=jax.ShapeDtypeStruct((NC * N_PAD, DW), jnp.float32),
    mesh=_mesh,
    scratch_types=[
        pltpu.VMEM((2, CHUNK), jnp.int32),
        pltpu.VMEM((CHUNK, DW), jnp.float32),
        pltpu.VMEM_SHARED((N_PAD, DW), jnp.float32),
        pltpu.SemaphoreType.DMA,
    ],
)
def _sc_degree(edges_hbm, out_hbm, idst_v, ones_v, acc_sh, sem_i):
    cid, sid = _tile_ids()
    row0 = sid * ROWS_PER_TILE
    tile_base = (cid * NS + sid) * (CHUNKS_PER_TILE * CHUNK)
    rchunks = [(q * CHUNK, min(CHUNK, ROWS_PER_TILE - q * CHUNK))
               for q in range((ROWS_PER_TILE + CHUNK - 1) // CHUNK)]

    def eslice(i):
        return edges_hbm.at[pl.ds(E_PAD + tile_base + i * CHUNK, CHUNK)]

    def fill(val):
        def body(r, _):
            for j in range(DW // 16):
                ones_v[r, pl.ds(j * 16, 16)] = jnp.full((16,), val, jnp.float32)
            return _
        lax.fori_loop(0, CHUNK, body, None)

    fill(0.0)
    for r0, rn in rchunks:
        pltpu.sync_copy(ones_v.at[pl.ds(0, rn)],
                        acc_sh.at[pl.ds(row0 + r0, rn)])
    fill(1.0)
    plsc.subcore_barrier()

    pltpu.sync_copy(eslice(0), idst_v.at[0])
    pltpu.async_copy(eslice(1), idst_v.at[1], sem_i)

    def pair(g, _):
        for b in range(2):
            i = 2 * g + b
            pltpu.sync_copy(ones_v, acc_sh.at[idst_v.at[b]], add=True)
            pltpu.make_async_copy(eslice(i + 1), idst_v.at[1 - b], sem_i).wait()
            pltpu.async_copy(eslice(i + 2), idst_v.at[b], sem_i)
        return _

    lax.fori_loop(0, (CHUNKS_PER_TILE - 2) // 2, pair, None)
    i = CHUNKS_PER_TILE - 2
    pltpu.sync_copy(ones_v, acc_sh.at[idst_v.at[0]], add=True)
    pltpu.make_async_copy(eslice(i + 1), idst_v.at[1], sem_i).wait()
    pltpu.sync_copy(ones_v, acc_sh.at[idst_v.at[1]], add=True)
    plsc.subcore_barrier()

    pltpu.sync_copy(acc_sh.at[pl.ds(row0, ROWS_PER_TILE)],
                    out_hbm.at[pl.ds(cid * N_PAD + row0, ROWS_PER_TILE)])


@functools.partial(
    pl.kernel,
    out_type=jax.ShapeDtypeStruct((NC * N_PAD, D), jnp.float32),
    mesh=_mesh,
    scratch_types=[
        pltpu.VMEM((4, CHUNK), jnp.int32),
        pltpu.VMEM((4, CHUNK), jnp.int32),
        pltpu.VMEM((2, CHUNK, D), jnp.float32),
        pltpu.VMEM_SHARED((N_PAD, D), jnp.float32),
        pltpu.SemaphoreType.DMA,
        pltpu.SemaphoreType.DMA,
        pltpu.SemaphoreType.DMA,
    ],
)
def _sc_aggregate(hp_hbm, edges_hbm, out_hbm,
                  isrc_v, idst_v, rows_v, acc_sh, sem_i, sem_g, sem_s):
    cid, sid = _tile_ids()
    row0 = sid * ROWS_PER_TILE
    rchunks = [(q * CHUNK, min(CHUNK, ROWS_PER_TILE - q * CHUNK))
               for q in range((ROWS_PER_TILE + CHUNK - 1) // CHUNK)]
    tile_base = (cid * NS + sid) * (CHUNKS_PER_TILE * CHUNK)

    def eslice(half, i):
        return edges_hbm.at[pl.ds(half * E_PAD + tile_base + i * CHUNK, CHUNK)]

    def issue_idx(i, b):
        pltpu.async_copy(eslice(0, i), isrc_v.at[b], sem_i)
        pltpu.async_copy(eslice(1, i), idst_v.at[b], sem_i)

    def wait_idx(i, b):
        pltpu.make_async_copy(eslice(0, i), isrc_v.at[b], sem_i).wait()
        pltpu.make_async_copy(eslice(1, i), idst_v.at[b], sem_i).wait()

    def issue_gather(i, s):
        pltpu.async_copy(hp_hbm.at[isrc_v.at[s]], rows_v.at[s % 2], sem_g)

    def wait_gather(i, s):
        pltpu.make_async_copy(
            hp_hbm.at[isrc_v.at[s]], rows_v.at[s % 2], sem_g).wait()

    def issue_scatter(i, s):
        pltpu.async_copy(rows_v.at[s % 2], acc_sh.at[idst_v.at[s]],
                         sem_s, add=True)

    def wait_scatter(i, s):
        pltpu.make_async_copy(rows_v.at[s % 2], acc_sh.at[idst_v.at[s]],
                              sem_s).wait()

    def fill_zero(r, _):
        for j in range(D // 16):
            rows_v[0, r, pl.ds(j * 16, 16)] = jnp.zeros((16,), jnp.float32)
        return _

    lax.fori_loop(0, CHUNK, fill_zero, None)
    for r0, rn in rchunks:
        pltpu.sync_copy(rows_v.at[0, pl.ds(0, rn)],
                        acc_sh.at[pl.ds(row0 + r0, rn)])
    plsc.subcore_barrier()

    def steady(i, s):
        wait_idx(i + 1, (s + 1) % 4)
        wait_scatter(i - 1, (s + 3) % 4)
        issue_gather(i + 1, (s + 1) % 4)
        wait_gather(i, s)
        issue_scatter(i, s)
        issue_idx(i + 2, (s + 2) % 4)

    pltpu.sync_copy(eslice(0, 0), isrc_v.at[0])
    pltpu.sync_copy(eslice(1, 0), idst_v.at[0])
    issue_gather(0, 0)
    issue_idx(1, 1)
    wait_idx(1, 1)
    issue_gather(1, 1)
    wait_gather(0, 0)
    issue_scatter(0, 0)
    issue_idx(2, 2)

    def quad(g, _):
        for b in range(4):
            steady(4 * g + 1 + b, (1 + b) % 4)
        return _

    lax.fori_loop(0, (CHUNKS_PER_TILE - 4) // 4, quad, None)
    n = CHUNKS_PER_TILE
    steady(n - 3, (n - 3) % 4)
    i = n - 2
    wait_idx(i + 1, (i + 1) % 4)
    wait_scatter(i - 1, (i - 1) % 4)
    issue_gather(i + 1, (i + 1) % 4)
    wait_gather(i, i % 4)
    issue_scatter(i, i % 4)
    wait_gather(i + 1, (i + 1) % 4)
    issue_scatter(i + 1, (i + 1) % 4)
    wait_scatter(i, i % 4)
    wait_scatter(i + 1, (i + 1) % 4)
    plsc.subcore_barrier()

    pltpu.sync_copy(acc_sh.at[pl.ds(row0, ROWS_PER_TILE)],
                    out_hbm.at[pl.ds(cid * N_PAD + row0, ROWS_PER_TILE)])


def _dinv_block(da, db, g):
    deg = da[:, 0:1] + db[:, 0:1] + 1.0
    rows = g * 128 + lax.broadcasted_iota(jnp.int32, (128, 1), 0)
    return jnp.where(rows < N, lax.rsqrt(deg), 0.0)


def _tc_mm_body(x_ref, w_ref, o_ref):
    o_ref[...] = jnp.dot(x_ref[...], w_ref[...],
                         preferred_element_type=jnp.float32)


def _tc_scale_body(h_ref, da_ref, db_ref, o_ref):
    g = pl.program_id(0)
    dinv = _dinv_block(da_ref[...], db_ref[...], g)
    o_ref[...] = h_ref[...] * dinv


def _tc_mid_body(aa_ref, ab_ref, hp_ref, b_ref, w_ref, da_ref, db_ref, o_ref):
    g = pl.program_id(0)
    dinv = _dinv_block(da_ref[...], db_ref[...], g)
    z = jnp.maximum(
        dinv * (aa_ref[...] + ab_ref[...] + hp_ref[...]) + b_ref[...], 0.0)
    o_ref[...] = jnp.dot(z, w_ref[...],
                         preferred_element_type=jnp.float32) * dinv


def _tc_out_body(aa_ref, ab_ref, hp_ref, b_ref, da_ref, db_ref, o_ref):
    g = pl.program_id(0)
    dinv = _dinv_block(da_ref[...], db_ref[...], g)
    o_ref[...] = jnp.maximum(
        dinv * (aa_ref[...] + ab_ref[...] + hp_ref[...]) + b_ref[...], 0.0)


_row_spec = pl.BlockSpec((128, D), lambda g: (g, 0))
_w_spec = pl.BlockSpec((D, D), lambda g: (0, 0))
_b_spec = pl.BlockSpec((1, D), lambda g: (0, 0))
_da_spec = pl.BlockSpec((128, DW), lambda g: (g, 0))
_db_spec = pl.BlockSpec((128, DW), lambda g: (N_BLOCKS + g, 0))
_out_struct = jax.ShapeDtypeStruct((N_PAD, D), jnp.float32)


def _tc_mm(x_p, w):
    return pl.pallas_call(
        _tc_mm_body, grid=(N_BLOCKS,),
        in_specs=[_row_spec, _w_spec],
        out_specs=_row_spec, out_shape=_out_struct,
    )(x_p, w)


def _tc_scale(h, deg2):
    return pl.pallas_call(
        _tc_scale_body, grid=(N_BLOCKS,),
        in_specs=[_row_spec, _da_spec, _db_spec],
        out_specs=_row_spec, out_shape=_out_struct,
    )(h, deg2, deg2)


def _tc_mid(acc, hp, b, w, deg2):
    return pl.pallas_call(
        _tc_mid_body, grid=(N_BLOCKS,),
        in_specs=[_row_spec,
                  pl.BlockSpec((128, D), lambda g: (N_BLOCKS + g, 0)),
                  _row_spec, _b_spec, _w_spec, _da_spec, _db_spec],
        out_specs=_row_spec, out_shape=_out_struct,
    )(acc, acc, hp, b, w, deg2, deg2)


def _tc_out(acc, hp, b, deg2):
    return pl.pallas_call(
        _tc_out_body, grid=(N_BLOCKS,),
        in_specs=[_row_spec,
                  pl.BlockSpec((128, D), lambda g: (N_BLOCKS + g, 0)),
                  _row_spec, _b_spec, _da_spec, _db_spec],
        out_specs=_row_spec,
        out_shape=jax.ShapeDtypeStruct((N, D), jnp.float32),
    )(acc, acc, hp, b, deg2, deg2)


def kernel(x, edge_index, W1, b1, W2, b2):
    pad_e = E_PAD - E
    pad_idx = N + jnp.arange(pad_e, dtype=jnp.int32) % (N_PAD - N)
    edges_p = jnp.concatenate(
        [edge_index[0], pad_idx, edge_index[1], pad_idx])
    b1r = b1.reshape(1, D)
    b2r = b2.reshape(1, D)

    deg2 = _sc_degree(edges_p)
    h1u = _tc_mm(x, W1)
    h1p = _tc_scale(h1u, deg2)
    acc1 = _sc_aggregate(h1p, edges_p)
    h2p = _tc_mid(acc1, h1p, b1r, W2, deg2)
    acc2 = _sc_aggregate(h2p, edges_p)
    return _tc_out(acc2, h2p, b2r, deg2)

# --- scband reference (transcript-rebuilt; emitter-appended) ---
"""Pipeline reference for scband-partial-gnn-62680752718268 (READ-ONLY COPY).

The authoritative reference and input builder live on the scoring server;
editing this copy changes nothing except your own understanding.
"""

import jax, jax.numpy as jnp
import numpy as np

N_NODES = 10000
N_EDGES = 320000
D_FEAT = 128


def setup_inputs(seed: int = 0) -> dict:
    key = jax.random.key(seed)
    k1, k2, k3, k4 = jax.random.split(key, 4)
    x = jax.random.normal(k1, (N_NODES, D_FEAT), dtype=jnp.float32)
    edge_index = jax.random.randint(k2, (2, N_EDGES), 0, N_NODES, dtype=jnp.int32)
    # GCNConv weights for each of the 2 layers (PyG GCNConv: lin then propagate, then bias)
    scale = 1.0 / np.sqrt(D_FEAT)
    W1 = jax.random.normal(k3, (D_FEAT, D_FEAT), dtype=jnp.float32) * scale
    b1 = jnp.zeros((D_FEAT,), dtype=jnp.float32)
    W2 = jax.random.normal(k4, (D_FEAT, D_FEAT), dtype=jnp.float32) * scale
    b2 = jnp.zeros((D_FEAT,), dtype=jnp.float32)
    return {"x": x, "edge_index": edge_index, "W1": W1, "b1": b1, "W2": W2, "b2": b2}


def _gcn_conv(x, src, dst, W, b, n_nodes):
    # PyG GCNConv: h = x @ W; symmetric-normalized aggregation with self-loops; + bias
    h = x @ W
    deg = jax.ops.segment_sum(jnp.ones_like(dst, dtype=h.dtype), dst, num_segments=n_nodes)
    dinv = jnp.where(deg > 0, 1.0 / jnp.sqrt(deg), 0.0)
    norm = dinv[src] * dinv[dst]
    msg = h[src] * norm[:, None]
    out = jax.ops.segment_sum(msg, dst, num_segments=n_nodes)
    return out + b


def reference(x, edge_index, W1, b1, W2, b2):
    n = x.shape[0]
    # add self-loops (PyG GCNConv default)
    loop = jnp.arange(n, dtype=edge_index.dtype)
    src = jnp.concatenate([edge_index[0], loop])
    dst = jnp.concatenate([edge_index[1], loop])
    # layer 1: conv -> Identity norm -> relu
    h = _gcn_conv(x, src, dst, W1, b1, n)
    h = jax.nn.relu(h)
    # layer 2: conv -> Identity norm -> relu
    h = _gcn_conv(h, src, dst, W2, b2, n)
    h = jax.nn.relu(h)
    return h

if __name__ == "__main__":
    import jax
    _d = setup_inputs()
    print(jax.jit(kernel)(*tuple(_d.values())))

</pallas_src>

<mosaic_0001>
#map = affine_map<(d0, d1) -> (0, 0)>
#map1 = affine_map<(d0, d1) -> (0)>
module attributes {stable_mosaic.version = 14 : i64} {
  func.func @_sc_aggregate(%arg0: i32, %arg1: i32, %arg2: memref<10112x128xf32, #tpu.memory_space<hbm>>, %arg3: memref<655360xi32, #tpu.memory_space<hbm>>, %arg4: memref<20224x128xf32, #tpu.memory_space<hbm>>, %arg5: memref<4x128xi32, #tpu.memory_space<vmem>>, %arg6: memref<4x128xi32, #tpu.memory_space<vmem>>, %arg7: memref<2x128x128xf32, #tpu.memory_space<vmem>>, %arg8: memref<10112x128xf32, #tpu.memory_space<vmem_shared>>, %arg9: memref<!tpu.dma_semaphore, #tpu.memory_space<semaphore_mem>>, %arg10: memref<!tpu.dma_semaphore, #tpu.memory_space<semaphore_mem>>, %arg11: memref<!tpu.dma_semaphore, #tpu.memory_space<semaphore_mem>>) attributes {dimension_semantics = [#tpu.dimension_semantics<core_parallel>, #tpu.dimension_semantics<subcore_parallel>], iteration_bounds = array<i64: 2, 16>, scalar_prefetch = 0 : i64, scratch_operands = 7 : i64, tpu.core_type = #tpu.core_type<sc_vector_subcore>, window_params = [{transform_indices = #map}, {transform_indices = #map1}, {transform_indices = #map}]} {
    %mul3A = arith.constant 632 : i32
    %mul3A_0 = arith.muli %arg1, %mul3A : i32
    %mul3A_1 = arith.constant 16 : i32
    %mul3A_2 = arith.muli %arg0, %mul3A_1 : i32
    %add3A = arith.addi %mul3A_2, %arg1 : i32
    %mul3A_3 = arith.constant 10240 : i32
    %mul3A_4 = arith.muli %add3A, %mul3A_3 : i32
    %scan3A = arith.constant 0 : i32
    %scan3A_5 = arith.constant 128 : i32
    %scan3A_6 = arith.addi %scan3A, %scan3A_5 : i32
    %scan3A_7 = arith.constant 1 : i32
    scf.for %scan3A_388 = %scan3A to %scan3A_6 step %scan3A_7  : i32 {
      %broadcast_in_dim3A = arith.constant 0.000000e+00 : f32
      %broadcast_in_dim3A_389 = vector.broadcast %broadcast_in_dim3A : f32 to vector<16xf32>
      %swap3A = arith.constant 0 : i32
      %swap3A_390 = arith.index_cast %swap3A : i32 to index
      %swap3A_391 = arith.index_cast %scan3A_388 : i32 to index
      %swap3A_392 = arith.constant 0 : index
      %swap3A_393 = tpu.vector_load %arg7[%swap3A_390, %swap3A_391, %swap3A_392] {strides = array<i32>} : memref<2x128x128xf32, #tpu.memory_space<vmem>>, vector<1x1x16xf32>,
      %swap3A_394 = vector.shape_cast %swap3A_393 : vector<1x1x16xf32> to vector<16xf32>
      %swap3A_395 = vector.shape_cast %broadcast_in_dim3A_389 : vector<16xf32> to vector<1x1x16xf32>
      tpu.vector_store %arg7[%swap3A_390, %swap3A_391, %swap3A_392], %swap3A_395 {strides = array<i32>} : memref<2x128x128xf32, #tpu.memory_space<vmem>>, vector<1x1x16xf32>,
      %broadcast_in_dim3A_396 = arith.constant 0.000000e+00 : f32
      %broadcast_in_dim3A_397 = vector.broadcast %broadcast_in_dim3A_396 : f32 to vector<16xf32>
      %swap3A_398 = arith.constant 0 : i32
      %swap3A_399 = arith.index_cast %swap3A_398 : i32 to index
      %swap3A_400 = arith.index_cast %scan3A_388 : i32 to index
      %swap3A_401 = arith.constant 16 : index
      %swap3A_402 = tpu.vector_load %arg7[%swap3A_399, %swap3A_400, %swap3A_401] {strides = array<i32>} : memref<2x128x128xf32, #tpu.memory_space<vmem>>, vector<1x1x16xf32>,
      %swap3A_403 = vector.shape_cast %swap3A_402 : vector<1x1x16xf32> to vector<16xf32>
      %swap3A_404 = vector.shape_cast %broadcast_in_dim3A_397 : vector<16xf32> to vector<1x1x16xf32>
      tpu.vector_store %arg7[%swap3A_399, %swap3A_400, %swap3A_401], %swap3A_404 {strides = array<i32>} : memref<2x128x128xf32, #tpu.memory_space<vmem>>, vector<1x1x16xf32>,
      %broadcast_in_dim3A_405 = arith.constant 0.000000e+00 : f32
      %broadcast_in_dim3A_406 = vector.broadcast %broadcast_in_dim3A_405 : f32 to vector<16xf32>
      %swap3A_407 = arith.constant 0 : i32
      %swap3A_408 = arith.index_cast %swap3A_407 : i32 to index
      %swap3A_409 = arith.index_cast %scan3A_388 : i32 to index
      %swap3A_410 = arith.constant 32 : index
      %swap3A_411 = tpu.vector_load %arg7[%swap3A_408, %swap3A_409, %swap3A_410] {strides = array<i32>} : memref<2x128x128xf32, #tpu.memory_space<vmem>>, vector<1x1x16xf32>,
      %swap3A_412 = vector.shape_cast %swap3A_411 : vector<1x1x16xf32> to vector<16xf32>
      %swap3A_413 = vector.shape_cast %broadcast_in_dim3A_406 : vector<16xf32> to vector<1x1x16xf32>
      tpu.vector_store %arg7[%swap3A_408, %swap3A_409, %swap3A_410], %swap3A_413 {strides = array<i32>} : memref<2x128x128xf32, #tpu.memory_space<vmem>>, vector<1x1x16xf32>,
      %broadcast_in_dim3A_414 = arith.constant 0.000000e+00 : f32
      %broadcast_in_dim3A_415 = vector.broadcast %broadcast_in_dim3A_414 : f32 to vector<16xf32>
      %swap3A_416 = arith.constant 0 : i32
      %swap3A_417 = arith.index_cast %swap3A_416 : i32 to index
      %swap3A_418 = arith.index_cast %scan3A_388 : i32 to index
      %swap3A_419 = arith.constant 48 : index
      %swap3A_420 = tpu.vector_load %arg7[%swap3A_417, %swap3A_418, %swap3A_419] {strides = array<i32>} : memref<2x128x128xf32, #tpu.memory_space<vmem>>, vector<1x1x16xf32>,
      %swap3A_421 = vector.shape_cast %swap3A_420 : vector<1x1x16xf32> to vector<16xf32>
      %swap3A_422 = vector.shape_cast %broadcast_in_dim3A_415 : vector<16xf32> to vector<1x1x16xf32>
      tpu.vector_store %arg7[%swap3A_417, %swap3A_418, %swap3A_419], %swap3A_422 {strides = array<i32>} : memref<2x128x128xf32, #tpu.memory_space<vmem>>, vector<1x1x16xf32>,
      %broadcast_in_dim3A_423 = arith.constant 0.000000e+00 : f32
      %broadcast_in_dim3A_424 = vector.broadcast %broadcast_in_dim3A_423 : f32 to vector<16xf32>
      %swap3A_425 = arith.constant 0 : i32
      %swap3A_426 = arith.index_cast %swap3A_425 : i32 to index
      %swap3A_427 = arith.index_cast %scan3A_388 : i32 to index
      %swap3A_428 = arith.constant 64 : index
      %swap3A_429 = tpu.vector_load %arg7[%swap3A_426, %swap3A_427, %swap3A_428] {strides = array<i32>} : memref<2x128x128xf32, #tpu.memory_space<vmem>>, vector<1x1x16xf32>,
      %swap3A_430 = vector.shape_cast %swap3A_429 : vector<1x1x16xf32> to vector<16xf32>
      %swap3A_431 = vector.shape_cast %broadcast_in_dim3A_424 : vector<16xf32> to vector<1x1x16xf32>
      tpu.vector_store %arg7[%swap3A_426, %swap3A_427, %swap3A_428], %swap3A_431 {strides = array<i32>} : memref<2x128x128xf32, #tpu.memory_space<vmem>>, vector<1x1x16xf32>,
      %broadcast_in_dim3A_432 = arith.constant 0.000000e+00 : f32
      %broadcast_in_dim3A_433 = vector.broadcast %broadcast_in_dim3A_432 : f32 to vector<16xf32>
      %swap3A_434 = arith.constant 0 : i32
      %swap3A_435 = arith.index_cast %swap3A_434 : i32 to index
      %swap3A_436 = arith.index_cast %scan3A_388 : i32 to index
      %swap3A_437 = arith.constant 80 : index
      %swap3A_438 = tpu.vector_load %arg7[%swap3A_435, %swap3A_436, %swap3A_437] {strides = array<i32>} : memref<2x128x128xf32, #tpu.memory_space<vmem>>, vector<1x1x16xf32>,
      %swap3A_439 = vector.shape_cast %swap3A_438 : vector<1x1x16xf32> to vector<16xf32>
      %swap3A_440 = vector.shape_cast %broadcast_in_dim3A_433 : vector<16xf32> to vector<1x1x16xf32>
      tpu.vector_store %arg7[%swap3A_435, %swap3A_436, %swap3A_437], %swap3A_440 {strides = array<i32>} : memref<2x128x128xf32, #tpu.memory_space<vmem>>, vector<1x1x16xf32>,
      %broadcast_in_dim3A_441 = arith.constant 0.000000e+00 : f32
      %broadcast_in_dim3A_442 = vector.broadcast %broadcast_in_dim3A_441 : f32 to vector<16xf32>
      %swap3A_443 = arith.constant 0 : i32
      %swap3A_444 = arith.index_cast %swap3A_443 : i32 to index
      %swap3A_445 = arith.index_cast %scan3A_388 : i32 to index
      %swap3A_446 = arith.constant 96 : index
      %swap3A_447 = tpu.vector_load %arg7[%swap3A_444, %swap3A_445, %swap3A_446] {strides = array<i32>} : memref<2x128x128xf32, #tpu.memory_space<vmem>>, vector<1x1x16xf32>,
      %swap3A_448 = vector.shape_cast %swap3A_447 : vector<1x1x16xf32> to vector<16xf32>
      %swap3A_449 = vector.shape_cast %broadcast_in_dim3A_442 : vector<16xf32> to vector<1x1x16xf32>
      tpu.vector_store %arg7[%swap3A_444, %swap3A_445, %swap3A_446], %swap3A_449 {strides = array<i32>} : memref<2x128x128xf32, #tpu.memory_space<vmem>>, vector<1x1x16xf32>,
      %broadcast_in_dim3A_450 = arith.constant 0.000000e+00 : f32
      %broadcast_in_dim3A_451 = vector.broadcast %broadcast_in_dim3A_450 : f32 to vector<16xf32>
      %swap3A_452 = arith.constant 0 : i32
      %swap3A_453 = arith.index_cast %swap3A_452 : i32 to index
      %swap3A_454 = arith.index_cast %scan3A_388 : i32 to index
      %swap3A_455 = arith.constant 112 : index
      %swap3A_456 = tpu.vector_load %arg7[%swap3A_453, %swap3A_454, %swap3A_455] {strides = array<i32>} : memref<2x128x128xf32, #tpu.memory_space<vmem>>, vector<1x1x16xf32>,
      %swap3A_457 = vector.shape_cast %swap3A_456 : vector<1x1x16xf32> to vector<16xf32>
      %swap3A_458 = vector.shape_cast %broadcast_in_dim3A_451 : vector<16xf32> to vector<1x1x16xf32>
      tpu.vector_store %arg7[%swap3A_453, %swap3A_454, %swap3A_455], %swap3A_458 {strides = array<i32>} : memref<2x128x128xf32, #tpu.memory_space<vmem>>, vector<1x1x16xf32>,
    }
    %scan3A_8 = arith.constant 128 : i32
    %add3A_9 = arith.constant 0 : i32
    %add3A_10 = arith.addi %mul3A_0, %add3A_9 : i32
    %run_scoped3A = arith.constant 0 : i32
    "tpu.region"() ({
      %run_scoped3A_388 = tpu.sem_alloc : memref<!tpu.dma_semaphore, #tpu.memory_space<semaphore_mem>>
      %dma_start3A_389 = arith.constant 0 : i32
      %dma_start3A_390 = arith.constant 0 : i32
      %dma_start3A_391 = tpu.memref_slice %arg7[%run_scoped3A, %dma_start3A_389, %dma_start3A_390] : memref<2x128x128xf32, #tpu.memory_space<vmem>> -> memref<1x128x128xf32, #tpu.memory_space<vmem>>
      %dma_start3A_392 = tpu.memref_squeeze %dma_start3A_391 : memref<1x128x128xf32, #tpu.memory_space<vmem>> -> memref<128x128xf32, #tpu.memory_space<vmem>>
      %dma_start3A_393 = arith.constant 0 : i32
      %dma_start3A_394 = tpu.memref_slice %arg8[%add3A_10, %dma_start3A_393] : memref<10112x128xf32, #tpu.memory_space<vmem_shared>> -> memref<128x128xf32, #tpu.memory_space<vmem_shared>>
      %dma_start3A_395 = arith.constant 0 : i32
      %dma_start3A_396 = tpu.memref_slice %arg8[%add3A_10, %dma_start3A_395] : memref<10112x128xf32, #tpu.memory_space<vmem_shared>> -> memref<128x128xf32, #tpu.memory_space<vmem_shared>>
      %dma_start3A_397 = arith.constant 0 : i32
      %dma_start3A_398 = arith.constant 0 : i32
      %dma_start3A_399 = tpu.memref_slice %arg7[%run_scoped3A, %dma_start3A_397, %dma_start3A_398] : memref<2x128x128xf32, #tpu.memory_space<vmem>> -> memref<1x128x128xf32, #tpu.memory_space<vmem>>
      %dma_start3A_400 = tpu.memref_squeeze %dma_start3A_399 : memref<1x128x128xf32, #tpu.memory_space<vmem>> -> memref<128x128xf32, #tpu.memory_space<vmem>>
      tpu.enqueue_dma source(%dma_start3A_400 : memref<128x128xf32, #tpu.memory_space<vmem>>) target(%dma_start3A_396 : memref<128x128xf32, #tpu.memory_space<vmem_shared>>) target_semaphore(%run_scoped3A_388 : memref<!tpu.dma_semaphore, #tpu.memory_space<semaphore_mem>>)
      %dma_wait3A_401 = arith.constant 0 : i32
      %dma_wait3A_402 = arith.constant 0 : i32
      %dma_wait3A_403 = tpu.memref_slice %arg7[%run_scoped3A, %dma_wait3A_401, %dma_wait3A_402] : memref<2x128x128xf32, #tpu.memory_space<vmem>> -> memref<1x128x128xf32, #tpu.memory_space<vmem>>
      %dma_wait3A_404 = tpu.memref_squeeze %dma_wait3A_403 : memref<1x128x128xf32, #tpu.memory_space<vmem>> -> memref<128x128xf32, #tpu.memory_space<vmem>>
      %dma_wait3A_405 = arith.constant 0 : i32
      %dma_wait3A_406 = tpu.memref_slice %arg8[%add3A_10, %dma_wait3A_405] : memref<10112x128xf32, #tpu.memory_space<vmem_shared>> -> memref<128x128xf32, #tpu.memory_space<vmem_shared>>
      %dma_wait3A_407 = arith.constant 0 : i32
      %dma_wait3A_408 = tpu.memref_slice %arg8[%add3A_10, %dma_wait3A_407] : memref<10112x128xf32, #tpu.memory_space<vmem_shared>> -> memref<128x128xf32, #tpu.memory_space<vmem_shared>>
      %dma_wait3A_409 = arith.constant 0 : i32
      %dma_wait3A_410 = arith.constant 0 : i32
      %dma_wait3A_411 = tpu.memref_slice %arg7[%run_scoped3A, %dma_wait3A_409, %dma_wait3A_410] : memref<2x128x128xf32, #tpu.memory_space<vmem>> -> memref<1x128x128xf32, #tpu.memory_space<vmem>>
      %dma_wait3A_412 = tpu.memref_squeeze %dma_wait3A_411 : memref<1x128x128xf32, #tpu.memory_space<vmem>> -> memref<128x128xf32, #tpu.memory_space<vmem>>
      tpu.wait_dma2 semaphore(%run_scoped3A_388 : memref<!tpu.dma_semaphore, #tpu.memory_space<semaphore_mem>>) src(%dma_wait3A_412 : memref<128x128xf32, #tpu.memory_space<vmem>>) dst(%dma_wait3A_408 : memref<128x128xf32, #tpu.memory_space<vmem_shared>>)
      tpu.yield
    }) : () -> ()
    %add3A_11 = arith.constant 128 : i32
    %add3A_12 = arith.addi %mul3A_0, %add3A_11 : i32
    %run_scoped3A_13 = arith.constant 0 : i32
    "tpu.region"() ({
      %run_scoped3A_388 = tpu.sem_alloc : memref<!tpu.dma_semaphore, #tpu.memory_space<semaphore_mem>>
      %dma_start3A_389 = arith.constant 0 : i32
      %dma_start3A_390 = arith.constant 0 : i32
      %dma_start3A_391 = tpu.memref_slice %arg7[%run_scoped3A_13, %dma_start3A_389, %dma_start3A_390] : memref<2x128x128xf32, #tpu.memory_space<vmem>> -> memref<1x128x128xf32, #tpu.memory_space<vmem>>
      %dma_start3A_392 = tpu.memref_squeeze %dma_start3A_391 : memref<1x128x128xf32, #tpu.memory_space<vmem>> -> memref<128x128xf32, #tpu.memory_space<vmem>>
      %dma_start3A_393 = arith.constant 0 : i32
      %dma_start3A_394 = tpu.memref_slice %arg8[%add3A_12, %dma_start3A_393] : memref<10112x128xf32, #tpu.memory_space<vmem_shared>> -> memref<128x128xf32, #tpu.memory_space<vmem_shared>>
      %dma_start3A_395 = arith.constant 0 : i32
      %dma_start3A_396 = tpu.memref_slice %arg8[%add3A_12, %dma_start3A_395] : memref<10112x128xf32, #tpu.memory_space<vmem_shared>> -> memref<128x128xf32, #tpu.memory_space<vmem_shared>>
      %dma_start3A_397 = arith.constant 0 : i32
      %dma_start3A_398 = arith.constant 0 : i32
      %dma_start3A_399 = tpu.memref_slice %arg7[%run_scoped3A_13, %dma_start3A_397, %dma_start3A_398] : memref<2x128x128xf32, #tpu.memory_space<vmem>> -> memref<1x128x128xf32, #tpu.memory_space<vmem>>
      %dma_start3A_400 = tpu.memref_squeeze %dma_start3A_399 : memref<1x128x128xf32, #tpu.memory_space<vmem>> -> memref<128x128xf32, #tpu.memory_space<vmem>>
      tpu.enqueue_dma source(%dma_start3A_400 : memref<128x128xf32, #tpu.memory_space<vmem>>) target(%dma_start3A_396 : memref<128x128xf32, #tpu.memory_space<vmem_shared>>) target_semaphore(%run_scoped3A_388 : memref<!tpu.dma_semaphore, #tpu.memory_space<semaphore_mem>>)
      %dma_wait3A_401 = arith.constant 0 : i32
      %dma_wait3A_402 = arith.constant 0 : i32
      %dma_wait3A_403 = tpu.memref_slice %arg7[%run_scoped3A_13, %dma_wait3A_401, %dma_wait3A_402] : memref<2x128x128xf32, #tpu.memory_space<vmem>> -> memref<1x128x128xf32, #tpu.memory_space<vmem>>
      %dma_wait3A_404 = tpu.memref_squeeze %dma_wait3A_403 : memref<1x128x128xf32, #tpu.memory_space<vmem>> -> memref<128x128xf32, #tpu.memory_space<vmem>>
      %dma_wait3A_405 = arith.constant 0 : i32
      %dma_wait3A_406 = tpu.memref_slice %arg8[%add3A_12, %dma_wait3A_405] : memref<10112x128xf32, #tpu.memory_space<vmem_shared>> -> memref<128x128xf32, #tpu.memory_space<vmem_shared>>
      %dma_wait3A_407 = arith.constant 0 : i32
      %dma_wait3A_408 = tpu.memref_slice %arg8[%add3A_12, %dma_wait3A_407] : memref<10112x128xf32, #tpu.memory_space<vmem_shared>> -> memref<128x128xf32, #tpu.memory_space<vmem_shared>>
      %dma_wait3A_409 = arith.constant 0 : i32
      %dma_wait3A_410 = arith.constant 0 : i32
      %dma_wait3A_411 = tpu.memref_slice %arg7[%run_scoped3A_13, %dma_wait3A_409, %dma_wait3A_410] : memref<2x128x128xf32, #tpu.memory_space<vmem>> -> memref<1x128x128xf32, #tpu.memory_space<vmem>>
      %dma_wait3A_412 = tpu.memref_squeeze %dma_wait3A_411 : memref<1x128x128xf32, #tpu.memory_space<vmem>> -> memref<128x128xf32, #tpu.memory_space<vmem>>
      tpu.wait_dma2 semaphore(%run_scoped3A_388 : memref<!tpu.dma_semaphore, #tpu.memory_space<semaphore_mem>>) src(%dma_wait3A_412 : memref<128x128xf32, #tpu.memory_space<vmem>>) dst(%dma_wait3A_408 : memref<128x128xf32, #tpu.memory_space<vmem_shared>>)
      tpu.yield
    }) : () -> ()
    %add3A_14 = arith.constant 256 : i32
    %add3A_15 = arith.addi %mul3A_0, %add3A_14 : i32
    %run_scoped3A_16 = arith.constant 0 : i32
    "tpu.region"() ({
      %run_scoped3A_388 = tpu.sem_alloc : memref<!tpu.dma_semaphore, #tpu.memory_space<semaphore_mem>>
      %dma_start3A_389 = arith.constant 0 : i32
      %dma_start3A_390 = arith.constant 0 : i32
      %dma_start3A_391 = tpu.memref_slice %arg7[%run_scoped3A_16, %dma_start3A_389, %dma_start3A_390] : memref<2x128x128xf32, #tpu.memory_space<vmem>> -> memref<1x128x128xf32, #tpu.memory_space<vmem>>
      %dma_start3A_392 = tpu.memref_squeeze %dma_start3A_391 : memref<1x128x128xf32, #tpu.memory_space<vmem>> -> memref<128x128xf32, #tpu.memory_space<vmem>>
      %dma_start3A_393 = arith.constant 0 : i32
      %dma_start3A_394 = tpu.memref_slice %arg8[%add3A_15, %dma_start3A_393] : memref<10112x128xf32, #tpu.memory_space<vmem_shared>> -> memref<128x128xf32, #tpu.memory_space<vmem_shared>>
      %dma_start3A_395 = arith.constant 0 : i32
      %dma_start3A_396 = tpu.memref_slice %arg8[%add3A_15, %dma_start3A_395] : memref<10112x128xf32, #tpu.memory_space<vmem_shared>> -> memref<128x128xf32, #tpu.memory_space<vmem_shared>>
      %dma_start3A_397 = arith.constant 0 : i32
      %dma_start3A_398 = arith.constant 0 : i32
      %dma_start3A_399 = tpu.memref_slice %arg7[%run_scoped3A_16, %dma_start3A_397, %dma_start3A_398] : memref<2x128x128xf32, #tpu.memory_space<vmem>> -> memref<1x128x128xf32, #tpu.memory_space<vmem>>
      %dma_start3A_400 = tpu.memref_squeeze %dma_start3A_399 : memref<1x128x128xf32, #tpu.memory_space<vmem>> -> memref<128x128xf32, #tpu.memory_space<vmem>>
      tpu.enqueue_dma source(%dma_start3A_400 : memref<128x128xf32, #tpu.memory_space<vmem>>) target(%dma_start3A_396 : memref<128x128xf32, #tpu.memory_space<vmem_shared>>) target_semaphore(%run_scoped3A_388 : memref<!tpu.dma_semaphore, #tpu.memory_space<semaphore_mem>>)
      %dma_wait3A_401 = arith.constant 0 : i32
      %dma_wait3A_402 = arith.constant 0 : i32
      %dma_wait3A_403 = tpu.memref_slice %arg7[%run_scoped3A_16, %dma_wait3A_401, %dma_wait3A_402] : memref<2x128x128xf32, #tpu.memory_space<vmem>> -> memref<1x128x128xf32, #tpu.memory_space<vmem>>
      %dma_wait3A_404 = tpu.memref_squeeze %dma_wait3A_403 : memref<1x128x128xf32, #tpu.memory_space<vmem>> -> memref<128x128xf32, #tpu.memory_space<vmem>>
      %dma_wait3A_405 = arith.constant 0 : i32
      %dma_wait3A_406 = tpu.memref_slice %arg8[%add3A_15, %dma_wait3A_405] : memref<10112x128xf32, #tpu.memory_space<vmem_shared>> -> memref<128x128xf32, #tpu.memory_space<vmem_shared>>
      %dma_wait3A_407 = arith.constant 0 : i32
      %dma_wait3A_408 = tpu.memref_slice %arg8[%add3A_15, %dma_wait3A_407] : memref<10112x128xf32, #tpu.memory_space<vmem_shared>> -> memref<128x128xf32, #tpu.memory_space<vmem_shared>>
      %dma_wait3A_409 = arith.constant 0 : i32
      %dma_wait3A_410 = arith.constant 0 : i32
      %dma_wait3A_411 = tpu.memref_slice %arg7[%run_scoped3A_16, %dma_wait3A_409, %dma_wait3A_410] : memref<2x128x128xf32, #tpu.memory_space<vmem>> -> memref<1x128x128xf32, #tpu.memory_space<vmem>>
      %dma_wait3A_412 = tpu.memref_squeeze %dma_wait3A_411 : memref<1x128x128xf32, #tpu.memory_space<vmem>> -> memref<128x128xf32, #tpu.memory_space<vmem>>
      tpu.wait_dma2 semaphore(%run_scoped3A_388 : memref<!tpu.dma_semaphore, #tpu.memory_space<semaphore_mem>>) src(%dma_wait3A_412 : memref<128x128xf32, #tpu.memory_space<vmem>>) dst(%dma_wait3A_408 : memref<128x128xf32, #tpu.memory_space<vmem_shared>>)
      tpu.yield
    }) : () -> ()
    %add3A_17 = arith.constant 384 : i32
    %add3A_18 = arith.addi %mul3A_0, %add3A_17 : i32
    %run_scoped3A_19 = arith.constant 0 : i32
    "tpu.region"() ({
      %run_scoped3A_388 = tpu.sem_alloc : memref<!tpu.dma_semaphore, #tpu.memory_space<semaphore_mem>>
      %dma_start3A_389 = arith.constant 0 : i32
      %dma_start3A_390 = arith.constant 0 : i32
      %dma_start3A_391 = tpu.memref_slice %arg7[%run_scoped3A_19, %dma_start3A_389, %dma_start3A_390] : memref<2x128x128xf32, #tpu.memory_space<vmem>> -> memref<1x128x128xf32, #tpu.memory_space<vmem>>
      %dma_start3A_392 = tpu.memref_squeeze %dma_start3A_391 : memref<1x128x128xf32, #tpu.memory_space<vmem>> -> memref<128x128xf32, #tpu.memory_space<vmem>>
      %dma_start3A_393 = arith.constant 0 : i32
      %dma_start3A_394 = tpu.memref_slice %arg8[%add3A_18, %dma_start3A_393] : memref<10112x128xf32, #tpu.memory_space<vmem_shared>> -> memref<128x128xf32, #tpu.memory_space<vmem_shared>>
      %dma_start3A_395 = arith.constant 0 : i32
      %dma_start3A_396 = tpu.memref_slice %arg8[%add3A_18, %dma_start3A_395] : memref<10112x128xf32, #tpu.memory_space<vmem_shared>> -> memref<128x128xf32, #tpu.memory_space<vmem_shared>>
      %dma_start3A_397 = arith.constant 0 : i32
      %dma_start3A_398 = arith.constant 0 : i32
      %dma_start3A_399 = tpu.memref_slice %arg7[%run_scoped3A_19, %dma_start3A_397, %dma_start3A_398] : memref<2x128x128xf32, #tpu.memory_space<vmem>> -> memref<1x128x128xf32, #tpu.memory_space<vmem>>
      %dma_start3A_400 = tpu.memref_squeeze %dma_start3A_399 : memref<1x128x128xf32, #tpu.memory_space<vmem>> -> memref<128x128xf32, #tpu.memory_space<vmem>>
      tpu.enqueue_dma source(%dma_start3A_400 : memref<128x128xf32, #tpu.memory_space<vmem>>) target(%dma_start3A_396 : memref<128x128xf32, #tpu.memory_space<vmem_shared>>) target_semaphore(%run_scoped3A_388 : memref<!tpu.dma_semaphore, #tpu.memory_space<semaphore_mem>>)
      %dma_wait3A_401 = arith.constant 0 : i32
      %dma_wait3A_402 = arith.constant 0 : i32
      %dma_wait3A_403 = tpu.memref_slice %arg7[%run_scoped3A_19, %dma_wait3A_401, %dma_wait3A_402] : memref<2x128x128xf32, #tpu.memory_space<vmem>> -> memref<1x128x128xf32, #tpu.memory_space<vmem>>
      %dma_wait3A_404 = tpu.memref_squeeze %dma_wait3A_403 : memref<1x128x128xf32, #tpu.memory_space<vmem>> -> memref<128x128xf32, #tpu.memory_space<vmem>>
      %dma_wait3A_405 = arith.constant 0 : i32
      %dma_wait3A_406 = tpu.memref_slice %arg8[%add3A_18, %dma_wait3A_405] : memref<10112x128xf32, #tpu.memory_space<vmem_shared>> -> memref<128x128xf32, #tpu.memory_space<vmem_shared>>
      %dma_wait3A_407 = arith.constant 0 : i32
      %dma_wait3A_408 = tpu.memref_slice %arg8[%add3A_18, %dma_wait3A_407] : memref<10112x128xf32, #tpu.memory_space<vmem_shared>> -> memref<128x128xf32, #tpu.memory_space<vmem_shared>>
      %dma_wait3A_409 = arith.constant 0 : i32
      %dma_wait3A_410 = arith.constant 0 : i32
      %dma_wait3A_411 = tpu.memref_slice %arg7[%run_scoped3A_19, %dma_wait3A_409, %dma_wait3A_410] : memref<2x128x128xf32, #tpu.memory_space<vmem>> -> memref<1x128x128xf32, #tpu.memory_space<vmem>>
      %dma_wait3A_412 = tpu.memref_squeeze %dma_wait3A_411 : memref<1x128x128xf32, #tpu.memory_space<vmem>> -> memref<128x128xf32, #tpu.memory_space<vmem>>
      tpu.wait_dma2 semaphore(%run_scoped3A_388 : memref<!tpu.dma_semaphore, #tpu.memory_space<semaphore_mem>>) src(%dma_wait3A_412 : memref<128x128xf32, #tpu.memory_space<vmem>>) dst(%dma_wait3A_408 : memref<128x128xf32, #tpu.memory_space<vmem_shared>>)
      tpu.yield
    }) : () -> ()
    %add3A_20 = arith.constant 512 : i32
    %add3A_21 = arith.addi %mul3A_0, %add3A_20 : i32
    %run_scoped3A_22 = arith.constant 0 : i32
    "tpu.region"() ({
      %run_scoped3A_388 = tpu.sem_alloc : memref<!tpu.dma_semaphore, #tpu.memory_space<semaphore_mem>>
      %dma_start3A_389 = arith.constant 0 : i32
      %dma_start3A_390 = arith.constant 0 : i32
      %dma_start3A_391 = tpu.memref_slice %arg7[%run_scoped3A_22, %dma_start3A_389, %dma_start3A_390] : memref<2x128x128xf32, #tpu.memory_space<vmem>> -> memref<1x120x128xf32, #tpu.memory_space<vmem>>
      %dma_start3A_392 = tpu.memref_squeeze %dma_start3A_391 : memref<1x120x128xf32, #tpu.memory_space<vmem>> -> memref<120x128xf32, #tpu.memory_space<vmem>>
      %dma_start3A_393 = arith.constant 0 : i32
      %dma_start3A_394 = tpu.memref_slice %arg8[%add3A_21, %dma_start3A_393] : memref<10112x128xf32, #tpu.memory_space<vmem_shared>> -> memref<120x128xf32, #tpu.memory_space<vmem_shared>>
      %dma_start3A_395 = arith.constant 0 : i32
      %dma_start3A_396 = tpu.memref_slice %arg8[%add3A_21, %dma_start3A_395] : memref<10112x128xf32, #tpu.memory_space<vmem_shared>> -> memref<120x128xf32, #tpu.memory_space<vmem_shared>>
      %dma_start3A_397 = arith.constant 0 : i32
      %dma_start3A_398 = arith.constant 0 : i32
      %dma_start3A_399 = tpu.memref_slice %arg7[%run_scoped3A_22, %dma_start3A_397, %dma_start3A_398] : memref<2x128x128xf32, #tpu.memory_space<vmem>> -> memref<1x120x128xf32, #tpu.memory_space<vmem>>
      %dma_start3A_400 = tpu.memref_squeeze %dma_start3A_399 : memref<1x120x128xf32, #tpu.memory_space<vmem>> -> memref<120x128xf32, #tpu.memory_space<vmem>>
      tpu.enqueue_dma source(%dma_start3A_400 : memref<120x128xf32, #tpu.memory_space<vmem>>) target(%dma_start3A_396 : memref<120x128xf32, #tpu.memory_space<vmem_shared>>) target_semaphore(%run_scoped3A_388 : memref<!tpu.dma_semaphore, #tpu.memory_space<semaphore_mem>>)
      %dma_wait3A_401 = arith.constant 0 : i32
      %dma_wait3A_402 = arith.constant 0 : i32
      %dma_wait3A_403 = tpu.memref_slice %arg7[%run_scoped3A_22, %dma_wait3A_401, %dma_wait3A_402] : memref<2x128x128xf32, #tpu.memory_space<vmem>> -> memref<1x120x128xf32, #tpu.memory_space<vmem>>
      %dma_wait3A_404 = tpu.memref_squeeze %dma_wait3A_403 : memref<1x120x128xf32, #tpu.memory_space<vmem>> -> memref<120x128xf32, #tpu.memory_space<vmem>>
      %dma_wait3A_405 = arith.constant 0 : i32
      %dma_wait3A_406 = tpu.memref_slice %arg8[%add3A_21, %dma_wait3A_405] : memref<10112x128xf32, #tpu.memory_space<vmem_shared>> -> memref<120x128xf32, #tpu.memory_space<vmem_shared>>
      %dma_wait3A_407 = arith.constant 0 : i32
      %dma_wait3A_408 = tpu.memref_slice %arg8[%add3A_21, %dma_wait3A_407] : memref<10112x128xf32, #tpu.memory_space<vmem_shared>> -> memref<120x128xf32, #tpu.memory_space<vmem_shared>>
      %dma_wait3A_409 = arith.constant 0 : i32
      %dma_wait3A_410 = arith.constant 0 : i32
      %dma_wait3A_411 = tpu.memref_slice %arg7[%run_scoped3A_22, %dma_wait3A_409, %dma_wait3A_410] : memref<2x128x128xf32, #tpu.memory_space<vmem>> -> memref<1x120x128xf32, #tpu.memory_space<vmem>>
      %dma_wait3A_412 = tpu.memref_squeeze %dma_wait3A_411 : memref<1x120x128xf32, #tpu.memory_space<vmem>> -> memref<120x128xf32, #tpu.memory_space<vmem>>
      tpu.wait_dma2 semaphore(%run_scoped3A_388 : memref<!tpu.dma_semaphore, #tpu.memory_space<semaphore_mem>>) src(%dma_wait3A_412 : memref<120x128xf32, #tpu.memory_space<vmem>>) dst(%dma_wait3A_408 : memref<120x128xf32, #tpu.memory_space<vmem_shared>>)
      tpu.yield
    }) : () -> ()
    %barrier3A = arith.constant 0 : index
    tpu.barrier barrier_id(%barrier3A)
    %add3A_23 = arith.constant 0 : i32
    %add3A_24 = arith.addi %add3A_23, %mul3A_4 : i32
    %add3A_25 = arith.constant 0 : i32
    %add3A_26 = arith.addi %add3A_24, %add3A_25 : i32
    %run_scoped3A_27 = arith.constant 0 : i32
    "tpu.region"() ({
      %run_scoped3A_388 = tpu.sem_alloc : memref<!tpu.dma_semaphore, #tpu.memory_space<semaphore_mem>>
      %dma_start3A_389 = arith.constant 0 : i32
      %dma_start3A_390 = tpu.memref_slice %arg5[%run_scoped3A_27, %dma_start3A_389] : memref<4x128xi32, #tpu.memory_space<vmem>> -> memref<1x128xi32, #tpu.memory_space<vmem>>
      %dma_start3A_391 = tpu.memref_squeeze %dma_start3A_390 : memref<1x128xi32, #tpu.memory_space<vmem>> -> memref<128xi32, #tpu.memory_space<vmem>>
      %dma_start3A_392 = tpu.memref_slice %arg3[%add3A_26] : memref<655360xi32, #tpu.memory_space<hbm>> -> memref<128xi32, #tpu.memory_space<hbm>>
      %dma_start3A_393 = arith.constant 0 : i32
      %dma_start3A_394 = tpu.memref_slice %arg5[%run_scoped3A_27, %dma_start3A_393] : memref<4x128xi32, #tpu.memory_space<vmem>> -> memref<1x128xi32, #tpu.memory_space<vmem>>
      %dma_start3A_395 = tpu.memref_squeeze %dma_start3A_394 : memref<1x128xi32, #tpu.memory_space<vmem>> -> memref<128xi32, #tpu.memory_space<vmem>>
      %dma_start3A_396 = tpu.memref_slice %arg3[%add3A_26] : memref<655360xi32, #tpu.memory_space<hbm>> -> memref<128xi32, #tpu.memory_space<hbm>>
      tpu.enqueue_dma source(%dma_start3A_396 : memref<128xi32, #tpu.memory_space<hbm>>) target(%dma_start3A_395 : memref<128xi32, #tpu.memory_space<vmem>>) target_semaphore(%run_scoped3A_388 : memref<!tpu.dma_semaphore, #tpu.memory_space<semaphore_mem>>)
      %dma_wait3A_397 = arith.constant 0 : i32
      %dma_wait3A_398 = tpu.memref_slice %arg5[%run_scoped3A_27, %dma_wait3A_397] : memref<4x128xi32, #tpu.memory_space<vmem>> -> memref<1x128xi32, #tpu.memory_space<vmem>>
      %dma_wait3A_399 = tpu.memref_squeeze %dma_wait3A_398 : memref<1x128xi32, #tpu.memory_space<vmem>> -> memref<128xi32, #tpu.memory_space<vmem>>
      %dma_wait3A_400 = tpu.memref_slice %arg3[%add3A_26] : memref<655360xi32, #tpu.memory_space<hbm>> -> memref<128xi32, #tpu.memory_space<hbm>>
      %dma_wait3A_401 = arith.constant 0 : i32
      %dma_wait3A_402 = tpu.memref_slice %arg5[%run_scoped3A_27, %dma_wait3A_401] : memref<4x128xi32, #tpu.memory_space<vmem>> -> memref<1x128xi32, #tpu.memory_space<vmem>>
      %dma_wait3A_403 = tpu.memref_squeeze %dma_wait3A_402 : memref<1x128xi32, #tpu.memory_space<vmem>> -> memref<128xi32, #tpu.memory_space<vmem>>
      %dma_wait3A_404 = tpu.memref_slice %arg3[%add3A_26] : memref<655360xi32, #tpu.memory_space<hbm>> -> memref<128xi32, #tpu.memory_space<hbm>>
      tpu.wait_dma2 semaphore(%run_scoped3A_388 : memref<!tpu.dma_semaphore, #tpu.memory_space<semaphore_mem>>) src(%dma_wait3A_404 : memref<128xi32, #tpu.memory_space<hbm>>) dst(%dma_wait3A_403 : memref<128xi32, #tpu.memory_space<vmem>>)
      tpu.yield
    }) : () -> ()
    %add3A_28 = arith.constant 327680 : i32
    %add3A_29 = arith.addi %add3A_28, %mul3A_4 : i32
    %add3A_30 = arith.constant 0 : i32
    %add3A_31 = arith.addi %add3A_29, %add3A_30 : i32
    %run_scoped3A_32 = arith.constant 0 : i32
    "tpu.region"() ({
      %run_scoped3A_388 = tpu.sem_alloc : memref<!tpu.dma_semaphore, #tpu.memory_space<semaphore_mem>>
      %dma_start3A_389 = arith.constant 0 : i32
      %dma_start3A_390 = tpu.memref_slice %arg6[%run_scoped3A_32, %dma_start3A_389] : memref<4x128xi32, #tpu.memory_space<vmem>> -> memref<1x128xi32, #tpu.memory_space<vmem>>
      %dma_start3A_391 = tpu.memref_squeeze %dma_start3A_390 : memref<1x128xi32, #tpu.memory_space<vmem>> -> memref<128xi32, #tpu.memory_space<vmem>>
      %dma_start3A_392 = tpu.memref_slice %arg3[%add3A_31] : memref<655360xi32, #tpu.memory_space<hbm>> -> memref<128xi32, #tpu.memory_space<hbm>>
      %dma_start3A_393 = arith.constant 0 : i32
      %dma_start3A_394 = tpu.memref_slice %arg6[%run_scoped3A_32, %dma_start3A_393] : memref<4x128xi32, #tpu.memory_space<vmem>> -> memref<1x128xi32, #tpu.memory_space<vmem>>
      %dma_start3A_395 = tpu.memref_squeeze %dma_start3A_394 : memref<1x128xi32, #tpu.memory_space<vmem>> -> memref<128xi32, #tpu.memory_space<vmem>>
      %dma_start3A_396 = tpu.memref_slice %arg3[%add3A_31] : memref<655360xi32, #tpu.memory_space<hbm>> -> memref<128xi32, #tpu.memory_space<hbm>>
      tpu.enqueue_dma source(%dma_start3A_396 : memref<128xi32, #tpu.memory_space<hbm>>) target(%dma_start3A_395 : memref<128xi32, #tpu.memory_space<vmem>>) target_semaphore(%run_scoped3A_388 : memref<!tpu.dma_semaphore, #tpu.memory_space<semaphore_mem>>)
      %dma_wait3A_397 = arith.constant 0 : i32
      %dma_wait3A_398 = tpu.memref_slice %arg6[%run_scoped3A_32, %dma_wait3A_397] : memref<4x128xi32, #tpu.memory_space<vmem>> -> memref<1x128xi32, #tpu.memory_space<vmem>>
      %dma_wait3A_399 = tpu.memref_squeeze %dma_wait3A_398 : memref<1x128xi32, #tpu.memory_space<vmem>> -> memref<128xi32, #tpu.memory_space<vmem>>
      %dma_wait3A_400 = tpu.memref_slice %arg3[%add3A_31] : memref<655360xi32, #tpu.memory_space<hbm>> -> memref<128xi32, #tpu.memory_space<hbm>>
      %dma_wait3A_401 = arith.constant 0 : i32
      %dma_wait3A_402 = tpu.memref_slice %arg6[%run_scoped3A_32, %dma_wait3A_401] : memref<4x128xi32, #tpu.memory_space<vmem>> -> memref<1x128xi32, #tpu.memory_space<vmem>>
      %dma_wait3A_403 = tpu.memref_squeeze %dma_wait3A_402 : memref<1x128xi32, #tpu.memory_space<vmem>> -> memref<128xi32, #tpu.memory_space<vmem>>
      %dma_wait3A_404 = tpu.memref_slice %arg3[%add3A_31] : memref<655360xi32, #tpu.memory_space<hbm>> -> memref<128xi32, #tpu.memory_space<hbm>>
      tpu.wait_dma2 semaphore(%run_scoped3A_388 : memref<!tpu.dma_semaphore, #tpu.memory_space<semaphore_mem>>) src(%dma_wait3A_404 : memref<128xi32, #tpu.memory_space<hbm>>) dst(%dma_wait3A_403 : memref<128xi32, #tpu.memory_space<vmem>>)
      tpu.yield
    }) : () -> ()
    %dma_start3A = arith.constant 0 : i32
    %dma_start3A_33 = arith.constant 0 : i32
    %dma_start3A_34 = arith.constant 0 : i32
    %dma_start3A_35 = arith.constant 0 : i32
    %dma_start3A_36 = tpu.memref_slice %arg7[%dma_start3A_33, %dma_start3A_34, %dma_start3A_35] : memref<2x128x128xf32, #tpu.memory_space<vmem>> -> memref<1x128x128xf32, #tpu.memory_space<vmem>>
    %dma_start3A_37 = tpu.memref_squeeze %dma_start3A_36 : memref<1x128x128xf32, #tpu.memory_space<vmem>> -> memref<128x128xf32, #tpu.memory_space<vmem>>
    %dma_start3A_38 = arith.constant 0 : i32
    %dma_start3A_39 = tpu.memref_slice %arg5[%dma_start3A, %dma_start3A_38] : memref<4x128xi32, #tpu.memory_space<vmem>> -> memref<1x128xi32, #tpu.memory_space<vmem>>
    %dma_start3A_40 = tpu.memref_squeeze %dma_start3A_39 : memref<1x128xi32, #tpu.memory_space<vmem>> -> memref<128xi32, #tpu.memory_space<vmem>>
    %dma_start3A_41 = arith.constant 0 : i32
    %dma_start3A_42 = arith.constant 0 : i32
    %dma_start3A_43 = tpu.memref_slice %arg2[%dma_start3A_41, %dma_start3A_42] : memref<10112x128xf32, #tpu.memory_space<hbm>> -> memref<10112x128xf32, #tpu.memory_space<hbm>>
    tpu.enqueue_indirect_dma source(%dma_start3A_43 : memref<10112x128xf32, #tpu.memory_space<hbm>>) target(%dma_start3A_37 : memref<128x128xf32, #tpu.memory_space<vmem>>) offsets(%dma_start3A_40 : memref<128xi32, #tpu.memory_space<vmem>>) semaphore(%arg10 : memref<!tpu.dma_semaphore, #tpu.memory_space<semaphore_mem>>)
    %add3A_44 = arith.constant 0 : i32
    %add3A_45 = arith.addi %add3A_44, %mul3A_4 : i32
    %add3A_46 = arith.constant 128 : i32
    %add3A_47 = arith.addi %add3A_45, %add3A_46 : i32
    %dma_start3A_48 = arith.constant 1 : i32
    %dma_start3A_49 = arith.constant 0 : i32
    %dma_start3A_50 = tpu.memref_slice %arg5[%dma_start3A_48, %dma_start3A_49] : memref<4x128xi32, #tpu.memory_space<vmem>> -> memref<1x128xi32, #tpu.memory_space<vmem>>
    %dma_start3A_51 = tpu.memref_squeeze %dma_start3A_50 : memref<1x128xi32, #tpu.memory_space<vmem>> -> memref<128xi32, #tpu.memory_space<vmem>>
    %dma_start3A_52 = tpu.memref_slice %arg3[%add3A_47] : memref<655360xi32, #tpu.memory_space<hbm>> -> memref<128xi32, #tpu.memory_space<hbm>>
    %dma_start3A_53 = arith.constant 0 : i32
    %dma_start3A_54 = tpu.memref_slice %arg5[%dma_start3A_48, %dma_start3A_53] : memref<4x128xi32, #tpu.memory_space<vmem>> -> memref<1x128xi32, #tpu.memory_space<vmem>>
    %dma_start3A_55 = tpu.memref_squeeze %dma_start3A_54 : memref<1x128xi32, #tpu.memory_space<vmem>> -> memref<128xi32, #tpu.memory_space<vmem>>
    %dma_start3A_56 = tpu.memref_slice %arg3[%add3A_47] : memref<655360xi32, #tpu.memory_space<hbm>> -> memref<128xi32, #tpu.memory_space<hbm>>
    tpu.enqueue_dma source(%dma_start3A_56 : memref<128xi32, #tpu.memory_space<hbm>>) target(%dma_start3A_55 : memref<128xi32, #tpu.memory_space<vmem>>) target_semaphore(%arg9 : memref<!tpu.dma_semaphore, #tpu.memory_space<semaphore_mem>>)
    %add3A_57 = arith.constant 327680 : i32
    %add3A_58 = arith.addi %add3A_57, %mul3A_4 : i32
    %add3A_59 = arith.constant 128 : i32
    %add3A_60 = arith.addi %add3A_58, %add3A_59 : i32
    %dma_start3A_61 = arith.constant 1 : i32
    %dma_start3A_62 = arith.constant 0 : i32
    %dma_start3A_63 = tpu.memref_slice %arg6[%dma_start3A_61, %dma_start3A_62] : memref<4x128xi32, #tpu.memory_space<vmem>> -> memref<1x128xi32, #tpu.memory_space<vmem>>
    %dma_start3A_64 = tpu.memref_squeeze %dma_start3A_63 : memref<1x128xi32, #tpu.memory_space<vmem>> -> memref<128xi32, #tpu.memory_space<vmem>>
    %dma_start3A_65 = tpu.memref_slice %arg3[%add3A_60] : memref<655360xi32, #tpu.memory_space<hbm>> -> memref<128xi32, #tpu.memory_space<hbm>>
    %dma_start3A_66 = arith.constant 0 : i32
    %dma_start3A_67 = tpu.memref_slice %arg6[%dma_start3A_61, %dma_start3A_66] : memref<4x128xi32, #tpu.memory_space<vmem>> -> memref<1x128xi32, #tpu.memory_space<vmem>>
    %dma_start3A_68 = tpu.memref_squeeze %dma_start3A_67 : memref<1x128xi32, #tpu.memory_space<vmem>> -> memref<128xi32, #tpu.memory_space<vmem>>
    %dma_start3A_69 = tpu.memref_slice %arg3[%add3A_60] : memref<655360xi32, #tpu.memory_space<hbm>> -> memref<128xi32, #tpu.memory_space<hbm>>
    tpu.enqueue_dma source(%dma_start3A_69 : memref<128xi32, #tpu.memory_space<hbm>>) target(%dma_start3A_68 : memref<128xi32, #tpu.memory_space<vmem>>) target_semaphore(%arg9 : memref<!tpu.dma_semaphore, #tpu.memory_space<semaphore_mem>>)
    %add3A_70 = arith.constant 0 : i32
    %add3A_71 = arith.addi %add3A_70, %mul3A_4 : i32
    %add3A_72 = arith.constant 128 : i32
    %add3A_73 = arith.addi %add3A_71, %add3A_72 : i32
    %dma_wait3A = arith.constant 1 : i32
    %dma_wait3A_74 = arith.constant 0 : i32
    %dma_wait3A_75 = tpu.memref_slice %arg5[%dma_wait3A, %dma_wait3A_74] : memref<4x128xi32, #tpu.memory_space<vmem>> -> memref<1x128xi32, #tpu.memory_space<vmem>>
    %dma_wait3A_76 = tpu.memref_squeeze %dma_wait3A_75 : memref<1x128xi32, #tpu.memory_space<vmem>> -> memref<128xi32, #tpu.memory_space<vmem>>
    %dma_wait3A_77 = tpu.memref_slice %arg3[%add3A_73] : memref<655360xi32, #tpu.memory_space<hbm>> -> memref<128xi32, #tpu.memory_space<hbm>>
    %dma_wait3A_78 = arith.constant 0 : i32
    %dma_wait3A_79 = tpu.memref_slice %arg5[%dma_wait3A, %dma_wait3A_78] : memref<4x128xi32, #tpu.memory_space<vmem>> -> memref<1x128xi32, #tpu.memory_space<vmem>>
    %dma_wait3A_80 = tpu.memref_squeeze %dma_wait3A_79 : memref<1x128xi32, #tpu.memory_space<vmem>> -> memref<128xi32, #tpu.memory_space<vmem>>
    %dma_wait3A_81 = tpu.memref_slice %arg3[%add3A_73] : memref<655360xi32, #tpu.memory_space<hbm>> -> memref<128xi32, #tpu.memory_space<hbm>>
    tpu.wait_dma2 semaphore(%arg9 : memref<!tpu.dma_semaphore, #tpu.memory_space<semaphore_mem>>) src(%dma_wait3A_81 : memref<128xi32, #tpu.memory_space<hbm>>) dst(%dma_wait3A_80 : memref<128xi32, #tpu.memory_space<vmem>>)
    %add3A_82 = arith.constant 327680 : i32
    %add3A_83 = arith.addi %add3A_82, %mul3A_4 : i32
    %add3A_84 = arith.constant 128 : i32
    %add3A_85 = arith.addi %add3A_83, %add3A_84 : i32
    %dma_wait3A_86 = arith.constant 1 : i32
    %dma_wait3A_87 = arith.constant 0 : i32
    %dma_wait3A_88 = tpu.memref_slice %arg6[%dma_wait3A_86, %dma_wait3A_87] : memref<4x128xi32, #tpu.memory_space<vmem>> -> memref<1x128xi32, #tpu.memory_space<vmem>>
    %dma_wait3A_89 = tpu.memref_squeeze %dma_wait3A_88 : memref<1x128xi32, #tpu.memory_space<vmem>> -> memref<128xi32, #tpu.memory_space<vmem>>
    %dma_wait3A_90 = tpu.memref_slice %arg3[%add3A_85] : memref<655360xi32, #tpu.memory_space<hbm>> -> memref<128xi32, #tpu.memory_space<hbm>>
    %dma_wait3A_91 = arith.constant 0 : i32
    %dma_wait3A_92 = tpu.memref_slice %arg6[%dma_wait3A_86, %dma_wait3A_91] : memref<4x128xi32, #tpu.memory_space<vmem>> -> memref<1x128xi32, #tpu.memory_space<vmem>>
    %dma_wait3A_93 = tpu.memref_squeeze %dma_wait3A_92 : memref<1x128xi32, #tpu.memory_space<vmem>> -> memref<128xi32, #tpu.memory_space<vmem>>
    %dma_wait3A_94 = tpu.memref_slice %arg3[%add3A_85] : memref<655360xi32, #tpu.memory_space<hbm>> -> memref<128xi32, #tpu.memory_space<hbm>>
    tpu.wait_dma2 semaphore(%arg9 : memref<!tpu.dma_semaphore, #tpu.memory_space<semaphore_mem>>) src(%dma_wait3A_94 : memref<128xi32, #tpu.memory_space<hbm>>) dst(%dma_wait3A_93 : memref<128xi32, #tpu.memory_space<vmem>>)
    %dma_start3A_95 = arith.constant 1 : i32
    %dma_start3A_96 = arith.constant 1 : i32
    %dma_start3A_97 = arith.constant 0 : i32
    %dma_start3A_98 = arith.constant 0 : i32
    %dma_start3A_99 = tpu.memref_slice %arg7[%dma_start3A_96, %dma_start3A_97, %dma_start3A_98] : memref<2x128x128xf32, #tpu.memory_space<vmem>> -> memref<1x128x128xf32, #tpu.memory_space<vmem>>
    %dma_start3A_100 = tpu.memref_squeeze %dma_start3A_99 : memref<1x128x128xf32, #tpu.memory_space<vmem>> -> memref<128x128xf32, #tpu.memory_space<vmem>>
    %dma_start3A_101 = arith.constant 0 : i32
    %dma_start3A_102 = tpu.memref_slice %arg5[%dma_start3A_95, %dma_start3A_101] : memref<4x128xi32, #tpu.memory_space<vmem>> -> memref<1x128xi32, #tpu.memory_space<vmem>>
    %dma_start3A_103 = tpu.memref_squeeze %dma_start3A_102 : memref<1x128xi32, #tpu.memory_space<vmem>> -> memref<128xi32, #tpu.memory_space<vmem>>
    %dma_start3A_104 = arith.constant 0 : i32
    %dma_start3A_105 = arith.constant 0 : i32
    %dma_start3A_106 = tpu.memref_slice %arg2[%dma_start3A_104, %dma_start3A_105] : memref<10112x128xf32, #tpu.memory_space<hbm>> -> memref<10112x128xf32, #tpu.memory_space<hbm>>
    tpu.enqueue_indirect_dma source(%dma_start3A_106 : memref<10112x128xf32, #tpu.memory_space<hbm>>) target(%dma_start3A_100 : memref<128x128xf32, #tpu.memory_space<vmem>>) offsets(%dma_start3A_103 : memref<128xi32, #tpu.memory_space<vmem>>) semaphore(%arg10 : memref<!tpu.dma_semaphore, #tpu.memory_space<semaphore_mem>>)
    %dma_wait3A_107 = arith.constant 0 : i32
    %dma_wait3A_108 = arith.constant 0 : i32
    %dma_wait3A_109 = arith.constant 0 : i32
    %dma_wait3A_110 = arith.constant 0 : i32
    %dma_wait3A_111 = tpu.memref_slice %arg7[%dma_wait3A_108, %dma_wait3A_109, %dma_wait3A_110] : memref<2x128x128xf32, #tpu.memory_space<vmem>> -> memref<1x128x128xf32, #tpu.memory_space<vmem>>
    %dma_wait3A_112 = tpu.memref_squeeze %dma_wait3A_111 : memref<1x128x128xf32, #tpu.memory_space<vmem>> -> memref<128x128xf32, #tpu.memory_space<vmem>>
    %dma_wait3A_113 = arith.constant 0 : i32
    %dma_wait3A_114 = tpu.memref_slice %arg5[%dma_wait3A_107, %dma_wait3A_113] : memref<4x128xi32, #tpu.memory_space<vmem>> -> memref<1x128xi32, #tpu.memory_space<vmem>>
    %dma_wait3A_115 = tpu.memref_squeeze %dma_wait3A_114 : memref<1x128xi32, #tpu.memory_space<vmem>> -> memref<128xi32, #tpu.memory_space<vmem>>
    %dma_wait3A_116 = arith.constant 0 : i32
    %dma_wait3A_117 = arith.constant 0 : i32
    %dma_wait3A_118 = tpu.memref_slice %arg2[%dma_wait3A_116, %dma_wait3A_117] : memref<10112x128xf32, #tpu.memory_space<hbm>> -> memref<10112x128xf32, #tpu.memory_space<hbm>>
    tpu.wait_indirect_dma semaphore(%arg10 : memref<!tpu.dma_semaphore, #tpu.memory_space<semaphore_mem>>) src(%dma_wait3A_118 : memref<10112x128xf32, #tpu.memory_space<hbm>>) dst(%dma_wait3A_112 : memref<128x128xf32, #tpu.memory_space<vmem>>)
    %dma_start3A_119 = arith.constant 0 : i32
    %dma_start3A_120 = arith.constant 0 : i32
    %dma_start3A_121 = arith.constant 0 : i32
    %dma_start3A_122 = arith.constant 0 : i32
    %dma_start3A_123 = tpu.memref_slice %arg7[%dma_start3A_119, %dma_start3A_121, %dma_start3A_122] : memref<2x128x128xf32, #tpu.memory_space<vmem>> -> memref<1x128x128xf32, #tpu.memory_space<vmem>>
    %dma_start3A_124 = tpu.memref_squeeze %dma_start3A_123 : memref<1x128x128xf32, #tpu.memory_space<vmem>> -> memref<128x128xf32, #tpu.memory_space<vmem>>
    %dma_start3A_125 = arith.constant 0 : i32
    %dma_start3A_126 = tpu.memref_slice %arg6[%dma_start3A_120, %dma_start3A_125] : memref<4x128xi32, #tpu.memory_space<vmem>> -> memref<1x128xi32, #tpu.memory_space<vmem>>
    %dma_start3A_127 = tpu.memref_squeeze %dma_start3A_126 : memref<1x128xi32, #tpu.memory_space<vmem>> -> memref<128xi32, #tpu.memory_space<vmem>>
    %dma_start3A_128 = arith.constant 0 : i32
    %dma_start3A_129 = arith.constant 0 : i32
    %dma_start3A_130 = tpu.memref_slice %arg8[%dma_start3A_128, %dma_start3A_129] : memref<10112x128xf32, #tpu.memory_space<vmem_shared>> -> memref<10112x128xf32, #tpu.memory_space<vmem_shared>>
    tpu.enqueue_indirect_dma source(%dma_start3A_124 : memref<128x128xf32, #tpu.memory_space<vmem>>) target(%dma_start3A_130 : memref<10112x128xf32, #tpu.memory_space<vmem_shared>>) offsets(%dma_start3A_127 : memref<128xi32, #tpu.memory_space<vmem>>) semaphore(%arg11 : memref<!tpu.dma_semaphore, #tpu.memory_space<semaphore_mem>>) {add = true}
    %add3A_131 = arith.constant 0 : i32
    %add3A_132 = arith.addi %add3A_131, %mul3A_4 : i32
    %add3A_133 = arith.constant 256 : i32
    %add3A_134 = arith.addi %add3A_132, %add3A_133 : i32
    %dma_start3A_135 = arith.constant 2 : i32
    %dma_start3A_136 = arith.constant 0 : i32
    %dma_start3A_137 = tpu.memref_slice %arg5[%dma_start3A_135, %dma_start3A_136] : memref<4x128xi32, #tpu.memory_space<vmem>> -> memref<1x128xi32, #tpu.memory_space<vmem>>
    %dma_start3A_138 = tpu.memref_squeeze %dma_start3A_137 : memref<1x128xi32, #tpu.memory_space<vmem>> -> memref<128xi32, #tpu.memory_space<vmem>>
    %dma_start3A_139 = tpu.memref_slice %arg3[%add3A_134] : memref<655360xi32, #tpu.memory_space<hbm>> -> memref<128xi32, #tpu.memory_space<hbm>>
    %dma_start3A_140 = arith.constant 0 : i32
    %dma_start3A_141 = tpu.memref_slice %arg5[%dma_start3A_135, %dma_start3A_140] : memref<4x128xi32, #tpu.memory_space<vmem>> -> memref<1x128xi32, #tpu.memory_space<vmem>>
    %dma_start3A_142 = tpu.memref_squeeze %dma_start3A_141 : memref<1x128xi32, #tpu.memory_space<vmem>> -> memref<128xi32, #tpu.memory_space<vmem>>
    %dma_start3A_143 = tpu.memref_slice %arg3[%add3A_134] : memref<655360xi32, #tpu.memory_space<hbm>> -> memref<128xi32, #tpu.memory_space<hbm>>
    tpu.enqueue_dma source(%dma_start3A_143 : memref<128xi32, #tpu.memory_space<hbm>>) target(%dma_start3A_142 : memref<128xi32, #tpu.memory_space<vmem>>) target_semaphore(%arg9 : memref<!tpu.dma_semaphore, #tpu.memory_space<semaphore_mem>>)
    %add3A_144 = arith.constant 327680 : i32
    %add3A_145 = arith.addi %add3A_144, %mul3A_4 : i32
    %add3A_146 = arith.constant 256 : i32
    %add3A_147 = arith.addi %add3A_145, %add3A_146 : i32
    %dma_start3A_148 = arith.constant 2 : i32
    %dma_start3A_149 = arith.constant 0 : i32
    %dma_start3A_150 = tpu.memref_slice %arg6[%dma_start3A_148, %dma_start3A_149] : memref<4x128xi32, #tpu.memory_space<vmem>> -> memref<1x128xi32, #tpu.memory_space<vmem>>
    %dma_start3A_151 = tpu.memref_squeeze %dma_start3A_150 : memref<1x128xi32, #tpu.memory_space<vmem>> -> memref<128xi32, #tpu.memory_space<vmem>>
    %dma_start3A_152 = tpu.memref_slice %arg3[%add3A_147] : memref<655360xi32, #tpu.memory_space<hbm>> -> memref<128xi32, #tpu.memory_space<hbm>>
    %dma_start3A_153 = arith.constant 0 : i32
    %dma_start3A_154 = tpu.memref_slice %arg6[%dma_start3A_148, %dma_start3A_153] : memref<4x128xi32, #tpu.memory_space<vmem>> -> memref<1x128xi32, #tpu.memory_space<vmem>>
    %dma_start3A_155 = tpu.memref_squeeze %dma_start3A_154 : memref<1x128xi32, #tpu.memory_space<vmem>> -> memref<128xi32, #tpu.memory_space<vmem>>
    %dma_start3A_156 = tpu.memref_slice %arg3[%add3A_147] : memref<655360xi32, #tpu.memory_space<hbm>> -> memref<128xi32, #tpu.memory_space<hbm>>
    tpu.enqueue_dma source(%dma_start3A_156 : memref<128xi32, #tpu.memory_space<hbm>>) target(%dma_start3A_155 : memref<128xi32, #tpu.memory_space<vmem>>) target_semaphore(%arg9 : memref<!tpu.dma_semaphore, #tpu.memory_space<semaphore_mem>>)
    %scan3A_157 = arith.constant 0 : i32
    %scan3A_158 = arith.constant 19 : i32
    %scan3A_159 = arith.addi %scan3A_157, %scan3A_158 : i32
    %scan3A_160 = arith.constant 1 : i32
    scf.for %scan3A_388 = %scan3A_157 to %scan3A_159 step %scan3A_160  : i32 {
      %mul3A_389 = arith.constant 4 : i32
      %mul3A_390 = arith.muli %mul3A_389, %scan3A_388 : i32
      %add3A_391 = arith.constant 1 : i32
      %add3A_392 = arith.addi %mul3A_390, %add3A_391 : i32
      %add3A_393 = arith.constant 0 : i32
      %add3A_394 = arith.addi %add3A_392, %add3A_393 : i32
      %add3A_395 = arith.constant 1 : i32
      %add3A_396 = arith.addi %add3A_394, %add3A_395 : i32
      %add3A_397 = arith.constant 0 : i32
      %add3A_398 = arith.addi %add3A_397, %mul3A_4 : i32
      %mul3A_399 = arith.constant 128 : i32
      %mul3A_400 = arith.muli %add3A_396, %mul3A_399 : i32
      %add3A_401 = arith.addi %add3A_398, %mul3A_400 : i32
      %dma_wait3A_402 = arith.constant 2 : i32
      %dma_wait3A_403 = arith.constant 0 : i32
      %dma_wait3A_404 = tpu.memref_slice %arg5[%dma_wait3A_402, %dma_wait3A_403] : memref<4x128xi32, #tpu.memory_space<vmem>> -> memref<1x128xi32, #tpu.memory_space<vmem>>
      %dma_wait3A_405 = tpu.memref_squeeze %dma_wait3A_404 : memref<1x128xi32, #tpu.memory_space<vmem>> -> memref<128xi32, #tpu.memory_space<vmem>>
      %dma_wait3A_406 = tpu.memref_slice %arg3[%add3A_401] : memref<655360xi32, #tpu.memory_space<hbm>> -> memref<128xi32, #tpu.memory_space<hbm>>
      %dma_wait3A_407 = arith.constant 0 : i32
      %dma_wait3A_408 = tpu.memref_slice %arg5[%dma_wait3A_402, %dma_wait3A_407] : memref<4x128xi32, #tpu.memory_space<vmem>> -> memref<1x128xi32, #tpu.memory_space<vmem>>
      %dma_wait3A_409 = tpu.memref_squeeze %dma_wait3A_408 : memref<1x128xi32, #tpu.memory_space<vmem>> -> memref<128xi32, #tpu.memory_space<vmem>>
      %dma_wait3A_410 = tpu.memref_slice %arg3[%add3A_401] : memref<655360xi32, #tpu.memory_space<hbm>> -> memref<128xi32, #tpu.memory_space<hbm>>
      tpu.wait_dma2 semaphore(%arg9 : memref<!tpu.dma_semaphore, #tpu.memory_space<semaphore_mem>>) src(%dma_wait3A_410 : memref<128xi32, #tpu.memory_space<hbm>>) dst(%dma_wait3A_409 : memref<128xi32, #tpu.memory_space<vmem>>)
      %add3A_411 = arith.constant 327680 : i32
      %add3A_412 = arith.addi %add3A_411, %mul3A_4 : i32
      %mul3A_413 = arith.constant 128 : i32
      %mul3A_414 = arith.muli %add3A_396, %mul3A_413 : i32
      %add3A_415 = arith.addi %add3A_412, %mul3A_414 : i32
      %dma_wait3A_416 = arith.constant 2 : i32
      %dma_wait3A_417 = arith.constant 0 : i32
      %dma_wait3A_418 = tpu.memref_slice %arg6[%dma_wait3A_416, %dma_wait3A_417] : memref<4x128xi32, #tpu.memory_space<vmem>> -> memref<1x128xi32, #tpu.memory_space<vmem>>
      %dma_wait3A_419 = tpu.memref_squeeze %dma_wait3A_418 : memref<1x128xi32, #tpu.memory_space<vmem>> -> memref<128xi32, #tpu.memory_space<vmem>>
      %dma_wait3A_420 = tpu.memref_slice %arg3[%add3A_415] : memref<655360xi32, #tpu.memory_space<hbm>> -> memref<128xi32, #tpu.memory_space<hbm>>
      %dma_wait3A_421 = arith.constant 0 : i32
      %dma_wait3A_422 = tpu.memref_slice %arg6[%dma_wait3A_416, %dma_wait3A_421] : memref<4x128xi32, #tpu.memory_space<vmem>> -> memref<1x128xi32, #tpu.memory_space<vmem>>
      %dma_wait3A_423 = tpu.memref_squeeze %dma_wait3A_422 : memref<1x128xi32, #tpu.memory_space<vmem>> -> memref<128xi32, #tpu.memory_space<vmem>>
      %dma_wait3A_424 = tpu.memref_slice %arg3[%add3A_415] : memref<655360xi32, #tpu.memory_space<hbm>> -> memref<128xi32, #tpu.memory_space<hbm>>
      tpu.wait_dma2 semaphore(%arg9 : memref<!tpu.dma_semaphore, #tpu.memory_space<semaphore_mem>>) src(%dma_wait3A_424 : memref<128xi32, #tpu.memory_space<hbm>>) dst(%dma_wait3A_423 : memref<128xi32, #tpu.memory_space<vmem>>)
      %sub3A = arith.constant 1 : i32
      %sub3A_425 = arith.subi %add3A_394, %sub3A : i32
      %dma_wait3A_426 = arith.constant 0 : i32
      %dma_wait3A_427 = arith.constant 0 : i32
      %dma_wait3A_428 = arith.constant 0 : i32
      %dma_wait3A_429 = arith.constant 0 : i32
      %dma_wait3A_430 = tpu.memref_slice %arg7[%dma_wait3A_426, %dma_wait3A_428, %dma_wait3A_429] : memref<2x128x128xf32, #tpu.memory_space<vmem>> -> memref<1x128x128xf32, #tpu.memory_space<vmem>>
      %dma_wait3A_431 = tpu.memref_squeeze %dma_wait3A_430 : memref<1x128x128xf32, #tpu.memory_space<vmem>> -> memref<128x128xf32, #tpu.memory_space<vmem>>
      %dma_wait3A_432 = arith.constant 0 : i32
      %dma_wait3A_433 = tpu.memref_slice %arg6[%dma_wait3A_427, %dma_wait3A_432] : memref<4x128xi32, #tpu.memory_space<vmem>> -> memref<1x128xi32, #tpu.memory_space<vmem>>
      %dma_wait3A_434 = tpu.memref_squeeze %dma_wait3A_433 : memref<1x128xi32, #tpu.memory_space<vmem>> -> memref<128xi32, #tpu.memory_space<vmem>>
      %dma_wait3A_435 = arith.constant 0 : i32
      %dma_wait3A_436 = arith.constant 0 : i32
      %dma_wait3A_437 = tpu.memref_slice %arg8[%dma_wait3A_435, %dma_wait3A_436] : memref<10112x128xf32, #tpu.memory_space<vmem_shared>> -> memref<10112x128xf32, #tpu.memory_space<vmem_shared>>
      tpu.wait_indirect_dma semaphore(%arg11 : memref<!tpu.dma_semaphore, #tpu.memory_space<semaphore_mem>>) src(%dma_wait3A_431 : memref<128x128xf32, #tpu.memory_space<vmem>>) dst(%dma_wait3A_437 : memref<10112x128xf32, #tpu.memory_space<vmem_shared>>)
      %add3A_438 = arith.constant 1 : i32
      %add3A_439 = arith.addi %add3A_394, %add3A_438 : i32
      %dma_start3A_440 = arith.constant 2 : i32
      %dma_start3A_441 = arith.constant 0 : i32
      %dma_start3A_442 = arith.constant 0 : i32
      %dma_start3A_443 = arith.constant 0 : i32
      %dma_start3A_444 = tpu.memref_slice %arg7[%dma_start3A_441, %dma_start3A_442, %dma_start3A_443] : memref<2x128x128xf32, #tpu.memory_space<vmem>> -> memref<1x128x128xf32, #tpu.memory_space<vmem>>
      %dma_start3A_445 = tpu.memref_squeeze %dma_start3A_444 : memref<1x128x128xf32, #tpu.memory_space<vmem>> -> memref<128x128xf32, #tpu.memory_space<vmem>>
      %dma_start3A_446 = arith.constant 0 : i32
      %dma_start3A_447 = tpu.memref_slice %arg5[%dma_start3A_440, %dma_start3A_446] : memref<4x128xi32, #tpu.memory_space<vmem>> -> memref<1x128xi32, #tpu.memory_space<vmem>>
      %dma_start3A_448 = tpu.memref_squeeze %dma_start3A_447 : memref<1x128xi32, #tpu.memory_space<vmem>> -> memref<128xi32, #tpu.memory_space<vmem>>
      %dma_start3A_449 = arith.constant 0 : i32
      %dma_start3A_450 = arith.constant 0 : i32
      %dma_start3A_451 = tpu.memref_slice %arg2[%dma_start3A_449, %dma_start3A_450] : memref<10112x128xf32, #tpu.memory_space<hbm>> -> memref<10112x128xf32, #tpu.memory_space<hbm>>
      tpu.enqueue_indirect_dma source(%dma_start3A_451 : memref<10112x128xf32, #tpu.memory_space<hbm>>) target(%dma_start3A_445 : memref<128x128xf32, #tpu.memory_space<vmem>>) offsets(%dma_start3A_448 : memref<128xi32, #tpu.memory_space<vmem>>) semaphore(%arg10 : memref<!tpu.dma_semaphore, #tpu.memory_space<semaphore_mem>>)
      %dma_wait3A_452 = arith.constant 1 : i32
      %dma_wait3A_453 = arith.constant 1 : i32
      %dma_wait3A_454 = arith.constant 0 : i32
      %dma_wait3A_455 = arith.constant 0 : i32
      %dma_wait3A_456 = tpu.memref_slice %arg7[%dma_wait3A_453, %dma_wait3A_454, %dma_wait3A_455] : memref<2x128x128xf32, #tpu.memory_space<vmem>> -> memref<1x128x128xf32, #tpu.memory_space<vmem>>
      %dma_wait3A_457 = tpu.memref_squeeze %dma_wait3A_456 : memref<1x128x128xf32, #tpu.memory_space<vmem>> -> memref<128x128xf32, #tpu.memory_space<vmem>>
      %dma_wait3A_458 = arith.constant 0 : i32
      %dma_wait3A_459 = tpu.memref_slice %arg5[%dma_wait3A_452, %dma_wait3A_458] : memref<4x128xi32, #tpu.memory_space<vmem>> -> memref<1x128xi32, #tpu.memory_space<vmem>>
      %dma_wait3A_460 = tpu.memref_squeeze %dma_wait3A_459 : memref<1x128xi32, #tpu.memory_space<vmem>> -> memref<128xi32, #tpu.memory_space<vmem>>
      %dma_wait3A_461 = arith.constant 0 : i32
      %dma_wait3A_462 = arith.constant 0 : i32
      %dma_wait3A_463 = tpu.memref_slice %arg2[%dma_wait3A_461, %dma_wait3A_462] : memref<10112x128xf32, #tpu.memory_space<hbm>> -> memref<10112x128xf32, #tpu.memory_space<hbm>>
      tpu.wait_indirect_dma semaphore(%arg10 : memref<!tpu.dma_semaphore, #tpu.memory_space<semaphore_mem>>) src(%dma_wait3A_463 : memref<10112x128xf32, #tpu.memory_space<hbm>>) dst(%dma_wait3A_457 : memref<128x128xf32, #tpu.memory_space<vmem>>)
      %dma_start3A_464 = arith.constant 1 : i32
      %dma_start3A_465 = arith.constant 1 : i32
      %dma_start3A_466 = arith.constant 0 : i32
      %dma_start3A_467 = arith.constant 0 : i32
      %dma_start3A_468 = tpu.memref_slice %arg7[%dma_start3A_464, %dma_start3A_466, %dma_start3A_467] : memref<2x128x128xf32, #tpu.memory_space<vmem>> -> memref<1x128x128xf32, #tpu.memory_space<vmem>>
      %dma_start3A_469 = tpu.memref_squeeze %dma_start3A_468 : memref<1x128x128xf32, #tpu.memory_space<vmem>> -> memref<128x128xf32, #tpu.memory_space<vmem>>
      %dma_start3A_470 = arith.constant 0 : i32
      %dma_start3A_471 = tpu.memref_slice %arg6[%dma_start3A_465, %dma_start3A_470] : memref<4x128xi32, #tpu.memory_space<vmem>> -> memref<1x128xi32, #tpu.memory_space<vmem>>
      %dma_start3A_472 = tpu.memref_squeeze %dma_start3A_471 : memref<1x128xi32, #tpu.memory_space<vmem>> -> memref<128xi32, #tpu.memory_space<vmem>>
      %dma_start3A_473 = arith.constant 0 : i32
      %dma_start3A_474 = arith.constant 0 : i32
      %dma_start3A_475 = tpu.memref_slice %arg8[%dma_start3A_473, %dma_start3A_474] : memref<10112x128xf32, #tpu.memory_space<vmem_shared>> -> memref<10112x128xf32, #tpu.memory_space<vmem_shared>>
      tpu.enqueue_indirect_dma source(%dma_start3A_469 : memref<128x128xf32, #tpu.memory_space<vmem>>) target(%dma_start3A_475 : memref<10112x128xf32, #tpu.memory_space<vmem_shared>>) offsets(%dma_start3A_472 : memref<128xi32, #tpu.memory_space<vmem>>) semaphore(%arg11 : memref<!tpu.dma_semaphore, #tpu.memory_space<semaphore_mem>>) {add = true}
      %add3A_476 = arith.constant 2 : i32
      %add3A_477 = arith.addi %add3A_394, %add3A_476 : i32
      %add3A_478 = arith.constant 0 : i32
      %add3A_479 = arith.addi %add3A_478, %mul3A_4 : i32
      %mul3A_480 = arith.constant 128 : i32
      %mul3A_481 = arith.muli %add3A_477, %mul3A_480 : i32
      %add3A_482 = arith.addi %add3A_479, %mul3A_481 : i32
      %dma_start3A_483 = arith.constant 3 : i32
      %dma_start3A_484 = arith.constant 0 : i32
      %dma_start3A_485 = tpu.memref_slice %arg5[%dma_start3A_483, %dma_start3A_484] : memref<4x128xi32, #tpu.memory_space<vmem>> -> memref<1x128xi32, #tpu.memory_space<vmem>>
      %dma_start3A_486 = tpu.memref_squeeze %dma_start3A_485 : memref<1x128xi32, #tpu.memory_space<vmem>> -> memref<128xi32, #tpu.memory_space<vmem>>
      %dma_start3A_487 = tpu.memref_slice %arg3[%add3A_482] : memref<655360xi32, #tpu.memory_space<hbm>> -> memref<128xi32, #tpu.memory_space<hbm>>
      %dma_start3A_488 = arith.constant 0 : i32
      %dma_start3A_489 = tpu.memref_slice %arg5[%dma_start3A_483, %dma_start3A_488] : memref<4x128xi32, #tpu.memory_space<vmem>> -> memref<1x128xi32, #tpu.memory_space<vmem>>
      %dma_start3A_490 = tpu.memref_squeeze %dma_start3A_489 : memref<1x128xi32, #tpu.memory_space<vmem>> -> memref<128xi32, #tpu.memory_space<vmem>>
      %dma_start3A_491 = tpu.memref_slice %arg3[%add3A_482] : memref<655360xi32, #tpu.memory_space<hbm>> -> memref<128xi32, #tpu.memory_space<hbm>>
      tpu.enqueue_dma source(%dma_start3A_491 : memref<128xi32, #tpu.memory_space<hbm>>) target(%dma_start3A_490 : memref<128xi32, #tpu.memory_space<vmem>>) target_semaphore(%arg9 : memref<!tpu.dma_semaphore, #tpu.memory_space<semaphore_mem>>)
      %add3A_492 = arith.constant 327680 : i32
      %add3A_493 = arith.addi %add3A_492, %mul3A_4 : i32
      %mul3A_494 = arith.constant 128 : i32
      %mul3A_495 = arith.muli %add3A_477, %mul3A_494 : i32
      %add3A_496 = arith.addi %add3A_493, %mul3A_495 : i32
      %dma_start3A_497 = arith.constant 3 : i32
      %dma_start3A_498 = arith.constant 0 : i32
      %dma_start3A_499 = tpu.memref_slice %arg6[%dma_start3A_497, %dma_start3A_498] : memref<4x128xi32, #tpu.memory_space<vmem>> -> memref<1x128xi32, #tpu.memory_space<vmem>>
      %dma_start3A_500 = tpu.memref_squeeze %dma_start3A_499 : memref<1x128xi32, #tpu.memory_space<vmem>> -> memref<128xi32, #tpu.memory_space<vmem>>
      %dma_start3A_501 = tpu.memref_slice %arg3[%add3A_496] : memref<655360xi32, #tpu.memory_space<hbm>> -> memref<128xi32, #tpu.memory_space<hbm>>
      %dma_start3A_502 = arith.constant 0 : i32
      %dma_start3A_503 = tpu.memref_slice %arg6[%dma_start3A_497, %dma_start3A_502] : memref<4x128xi32, #tpu.memory_space<vmem>> -> memref<1x128xi32, #tpu.memory_space<vmem>>
      %dma_start3A_504 = tpu.memref_squeeze %dma_start3A_503 : memref<1x128xi32, #tpu.memory_space<vmem>> -> memref<128xi32, #tpu.memory_space<vmem>>
      %dma_start3A_505 = tpu.memref_slice %arg3[%add3A_496] : memref<655360xi32, #tpu.memory_space<hbm>> -> memref<128xi32, #tpu.memory_space<hbm>>
      tpu.enqueue_dma source(%dma_start3A_505 : memref<128xi32, #tpu.memory_space<hbm>>) target(%dma_start3A_504 : memref<128xi32, #tpu.memory_space<vmem>>) target_semaphore(%arg9 : memref<!tpu.dma_semaphore, #tpu.memory_space<semaphore_mem>>)
      %mul3A_506 = arith.constant 4 : i32
      %mul3A_507 = arith.muli %mul3A_506, %scan3A_388 : i32
      %add3A_508 = arith.constant 1 : i32
      %add3A_509 = arith.addi %mul3A_507, %add3A_508 : i32
      %add3A_510 = arith.constant 1 : i32
      %add3A_511 = arith.addi %add3A_509, %add3A_510 : i32
      %add3A_512 = arith.constant 1 : i32
      %add3A_513 = arith.addi %add3A_511, %add3A_512 : i32
      %add3A_514 = arith.constant 0 : i32
      %add3A_515 = arith.addi %add3A_514, %mul3A_4 : i32
      %mul3A_516 = arith.constant 128 : i32
      %mul3A_517 = arith.muli %add3A_513, %mul3A_516 : i32
      %add3A_518 = arith.addi %add3A_515, %mul3A_517 : i32
      %dma_wait3A_519 = arith.constant 3 : i32
      %dma_wait3A_520 = arith.constant 0 : i32
      %dma_wait3A_521 = tpu.memref_slice %arg5[%dma_wait3A_519, %dma_wait3A_520] : memref<4x128xi32, #tpu.memory_space<vmem>> -> memref<1x128xi32, #tpu.memory_space<vmem>>
      %dma_wait3A_522 = tpu.memref_squeeze %dma_wait3A_521 : memref<1x128xi32, #tpu.memory_space<vmem>> -> memref<128xi32, #tpu.memory_space<vmem>>
      %dma_wait3A_523 = tpu.memref_slice %arg3[%add3A_518] : memref<655360xi32, #tpu.memory_space<hbm>> -> memref<128xi32, #tpu.memory_space<hbm>>
      %dma_wait3A_524 = arith.constant 0 : i32
      %dma_wait3A_525 = tpu.memref_slice %arg5[%dma_wait3A_519, %dma_wait3A_524] : memref<4x128xi32, #tpu.memory_space<vmem>> -> memref<1x128xi32, #tpu.memory_space<vmem>>
      %dma_wait3A_526 = tpu.memref_squeeze %dma_wait3A_525 : memref<1x128xi32, #tpu.memory_space<vmem>> -> memref<128xi32, #tpu.memory_space<vmem>>
      %dma_wait3A_527 = tpu.memref_slice %arg3[%add3A_518] : memref<655360xi32, #tpu.memory_space<hbm>> -> memref<128xi32, #tpu.memory_space<hbm>>
      tpu.wait_dma2 semaphore(%arg9 : memref<!tpu.dma_semaphore, #tpu.memory_space<semaphore_mem>>) src(%dma_wait3A_527 : memref<128xi32, #tpu.memory_space<hbm>>) dst(%dma_wait3A_526 : memref<128xi32, #tpu.memory_space<vmem>>)
      %add3A_528 = arith.constant 327680 : i32
      %add3A_529 = arith.addi %add3A_528, %mul3A_4 : i32
      %mul3A_530 = arith.constant 128 : i32
      %mul3A_531 = arith.muli %add3A_513, %mul3A_530 : i32
      %add3A_532 = arith.addi %add3A_529, %mul3A_531 : i32
      %dma_wait3A_533 = arith.constant 3 : i32
      %dma_wait3A_534 = arith.constant 0 : i32
      %dma_wait3A_535 = tpu.memref_slice %arg6[%dma_wait3A_533, %dma_wait3A_534] : memref<4x128xi32, #tpu.memory_space<vmem>> -> memref<1x128xi32, #tpu.memory_space<vmem>>
      %dma_wait3A_536 = tpu.memref_squeeze %dma_wait3A_535 : memref<1x128xi32, #tpu.memory_space<vmem>> -> memref<128xi32, #tpu.memory_space<vmem>>
      %dma_wait3A_537 = tpu.memref_slice %arg3[%add3A_532] : memref<655360xi32, #tpu.memory_space<hbm>> -> memref<128xi32, #tpu.memory_space<hbm>>
      %dma_wait3A_538 = arith.constant 0 : i32
      %dma_wait3A_539 = tpu.memref_slice %arg6[%dma_wait3A_533, %dma_wait3A_538] : memref<4x128xi32, #tpu.memory_space<vmem>> -> memref<1x128xi32, #tpu.memory_space<vmem>>
      %dma_wait3A_540 = tpu.memref_squeeze %dma_wait3A_539 : memref<1x128xi32, #tpu.memory_space<vmem>> -> memref<128xi32, #tpu.memory_space<vmem>>
      %dma_wait3A_541 = tpu.memref_slice %arg3[%add3A_532] : memref<655360xi32, #tpu.memory_space<hbm>> -> memref<128xi32, #tpu.memory_space<hbm>>
      tpu.wait_dma2 semaphore(%arg9 : memref<!tpu.dma_semaphore, #tpu.memory_space<semaphore_mem>>) src(%dma_wait3A_541 : memref<128xi32, #tpu.memory_space<hbm>>) dst(%dma_wait3A_540 : memref<128xi32, #tpu.memory_space<vmem>>)
      %sub3A_542 = arith.constant 1 : i32
      %sub3A_543 = arith.subi %add3A_511, %sub3A_542 : i32
      %dma_wait3A_544 = arith.constant 1 : i32
      %dma_wait3A_545 = arith.constant 1 : i32
      %dma_wait3A_546 = arith.constant 0 : i32
      %dma_wait3A_547 = arith.constant 0 : i32
      %dma_wait3A_548 = tpu.memref_slice %arg7[%dma_wait3A_544, %dma_wait3A_546, %dma_wait3A_547] : memref<2x128x128xf32, #tpu.memory_space<vmem>> -> memref<1x128x128xf32, #tpu.memory_space<vmem>>
      %dma_wait3A_549 = tpu.memref_squeeze %dma_wait3A_548 : memref<1x128x128xf32, #tpu.memory_space<vmem>> -> memref<128x128xf32, #tpu.memory_space<vmem>>
      %dma_wait3A_550 = arith.constant 0 : i32
      %dma_wait3A_551 = tpu.memref_slice %arg6[%dma_wait3A_545, %dma_wait3A_550] : memref<4x128xi32, #tpu.memory_space<vmem>> -> memref<1x128xi32, #tpu.memory_space<vmem>>
      %dma_wait3A_552 = tpu.memref_squeeze %dma_wait3A_551 : memref<1x128xi32, #tpu.memory_space<vmem>> -> memref<128xi32, #tpu.memory_space<vmem>>
      %dma_wait3A_553 = arith.constant 0 : i32
      %dma_wait3A_554 = arith.constant 0 : i32
      %dma_wait3A_555 = tpu.memref_slice %arg8[%dma_wait3A_553, %dma_wait3A_554] : memref<10112x128xf32, #tpu.memory_space<vmem_shared>> -> memref<10112x128xf32, #tpu.memory_space<vmem_shared>>
      tpu.wait_indirect_dma semaphore(%arg11 : memref<!tpu.dma_semaphore, #tpu.memory_space<semaphore_mem>>) src(%dma_wait3A_549 : memref<128x128xf32, #tpu.memory_space<vmem>>) dst(%dma_wait3A_555 : memref<10112x128xf32, #tpu.memory_space<vmem_shared>>)
      %add3A_556 = arith.constant 1 : i32
      %add3A_557 = arith.addi %add3A_511, %add3A_556 : i32
      %dma_start3A_558 = arith.constant 3 : i32
      %dma_start3A_559 = arith.constant 1 : i32
      %dma_start3A_560 = arith.constant 0 : i32
      %dma_start3A_561 = arith.constant 0 : i32
      %dma_start3A_562 = tpu.memref_slice %arg7[%dma_start3A_559, %dma_start3A_560, %dma_start3A_561] : memref<2x128x128xf32, #tpu.memory_space<vmem>> -> memref<1x128x128xf32, #tpu.memory_space<vmem>>
      %dma_start3A_563 = tpu.memref_squeeze %dma_start3A_562 : memref<1x128x128xf32, #tpu.memory_space<vmem>> -> memref<128x128xf32, #tpu.memory_space<vmem>>
      %dma_start3A_564 = arith.constant 0 : i32
      %dma_start3A_565 = tpu.memref_slice %arg5[%dma_start3A_558, %dma_start3A_564] : memref<4x128xi32, #tpu.memory_space<vmem>> -> memref<1x128xi32, #tpu.memory_space<vmem>>
      %dma_start3A_566 = tpu.memref_squeeze %dma_start3A_565 : memref<1x128xi32, #tpu.memory_space<vmem>> -> memref<128xi32, #tpu.memory_space<vmem>>
      %dma_start3A_567 = arith.constant 0 : i32
      %dma_start3A_568 = arith.constant 0 : i32
      %dma_start3A_569 = tpu.memref_slice %arg2[%dma_start3A_567, %dma_start3A_568] : memref<10112x128xf32, #tpu.memory_space<hbm>> -> memref<10112x128xf32, #tpu.memory_space<hbm>>
      tpu.enqueue_indirect_dma source(%dma_start3A_569 : memref<10112x128xf32, #tpu.memory_space<hbm>>) target(%dma_start3A_563 : memref<128x128xf32, #tpu.memory_space<vmem>>) offsets(%dma_start3A_566 : memref<128xi32, #tpu.memory_space<vmem>>) semaphore(%arg10 : memref<!tpu.dma_semaphore, #tpu.memory_space<semaphore_mem>>)
      %dma_wait3A_570 = arith.constant 2 : i32
      %dma_wait3A_571 = arith.constant 0 : i32
      %dma_wait3A_572 = arith.constant 0 : i32
      %dma_wait3A_573 = arith.constant 0 : i32
      %dma_wait3A_574 = tpu.memref_slice %arg7[%dma_wait3A_571, %dma_wait3A_572, %dma_wait3A_573] : memref<2x128x128xf32, #tpu.memory_space<vmem>> -> memref<1x128x128xf32, #tpu.memory_space<vmem>>
      %dma_wait3A_575 = tpu.memref_squeeze %dma_wait3A_574 : memref<1x128x128xf32, #tpu.memory_space<vmem>> -> memref<128x128xf32, #tpu.memory_space<vmem>>
      %dma_wait3A_576 = arith.constant 0 : i32
      %dma_wait3A_577 = tpu.memref_slice %arg5[%dma_wait3A_570, %dma_wait3A_576] : memref<4x128xi32, #tpu.memory_space<vmem>> -> memref<1x128xi32, #tpu.memory_space<vmem>>
      %dma_wait3A_578 = tpu.memref_squeeze %dma_wait3A_577 : memref<1x128xi32, #tpu.memory_space<vmem>> -> memref<128xi32, #tpu.memory_space<vmem>>
      %dma_wait3A_579 = arith.constant 0 : i32
      %dma_wait3A_580 = arith.constant 0 : i32
      %dma_wait3A_581 = tpu.memref_slice %arg2[%dma_wait3A_579, %dma_wait3A_580] : memref<10112x128xf32, #tpu.memory_space<hbm>> -> memref<10112x128xf32, #tpu.memory_space<hbm>>
      tpu.wait_indirect_dma semaphore(%arg10 : memref<!tpu.dma_semaphore, #tpu.memory_space<semaphore_mem>>) src(%dma_wait3A_581 : memref<10112x128xf32, #tpu.memory_space<hbm>>) dst(%dma_wait3A_575 : memref<128x128xf32, #tpu.memory_space<vmem>>)
      %dma_start3A_582 = arith.constant 0 : i32
      %dma_start3A_583 = arith.constant 2 : i32
      %dma_start3A_584 = arith.constant 0 : i32
      %dma_start3A_585 = arith.constant 0 : i32
      %dma_start3A_586 = tpu.memref_slice %arg7[%dma_start3A_582, %dma_start3A_584, %dma_start3A_585] : memref<2x128x128xf32, #tpu.memory_space<vmem>> -> memref<1x128x128xf32, #tpu.memory_space<vmem>>
      %dma_start3A_587 = tpu.memref_squeeze %dma_start3A_586 : memref<1x128x128xf32, #tpu.memory_space<vmem>> -> memref<128x128xf32, #tpu.memory_space<vmem>>
      %dma_start3A_588 = arith.constant 0 : i32
      %dma_start3A_589 = tpu.memref_slice %arg6[%dma_start3A_583, %dma_start3A_588] : memref<4x128xi32, #tpu.memory_space<vmem>> -> memref<1x128xi32, #tpu.memory_space<vmem>>
      %dma_start3A_590 = tpu.memref_squeeze %dma_start3A_589 : memref<1x128xi32, #tpu.memory_space<vmem>> -> memref<128xi32, #tpu.memory_space<vmem>>
      %dma_start3A_591 = arith.constant 0 : i32
      %dma_start3A_592 = arith.constant 0 : i32
      %dma_start3A_593 = tpu.memref_slice %arg8[%dma_start3A_591, %dma_start3A_592] : memref<10112x128xf32, #tpu.memory_space<vmem_shared>> -> memref<10112x128xf32, #tpu.memory_space<vmem_shared>>
      tpu.enqueue_indirect_dma source(%dma_start3A_587 : memref<128x128xf32, #tpu.memory_space<vmem>>) target(%dma_start3A_593 : memref<10112x128xf32, #tpu.memory_space<vmem_shared>>) offsets(%dma_start3A_590 : memref<128xi32, #tpu.memory_space<vmem>>) semaphore(%arg11 : memref<!tpu.dma_semaphore, #tpu.memory_space<semaphore_mem>>) {add = true}
      %add3A_594 = arith.constant 2 : i32
      %add3A_595 = arith.addi %add3A_511, %add3A_594 : i32
      %add3A_596 = arith.constant 0 : i32
      %add3A_597 = arith.addi %add3A_596, %mul3A_4 : i32
      %mul3A_598 = arith.constant 128 : i32
      %mul3A_599 = arith.muli %add3A_595, %mul3A_598 : i32
      %add3A_600 = arith.addi %add3A_597, %mul3A_599 : i32
      %dma_start3A_601 = arith.constant 0 : i32
      %dma_start3A_602 = arith.constant 0 : i32
      %dma_start3A_603 = tpu.memref_slice %arg5[%dma_start3A_601, %dma_start3A_602] : memref<4x128xi32, #tpu.memory_space<vmem>> -> memref<1x128xi32, #tpu.memory_space<vmem>>
      %dma_start3A_604 = tpu.memref_squeeze %dma_start3A_603 : memref<1x128xi32, #tpu.memory_space<vmem>> -> memref<128xi32, #tpu.memory_space<vmem>>
      %dma_start3A_605 = tpu.memref_slice %arg3[%add3A_600] : memref<655360xi32, #tpu.memory_space<hbm>> -> memref<128xi32, #tpu.memory_space<hbm>>
      %dma_start3A_606 = arith.constant 0 : i32
      %dma_start3A_607 = tpu.memref_slice %arg5[%dma_start3A_601, %dma_start3A_606] : memref<4x128xi32, #tpu.memory_space<vmem>> -> memref<1x128xi32, #tpu.memory_space<vmem>>
      %dma_start3A_608 = tpu.memref_squeeze %dma_start3A_607 : memref<1x128xi32, #tpu.memory_space<vmem>> -> memref<128xi32, #tpu.memory_space<vmem>>
      %dma_start3A_609 = tpu.memref_slice %arg3[%add3A_600] : memref<655360xi32, #tpu.memory_space<hbm>> -> memref<128xi32, #tpu.memory_space<hbm>>
      tpu.enqueue_dma source(%dma_start3A_609 : memref<128xi32, #tpu.memory_space<hbm>>) target(%dma_start3A_608 : memref<128xi32, #tpu.memory_space<vmem>>) target_semaphore(%arg9 : memref<!tpu.dma_semaphore, #tpu.memory_space<semaphore_mem>>)
      %add3A_610 = arith.constant 327680 : i32
      %add3A_611 = arith.addi %add3A_610, %mul3A_4 : i32
      %mul3A_612 = arith.constant 128 : i32
      %mul3A_613 = arith.muli %add3A_595, %mul3A_612 : i32
      %add3A_614 = arith.addi %add3A_611, %mul3A_613 : i32
      %dma_start3A_615 = arith.constant 0 : i32
      %dma_start3A_616 = arith.constant 0 : i32
      %dma_start3A_617 = tpu.memref_slice %arg6[%dma_start3A_615, %dma_start3A_616] : memref<4x128xi32, #tpu.memory_space<vmem>> -> memref<1x128xi32, #tpu.memory_space<vmem>>
      %dma_start3A_618 = tpu.memref_squeeze %dma_start3A_617 : memref<1x128xi32, #tpu.memory_space<vmem>> -> memref<128xi32, #tpu.memory_space<vmem>>
      %dma_start3A_619 = tpu.memref_slice %arg3[%add3A_614] : memref<655360xi32, #tpu.memory_space<hbm>> -> memref<128xi32, #tpu.memory_space<hbm>>
      %dma_start3A_620 = arith.constant 0 : i32
      %dma_start3A_621 = tpu.memref_slice %arg6[%dma_start3A_615, %dma_start3A_620] : memref<4x128xi32, #tpu.memory_space<vmem>> -> memref<1x128xi32, #tpu.memory_space<vmem>>
      %dma_start3A_622 = tpu.memref_squeeze %dma_start3A_621 : memref<1x128xi32, #tpu.memory_space<vmem>> -> memref<128xi32, #tpu.memory_space<vmem>>
      %dma_start3A_623 = tpu.memref_slice %arg3[%add3A_614] : memref<655360xi32, #tpu.memory_space<hbm>> -> memref<128xi32, #tpu.memory_space<hbm>>
      tpu.enqueue_dma source(%dma_start3A_623 : memref<128xi32, #tpu.memory_space<hbm>>) target(%dma_start3A_622 : memref<128xi32, #tpu.memory_space<vmem>>) target_semaphore(%arg9 : memref<!tpu.dma_semaphore, #tpu.memory_space<semaphore_mem>>)
      %mul3A_624 = arith.constant 4 : i32
      %mul3A_625 = arith.muli %mul3A_624, %scan3A_388 : i32
      %add3A_626 = arith.constant 1 : i32
      %add3A_627 = arith.addi %mul3A_625, %add3A_626 : i32
      %add3A_628 = arith.constant 2 : i32
      %add3A_629 = arith.addi %add3A_627, %add3A_628 : i32
      %add3A_630 = arith.constant 1 : i32
      %add3A_631 = arith.addi %add3A_629, %add3A_630 : i32
      %add3A_632 = arith.constant 0 : i32
      %add3A_633 = arith.addi %add3A_632, %mul3A_4 : i32
      %mul3A_634 = arith.constant 128 : i32
      %mul3A_635 = arith.muli %add3A_631, %mul3A_634 : i32
      %add3A_636 = arith.addi %add3A_633, %mul3A_635 : i32
      %dma_wait3A_637 = arith.constant 0 : i32
      %dma_wait3A_638 = arith.constant 0 : i32
      %dma_wait3A_639 = tpu.memref_slice %arg5[%dma_wait3A_637, %dma_wait3A_638] : memref<4x128xi32, #tpu.memory_space<vmem>> -> memref<1x128xi32, #tpu.memory_space<vmem>>
      %dma_wait3A_640 = tpu.memref_squeeze %dma_wait3A_639 : memref<1x128xi32, #tpu.memory_space<vmem>> -> memref<128xi32, #tpu.memory_space<vmem>>
      %dma_wait3A_641 = tpu.memref_slice %arg3[%add3A_636] : memref<655360xi32, #tpu.memory_space<hbm>> -> memref<128xi32, #tpu.memory_space<hbm>>
      %dma_wait3A_642 = arith.constant 0 : i32
      %dma_wait3A_643 = tpu.memref_slice %arg5[%dma_wait3A_637, %dma_wait3A_642] : memref<4x128xi32, #tpu.memory_space<vmem>> -> memref<1x128xi32, #tpu.memory_space<vmem>>
      %dma_wait3A_644 = tpu.memref_squeeze %dma_wait3A_643 : memref<1x128xi32, #tpu.memory_space<vmem>> -> memref<128xi32, #tpu.memory_space<vmem>>
      %dma_wait3A_645 = tpu.memref_slice %arg3[%add3A_636] : memref<655360xi32, #tpu.memory_space<hbm>> -> memref<128xi32, #tpu.memory_space<hbm>>
      tpu.wait_dma2 semaphore(%arg9 : memref<!tpu.dma_semaphore, #tpu.memory_space<semaphore_mem>>) src(%dma_wait3A_645 : memref<128xi32, #tpu.memory_space<hbm>>) dst(%dma_wait3A_644 : memref<128xi32, #tpu.memory_space<vmem>>)
      %add3A_646 = arith.constant 327680 : i32
      %add3A_647 = arith.addi %add3A_646, %mul3A_4 : i32
      %mul3A_648 = arith.constant 128 : i32
      %mul3A_649 = arith.muli %add3A_631, %mul3A_648 : i32
      %add3A_650 = arith.addi %add3A_647, %mul3A_649 : i32
      %dma_wait3A_651 = arith.constant 0 : i32
      %dma_wait3A_652 = arith.constant 0 : i32
      %dma_wait3A_653 = tpu.memref_slice %arg6[%dma_wait3A_651, %dma_wait3A_652] : memref<4x128xi32, #tpu.memory_space<vmem>> -> memref<1x128xi32, #tpu.memory_space<vmem>>
      %dma_wait3A_654 = tpu.memref_squeeze %dma_wait3A_653 : memref<1x128xi32, #tpu.memory_space<vmem>> -> memref<128xi32, #tpu.memory_space<vmem>>
      %dma_wait3A_655 = tpu.memref_slice %arg3[%add3A_650] : memref<655360xi32, #tpu.memory_space<hbm>> -> memref<128xi32, #tpu.memory_space<hbm>>
      %dma_wait3A_656 = arith.constant 0 : i32
      %dma_wait3A_657 = tpu.memref_slice %arg6[%dma_wait3A_651, %dma_wait3A_656] : memref<4x128xi32, #tpu.memory_space<vmem>> -> memref<1x128xi32, #tpu.memory_space<vmem>>
      %dma_wait3A_658 = tpu.memref_squeeze %dma_wait3A_657 : memref<1x128xi32, #tpu.memory_space<vmem>> -> memref<128xi32, #tpu.memory_space<vmem>>
      %dma_wait3A_659 = tpu.memref_slice %arg3[%add3A_650] : memref<655360xi32, #tpu.memory_space<hbm>> -> memref<128xi32, #tpu.memory_space<hbm>>
      tpu.wait_dma2 semaphore(%arg9 : memref<!tpu.dma_semaphore, #tpu.memory_space<semaphore_mem>>) src(%dma_wait3A_659 : memref<128xi32, #tpu.memory_space<hbm>>) dst(%dma_wait3A_658 : memref<128xi32, #tpu.memory_space<vmem>>)
      %sub3A_660 = arith.constant 1 : i32
      %sub3A_661 = arith.subi %add3A_629, %sub3A_660 : i32
      %dma_wait3A_662 = arith.constant 0 : i32
      %dma_wait3A_663 = arith.constant 2 : i32
      %dma_wait3A_664 = arith.constant 0 : i32
      %dma_wait3A_665 = arith.constant 0 : i32
      %dma_wait3A_666 = tpu.memref_slice %arg7[%dma_wait3A_662, %dma_wait3A_664, %dma_wait3A_665] : memref<2x128x128xf32, #tpu.memory_space<vmem>> -> memref<1x128x128xf32, #tpu.memory_space<vmem>>
      %dma_wait3A_667 = tpu.memref_squeeze %dma_wait3A_666 : memref<1x128x128xf32, #tpu.memory_space<vmem>> -> memref<128x128xf32, #tpu.memory_space<vmem>>
      %dma_wait3A_668 = arith.constant 0 : i32
      %dma_wait3A_669 = tpu.memref_slice %arg6[%dma_wait3A_663, %dma_wait3A_668] : memref<4x128xi32, #tpu.memory_space<vmem>> -> memref<1x128xi32, #tpu.memory_space<vmem>>
      %dma_wait3A_670 = tpu.memref_squeeze %dma_wait3A_669 : memref<1x128xi32, #tpu.memory_space<vmem>> -> memref<128xi32, #tpu.memory_space<vmem>>
      %dma_wait3A_671 = arith.constant 0 : i32
      %dma_wait3A_672 = arith.constant 0 : i32
      %dma_wait3A_673 = tpu.memref_slice %arg8[%dma_wait3A_671, %dma_wait3A_672] : memref<10112x128xf32, #tpu.memory_space<vmem_shared>> -> memref<10112x128xf32, #tpu.memory_space<vmem_shared>>
      tpu.wait_indirect_dma semaphore(%arg11 : memref<!tpu.dma_semaphore, #tpu.memory_space<semaphore_mem>>) src(%dma_wait3A_667 : memref<128x128xf32, #tpu.memory_space<vmem>>) dst(%dma_wait3A_673 : memref<10112x128xf32, #tpu.memory_space<vmem_shared>>)
      %add3A_674 = arith.constant 1 : i32
      %add3A_675 = arith.addi %add3A_629, %add3A_674 : i32
      %dma_start3A_676 = arith.constant 0 : i32
      %dma_start3A_677 = arith.constant 0 : i32
      %dma_start3A_678 = arith.constant 0 : i32
      %dma_start3A_679 = arith.constant 0 : i32
      %dma_start3A_680 = tpu.memref_slice %arg7[%dma_start3A_677, %dma_start3A_678, %dma_start3A_679] : memref<2x128x128xf32, #tpu.memory_space<vmem>> -> memref<1x128x128xf32, #tpu.memory_space<vmem>>
      %dma_start3A_681 = tpu.memref_squeeze %dma_start3A_680 : memref<1x128x128xf32, #tpu.memory_space<vmem>> -> memref<128x128xf32, #tpu.memory_space<vmem>>
      %dma_start3A_682 = arith.constant 0 : i32
      %dma_start3A_683 = tpu.memref_slice %arg5[%dma_start3A_676, %dma_start3A_682] : memref<4x128xi32, #tpu.memory_space<vmem>> -> memref<1x128xi32, #tpu.memory_space<vmem>>
      %dma_start3A_684 = tpu.memref_squeeze %dma_start3A_683 : memref<1x128xi32, #tpu.memory_space<vmem>> -> memref<128xi32, #tpu.memory_space<vmem>>
      %dma_start3A_685 = arith.constant 0 : i32
      %dma_start3A_686 = arith.constant 0 : i32
      %dma_start3A_687 = tpu.memref_slice %arg2[%dma_start3A_685, %dma_start3A_686] : memref<10112x128xf32, #tpu.memory_space<hbm>> -> memref<10112x128xf32, #tpu.memory_space<hbm>>
      tpu.enqueue_indirect_dma source(%dma_start3A_687 : memref<10112x128xf32, #tpu.memory_space<hbm>>) target(%dma_start3A_681 : memref<128x128xf32, #tpu.memory_space<vmem>>) offsets(%dma_start3A_684 : memref<128xi32, #tpu.memory_space<vmem>>) semaphore(%arg10 : memref<!tpu.dma_semaphore, #tpu.memory_space<semaphore_mem>>)
      %dma_wait3A_688 = arith.constant 3 : i32
      %dma_wait3A_689 = arith.constant 1 : i32
      %dma_wait3A_690 = arith.constant 0 : i32
      %dma_wait3A_691 = arith.constant 0 : i32
      %dma_wait3A_692 = tpu.memref_slice %arg7[%dma_wait3A_689, %dma_wait3A_690, %dma_wait3A_691] : memref<2x128x128xf32, #tpu.memory_space<vmem>> -> memref<1x128x128xf32, #tpu.memory_space<vmem>>
      %dma_wait3A_693 = tpu.memref_squeeze %dma_wait3A_692 : memref<1x128x128xf32, #tpu.memory_space<vmem>> -> memref<128x128xf32, #tpu.memory_space<vmem>>
      %dma_wait3A_694 = arith.constant 0 : i32
      %dma_wait3A_695 = tpu.memref_slice %arg5[%dma_wait3A_688, %dma_wait3A_694] : memref<4x128xi32, #tpu.memory_space<vmem>> -> memref<1x128xi32, #tpu.memory_space<vmem>>
      %dma_wait3A_696 = tpu.memref_squeeze %dma_wait3A_695 : memref<1x128xi32, #tpu.memory_space<vmem>> -> memref<128xi32, #tpu.memory_space<vmem>>
      %dma_wait3A_697 = arith.constant 0 : i32
      %dma_wait3A_698 = arith.constant 0 : i32
      %dma_wait3A_699 = tpu.memref_slice %arg2[%dma_wait3A_697, %dma_wait3A_698] : memref<10112x128xf32, #tpu.memory_space<hbm>> -> memref<10112x128xf32, #tpu.memory_space<hbm>>
      tpu.wait_indirect_dma semaphore(%arg10 : memref<!tpu.dma_semaphore, #tpu.memory_space<semaphore_mem>>) src(%dma_wait3A_699 : memref<10112x128xf32, #tpu.memory_space<hbm>>) dst(%dma_wait3A_693 : memref<128x128xf32, #tpu.memory_space<vmem>>)
      %dma_start3A_700 = arith.constant 1 : i32
      %dma_start3A_701 = arith.constant 3 : i32
      %dma_start3A_702 = arith.constant 0 : i32
      %dma_start3A_703 = arith.constant 0 : i32
      %dma_start3A_704 = tpu.memref_slice %arg7[%dma_start3A_700, %dma_start3A_702, %dma_start3A_703] : memref<2x128x128xf32, #tpu.memory_space<vmem>> -> memref<1x128x128xf32, #tpu.memory_space<vmem>>
      %dma_start3A_705 = tpu.memref_squeeze %dma_start3A_704 : memref<1x128x128xf32, #tpu.memory_space<vmem>> -> memref<128x128xf32, #tpu.memory_space<vmem>>
      %dma_start3A_706 = arith.constant 0 : i32
      %dma_start3A_707 = tpu.memref_slice %arg6[%dma_start3A_701, %dma_start3A_706] : memref<4x128xi32, #tpu.memory_space<vmem>> -> memref<1x128xi32, #tpu.memory_space<vmem>>
      %dma_start3A_708 = tpu.memref_squeeze %dma_start3A_707 : memref<1x128xi32, #tpu.memory_space<vmem>> -> memref<128xi32, #tpu.memory_space<vmem>>
      %dma_start3A_709 = arith.constant 0 : i32
      %dma_start3A_710 = arith.constant 0 : i32
      %dma_start3A_711 = tpu.memref_slice %arg8[%dma_start3A_709, %dma_start3A_710] : memref<10112x128xf32, #tpu.memory_space<vmem_shared>> -> memref<10112x128xf32, #tpu.memory_space<vmem_shared>>
      tpu.enqueue_indirect_dma source(%dma_start3A_705 : memref<128x128xf32, #tpu.memory_space<vmem>>) target(%dma_start3A_711 : memref<10112x128xf32, #tpu.memory_space<vmem_shared>>) offsets(%dma_start3A_708 : memref<128xi32, #tpu.memory_space<vmem>>) semaphore(%arg11 : memref<!tpu.dma_semaphore, #tpu.memory_space<semaphore_mem>>) {add = true}
      %add3A_712 = arith.constant 2 : i32
      %add3A_713 = arith.addi %add3A_629, %add3A_712 : i32
      %add3A_714 = arith.constant 0 : i32
      %add3A_715 = arith.addi %add3A_714, %mul3A_4 : i32
      %mul3A_716 = arith.constant 128 : i32
      %mul3A_717 = arith.muli %add3A_713, %mul3A_716 : i32
      %add3A_718 = arith.addi %add3A_715, %mul3A_717 : i32
      %dma_start3A_719 = arith.constant 1 : i32
      %dma_start3A_720 = arith.constant 0 : i32
      %dma_start3A_721 = tpu.memref_slice %arg5[%dma_start3A_719, %dma_start3A_720] : memref<4x128xi32, #tpu.memory_space<vmem>> -> memref<1x128xi32, #tpu.memory_space<vmem>>
      %dma_start3A_722 = tpu.memref_squeeze %dma_start3A_721 : memref<1x128xi32, #tpu.memory_space<vmem>> -> memref<128xi32, #tpu.memory_space<vmem>>
      %dma_start3A_723 = tpu.memref_slice %arg3[%add3A_718] : memref<655360xi32, #tpu.memory_space<hbm>> -> memref<128xi32, #tpu.memory_space<hbm>>
      %dma_start3A_724 = arith.constant 0 : i32
      %dma_start3A_725 = tpu.memref_slice %arg5[%dma_start3A_719, %dma_start3A_724] : memref<4x128xi32, #tpu.memory_space<vmem>> -> memref<1x128xi32, #tpu.memory_space<vmem>>
      %dma_start3A_726 = tpu.memref_squeeze %dma_start3A_725 : memref<1x128xi32, #tpu.memory_space<vmem>> -> memref<128xi32, #tpu.memory_space<vmem>>
      %dma_start3A_727 = tpu.memref_slice %arg3[%add3A_718] : memref<655360xi32, #tpu.memory_space<hbm>> -> memref<128xi32, #tpu.memory_space<hbm>>
      tpu.enqueue_dma source(%dma_start3A_727 : memref<128xi32, #tpu.memory_space<hbm>>) target(%dma_start3A_726 : memref<128xi32, #tpu.memory_space<vmem>>) target_semaphore(%arg9 : memref<!tpu.dma_semaphore, #tpu.memory_space<semaphore_mem>>)
      %add3A_728 = arith.constant 327680 : i32
      %add3A_729 = arith.addi %add3A_728, %mul3A_4 : i32
      %mul3A_730 = arith.constant 128 : i32
      %mul3A_731 = arith.muli %add3A_713, %mul3A_730 : i32
      %add3A_732 = arith.addi %add3A_729, %mul3A_731 : i32
      %dma_start3A_733 = arith.constant 1 : i32
      %dma_start3A_734 = arith.constant 0 : i32
      %dma_start3A_735 = tpu.memref_slice %arg6[%dma_start3A_733, %dma_start3A_734] : memref<4x128xi32, #tpu.memory_space<vmem>> -> memref<1x128xi32, #tpu.memory_space<vmem>>
      %dma_start3A_736 = tpu.memref_squeeze %dma_start3A_735 : memref<1x128xi32, #tpu.memory_space<vmem>> -> memref<128xi32, #tpu.memory_space<vmem>>
      %dma_start3A_737 = tpu.memref_slice %arg3[%add3A_732] : memref<655360xi32, #tpu.memory_space<hbm>> -> memref<128xi32, #tpu.memory_space<hbm>>
      %dma_start3A_738 = arith.constant 0 : i32
      %dma_start3A_739 = tpu.memref_slice %arg6[%dma_start3A_733, %dma_start3A_738] : memref<4x128xi32, #tpu.memory_space<vmem>> -> memref<1x128xi32, #tpu.memory_space<vmem>>
      %dma_start3A_740 = tpu.memref_squeeze %dma_start3A_739 : memref<1x128xi32, #tpu.memory_space<vmem>> -> memref<128xi32, #tpu.memory_space<vmem>>
      %dma_start3A_741 = tpu.memref_slice %arg3[%add3A_732] : memref<655360xi32, #tpu.memory_space<hbm>> -> memref<128xi32, #tpu.memory_space<hbm>>
      tpu.enqueue_dma source(%dma_start3A_741 : memref<128xi32, #tpu.memory_space<hbm>>) target(%dma_start3A_740 : memref<128xi32, #tpu.memory_space<vmem>>) target_semaphore(%arg9 : memref<!tpu.dma_semaphore, #tpu.memory_space<semaphore_mem>>)
      %mul3A_742 = arith.constant 4 : i32
      %mul3A_743 = arith.muli %mul3A_742, %scan3A_388 : i32
      %add3A_744 = arith.constant 1 : i32
      %add3A_745 = arith.addi %mul3A_743, %add3A_744 : i32
      %add3A_746 = arith.constant 3 : i32
      %add3A_747 = arith.addi %add3A_745, %add3A_746 : i32
      %add3A_748 = arith.constant 1 : i32
      %add3A_749 = arith.addi %add3A_747, %add3A_748 : i32
      %add3A_750 = arith.constant 0 : i32
      %add3A_751 = arith.addi %add3A_750, %mul3A_4 : i32
      %mul3A_752 = arith.constant 128 : i32
      %mul3A_753 = arith.muli %add3A_749, %mul3A_752 : i32
      %add3A_754 = arith.addi %add3A_751, %mul3A_753 : i32
      %dma_wait3A_755 = arith.constant 1 : i32
      %dma_wait3A_756 = arith.constant 0 : i32
      %dma_wait3A_757 = tpu.memref_slice %arg5[%dma_wait3A_755, %dma_wait3A_756] : memref<4x128xi32, #tpu.memory_space<vmem>> -> memref<1x128xi32, #tpu.memory_space<vmem>>
      %dma_wait3A_758 = tpu.memref_squeeze %dma_wait3A_757 : memref<1x128xi32, #tpu.memory_space<vmem>> -> memref<128xi32, #tpu.memory_space<vmem>>
      %dma_wait3A_759 = tpu.memref_slice %arg3[%add3A_754] : memref<655360xi32, #tpu.memory_space<hbm>> -> memref<128xi32, #tpu.memory_space<hbm>>
      %dma_wait3A_760 = arith.constant 0 : i32
      %dma_wait3A_761 = tpu.memref_slice %arg5[%dma_wait3A_755, %dma_wait3A_760] : memref<4x128xi32, #tpu.memory_space<vmem>> -> memref<1x128xi32, #tpu.memory_space<vmem>>
      %dma_wait3A_762 = tpu.memref_squeeze %dma_wait3A_761 : memref<1x128xi32, #tpu.memory_space<vmem>> -> memref<128xi32, #tpu.memory_space<vmem>>
      %dma_wait3A_763 = tpu.memref_slice %arg3[%add3A_754] : memref<655360xi32, #tpu.memory_space<hbm>> -> memref<128xi32, #tpu.memory_space<hbm>>
      tpu.wait_dma2 semaphore(%arg9 : memref<!tpu.dma_semaphore, #tpu.memory_space<semaphore_mem>>) src(%dma_wait3A_763 : memref<128xi32, #tpu.memory_space<hbm>>) dst(%dma_wait3A_762 : memref<128xi32, #tpu.memory_space<vmem>>)
      %add3A_764 = arith.constant 327680 : i32
      %add3A_765 = arith.addi %add3A_764, %mul3A_4 : i32
      %mul3A_766 = arith.constant 128 : i32
      %mul3A_767 = arith.muli %add3A_749, %mul3A_766 : i32
      %add3A_768 = arith.addi %add3A_765, %mul3A_767 : i32
      %dma_wait3A_769 = arith.constant 1 : i32
      %dma_wait3A_770 = arith.constant 0 : i32
      %dma_wait3A_771 = tpu.memref_slice %arg6[%dma_wait3A_769, %dma_wait3A_770] : memref<4x128xi32, #tpu.memory_space<vmem>> -> memref<1x128xi32, #tpu.memory_space<vmem>>
      %dma_wait3A_772 = tpu.memref_squeeze %dma_wait3A_771 : memref<1x128xi32, #tpu.memory_space<vmem>> -> memref<128xi32, #tpu.memory_space<vmem>>
      %dma_wait3A_773 = tpu.memref_slice %arg3[%add3A_768] : memref<655360xi32, #tpu.memory_space<hbm>> -> memref<128xi32, #tpu.memory_space<hbm>>
      %dma_wait3A_774 = arith.constant 0 : i32
      %dma_wait3A_775 = tpu.memref_slice %arg6[%dma_wait3A_769, %dma_wait3A_774] : memref<4x128xi32, #tpu.memory_space<vmem>> -> memref<1x128xi32, #tpu.memory_space<vmem>>
      %dma_wait3A_776 = tpu.memref_squeeze %dma_wait3A_775 : memref<1x128xi32, #tpu.memory_space<vmem>> -> memref<128xi32, #tpu.memory_space<vmem>>
      %dma_wait3A_777 = tpu.memref_slice %arg3[%add3A_768] : memref<655360xi32, #tpu.memory_space<hbm>> -> memref<128xi32, #tpu.memory_space<hbm>>
      tpu.wait_dma2 semaphore(%arg9 : memref<!tpu.dma_semaphore, #tpu.memory_space<semaphore_mem>>) src(%dma_wait3A_777 : memref<128xi32, #tpu.memory_space<hbm>>) dst(%dma_wait3A_776 : memref<128xi32, #tpu.memory_space<vmem>>)
      %sub3A_778 = arith.constant 1 : i32
      %sub3A_779 = arith.subi %add3A_747, %sub3A_778 : i32
      %dma_wait3A_780 = arith.constant 1 : i32
      %dma_wait3A_781 = arith.constant 3 : i32
      %dma_wait3A_782 = arith.constant 0 : i32
      %dma_wait3A_783 = arith.constant 0 : i32
      %dma_wait3A_784 = tpu.memref_slice %arg7[%dma_wait3A_780, %dma_wait3A_782, %dma_wait3A_783] : memref<2x128x128xf32, #tpu.memory_space<vmem>> -> memref<1x128x128xf32, #tpu.memory_space<vmem>>
      %dma_wait3A_785 = tpu.memref_squeeze %dma_wait3A_784 : memref<1x128x128xf32, #tpu.memory_space<vmem>> -> memref<128x128xf32, #tpu.memory_space<vmem>>
      %dma_wait3A_786 = arith.constant 0 : i32
      %dma_wait3A_787 = tpu.memref_slice %arg6[%dma_wait3A_781, %dma_wait3A_786] : memref<4x128xi32, #tpu.memory_space<vmem>> -> memref<1x128xi32, #tpu.memory_space<vmem>>
      %dma_wait3A_788 = tpu.memref_squeeze %dma_wait3A_787 : memref<1x128xi32, #tpu.memory_space<vmem>> -> memref<128xi32, #tpu.memory_space<vmem>>
      %dma_wait3A_789 = arith.constant 0 : i32
      %dma_wait3A_790 = arith.constant 0 : i32
      %dma_wait3A_791 = tpu.memref_slice %arg8[%dma_wait3A_789, %dma_wait3A_790] : memref<10112x128xf32, #tpu.memory_space<vmem_shared>> -> memref<10112x128xf32, #tpu.memory_space<vmem_shared>>
      tpu.wait_indirect_dma semaphore(%arg11 : memref<!tpu.dma_semaphore, #tpu.memory_space<semaphore_mem>>) src(%dma_wait3A_785 : memref<128x128xf32, #tpu.memory_space<vmem>>) dst(%dma_wait3A_791 : memref<10112x128xf32, #tpu.memory_space<vmem_shared>>)
      %add3A_792 = arith.constant 1 : i32
      %add3A_793 = arith.addi %add3A_747, %add3A_792 : i32
      %dma_start3A_794 = arith.constant 1 : i32
      %dma_start3A_795 = arith.constant 1 : i32
      %dma_start3A_796 = arith.constant 0 : i32
      %dma_start3A_797 = arith.constant 0 : i32
      %dma_start3A_798 = tpu.memref_slice %arg7[%dma_start3A_795, %dma_start3A_796, %dma_start3A_797] : memref<2x128x128xf32, #tpu.memory_space<vmem>> -> memref<1x128x128xf32, #tpu.memory_space<vmem>>
      %dma_start3A_799 = tpu.memref_squeeze %dma_start3A_798 : memref<1x128x128xf32, #tpu.memory_space<vmem>> -> memref<128x128xf32, #tpu.memory_space<vmem>>
      %dma_start3A_800 = arith.constant 0 : i32
      %dma_start3A_801 = tpu.memref_slice %arg5[%dma_start3A_794, %dma_start3A_800] : memref<4x128xi32, #tpu.memory_space<vmem>> -> memref<1x128xi32, #tpu.memory_space<vmem>>
      %dma_start3A_802 = tpu.memref_squeeze %dma_start3A_801 : memref<1x128xi32, #tpu.memory_space<vmem>> -> memref<128xi32, #tpu.memory_space<vmem>>
      %dma_start3A_803 = arith.constant 0 : i32
      %dma_start3A_804 = arith.constant 0 : i32
      %dma_start3A_805 = tpu.memref_slice %arg2[%dma_start3A_803, %dma_start3A_804] : memref<10112x128xf32, #tpu.memory_space<hbm>> -> memref<10112x128xf32, #tpu.memory_space<hbm>>
      tpu.enqueue_indirect_dma source(%dma_start3A_805 : memref<10112x128xf32, #tpu.memory_space<hbm>>) target(%dma_start3A_799 : memref<128x128xf32, #tpu.memory_space<vmem>>) offsets(%dma_start3A_802 : memref<128xi32, #tpu.memory_space<vmem>>) semaphore(%arg10 : memref<!tpu.dma_semaphore, #tpu.memory_space<semaphore_mem>>)
      %dma_wait3A_806 = arith.constant 0 : i32
      %dma_wait3A_807 = arith.constant 0 : i32
      %dma_wait3A_808 = arith.constant 0 : i32
      %dma_wait3A_809 = arith.constant 0 : i32
      %dma_wait3A_810 = tpu.memref_slice %arg7[%dma_wait3A_807, %dma_wait3A_808, %dma_wait3A_809] : memref<2x128x128xf32, #tpu.memory_space<vmem>> -> memref<1x128x128xf32, #tpu.memory_space<vmem>>
      %dma_wait3A_811 = tpu.memref_squeeze %dma_wait3A_810 : memref<1x128x128xf32, #tpu.memory_space<vmem>> -> memref<128x128xf32, #tpu.memory_space<vmem>>
      %dma_wait3A_812 = arith.constant 0 : i32
      %dma_wait3A_813 = tpu.memref_slice %arg5[%dma_wait3A_806, %dma_wait3A_812] : memref<4x128xi32, #tpu.memory_space<vmem>> -> memref<1x128xi32, #tpu.memory_space<vmem>>
      %dma_wait3A_814 = tpu.memref_squeeze %dma_wait3A_813 : memref<1x128xi32, #tpu.memory_space<vmem>> -> memref<128xi32, #tpu.memory_space<vmem>>
      %dma_wait3A_815 = arith.constant 0 : i32
      %dma_wait3A_816 = arith.constant 0 : i32
      %dma_wait3A_817 = tpu.memref_slice %arg2[%dma_wait3A_815, %dma_wait3A_816] : memref<10112x128xf32, #tpu.memory_space<hbm>> -> memref<10112x128xf32, #tpu.memory_space<hbm>>
      tpu.wait_indirect_dma semaphore(%arg10 : memref<!tpu.dma_semaphore, #tpu.memory_space<semaphore_mem>>) src(%dma_wait3A_817 : memref<10112x128xf32, #tpu.memory_space<hbm>>) dst(%dma_wait3A_811 : memref<128x128xf32, #tpu.memory_space<vmem>>)
      %dma_start3A_818 = arith.constant 0 : i32
      %dma_start3A_819 = arith.constant 0 : i32
      %dma_start3A_820 = arith.constant 0 : i32
      %dma_start3A_821 = arith.constant 0 : i32
      %dma_start3A_822 = tpu.memref_slice %arg7[%dma_start3A_818, %dma_start3A_820, %dma_start3A_821] : memref<2x128x128xf32, #tpu.memory_space<vmem>> -> memref<1x128x128xf32, #tpu.memory_space<vmem>>
      %dma_start3A_823 = tpu.memref_squeeze %dma_start3A_822 : memref<1x128x128xf32, #tpu.memory_space<vmem>> -> memref<128x128xf32, #tpu.memory_space<vmem>>
      %dma_start3A_824 = arith.constant 0 : i32
      %dma_start3A_825 = tpu.memref_slice %arg6[%dma_start3A_819, %dma_start3A_824] : memref<4x128xi32, #tpu.memory_space<vmem>> -> memref<1x128xi32, #tpu.memory_space<vmem>>
      %dma_start3A_826 = tpu.memref_squeeze %dma_start3A_825 : memref<1x128xi32, #tpu.memory_space<vmem>> -> memref<128xi32, #tpu.memory_space<vmem>>
      %dma_start3A_827 = arith.constant 0 : i32
      %dma_start3A_828 = arith.constant 0 : i32
      %dma_start3A_829 = tpu.memref_slice %arg8[%dma_start3A_827, %dma_start3A_828] : memref<10112x128xf32, #tpu.memory_space<vmem_shared>> -> memref<10112x128xf32, #tpu.memory_space<vmem_shared>>
      tpu.enqueue_indirect_dma source(%dma_start3A_823 : memref<128x128xf32, #tpu.memory_space<vmem>>) target(%dma_start3A_829 : memref<10112x128xf32, #tpu.memory_space<vmem_shared>>) offsets(%dma_start3A_826 : memref<128xi32, #tpu.memory_space<vmem>>) semaphore(%arg11 : memref<!tpu.dma_semaphore, #tpu.memory_space<semaphore_mem>>) {add = true}
      %add3A_830 = arith.constant 2 : i32
      %add3A_831 = arith.addi %add3A_747, %add3A_830 : i32
      %add3A_832 = arith.constant 0 : i32
      %add3A_833 = arith.addi %add3A_832, %mul3A_4 : i32
      %mul3A_834 = arith.constant 128 : i32
      %mul3A_835 = arith.muli %add3A_831, %mul3A_834 : i32
      %add3A_836 = arith.addi %add3A_833, %mul3A_835 : i32
      %dma_start3A_837 = arith.constant 2 : i32
      %dma_start3A_838 = arith.constant 0 : i32
      %dma_start3A_839 = tpu.memref_slice %arg5[%dma_start3A_837, %dma_start3A_838] : memref<4x128xi32, #tpu.memory_space<vmem>> -> memref<1x128xi32, #tpu.memory_space<vmem>>
      %dma_start3A_840 = tpu.memref_squeeze %dma_start3A_839 : memref<1x128xi32, #tpu.memory_space<vmem>> -> memref<128xi32, #tpu.memory_space<vmem>>
      %dma_start3A_841 = tpu.memref_slice %arg3[%add3A_836] : memref<655360xi32, #tpu.memory_space<hbm>> -> memref<128xi32, #tpu.memory_space<hbm>>
      %dma_start3A_842 = arith.constant 0 : i32
      %dma_start3A_843 = tpu.memref_slice %arg5[%dma_start3A_837, %dma_start3A_842] : memref<4x128xi32, #tpu.memory_space<vmem>> -> memref<1x128xi32, #tpu.memory_space<vmem>>
      %dma_start3A_844 = tpu.memref_squeeze %dma_start3A_843 : memref<1x128xi32, #tpu.memory_space<vmem>> -> memref<128xi32, #tpu.memory_space<vmem>>
      %dma_start3A_845 = tpu.memref_slice %arg3[%add3A_836] : memref<655360xi32, #tpu.memory_space<hbm>> -> memref<128xi32, #tpu.memory_space<hbm>>
      tpu.enqueue_dma source(%dma_start3A_845 : memref<128xi32, #tpu.memory_space<hbm>>) target(%dma_start3A_844 : memref<128xi32, #tpu.memory_space<vmem>>) target_semaphore(%arg9 : memref<!tpu.dma_semaphore, #tpu.memory_space<semaphore_mem>>)
      %add3A_846 = arith.constant 327680 : i32
      %add3A_847 = arith.addi %add3A_846, %mul3A_4 : i32
      %mul3A_848 = arith.constant 128 : i32
      %mul3A_849 = arith.muli %add3A_831, %mul3A_848 : i32
      %add3A_850 = arith.addi %add3A_847, %mul3A_849 : i32
      %dma_start3A_851 = arith.constant 2 : i32
      %dma_start3A_852 = arith.constant 0 : i32
      %dma_start3A_853 = tpu.memref_slice %arg6[%dma_start3A_851, %dma_start3A_852] : memref<4x128xi32, #tpu.memory_space<vmem>> -> memref<1x128xi32, #tpu.memory_space<vmem>>
      %dma_start3A_854 = tpu.memref_squeeze %dma_start3A_853 : memref<1x128xi32, #tpu.memory_space<vmem>> -> memref<128xi32, #tpu.memory_space<vmem>>
      %dma_start3A_855 = tpu.memref_slice %arg3[%add3A_850] : memref<655360xi32, #tpu.memory_space<hbm>> -> memref<128xi32, #tpu.memory_space<hbm>>
      %dma_start3A_856 = arith.constant 0 : i32
      %dma_start3A_857 = tpu.memref_slice %arg6[%dma_start3A_851, %dma_start3A_856] : memref<4x128xi32, #tpu.memory_space<vmem>> -> memref<1x128xi32, #tpu.memory_space<vmem>>
      %dma_start3A_858 = tpu.memref_squeeze %dma_start3A_857 : memref<1x128xi32, #tpu.memory_space<vmem>> -> memref<128xi32, #tpu.memory_space<vmem>>
      %dma_start3A_859 = tpu.memref_slice %arg3[%add3A_850] : memref<655360xi32, #tpu.memory_space<hbm>> -> memref<128xi32, #tpu.memory_space<hbm>>
      tpu.enqueue_dma source(%dma_start3A_859 : memref<128xi32, #tpu.memory_space<hbm>>) target(%dma_start3A_858 : memref<128xi32, #tpu.memory_space<vmem>>) target_semaphore(%arg9 : memref<!tpu.dma_semaphore, #tpu.memory_space<semaphore_mem>>)
    }
    %scan3A_161 = arith.constant 19 : i32
    %add3A_162 = arith.constant 0 : i32
    %add3A_163 = arith.addi %add3A_162, %mul3A_4 : i32
    %add3A_164 = arith.constant 9984 : i32
    %add3A_165 = arith.addi %add3A_163, %add3A_164 : i32
    %dma_wait3A_166 = arith.constant 2 : i32
    %dma_wait3A_167 = arith.constant 0 : i32
    %dma_wait3A_168 = tpu.memref_slice %arg5[%dma_wait3A_166, %dma_wait3A_167] : memref<4x128xi32, #tpu.memory_space<vmem>> -> memref<1x128xi32, #tpu.memory_space<vmem>>
    %dma_wait3A_169 = tpu.memref_squeeze %dma_wait3A_168 : memref<1x128xi32, #tpu.memory_space<vmem>> -> memref<128xi32, #tpu.memory_space<vmem>>
    %dma_wait3A_170 = tpu.memref_slice %arg3[%add3A_165] : memref<655360xi32, #tpu.memory_space<hbm>> -> memref<128xi32, #tpu.memory_space<hbm>>
    %dma_wait3A_171 = arith.constant 0 : i32
    %dma_wait3A_172 = tpu.memref_slice %arg5[%dma_wait3A_166, %dma_wait3A_171] : memref<4x128xi32, #tpu.memory_space<vmem>> -> memref<1x128xi32, #tpu.memory_space<vmem>>
    %dma_wait3A_173 = tpu.memref_squeeze %dma_wait3A_172 : memref<1x128xi32, #tpu.memory_space<vmem>> -> memref<128xi32, #tpu.memory_space<vmem>>
    %dma_wait3A_174 = tpu.memref_slice %arg3[%add3A_165] : memref<655360xi32, #tpu.memory_space<hbm>> -> memref<128xi32, #tpu.memory_space<hbm>>
    tpu.wait_dma2 semaphore(%arg9 : memref<!tpu.dma_semaphore, #tpu.memory_space<semaphore_mem>>) src(%dma_wait3A_174 : memref<128xi32, #tpu.memory_space<hbm>>) dst(%dma_wait3A_173 : memref<128xi32, #tpu.memory_space<vmem>>)
    %add3A_175 = arith.constant 327680 : i32
    %add3A_176 = arith.addi %add3A_175, %mul3A_4 : i32
    %add3A_177 = arith.constant 9984 : i32
    %add3A_178 = arith.addi %add3A_176, %add3A_177 : i32
    %dma_wait3A_179 = arith.constant 2 : i32
    %dma_wait3A_180 = arith.constant 0 : i32
    %dma_wait3A_181 = tpu.memref_slice %arg6[%dma_wait3A_179, %dma_wait3A_180] : memref<4x128xi32, #tpu.memory_space<vmem>> -> memref<1x128xi32, #tpu.memory_space<vmem>>
    %dma_wait3A_182 = tpu.memref_squeeze %dma_wait3A_181 : memref<1x128xi32, #tpu.memory_space<vmem>> -> memref<128xi32, #tpu.memory_space<vmem>>
    %dma_wait3A_183 = tpu.memref_slice %arg3[%add3A_178] : memref<655360xi32, #tpu.memory_space<hbm>> -> memref<128xi32, #tpu.memory_space<hbm>>
    %dma_wait3A_184 = arith.constant 0 : i32
    %dma_wait3A_185 = tpu.memref_slice %arg6[%dma_wait3A_179, %dma_wait3A_184] : memref<4x128xi32, #tpu.memory_space<vmem>> -> memref<1x128xi32, #tpu.memory_space<vmem>>
    %dma_wait3A_186 = tpu.memref_squeeze %dma_wait3A_185 : memref<1x128xi32, #tpu.memory_space<vmem>> -> memref<128xi32, #tpu.memory_space<vmem>>
    %dma_wait3A_187 = tpu.memref_slice %arg3[%add3A_178] : memref<655360xi32, #tpu.memory_space<hbm>> -> memref<128xi32, #tpu.memory_space<hbm>>
    tpu.wait_dma2 semaphore(%arg9 : memref<!tpu.dma_semaphore, #tpu.memory_space<semaphore_mem>>) src(%dma_wait3A_187 : memref<128xi32, #tpu.memory_space<hbm>>) dst(%dma_wait3A_186 : memref<128xi32, #tpu.memory_space<vmem>>)
    %dma_wait3A_188 = arith.constant 0 : i32
    %dma_wait3A_189 = arith.constant 0 : i32
    %dma_wait3A_190 = arith.constant 0 : i32
    %dma_wait3A_191 = arith.constant 0 : i32
    %dma_wait3A_192 = tpu.memref_slice %arg7[%dma_wait3A_188, %dma_wait3A_190, %dma_wait3A_191] : memref<2x128x128xf32, #tpu.memory_space<vmem>> -> memref<1x128x128xf32, #tpu.memory_space<vmem>>
    %dma_wait3A_193 = tpu.memref_squeeze %dma_wait3A_192 : memref<1x128x128xf32, #tpu.memory_space<vmem>> -> memref<128x128xf32, #tpu.memory_space<vmem>>
    %dma_wait3A_194 = arith.constant 0 : i32
    %dma_wait3A_195 = tpu.memref_slice %arg6[%dma_wait3A_189, %dma_wait3A_194] : memref<4x128xi32, #tpu.memory_space<vmem>> -> memref<1x128xi32, #tpu.memory_space<vmem>>
    %dma_wait3A_196 = tpu.memref_squeeze %dma_wait3A_195 : memref<1x128xi32, #tpu.memory_space<vmem>> -> memref<128xi32, #tpu.memory_space<vmem>>
    %dma_wait3A_197 = arith.constant 0 : i32
    %dma_wait3A_198 = arith.constant 0 : i32
    %dma_wait3A_199 = tpu.memref_slice %arg8[%dma_wait3A_197, %dma_wait3A_198] : memref<10112x128xf32, #tpu.memory_space<vmem_shared>> -> memref<10112x128xf32, #tpu.memory_space<vmem_shared>>
    tpu.wait_indirect_dma semaphore(%arg11 : memref<!tpu.dma_semaphore, #tpu.memory_space<semaphore_mem>>) src(%dma_wait3A_193 : memref<128x128xf32, #tpu.memory_space<vmem>>) dst(%dma_wait3A_199 : memref<10112x128xf32, #tpu.memory_space<vmem_shared>>)
    %dma_start3A_200 = arith.constant 2 : i32
    %dma_start3A_201 = arith.constant 0 : i32
    %dma_start3A_202 = arith.constant 0 : i32
    %dma_start3A_203 = arith.constant 0 : i32
    %dma_start3A_204 = tpu.memref_slice %arg7[%dma_start3A_201, %dma_start3A_202, %dma_start3A_203] : memref<2x128x128xf32, #tpu.memory_space<vmem>> -> memref<1x128x128xf32, #tpu.memory_space<vmem>>
    %dma_start3A_205 = tpu.memref_squeeze %dma_start3A_204 : memref<1x128x128xf32, #tpu.memory_space<vmem>> -> memref<128x128xf32, #tpu.memory_space<vmem>>
    %dma_start3A_206 = arith.constant 0 : i32
    %dma_start3A_207 = tpu.memref_slice %arg5[%dma_start3A_200, %dma_start3A_206] : memref<4x128xi32, #tpu.memory_space<vmem>> -> memref<1x128xi32, #tpu.memory_space<vmem>>
    %dma_start3A_208 = tpu.memref_squeeze %dma_start3A_207 : memref<1x128xi32, #tpu.memory_space<vmem>> -> memref<128xi32, #tpu.memory_space<vmem>>
    %dma_start3A_209 = arith.constant 0 : i32
    %dma_start3A_210 = arith.constant 0 : i32
    %dma_start3A_211 = tpu.memref_slice %arg2[%dma_start3A_209, %dma_start3A_210] : memref<10112x128xf32, #tpu.memory_space<hbm>> -> memref<10112x128xf32, #tpu.memory_space<hbm>>
    tpu.enqueue_indirect_dma source(%dma_start3A_211 : memref<10112x128xf32, #tpu.memory_space<hbm>>) target(%dma_start3A_205 : memref<128x128xf32, #tpu.memory_space<vmem>>) offsets(%dma_start3A_208 : memref<128xi32, #tpu.memory_space<vmem>>) semaphore(%arg10 : memref<!tpu.dma_semaphore, #tpu.memory_space<semaphore_mem>>)
    %dma_wait3A_212 = arith.constant 1 : i32
    %dma_wait3A_213 = arith.constant 1 : i32
    %dma_wait3A_214 = arith.constant 0 : i32
    %dma_wait3A_215 = arith.constant 0 : i32
    %dma_wait3A_216 = tpu.memref_slice %arg7[%dma_wait3A_213, %dma_wait3A_214, %dma_wait3A_215] : memref<2x128x128xf32, #tpu.memory_space<vmem>> -> memref<1x128x128xf32, #tpu.memory_space<vmem>>
    %dma_wait3A_217 = tpu.memref_squeeze %dma_wait3A_216 : memref<1x128x128xf32, #tpu.memory_space<vmem>> -> memref<128x128xf32, #tpu.memory_space<vmem>>
    %dma_wait3A_218 = arith.constant 0 : i32
    %dma_wait3A_219 = tpu.memref_slice %arg5[%dma_wait3A_212, %dma_wait3A_218] : memref<4x128xi32, #tpu.memory_space<vmem>> -> memref<1x128xi32, #tpu.memory_space<vmem>>
    %dma_wait3A_220 = tpu.memref_squeeze %dma_wait3A_219 : memref<1x128xi32, #tpu.memory_space<vmem>> -> memref<128xi32, #tpu.memory_space<vmem>>
    %dma_wait3A_221 = arith.constant 0 : i32
    %dma_wait3A_222 = arith.constant 0 : i32
    %dma_wait3A_223 = tpu.memref_slice %arg2[%dma_wait3A_221, %dma_wait3A_222] : memref<10112x128xf32, #tpu.memory_space<hbm>> -> memref<10112x128xf32, #tpu.memory_space<hbm>>
    tpu.wait_indirect_dma semaphore(%arg10 : memref<!tpu.dma_semaphore, #tpu.memory_space<semaphore_mem>>) src(%dma_wait3A_223 : memref<10112x128xf32, #tpu.memory_space<hbm>>) dst(%dma_wait3A_217 : memref<128x128xf32, #tpu.memory_space<vmem>>)
    %dma_start3A_224 = arith.constant 1 : i32
    %dma_start3A_225 = arith.constant 1 : i32
    %dma_start3A_226 = arith.constant 0 : i32
    %dma_start3A_227 = arith.constant 0 : i32
    %dma_start3A_228 = tpu.memref_slice %arg7[%dma_start3A_224, %dma_start3A_226, %dma_start3A_227] : memref<2x128x128xf32, #tpu.memory_space<vmem>> -> memref<1x128x128xf32, #tpu.memory_space<vmem>>
    %dma_start3A_229 = tpu.memref_squeeze %dma_start3A_228 : memref<1x128x128xf32, #tpu.memory_space<vmem>> -> memref<128x128xf32, #tpu.memory_space<vmem>>
    %dma_start3A_230 = arith.constant 0 : i32
    %dma_start3A_231 = tpu.memref_slice %arg6[%dma_start3A_225, %dma_start3A_230] : memref<4x128xi32, #tpu.memory_space<vmem>> -> memref<1x128xi32, #tpu.memory_space<vmem>>
    %dma_start3A_232 = tpu.memref_squeeze %dma_start3A_231 : memref<1x128xi32, #tpu.memory_space<vmem>> -> memref<128xi32, #tpu.memory_space<vmem>>
    %dma_start3A_233 = arith.constant 0 : i32
    %dma_start3A_234 = arith.constant 0 : i32
    %dma_start3A_235 = tpu.memref_slice %arg8[%dma_start3A_233, %dma_start3A_234] : memref<10112x128xf32, #tpu.memory_space<vmem_shared>> -> memref<10112x128xf32, #tpu.memory_space<vmem_shared>>
    tpu.enqueue_indirect_dma source(%dma_start3A_229 : memref<128x128xf32, #tpu.memory_space<vmem>>) target(%dma_start3A_235 : memref<10112x128xf32, #tpu.memory_space<vmem_shared>>) offsets(%dma_start3A_232 : memref<128xi32, #tpu.memory_space<vmem>>) semaphore(%arg11 : memref<!tpu.dma_semaphore, #tpu.memory_space<semaphore_mem>>) {add = true}
    %add3A_236 = arith.constant 0 : i32
    %add3A_237 = arith.addi %add3A_236, %mul3A_4 : i32
    %add3A_238 = arith.constant 10112 : i32
    %add3A_239 = arith.addi %add3A_237, %add3A_238 : i32
    %dma_start3A_240 = arith.constant 3 : i32
    %dma_start3A_241 = arith.constant 0 : i32
    %dma_start3A_242 = tpu.memref_slice %arg5[%dma_start3A_240, %dma_start3A_241] : memref<4x128xi32, #tpu.memory_space<vmem>> -> memref<1x128xi32, #tpu.memory_space<vmem>>
    %dma_start3A_243 = tpu.memref_squeeze %dma_start3A_242 : memref<1x128xi32, #tpu.memory_space<vmem>> -> memref<128xi32, #tpu.memory_space<vmem>>
    %dma_start3A_244 = tpu.memref_slice %arg3[%add3A_239] : memref<655360xi32, #tpu.memory_space<hbm>> -> memref<128xi32, #tpu.memory_space<hbm>>
    %dma_start3A_245 = arith.constant 0 : i32
    %dma_start3A_246 = tpu.memref_slice %arg5[%dma_start3A_240, %dma_start3A_245] : memref<4x128xi32, #tpu.memory_space<vmem>> -> memref<1x128xi32, #tpu.memory_space<vmem>>
    %dma_start3A_247 = tpu.memref_squeeze %dma_start3A_246 : memref<1x128xi32, #tpu.memory_space<vmem>> -> memref<128xi32, #tpu.memory_space<vmem>>
    %dma_start3A_248 = tpu.memref_slice %arg3[%add3A_239] : memref<655360xi32, #tpu.memory_space<hbm>> -> memref<128xi32, #tpu.memory_space<hbm>>
    tpu.enqueue_dma source(%dma_start3A_248 : memref<128xi32, #tpu.memory_space<hbm>>) target(%dma_start3A_247 : memref<128xi32, #tpu.memory_space<vmem>>) target_semaphore(%arg9 : memref<!tpu.dma_semaphore, #tpu.memory_space<semaphore_mem>>)
    %add3A_249 = arith.constant 327680 : i32
    %add3A_250 = arith.addi %add3A_249, %mul3A_4 : i32
    %add3A_251 = arith.constant 10112 : i32
    %add3A_252 = arith.addi %add3A_250, %add3A_251 : i32
    %dma_start3A_253 = arith.constant 3 : i32
    %dma_start3A_254 = arith.constant 0 : i32
    %dma_start3A_255 = tpu.memref_slice %arg6[%dma_start3A_253, %dma_start3A_254] : memref<4x128xi32, #tpu.memory_space<vmem>> -> memref<1x128xi32, #tpu.memory_space<vmem>>
    %dma_start3A_256 = tpu.memref_squeeze %dma_start3A_255 : memref<1x128xi32, #tpu.memory_space<vmem>> -> memref<128xi32, #tpu.memory_space<vmem>>
    %dma_start3A_257 = tpu.memref_slice %arg3[%add3A_252] : memref<655360xi32, #tpu.memory_space<hbm>> -> memref<128xi32, #tpu.memory_space<hbm>>
    %dma_start3A_258 = arith.constant 0 : i32
    %dma_start3A_259 = tpu.memref_slice %arg6[%dma_start3A_253, %dma_start3A_258] : memref<4x128xi32, #tpu.memory_space<vmem>> -> memref<1x128xi32, #tpu.memory_space<vmem>>
    %dma_start3A_260 = tpu.memref_squeeze %dma_start3A_259 : memref<1x128xi32, #tpu.memory_space<vmem>> -> memref<128xi32, #tpu.memory_space<vmem>>
    %dma_start3A_261 = tpu.memref_slice %arg3[%add3A_252] : memref<655360xi32, #tpu.memory_space<hbm>> -> memref<128xi32, #tpu.memory_space<hbm>>
    tpu.enqueue_dma source(%dma_start3A_261 : memref<128xi32, #tpu.memory_space<hbm>>) target(%dma_start3A_260 : memref<128xi32, #tpu.memory_space<vmem>>) target_semaphore(%arg9 : memref<!tpu.dma_semaphore, #tpu.memory_space<semaphore_mem>>)
    %add3A_262 = arith.constant 0 : i32
    %add3A_263 = arith.addi %add3A_262, %mul3A_4 : i32
    %add3A_264 = arith.constant 10112 : i32
    %add3A_265 = arith.addi %add3A_263, %add3A_264 : i32
    %dma_wait3A_266 = arith.constant 3 : i32
    %dma_wait3A_267 = arith.constant 0 : i32
    %dma_wait3A_268 = tpu.memref_slice %arg5[%dma_wait3A_266, %dma_wait3A_267] : memref<4x128xi32, #tpu.memory_space<vmem>> -> memref<1x128xi32, #tpu.memory_space<vmem>>
    %dma_wait3A_269 = tpu.memref_squeeze %dma_wait3A_268 : memref<1x128xi32, #tpu.memory_space<vmem>> -> memref<128xi32, #tpu.memory_space<vmem>>
    %dma_wait3A_270 = tpu.memref_slice %arg3[%add3A_265] : memref<655360xi32, #tpu.memory_space<hbm>> -> memref<128xi32, #tpu.memory_space<hbm>>
    %dma_wait3A_271 = arith.constant 0 : i32
    %dma_wait3A_272 = tpu.memref_slice %arg5[%dma_wait3A_266, %dma_wait3A_271] : memref<4x128xi32, #tpu.memory_space<vmem>> -> memref<1x128xi32, #tpu.memory_space<vmem>>
    %dma_wait3A_273 = tpu.memref_squeeze %dma_wait3A_272 : memref<1x128xi32, #tpu.memory_space<vmem>> -> memref<128xi32, #tpu.memory_space<vmem>>
    %dma_wait3A_274 = tpu.memref_slice %arg3[%add3A_265] : memref<655360xi32, #tpu.memory_space<hbm>> -> memref<128xi32, #tpu.memory_space<hbm>>
    tpu.wait_dma2 semaphore(%arg9 : memref<!tpu.dma_semaphore, #tpu.memory_space<semaphore_mem>>) src(%dma_wait3A_274 : memref<128xi32, #tpu.memory_space<hbm>>) dst(%dma_wait3A_273 : memref<128xi32, #tpu.memory_space<vmem>>)
    %add3A_275 = arith.constant 327680 : i32
    %add3A_276 = arith.addi %add3A_275, %mul3A_4 : i32
    %add3A_277 = arith.constant 10112 : i32
    %add3A_278 = arith.addi %add3A_276, %add3A_277 : i32
    %dma_wait3A_279 = arith.constant 3 : i32
    %dma_wait3A_280 = arith.constant 0 : i32
    %dma_wait3A_281 = tpu.memref_slice %arg6[%dma_wait3A_279, %dma_wait3A_280] : memref<4x128xi32, #tpu.memory_space<vmem>> -> memref<1x128xi32, #tpu.memory_space<vmem>>
    %dma_wait3A_282 = tpu.memref_squeeze %dma_wait3A_281 : memref<1x128xi32, #tpu.memory_space<vmem>> -> memref<128xi32, #tpu.memory_space<vmem>>
    %dma_wait3A_283 = tpu.memref_slice %arg3[%add3A_278] : memref<655360xi32, #tpu.memory_space<hbm>> -> memref<128xi32, #tpu.memory_space<hbm>>
    %dma_wait3A_284 = arith.constant 0 : i32
    %dma_wait3A_285 = tpu.memref_slice %arg6[%dma_wait3A_279, %dma_wait3A_284] : memref<4x128xi32, #tpu.memory_space<vmem>> -> memref<1x128xi32, #tpu.memory_space<vmem>>
    %dma_wait3A_286 = tpu.memref_squeeze %dma_wait3A_285 : memref<1x128xi32, #tpu.memory_space<vmem>> -> memref<128xi32, #tpu.memory_space<vmem>>
    %dma_wait3A_287 = tpu.memref_slice %arg3[%add3A_278] : memref<655360xi32, #tpu.memory_space<hbm>> -> memref<128xi32, #tpu.memory_space<hbm>>
    tpu.wait_dma2 semaphore(%arg9 : memref<!tpu.dma_semaphore, #tpu.memory_space<semaphore_mem>>) src(%dma_wait3A_287 : memref<128xi32, #tpu.memory_space<hbm>>) dst(%dma_wait3A_286 : memref<128xi32, #tpu.memory_space<vmem>>)
    %dma_wait3A_288 = arith.constant 1 : i32
    %dma_wait3A_289 = arith.constant 1 : i32
    %dma_wait3A_290 = arith.constant 0 : i32
    %dma_wait3A_291 = arith.constant 0 : i32
    %dma_wait3A_292 = tpu.memref_slice %arg7[%dma_wait3A_288, %dma_wait3A_290, %dma_wait3A_291] : memref<2x128x128xf32, #tpu.memory_space<vmem>> -> memref<1x128x128xf32, #tpu.memory_space<vmem>>
    %dma_wait3A_293 = tpu.memref_squeeze %dma_wait3A_292 : memref<1x128x128xf32, #tpu.memory_space<vmem>> -> memref<128x128xf32, #tpu.memory_space<vmem>>
    %dma_wait3A_294 = arith.constant 0 : i32
    %dma_wait3A_295 = tpu.memref_slice %arg6[%dma_wait3A_289, %dma_wait3A_294] : memref<4x128xi32, #tpu.memory_space<vmem>> -> memref<1x128xi32, #tpu.memory_space<vmem>>
    %dma_wait3A_296 = tpu.memref_squeeze %dma_wait3A_295 : memref<1x128xi32, #tpu.memory_space<vmem>> -> memref<128xi32, #tpu.memory_space<vmem>>
    %dma_wait3A_297 = arith.constant 0 : i32
    %dma_wait3A_298 = arith.constant 0 : i32
    %dma_wait3A_299 = tpu.memref_slice %arg8[%dma_wait3A_297, %dma_wait3A_298] : memref<10112x128xf32, #tpu.memory_space<vmem_shared>> -> memref<10112x128xf32, #tpu.memory_space<vmem_shared>>
    tpu.wait_indirect_dma semaphore(%arg11 : memref<!tpu.dma_semaphore, #tpu.memory_space<semaphore_mem>>) src(%dma_wait3A_293 : memref<128x128xf32, #tpu.memory_space<vmem>>) dst(%dma_wait3A_299 : memref<10112x128xf32, #tpu.memory_space<vmem_shared>>)
    %dma_start3A_300 = arith.constant 3 : i32
    %dma_start3A_301 = arith.constant 1 : i32
    %dma_start3A_302 = arith.constant 0 : i32
    %dma_start3A_303 = arith.constant 0 : i32
    %dma_start3A_304 = tpu.memref_slice %arg7[%dma_start3A_301, %dma_start3A_302, %dma_start3A_303] : memref<2x128x128xf32, #tpu.memory_space<vmem>> -> memref<1x128x128xf32, #tpu.memory_space<vmem>>
    %dma_start3A_305 = tpu.memref_squeeze %dma_start3A_304 : memref<1x128x128xf32, #tpu.memory_space<vmem>> -> memref<128x128xf32, #tpu.memory_space<vmem>>
    %dma_start3A_306 = arith.constant 0 : i32
    %dma_start3A_307 = tpu.memref_slice %arg5[%dma_start3A_300, %dma_start3A_306] : memref<4x128xi32, #tpu.memory_space<vmem>> -> memref<1x128xi32, #tpu.memory_space<vmem>>
    %dma_start3A_308 = tpu.memref_squeeze %dma_start3A_307 : memref<1x128xi32, #tpu.memory_space<vmem>> -> memref<128xi32, #tpu.memory_space<vmem>>
    %dma_start3A_309 = arith.constant 0 : i32
    %dma_start3A_310 = arith.constant 0 : i32
    %dma_start3A_311 = tpu.memref_slice %arg2[%dma_start3A_309, %dma_start3A_310] : memref<10112x128xf32, #tpu.memory_space<hbm>> -> memref<10112x128xf32, #tpu.memory_space<hbm>>
    tpu.enqueue_indirect_dma source(%dma_start3A_311 : memref<10112x128xf32, #tpu.memory_space<hbm>>) target(%dma_start3A_305 : memref<128x128xf32, #tpu.memory_space<vmem>>) offsets(%dma_start3A_308 : memref<128xi32, #tpu.memory_space<vmem>>) semaphore(%arg10 : memref<!tpu.dma_semaphore, #tpu.memory_space<semaphore_mem>>)
    %dma_wait3A_312 = arith.constant 2 : i32
    %dma_wait3A_313 = arith.constant 0 : i32
    %dma_wait3A_314 = arith.constant 0 : i32
    %dma_wait3A_315 = arith.constant 0 : i32
    %dma_wait3A_316 = tpu.memref_slice %arg7[%dma_wait3A_313, %dma_wait3A_314, %dma_wait3A_315] : memref<2x128x128xf32, #tpu.memory_space<vmem>> -> memref<1x128x128xf32, #tpu.memory_space<vmem>>
    %dma_wait3A_317 = tpu.memref_squeeze %dma_wait3A_316 : memref<1x128x128xf32, #tpu.memory_space<vmem>> -> memref<128x128xf32, #tpu.memory_space<vmem>>
    %dma_wait3A_318 = arith.constant 0 : i32
    %dma_wait3A_319 = tpu.memref_slice %arg5[%dma_wait3A_312, %dma_wait3A_318] : memref<4x128xi32, #tpu.memory_space<vmem>> -> memref<1x128xi32, #tpu.memory_space<vmem>>
    %dma_wait3A_320 = tpu.memref_squeeze %dma_wait3A_319 : memref<1x128xi32, #tpu.memory_space<vmem>> -> memref<128xi32, #tpu.memory_space<vmem>>
    %dma_wait3A_321 = arith.constant 0 : i32
    %dma_wait3A_322 = arith.constant 0 : i32
    %dma_wait3A_323 = tpu.memref_slice %arg2[%dma_wait3A_321, %dma_wait3A_322] : memref<10112x128xf32, #tpu.memory_space<hbm>> -> memref<10112x128xf32, #tpu.memory_space<hbm>>
    tpu.wait_indirect_dma semaphore(%arg10 : memref<!tpu.dma_semaphore, #tpu.memory_space<semaphore_mem>>) src(%dma_wait3A_323 : memref<10112x128xf32, #tpu.memory_space<hbm>>) dst(%dma_wait3A_317 : memref<128x128xf32, #tpu.memory_space<vmem>>)
    %dma_start3A_324 = arith.constant 0 : i32
    %dma_start3A_325 = arith.constant 2 : i32
    %dma_start3A_326 = arith.constant 0 : i32
    %dma_start3A_327 = arith.constant 0 : i32
    %dma_start3A_328 = tpu.memref_slice %arg7[%dma_start3A_324, %dma_start3A_326, %dma_start3A_327] : memref<2x128x128xf32, #tpu.memory_space<vmem>> -> memref<1x128x128xf32, #tpu.memory_space<vmem>>
    %dma_start3A_329 = tpu.memref_squeeze %dma_start3A_328 : memref<1x128x128xf32, #tpu.memory_space<vmem>> -> memref<128x128xf32, #tpu.memory_space<vmem>>
    %dma_start3A_330 = arith.constant 0 : i32
    %dma_start3A_331 = tpu.memref_slice %arg6[%dma_start3A_325, %dma_start3A_330] : memref<4x128xi32, #tpu.memory_space<vmem>> -> memref<1x128xi32, #tpu.memory_space<vmem>>
    %dma_start3A_332 = tpu.memref_squeeze %dma_start3A_331 : memref<1x128xi32, #tpu.memory_space<vmem>> -> memref<128xi32, #tpu.memory_space<vmem>>
    %dma_start3A_333 = arith.constant 0 : i32
    %dma_start3A_334 = arith.constant 0 : i32
    %dma_start3A_335 = tpu.memref_slice %arg8[%dma_start3A_333, %dma_start3A_334] : memref<10112x128xf32, #tpu.memory_space<vmem_shared>> -> memref<10112x128xf32, #tpu.memory_space<vmem_shared>>
    tpu.enqueue_indirect_dma source(%dma_start3A_329 : memref<128x128xf32, #tpu.memory_space<vmem>>) target(%dma_start3A_335 : memref<10112x128xf32, #tpu.memory_space<vmem_shared>>) offsets(%dma_start3A_332 : memref<128xi32, #tpu.memory_space<vmem>>) semaphore(%arg11 : memref<!tpu.dma_semaphore, #tpu.memory_space<semaphore_mem>>) {add = true}
    %dma_wait3A_336 = arith.constant 3 : i32
    %dma_wait3A_337 = arith.constant 1 : i32
    %dma_wait3A_338 = arith.constant 0 : i32
    %dma_wait3A_339 = arith.constant 0 : i32
    %dma_wait3A_340 = tpu.memref_slice %arg7[%dma_wait3A_337, %dma_wait3A_338, %dma_wait3A_339] : memref<2x128x128xf32, #tpu.memory_space<vmem>> -> memref<1x128x128xf32, #tpu.memory_space<vmem>>
    %dma_wait3A_341 = tpu.memref_squeeze %dma_wait3A_340 : memref<1x128x128xf32, #tpu.memory_space<vmem>> -> memref<128x128xf32, #tpu.memory_space<vmem>>
    %dma_wait3A_342 = arith.constant 0 : i32
    %dma_wait3A_343 = tpu.memref_slice %arg5[%dma_wait3A_336, %dma_wait3A_342] : memref<4x128xi32, #tpu.memory_space<vmem>> -> memref<1x128xi32, #tpu.memory_space<vmem>>
    %dma_wait3A_344 = tpu.memref_squeeze %dma_wait3A_343 : memref<1x128xi32, #tpu.memory_space<vmem>> -> memref<128xi32, #tpu.memory_space<vmem>>
    %dma_wait3A_345 = arith.constant 0 : i32
    %dma_wait3A_346 = arith.constant 0 : i32
    %dma_wait3A_347 = tpu.memref_slice %arg2[%dma_wait3A_345, %dma_wait3A_346] : memref<10112x128xf32, #tpu.memory_space<hbm>> -> memref<10112x128xf32, #tpu.memory_space<hbm>>
    tpu.wait_indirect_dma semaphore(%arg10 : memref<!tpu.dma_semaphore, #tpu.memory_space<semaphore_mem>>) src(%dma_wait3A_347 : memref<10112x128xf32, #tpu.memory_space<hbm>>) dst(%dma_wait3A_341 : memref<128x128xf32, #tpu.memory_space<vmem>>)
    %dma_start3A_348 = arith.constant 1 : i32
    %dma_start3A_349 = arith.constant 3 : i32
    %dma_start3A_350 = arith.constant 0 : i32
    %dma_start3A_351 = arith.constant 0 : i32
    %dma_start3A_352 = tpu.memref_slice %arg7[%dma_start3A_348, %dma_start3A_350, %dma_start3A_351] : memref<2x128x128xf32, #tpu.memory_space<vmem>> -> memref<1x128x128xf32, #tpu.memory_space<vmem>>
    %dma_start3A_353 = tpu.memref_squeeze %dma_start3A_352 : memref<1x128x128xf32, #tpu.memory_space<vmem>> -> memref<128x128xf32, #tpu.memory_space<vmem>>
    %dma_start3A_354 = arith.constant 0 : i32
    %dma_start3A_355 = tpu.memref_slice %arg6[%dma_start3A_349, %dma_start3A_354] : memref<4x128xi32, #tpu.memory_space<vmem>> -> memref<1x128xi32, #tpu.memory_space<vmem>>
    %dma_start3A_356 = tpu.memref_squeeze %dma_start3A_355 : memref<1x128xi32, #tpu.memory_space<vmem>> -> memref<128xi32, #tpu.memory_space<vmem>>
    %dma_start3A_357 = arith.constant 0 : i32
    %dma_start3A_358 = arith.constant 0 : i32
    %dma_start3A_359 = tpu.memref_slice %arg8[%dma_start3A_357, %dma_start3A_358] : memref<10112x128xf32, #tpu.memory_space<vmem_shared>> -> memref<10112x128xf32, #tpu.memory_space<vmem_shared>>
    tpu.enqueue_indirect_dma source(%dma_start3A_353 : memref<128x128xf32, #tpu.memory_space<vmem>>) target(%dma_start3A_359 : memref<10112x128xf32, #tpu.memory_space<vmem_shared>>) offsets(%dma_start3A_356 : memref<128xi32, #tpu.memory_space<vmem>>) semaphore(%arg11 : memref<!tpu.dma_semaphore, #tpu.memory_space<semaphore_mem>>) {add = true}
    %dma_wait3A_360 = arith.constant 0 : i32
    %dma_wait3A_361 = arith.constant 2 : i32
    %dma_wait3A_362 = arith.constant 0 : i32
    %dma_wait3A_363 = arith.constant 0 : i32
    %dma_wait3A_364 = tpu.memref_slice %arg7[%dma_wait3A_360, %dma_wait3A_362, %dma_wait3A_363] : memref<2x128x128xf32, #tpu.memory_space<vmem>> -> memref<1x128x128xf32, #tpu.memory_space<vmem>>
    %dma_wait3A_365 = tpu.memref_squeeze %dma_wait3A_364 : memref<1x128x128xf32, #tpu.memory_space<vmem>> -> memref<128x128xf32, #tpu.memory_space<vmem>>
    %dma_wait3A_366 = arith.constant 0 : i32
    %dma_wait3A_367 = tpu.memref_slice %arg6[%dma_wait3A_361, %dma_wait3A_366] : memref<4x128xi32, #tpu.memory_space<vmem>> -> memref<1x128xi32, #tpu.memory_space<vmem>>
    %dma_wait3A_368 = tpu.memref_squeeze %dma_wait3A_367 : memref<1x128xi32, #tpu.memory_space<vmem>> -> memref<128xi32, #tpu.memory_space<vmem>>
    %dma_wait3A_369 = arith.constant 0 : i32
    %dma_wait3A_370 = arith.constant 0 : i32
    %dma_wait3A_371 = tpu.memref_slice %arg8[%dma_wait3A_369, %dma_wait3A_370] : memref<10112x128xf32, #tpu.memory_space<vmem_shared>> -> memref<10112x128xf32, #tpu.memory_space<vmem_shared>>
    tpu.wait_indirect_dma semaphore(%arg11 : memref<!tpu.dma_semaphore, #tpu.memory_space<semaphore_mem>>) src(%dma_wait3A_365 : memref<128x128xf32, #tpu.memory_space<vmem>>) dst(%dma_wait3A_371 : memref<10112x128xf32, #tpu.memory_space<vmem_shared>>)
    %dma_wait3A_372 = arith.constant 1 : i32
    %dma_wait3A_373 = arith.constant 3 : i32
    %dma_wait3A_374 = arith.constant 0 : i32
    %dma_wait3A_375 = arith.constant 0 : i32
    %dma_wait3A_376 = tpu.memref_slice %arg7[%dma_wait3A_372, %dma_wait3A_374, %dma_wait3A_375] : memref<2x128x128xf32, #tpu.memory_space<vmem>> -> memref<1x128x128xf32, #tpu.memory_space<vmem>>
    %dma_wait3A_377 = tpu.memref_squeeze %dma_wait3A_376 : memref<1x128x128xf32, #tpu.memory_space<vmem>> -> memref<128x128xf32, #tpu.memory_space<vmem>>
    %dma_wait3A_378 = arith.constant 0 : i32
    %dma_wait3A_379 = tpu.memref_slice %arg6[%dma_wait3A_373, %dma_wait3A_378] : memref<4x128xi32, #tpu.memory_space<vmem>> -> memref<1x128xi32, #tpu.memory_space<vmem>>
    %dma_wait3A_380 = tpu.memref_squeeze %dma_wait3A_379 : memref<1x128xi32, #tpu.memory_space<vmem>> -> memref<128xi32, #tpu.memory_space<vmem>>
    %dma_wait3A_381 = arith.constant 0 : i32
    %dma_wait3A_382 = arith.constant 0 : i32
    %dma_wait3A_383 = tpu.memref_slice %arg8[%dma_wait3A_381, %dma_wait3A_382] : memref<10112x128xf32, #tpu.memory_space<vmem_shared>> -> memref<10112x128xf32, #tpu.memory_space<vmem_shared>>
    tpu.wait_indirect_dma semaphore(%arg11 : memref<!tpu.dma_semaphore, #tpu.memory_space<semaphore_mem>>) src(%dma_wait3A_377 : memref<128x128xf32, #tpu.memory_space<vmem>>) dst(%dma_wait3A_383 : memref<10112x128xf32, #tpu.memory_space<vmem_shared>>)
    %barrier3A_384 = arith.constant 0 : index
    tpu.barrier barrier_id(%barrier3A_384)
    %mul3A_385 = arith.constant 10112 : i32
    %mul3A_386 = arith.muli %arg0, %mul3A_385 : i32
    %add3A_387 = arith.addi %mul3A_386, %mul3A_0 : i32
    "tpu.region"() ({
      %run_scoped3A_388 = tpu.sem_alloc : memref<!tpu.dma_semaphore, #tpu.memory_space<semaphore_mem>>
      %dma_start3A_389 = arith.constant 0 : i32
      %dma_start3A_390 = tpu.memref_slice %arg4[%add3A_387, %dma_start3A_389] : memref<20224x128xf32, #tpu.memory_space<hbm>> -> memref<632x128xf32, #tpu.memory_space<hbm>>
      %dma_start3A_391 = arith.constant 0 : i32
      %dma_start3A_392 = tpu.memref_slice %arg8[%mul3A_0, %dma_start3A_391] : memref<10112x128xf32, #tpu.memory_space<vmem_shared>> -> memref<632x128xf32, #tpu.memory_space<vmem_shared>>
      tpu.enqueue_dma source(%dma_start3A_392 : memref<632x128xf32, #tpu.memory_space<vmem_shared>>) target(%dma_start3A_390 : memref<632x128xf32, #tpu.memory_space<hbm>>) target_semaphore(%run_scoped3A_388 : memref<!tpu.dma_semaphore, #tpu.memory_space<semaphore_mem>>)
      %dma_wait3A_393 = arith.constant 0 : i32
      %dma_wait3A_394 = tpu.memref_slice %arg4[%add3A_387, %dma_wait3A_393] : memref<20224x128xf32, #tpu.memory_space<hbm>> -> memref<632x128xf32, #tpu.memory_space<hbm>>
      %dma_wait3A_395 = arith.constant 0 : i32
      %dma_wait3A_396 = tpu.memref_slice %arg8[%mul3A_0, %dma_wait3A_395] : memref<10112x128xf32, #tpu.memory_space<vmem_shared>> -> memref<632x128xf32, #tpu.memory_space<vmem_shared>>
      tpu.wait_dma2 semaphore(%run_scoped3A_388 : memref<!tpu.dma_semaphore, #tpu.memory_space<semaphore_mem>>) src(%dma_wait3A_396 : memref<632x128xf32, #tpu.memory_space<vmem_shared>>) dst(%dma_wait3A_394 : memref<632x128xf32, #tpu.memory_space<hbm>>)
      tpu.yield
    }) : () -> ()
    return
  }
}

#map = affine_map<(d0, d1) -> (0, 0)>
#map1 = affine_map<(d0, d1) -> (0)>
module attributes {stable_mosaic.version = 14 : i64} {
  func.func @_sc_aggregate(%arg0: i32, %arg1: i32, %arg2: memref<10112x128xf32, #tpu.memory_space<hbm>>, %arg3: memref<655360xi32, #tpu.memory_space<hbm>>, %arg4: memref<20224x128xf32, #tpu.memory_space<hbm>>, %arg5: memref<4x128xi32, #tpu.memory_space<vmem>>, %arg6: memref<4x128xi32, #tpu.memory_space<vmem>>, %arg7: memref<2x128x128xf32, #tpu.memory_space<vmem>>, %arg8: memref<10112x128xf32, #tpu.memory_space<vmem_shared>>, %arg9: memref<!tpu.dma_semaphore, #tpu.memory_space<semaphore_mem>>, %arg10: memref<!tpu.dma_semaphore, #tpu.memory_space<semaphore_mem>>, %arg11: memref<!tpu.dma_semaphore, #tpu.memory_space<semaphore_mem>>) attributes {dimension_semantics = [#tpu.dimension_semantics<core_parallel>, #tpu.dimension_semantics<subcore_parallel>], iteration_bounds = array<i64: 2, 16>, scalar_prefetch = 0 : i64, scratch_operands = 7 : i64, tpu.core_type = #tpu.core_type<sc_vector_subcore>, window_params = [{transform_indices = #map}, {transform_indices = #map1}, {transform_indices = #map}]} {
    %mul3A = arith.constant 632 : i32
    %mul3A_0 = arith.muli %arg1, %mul3A : i32
    %mul3A_1 = arith.constant 16 : i32
    %mul3A_2 = arith.muli %arg0, %mul3A_1 : i32
    %add3A = arith.addi %mul3A_2, %arg1 : i32
    %mul3A_3 = arith.constant 10240 : i32
    %mul3A_4 = arith.muli %add3A, %mul3A_3 : i32
    %scan3A = arith.constant 0 : i32
    %scan3A_5 = arith.constant 128 : i32
    %scan3A_6 = arith.addi %scan3A, %scan3A_5 : i32
    %scan3A_7 = arith.constant 1 : i32
    scf.for %scan3A_388 = %scan3A to %scan3A_6 step %scan3A_7  : i32 {
      %broadcast_in_dim3A = arith.constant 0.000000e+00 : f32
      %broadcast_in_dim3A_389 = vector.broadcast %broadcast_in_dim3A : f32 to vector<16xf32>
      %swap3A = arith.constant 0 : i32
      %swap3A_390 = arith.index_cast %swap3A : i32 to index
      %swap3A_391 = arith.index_cast %scan3A_388 : i32 to index
      %swap3A_392 = arith.constant 0 : index
      %swap3A_393 = tpu.vector_load %arg7[%swap3A_390, %swap3A_391, %swap3A_392] {strides = array<i32>} : memref<2x128x128xf32, #tpu.memory_space<vmem>>, vector<1x1x16xf32>,
      %swap3A_394 = vector.shape_cast %swap3A_393 : vector<1x1x16xf32> to vector<16xf32>
      %swap3A_395 = vector.shape_cast %broadcast_in_dim3A_389 : vector<16xf32> to vector<1x1x16xf32>
      tpu.vector_store %arg7[%swap3A_390, %swap3A_391, %swap3A_392], %swap3A_395 {strides = array<i32>} : memref<2x128x128xf32, #tpu.memory_space<vmem>>, vector<1x1x16xf32>,
      %broadcast_in_dim3A_396 = arith.constant 0.000000e+00 : f32
      %broadcast_in_dim3A_397 = vector.broadcast %broadcast_in_dim3A_396 : f32 to vector<16xf32>
      %swap3A_398 = arith.constant 0 : i32
      %swap3A_399 = arith.index_cast %swap3A_398 : i32 to index
      %swap3A_400 = arith.index_cast %scan3A_388 : i32 to index
      %swap3A_401 = arith.constant 16 : index
      %swap3A_402 = tpu.vector_load %arg7[%swap3A_399, %swap3A_400, %swap3A_401] {strides = array<i32>} : memref<2x128x128xf32, #tpu.memory_space<vmem>>, vector<1x1x16xf32>,
      %swap3A_403 = vector.shape_cast %swap3A_402 : vector<1x1x16xf32> to vector<16xf32>
      %swap3A_404 = vector.shape_cast %broadcast_in_dim3A_397 : vector<16xf32> to vector<1x1x16xf32>
      tpu.vector_store %arg7[%swap3A_399, %swap3A_400, %swap3A_401], %swap3A_404 {strides = array<i32>} : memref<2x128x128xf32, #tpu.memory_space<vmem>>, vector<1x1x16xf32>,
      %broadcast_in_dim3A_405 = arith.constant 0.000000e+00 : f32
      %broadcast_in_dim3A_406 = vector.broadcast %broadcast_in_dim3A_405 : f32 to vector<16xf32>
      %swap3A_407 = arith.constant 0 : i32
      %swap3A_408 = arith.index_cast %swap3A_407 : i32 to index
      %swap3A_409 = arith.index_cast %scan3A_388 : i32 to index
      %swap3A_410 = arith.constant 32 : index
      %swap3A_411 = tpu.vector_load %arg7[%swap3A_408, %swap3A_409, %swap3A_410] {strides = array<i32>} : memref<2x128x128xf32, #tpu.memory_space<vmem>>, vector<1x1x16xf32>,
      %swap3A_412 = vector.shape_cast %swap3A_411 : vector<1x1x16xf32> to vector<16xf32>
      %swap3A_413 = vector.shape_cast %broadcast_in_dim3A_406 : vector<16xf32> to vector<1x1x16xf32>
      tpu.vector_store %arg7[%swap3A_408, %swap3A_409, %swap3A_410], %swap3A_413 {strides = array<i32>} : memref<2x128x128xf32, #tpu.memory_space<vmem>>, vector<1x1x16xf32>,
      %broadcast_in_dim3A_414 = arith.constant 0.000000e+00 : f32
      %broadcast_in_dim3A_415 = vector.broadcast %broadcast_in_dim3A_414 : f32 to vector<16xf32>
      %swap3A_416 = arith.constant 0 : i32
      %swap3A_417 = arith.index_cast %swap3A_416 : i32 to index
      %swap3A_418 = arith.index_cast %scan3A_388 : i32 to index
      %swap3A_419 = arith.constant 48 : index
      %swap3A_420 = tpu.vector_load %arg7[%swap3A_417, %swap3A_418, %swap3A_419] {strides = array<i32>} : memref<2x128x128xf32, #tpu.memory_space<vmem>>, vector<1x1x16xf32>,
      %swap3A_421 = vector.shape_cast %swap3A_420 : vector<1x1x16xf32> to vector<16xf32>
      %swap3A_422 = vector.shape_cast %broadcast_in_dim3A_415 : vector<16xf32> to vector<1x1x16xf32>
      tpu.vector_store %arg7[%swap3A_417, %swap3A_418, %swap3A_419], %swap3A_422 {strides = array<i32>} : memref<2x128x128xf32, #tpu.memory_space<vmem>>, vector<1x1x16xf32>,
      %broadcast_in_dim3A_423 = arith.constant 0.000000e+00 : f32
      %broadcast_in_dim3A_424 = vector.broadcast %broadcast_in_dim3A_423 : f32 to vector<16xf32>
      %swap3A_425 = arith.constant 0 : i32
      %swap3A_426 = arith.index_cast %swap3A_425 : i32 to index
      %swap3A_427 = arith.index_cast %scan3A_388 : i32 to index
      %swap3A_428 = arith.constant 64 : index
      %swap3A_429 = tpu.vector_load %arg7[%swap3A_426, %swap3A_427, %swap3A_428] {strides = array<i32>} : memref<2x128x128xf32, #tpu.memory_space<vmem>>, vector<1x1x16xf32>,
      %swap3A_430 = vector.shape_cast %swap3A_429 : vector<1x1x16xf32> to vector<16xf32>
      %swap3A_431 = vector.shape_cast %broadcast_in_dim3A_424 : vector<16xf32> to vector<1x1x16xf32>
      tpu.vector_store %arg7[%swap3A_426, %swap3A_427, %swap3A_428], %swap3A_431 {strides = array<i32>} : memref<2x128x128xf32, #tpu.memory_space<vmem>>, vector<1x1x16xf32>,
      %broadcast_in_dim3A_432 = arith.constant 0.000000e+00 : f32
      %broadcast_in_dim3A_433 = vector.broadcast %broadcast_in_dim3A_432 : f32 to vector<16xf32>
      %swap3A_434 = arith.constant 0 : i32
      %swap3A_435 = arith.index_cast %swap3A_434 : i32 to index
      %swap3A_436 = arith.index_cast %scan3A_388 : i32 to index
      %swap3A_437 = arith.constant 80 : index
      %swap3A_438 = tpu.vector_load %arg7[%swap3A_435, %swap3A_436, %swap3A_437] {strides = array<i32>} : memref<2x128x128xf32, #tpu.memory_space<vmem>>, vector<1x1x16xf32>,
      %swap3A_439 = vector.shape_cast %swap3A_438 : vector<1x1x16xf32> to vector<16xf32>
      %swap3A_440 = vector.shape_cast %broadcast_in_dim3A_433 : vector<16xf32> to vector<1x1x16xf32>
      tpu.vector_store %arg7[%swap3A_435, %swap3A_436, %swap3A_437], %swap3A_440 {strides = array<i32>} : memref<2x128x128xf32, #tpu.memory_space<vmem>>, vector<1x1x16xf32>,
      %broadcast_in_dim3A_441 = arith.constant 0.000000e+00 : f32
      %broadcast_in_dim3A_442 = vector.broadcast %broadcast_in_dim3A_441 : f32 to vector<16xf32>
      %swap3A_443 = arith.constant 0 : i32
      %swap3A_444 = arith.index_cast %swap3A_443 : i32 to index
      %swap3A_445 = arith.index_cast %scan3A_388 : i32 to index
      %swap3A_446 = arith.constant 96 : index
      %swap3A_447 = tpu.vector_load %arg7[%swap3A_444, %swap3A_445, %swap3A_446] {strides = array<i32>} : memref<2x128x128xf32, #tpu.memory_space<vmem>>, vector<1x1x16xf32>,
      %swap3A_448 = vector.shape_cast %swap3A_447 : vector<1x1x16xf32> to vector<16xf32>
      %swap3A_449 = vector.shape_cast %broadcast_in_dim3A_442 : vector<16xf32> to vector<1x1x16xf32>
      tpu.vector_store %arg7[%swap3A_444, %swap3A_445, %swap3A_446], %swap3A_449 {strides = array<i32>} : memref<2x128x128xf32, #tpu.memory_space<vmem>>, vector<1x1x16xf32>,
      %broadcast_in_dim3A_450 = arith.constant 0.000000e+00 : f32
      %broadcast_in_dim3A_451 = vector.broadcast %broadcast_in_dim3A_450 : f32 to vector<16xf32>
      %swap3A_452 = arith.constant 0 : i32
      %swap3A_453 = arith.index_cast %swap3A_452 : i32 to index
      %swap3A_454 = arith.index_cast %scan3A_388 : i32 to index
      %swap3A_455 = arith.constant 112 : index
      %swap3A_456 = tpu.vector_load %arg7[%swap3A_453, %swap3A_454, %swap3A_455] {strides = array<i32>} : memref<2x128x128xf32, #tpu.memory_space<vmem>>, vector<1x1x16xf32>,
      %swap3A_457 = vector.shape_cast %swap3A_456 : vector<1x1x16xf32> to vector<16xf32>
      %swap3A_458 = vector.shape_cast %broadcast_in_dim3A_451 : vector<16xf32> to vector<1x1x16xf32>
      tpu.vector_store %arg7[%swap3A_453, %swap3A_454, %swap3A_455], %swap3A_458 {strides = array<i32>} : memref<2x128x128xf32, #tpu.memory_space<vmem>>, vector<1x1x16xf32>,
    }
    %scan3A_8 = arith.constant 128 : i32
    %add3A_9 = arith.constant 0 : i32
    %add3A_10 = arith.addi %mul3A_0, %add3A_9 : i32
    %run_scoped3A = arith.constant 0 : i32
    "tpu.region"() ({
      %run_scoped3A_388 = tpu.sem_alloc : memref<!tpu.dma_semaphore, #tpu.memory_space<semaphore_mem>>
      %dma_start3A_389 = arith.constant 0 : i32
      %dma_start3A_390 = arith.constant 0 : i32
      %dma_start3A_391 = tpu.memref_slice %arg7[%run_scoped3A, %dma_start3A_389, %dma_start3A_390] : memref<2x128x128xf32, #tpu.memory_space<vmem>> -> memref<1x128x128xf32, #tpu.memory_space<vmem>>
      %dma_start3A_392 = tpu.memref_squeeze %dma_start3A_391 : memref<1x128x128xf32, #tpu.memory_space<vmem>> -> memref<128x128xf32, #tpu.memory_space<vmem>>
      %dma_start3A_393 = arith.constant 0 : i32
      %dma_start3A_394 = tpu.memref_slice %arg8[%add3A_10, %dma_start3A_393] : memref<10112x128xf32, #tpu.memory_space<vmem_shared>> -> memref<128x128xf32, #tpu.memory_space<vmem_shared>>
      %dma_start3A_395 = arith.constant 0 : i32
      %dma_start3A_396 = tpu.memref_slice %arg8[%add3A_10, %dma_start3A_395] : memref<10112x128xf32, #tpu.memory_space<vmem_shared>> -> memref<128x128xf32, #tpu.memory_space<vmem_shared>>
      %dma_start3A_397 = arith.constant 0 : i32
      %dma_start3A_398 = arith.constant 0 : i32
      %dma_start3A_399 = tpu.memref_slice %arg7[%run_scoped3A, %dma_start3A_397, %dma_start3A_398] : memref<2x128x128xf32, #tpu.memory_space<vmem>> -> memref<1x128x128xf32, #tpu.memory_space<vmem>>
      %dma_start3A_400 = tpu.memref_squeeze %dma_start3A_399 : memref<1x128x128xf32, #tpu.memory_space<vmem>> -> memref<128x128xf32, #tpu.memory_space<vmem>>
      tpu.enqueue_dma source(%dma_start3A_400 : memref<128x128xf32, #tpu.memory_space<vmem>>) target(%dma_start3A_396 : memref<128x128xf32, #tpu.memory_space<vmem_shared>>) target_semaphore(%run_scoped3A_388 : memref<!tpu.dma_semaphore, #tpu.memory_space<semaphore_mem>>)
      %dma_wait3A_401 = arith.constant 0 : i32
      %dma_wait3A_402 = arith.constant 0 : i32
      %dma_wait3A_403 = tpu.memref_slice %arg7[%run_scoped3A, %dma_wait3A_401, %dma_wait3A_402] : memref<2x128x128xf32, #tpu.memory_space<vmem>> -> memref<1x128x128xf32, #tpu.memory_space<vmem>>
      %dma_wait3A_404 = tpu.memref_squeeze %dma_wait3A_403 : memref<1x128x128xf32, #tpu.memory_space<vmem>> -> memref<128x128xf32, #tpu.memory_space<vmem>>
      %dma_wait3A_405 = arith.constant 0 : i32
      %dma_wait3A_406 = tpu.memref_slice %arg8[%add3A_10, %dma_wait3A_405] : memref<10112x128xf32, #tpu.memory_space<vmem_shared>> -> memref<128x128xf32, #tpu.memory_space<vmem_shared>>
      %dma_wait3A_407 = arith.constant 0 : i32
      %dma_wait3A_408 = tpu.memref_slice %arg8[%add3A_10, %dma_wait3A_407] : memref<10112x128xf32, #tpu.memory_space<vmem_shared>> -> memref<128x128xf32, #tpu.memory_space<vmem_shared>>
      %dma_wait3A_409 = arith.constant 0 : i32
      %dma_wait3A_410 = arith.constant 0 : i32
      %dma_wait3A_411 = tpu.memref_slice %arg7[%run_scoped3A, %dma_wait3A_409, %dma_wait3A_410] : memref<2x128x128xf32, #tpu.memory_space<vmem>> -> memref<1x128x128xf32, #tpu.memory_space<vmem>>
      %dma_wait3A_412 = tpu.memref_squeeze %dma_wait3A_411 : memref<1x128x128xf32, #tpu.memory_space<vmem>> -> memref<128x128xf32, #tpu.memory_space<vmem>>
      tpu.wait_dma2 semaphore(%run_scoped3A_388 : memref<!tpu.dma_semaphore, #tpu.memory_space<semaphore_mem>>) src(%dma_wait3A_412 : memref<128x128xf32, #tpu.memory_space<vmem>>) dst(%dma_wait3A_408 : memref<128x128xf32, #tpu.memory_space<vmem_shared>>)
      tpu.yield
    }) : () -> ()
    %add3A_11 = arith.constant 128 : i32
    %add3A_12 = arith.addi %mul3A_0, %add3A_11 : i32
    %run_scoped3A_13 = arith.constant 0 : i32
    "tpu.region"() ({
      %run_scoped3A_388 = tpu.sem_alloc : memref<!tpu.dma_semaphore, #tpu.memory_space<semaphore_mem>>
      %dma_start3A_389 = arith.constant 0 : i32
      %dma_start3A_390 = arith.constant 0 : i32
      %dma_start3A_391 = tpu.memref_slice %arg7[%run_scoped3A_13, %dma_start3A_389, %dma_start3A_390] : memref<2x128x128xf32, #tpu.memory_space<vmem>> -> memref<1x128x128xf32, #tpu.memory_space<vmem>>
      %dma_start3A_392 = tpu.memref_squeeze %dma_start3A_391 : memref<1x128x128xf32, #tpu.memory_space<vmem>> -> memref<128x128xf32, #tpu.memory_space<vmem>>
      %dma_start3A_393 = arith.constant 0 : i32
      %dma_start3A_394 = tpu.memref_slice %arg8[%add3A_12, %dma_start3A_393] : memref<10112x128xf32, #tpu.memory_space<vmem_shared>> -> memref<128x128xf32, #tpu.memory_space<vmem_shared>>
      %dma_start3A_395 = arith.constant 0 : i32
      %dma_start3A_396 = tpu.memref_slice %arg8[%add3A_12, %dma_start3A_395] : memref<10112x128xf32, #tpu.memory_space<vmem_shared>> -> memref<128x128xf32, #tpu.memory_space<vmem_shared>>
      %dma_start3A_397 = arith.constant 0 : i32
      %dma_start3A_398 = arith.constant 0 : i32
      %dma_start3A_399 = tpu.memref_slice %arg7[%run_scoped3A_13, %dma_start3A_397, %dma_start3A_398] : memref<2x128x128xf32, #tpu.memory_space<vmem>> -> memref<1x128x128xf32, #tpu.memory_space<vmem>>
      %dma_start3A_400 = tpu.memref_squeeze %dma_start3A_399 : memref<1x128x128xf32, #tpu.memory_space<vmem>> -> memref<128x128xf32, #tpu.memory_space<vmem>>
      tpu.enqueue_dma source(%dma_start3A_400 : memref<128x128xf32, #tpu.memory_space<vmem>>) target(%dma_start3A_396 : memref<128x128xf32, #tpu.memory_space<vmem_shared>>) target_semaphore(%run_scoped3A_388 : memref<!tpu.dma_semaphore, #tpu.memory_space<semaphore_mem>>)
      %dma_wait3A_401 = arith.constant 0 : i32
      %dma_wait3A_402 = arith.constant 0 : i32
      %dma_wait3A_403 = tpu.memref_slice %arg7[%run_scoped3A_13, %dma_wait3A_401, %dma_wait3A_402] : memref<2x128x128xf32, #tpu.memory_space<vmem>> -> memref<1x128x128xf32, #tpu.memory_space<vmem>>
      %dma_wait3A_404 = tpu.memref_squeeze %dma_wait3A_403 : memref<1x128x128xf32, #tpu.memory_space<vmem>> -> memref<128x128xf32, #tpu.memory_space<vmem>>
      %dma_wait3A_405 = arith.constant 0 : i32
      %dma_wait3A_406 = tpu.memref_slice %arg8[%add3A_12, %dma_wait3A_405] : memref<10112x128xf32, #tpu.memory_space<vmem_shared>> -> memref<128x128xf32, #tpu.memory_space<vmem_shared>>
      %dma_wait3A_407 = arith.constant 0 : i32
      %dma_wait3A_408 = tpu.memref_slice %arg8[%add3A_12, %dma_wait3A_407] : memref<10112x128xf32, #tpu.memory_space<vmem_shared>> -> memref<128x128xf32, #tpu.memory_space<vmem_shared>>
      %dma_wait3A_409 = arith.constant 0 : i32
      %dma_wait3A_410 = arith.constant 0 : i32
      %dma_wait3A_411 = tpu.memref_slice %arg7[%run_scoped3A_13, %dma_wait3A_409, %dma_wait3A_410] : memref<2x128x128xf32, #tpu.memory_space<vmem>> -> memref<1x128x128xf32, #tpu.memory_space<vmem>>
      %dma_wait3A_412 = tpu.memref_squeeze %dma_wait3A_411 : memref<1x128x128xf32, #tpu.memory_space<vmem>> -> memref<128x128xf32, #tpu.memory_space<vmem>>
      tpu.wait_dma2 semaphore(%run_scoped3A_388 : memref<!tpu.dma_semaphore, #tpu.memory_space<semaphore_mem>>) src(%dma_wait3A_412 : memref<128x128xf32, #tpu.memory_space<vmem>>) dst(%dma_wait3A_408 : memref<128x128xf32, #tpu.memory_space<vmem_shared>>)
      tpu.yield
    }) : () -> ()
    %add3A_14 = arith.constant 256 : i32
    %add3A_15 = arith.addi %mul3A_0, %add3A_14 : i32
    %run_scoped3A_16 = arith.constant 0 : i32
    "tpu.region"() ({
      %run_scoped3A_388 = tpu.sem_alloc : memref<!tpu.dma_semaphore, #tpu.memory_space<semaphore_mem>>
      %dma_start3A_389 = arith.constant 0 : i32
      %dma_start3A_390 = arith.constant 0 : i32
      %dma_start3A_391 = tpu.memref_slice %arg7[%run_scoped3A_16, %dma_start3A_389, %dma_start3A_390] : memref<2x128x128xf32, #tpu.memory_space<vmem>> -> memref<1x128x128xf32, #tpu.memory_space<vmem>>
      %dma_start3A_392 = tpu.memref_squeeze %dma_start3A_391 : memref<1x128x128xf32, #tpu.memory_space<vmem>> -> memref<128x128xf32, #tpu.memory_space<vmem>>
      %dma_start3A_393 = arith.constant 0 : i32
      %dma_start3A_394 = tpu.memref_slice %arg8[%add3A_15, %dma_start3A_393] : memref<10112x128xf32, #tpu.memory_space<vmem_shared>> -> memref<128x128xf32, #tpu.memory_space<vmem_shared>>
      %dma_start3A_395 = arith.constant 0 : i32
      %dma_start3A_396 = tpu.memref_slice %arg8[%add3A_15, %dma_start3A_395] : memref<10112x128xf32, #tpu.memory_space<vmem_shared>> -> memref<128x128xf32, #tpu.memory_space<vmem_shared>>
      %dma_start3A_397 = arith.constant 0 : i32
      %dma_start3A_398 = arith.constant 0 : i32
      %dma_start3A_399 = tpu.memref_slice %arg7[%run_scoped3A_16, %dma_start3A_397, %dma_start3A_398] : memref<2x128x128xf32, #tpu.memory_space<vmem>> -> memref<1x128x128xf32, #tpu.memory_space<vmem>>
      %dma_start3A_400 = tpu.memref_squeeze %dma_start3A_399 : memref<1x128x128xf32, #tpu.memory_space<vmem>> -> memref<128x128xf32, #tpu.memory_space<vmem>>
      tpu.enqueue_dma source(%dma_start3A_400 : memref<128x128xf32, #tpu.memory_space<vmem>>) target(%dma_start3A_396 : memref<128x128xf32, #tpu.memory_space<vmem_shared>>) target_semaphore(%run_scoped3A_388 : memref<!tpu.dma_semaphore, #tpu.memory_space<semaphore_mem>>)
      %dma_wait3A_401 = arith.constant 0 : i32
      %dma_wait3A_402 = arith.constant 0 : i32
      %dma_wait3A_403 = tpu.memref_slice %arg7[%run_scoped3A_16, %dma_wait3A_401, %dma_wait3A_402] : memref<2x128x128xf32, #tpu.memory_space<vmem>> -> memref<1x128x128xf32, #tpu.memory_space<vmem>>
      %dma_wait3A_404 = tpu.memref_squeeze %dma_wait3A_403 : memref<1x128x128xf32, #tpu.memory_space<vmem>> -> memref<128x128xf32, #tpu.memory_space<vmem>>
      %dma_wait3A_405 = arith.constant 0 : i32
      %dma_wait3A_406 = tpu.memref_slice %arg8[%add3A_15, %dma_wait3A_405] : memref<10112x128xf32, #tpu.memory_space<vmem_shared>> -> memref<128x128xf32, #tpu.memory_space<vmem_shared>>
      %dma_wait3A_407 = arith.constant 0 : i32
      %dma_wait3A_408 = tpu.memref_slice %arg8[%add3A_15, %dma_wait3A_407] : memref<10112x128xf32, #tpu.memory_space<vmem_shared>> -> memref<128x128xf32, #tpu.memory_space<vmem_shared>>
      %dma_wait3A_409 = arith.constant 0 : i32
      %dma_wait3A_410 = arith.constant 0 : i32
      %dma_wait3A_411 = tpu.memref_slice %arg7[%run_scoped3A_16, %dma_wait3A_409, %dma_wait3A_410] : memref<2x128x128xf32, #tpu.memory_space<vmem>> -> memref<1x128x128xf32, #tpu.memory_space<vmem>>
      %dma_wait3A_412 = tpu.memref_squeeze %dma_wait3A_411 : memref<1x128x128xf32, #tpu.memory_space<vmem>> -> memref<128x128xf32, #tpu.memory_space<vmem>>
      tpu.wait_dma2 semaphore(%run_scoped3A_388 : memref<!tpu.dma_semaphore, #tpu.memory_space<semaphore_mem>>) src(%dma_wait3A_412 : memref<128x128xf32, #tpu.memory_space<vmem>>) dst(%dma_wait3A_408 : memref<128x128xf32, #tpu.memory_space<vmem_shared>>)
      tpu.yield
    }) : () -> ()
    %add3A_17 = arith.constant 384 : i32
    %add3A_18 = arith.addi %mul3A_0, %add3A_17 : i32
    %run_scoped3A_19 = arith.constant 0 : i32
    "tpu.region"() ({
      %run_scoped3A_388 = tpu.sem_alloc : memref<!tpu.dma_semaphore, #tpu.memory_space<semaphore_mem>>
      %dma_start3A_389 = arith.constant 0 : i32
      %dma_start3A_390 = arith.constant 0 : i32
      %dma_start3A_391 = tpu.memref_slice %arg7[%run_scoped3A_19, %dma_start3A_389, %dma_start3A_390] : memref<2x128x128xf32, #tpu.memory_space<vmem>> -> memref<1x128x128xf32, #tpu.memory_space<vmem>>
      %dma_start3A_392 = tpu.memref_squeeze %dma_start3A_391 : memref<1x128x128xf32, #tpu.memory_space<vmem>> -> memref<128x128xf32, #tpu.memory_space<vmem>>
      %dma_start3A_393 = arith.constant 0 : i32
      %dma_start3A_394 = tpu.memref_slice %arg8[%add3A_18, %dma_start3A_393] : memref<10112x128xf32, #tpu.memory_space<vmem_shared>> -> memref<128x128xf32, #tpu.memory_space<vmem_shared>>
      %dma_start3A_395 = arith.constant 0 : i32
      %dma_start3A_396 = tpu.memref_slice %arg8[%add3A_18, %dma_start3A_395] : memref<10112x128xf32, #tpu.memory_space<vmem_shared>> -> memref<128x128xf32, #tpu.memory_space<vmem_shared>>
      %dma_start3A_397 = arith.constant 0 : i32
      %dma_start3A_398 = arith.constant 0 : i32
      %dma_start3A_399 = tpu.memref_slice %arg7[%run_scoped3A_19, %dma_start3A_397, %dma_start3A_398] : memref<2x128x128xf32, #tpu.memory_space<vmem>> -> memref<1x128x128xf32, #tpu.memory_space<vmem>>
      %dma_start3A_400 = tpu.memref_squeeze %dma_start3A_399 : memref<1x128x128xf32, #tpu.memory_space<vmem>> -> memref<128x128xf32, #tpu.memory_space<vmem>>
      tpu.enqueue_dma source(%dma_start3A_400 : memref<128x128xf32, #tpu.memory_space<vmem>>) target(%dma_start3A_396 : memref<128x128xf32, #tpu.memory_space<vmem_shared>>) target_semaphore(%run_scoped3A_388 : memref<!tpu.dma_semaphore, #tpu.memory_space<semaphore_mem>>)
      %dma_wait3A_401 = arith.constant 0 : i32
      %dma_wait3A_402 = arith.constant 0 : i32
      %dma_wait3A_403 = tpu.memref_slice %arg7[%run_scoped3A_19, %dma_wait3A_401, %dma_wait3A_402] : memref<2x128x128xf32, #tpu.memory_space<vmem>> -> memref<1x128x128xf32, #tpu.memory_space<vmem>>
      %dma_wait3A_404 = tpu.memref_squeeze %dma_wait3A_403 : memref<1x128x128xf32, #tpu.memory_space<vmem>> -> memref<128x128xf32, #tpu.memory_space<vmem>>
      %dma_wait3A_405 = arith.constant 0 : i32
      %dma_wait3A_406 = tpu.memref_slice %arg8[%add3A_18, %dma_wait3A_405] : memref<10112x128xf32, #tpu.memory_space<vmem_shared>> -> memref<128x128xf32, #tpu.memory_space<vmem_shared>>
      %dma_wait3A_407 = arith.constant 0 : i32
      %dma_wait3A_408 = tpu.memref_slice %arg8[%add3A_18, %dma_wait3A_407] : memref<10112x128xf32, #tpu.memory_space<vmem_shared>> -> memref<128x128xf32, #tpu.memory_space<vmem_shared>>
      %dma_wait3A_409 = arith.constant 0 : i32
      %dma_wait3A_410 = arith.constant 0 : i32
      %dma_wait3A_411 = tpu.memref_slice %arg7[%run_scoped3A_19, %dma_wait3A_409, %dma_wait3A_410] : memref<2x128x128xf32, #tpu.memory_space<vmem>> -> memref<1x128x128xf32, #tpu.memory_space<vmem>>
      %dma_wait3A_412 = tpu.memref_squeeze %dma_wait3A_411 : memref<1x128x128xf32, #tpu.memory_space<vmem>> -> memref<128x128xf32, #tpu.memory_space<vmem>>
      tpu.wait_dma2 semaphore(%run_scoped3A_388 : memref<!tpu.dma_semaphore, #tpu.memory_space<semaphore_mem>>) src(%dma_wait3A_412 : memref<128x128xf32, #tpu.memory_space<vmem>>) dst(%dma_wait3A_408 : memref<128x128xf32, #tpu.memory_space<vmem_shared>>)
      tpu.yield
    }) : () -> ()
    %add3A_20 = arith.constant 512 : i32
    %add3A_21 = arith.addi %mul3A_0, %add3A_20 : i32
    %run_scoped3A_22 = arith.constant 0 : i32
    "tpu.region"() ({
      %run_scoped3A_388 = tpu.sem_alloc : memref<!tpu.dma_semaphore, #tpu.memory_space<semaphore_mem>>
      %dma_start3A_389 = arith.constant 0 : i32
      %dma_start3A_390 = arith.constant 0 : i32
      %dma_start3A_391 = tpu.memref_slice %arg7[%run_scoped3A_22, %dma_start3A_389, %dma_start3A_390] : memref<2x128x128xf32, #tpu.memory_space<vmem>> -> memref<1x120x128xf32, #tpu.memory_space<vmem>>
      %dma_start3A_392 = tpu.memref_squeeze %dma_start3A_391 : memref<1x120x128xf32, #tpu.memory_space<vmem>> -> memref<120x128xf32, #tpu.memory_space<vmem>>
      %dma_start3A_393 = arith.constant 0 : i32
      %dma_start3A_394 = tpu.memref_slice %arg8[%add3A_21, %dma_start3A_393] : memref<10112x128xf32, #tpu.memory_space<vmem_shared>> -> memref<120x128xf32, #tpu.memory_space<vmem_shared>>
      %dma_start3A_395 = arith.constant 0 : i32
      %dma_start3A_396 = tpu.memref_slice %arg8[%add3A_21, %dma_start3A_395] : memref<10112x128xf32, #tpu.memory_space<vmem_shared>> -> memref<120x128xf32, #tpu.memory_space<vmem_shared>>
      %dma_start3A_397 = arith.constant 0 : i32
      %dma_start3A_398 = arith.constant 0 : i32
      %dma_start3A_399 = tpu.memref_slice %arg7[%run_scoped3A_22, %dma_start3A_397, %dma_start3A_398] : memref<2x128x128xf32, #tpu.memory_space<vmem>> -> memref<1x120x128xf32, #tpu.memory_space<vmem>>
      %dma_start3A_400 = tpu.memref_squeeze %dma_start3A_399 : memref<1x120x128xf32, #tpu.memory_space<vmem>> -> memref<120x128xf32, #tpu.memory_space<vmem>>
      tpu.enqueue_dma source(%dma_start3A_400 : memref<120x128xf32, #tpu.memory_space<vmem>>) target(%dma_start3A_396 : memref<120x128xf32, #tpu.memory_space<vmem_shared>>) target_semaphore(%run_scoped3A_388 : memref<!tpu.dma_semaphore, #tpu.memory_space<semaphore_mem>>)
      %dma_wait3A_401 = arith.constant 0 : i32
      %dma_wait3A_402 = arith.constant 0 : i32
      %dma_wait3A_403 = tpu.memref_slice %arg7[%run_scoped3A_22, %dma_wait3A_401, %dma_wait3A_402] : memref<2x128x128xf32, #tpu.memory_space<vmem>> -> memref<1x120x128xf32, #tpu.memory_space<vmem>>
      %dma_wait3A_404 = tpu.memref_squeeze %dma_wait3A_403 : memref<1x120x128xf32, #tpu.memory_space<vmem>> -> memref<120x128xf32, #tpu.memory_space<vmem>>
      %dma_wait3A_405 = arith.constant 0 : i32
      %dma_wait3A_406 = tpu.memref_slice %arg8[%add3A_21, %dma_wait3A_405] : memref<10112x128xf32, #tpu.memory_space<vmem_shared>> -> memref<120x128xf32, #tpu.memory_space<vmem_shared>>
      %dma_wait3A_407 = arith.constant 0 : i32
      %dma_wait3A_408 = tpu.memref_slice %arg8[%add3A_21, %dma_wait3A_407] : memref<10112x128xf32, #tpu.memory_space<vmem_shared>> -> memref<120x128xf32, #tpu.memory_space<vmem_shared>>
      %dma_wait3A_409 = arith.constant 0 : i32
      %dma_wait3A_410 = arith.constant 0 : i32
      %dma_wait3A_411 = tpu.memref_slice %arg7[%run_scoped3A_22, %dma_wait3A_409, %dma_wait3A_410] : memref<2x128x128xf32, #tpu.memory_space<vmem>> -> memref<1x120x128xf32, #tpu.memory_space<vmem>>
      %dma_wait3A_412 = tpu.memref_squeeze %dma_wait3A_411 : memref<1x120x128xf32, #tpu.memory_space<vmem>> -> memref<120x128xf32, #tpu.memory_space<vmem>>
      tpu.wait_dma2 semaphore(%run_scoped3A_388 : memref<!tpu.dma_semaphore, #tpu.memory_space<semaphore_mem>>) src(%dma_wait3A_412 : memref<120x128xf32, #tpu.memory_space<vmem>>) dst(%dma_wait3A_408 : memref<120x128xf32, #tpu.memory_space<vmem_shared>>)
      tpu.yield
    }) : () -> ()
    %barrier3A = arith.constant 0 : index
    tpu.barrier barrier_id(%barrier3A)
    %add3A_23 = arith.constant 0 : i32
    %add3A_24 = arith.addi %add3A_23, %mul3A_4 : i32
    %add3A_25 = arith.constant 0 : i32
    %add3A_26 = arith.addi %add3A_24, %add3A_25 : i32
    %run_scoped3A_27 = arith.constant 0 : i32
    "tpu.region"() ({
      %run_scoped3A_388 = tpu.sem_alloc : memref<!tpu.dma_semaphore, #tpu.memory_space<semaphore_mem>>
      %dma_start3A_389 = arith.constant 0 : i32
      %dma_start3A_390 = tpu.memref_slice %arg5[%run_scoped3A_27, %dma_start3A_389] : memref<4x128xi32, #tpu.memory_space<vmem>> -> memref<1x128xi32, #tpu.memory_space<vmem>>
      %dma_start3A_391 = tpu.memref_squeeze %dma_start3A_390 : memref<1x128xi32, #tpu.memory_space<vmem>> -> memref<128xi32, #tpu.memory_space<vmem>>
      %dma_start3A_392 = tpu.memref_slice %arg3[%add3A_26] : memref<655360xi32, #tpu.memory_space<hbm>> -> memref<128xi32, #tpu.memory_space<hbm>>
      %dma_start3A_393 = arith.constant 0 : i32
      %dma_start3A_394 = tpu.memref_slice %arg5[%run_scoped3A_27, %dma_start3A_393] : memref<4x128xi32, #tpu.memory_space<vmem>> -> memref<1x128xi32, #tpu.memory_space<vmem>>
      %dma_start3A_395 = tpu.memref_squeeze %dma_start3A_394 : memref<1x128xi32, #tpu.memory_space<vmem>> -> memref<128xi32, #tpu.memory_space<vmem>>
      %dma_start3A_396 = tpu.memref_slice %arg3[%add3A_26] : memref<655360xi32, #tpu.memory_space<hbm>> -> memref<128xi32, #tpu.memory_space<hbm>>
      tpu.enqueue_dma source(%dma_start3A_396 : memref<128xi32, #tpu.memory_space<hbm>>) target(%dma_start3A_395 : memref<128xi32, #tpu.memory_space<vmem>>) target_semaphore(%run_scoped3A_388 : memref<!tpu.dma_semaphore, #tpu.memory_space<semaphore_mem>>)
      %dma_wait3A_397 = arith.constant 0 : i32
      %dma_wait3A_398 = tpu.memref_slice %arg5[%run_scoped3A_27, %dma_wait3A_397] : memref<4x128xi32, #tpu.memory_space<vmem>> -> memref<1x128xi32, #tpu.memory_space<vmem>>
      %dma_wait3A_399 = tpu.memref_squeeze %dma_wait3A_398 : memref<1x128xi32, #tpu.memory_space<vmem>> -> memref<128xi32, #tpu.memory_space<vmem>>
      %dma_wait3A_400 = tpu.memref_slice %arg3[%add3A_26] : memref<655360xi32, #tpu.memory_space<hbm>> -> memref<128xi32, #tpu.memory_space<hbm>>
      %dma_wait3A_401 = arith.constant 0 : i32
      %dma_wait3A_402 = tpu.memref_slice %arg5[%run_scoped3A_27, %dma_wait3A_401] : memref<4x128xi32, #tpu.memory_space<vmem>> -> memref<1x128xi32, #tpu.memory_space<vmem>>
      %dma_wait3A_403 = tpu.memref_squeeze %dma_wait3A_402 : memref<1x128xi32, #tpu.memory_space<vmem>> -> memref<128xi32, #tpu.memory_space<vmem>>
      %dma_wait3A_404 = tpu.memref_slice %arg3[%add3A_26] : memref<655360xi32, #tpu.memory_space<hbm>> -> memref<128xi32, #tpu.memory_space<hbm>>
      tpu.wait_dma2 semaphore(%run_scoped3A_388 : memref<!tpu.dma_semaphore, #tpu.memory_space<semaphore_mem>>) src(%dma_wait3A_404 : memref<128xi32, #tpu.memory_space<hbm>>) dst(%dma_wait3A_403 : memref<128xi32, #tpu.memory_space<vmem>>)
      tpu.yield
    }) : () -> ()
    %add3A_28 = arith.constant 327680 : i32
    %add3A_29 = arith.addi %add3A_28, %mul3A_4 : i32
    %add3A_30 = arith.constant 0 : i32
    %add3A_31 = arith.addi %add3A_29, %add3A_30 : i32
    %run_scoped3A_32 = arith.constant 0 : i32
    "tpu.region"() ({
      %run_scoped3A_388 = tpu.sem_alloc : memref<!tpu.dma_semaphore, #tpu.memory_space<semaphore_mem>>
      %dma_start3A_389 = arith.constant 0 : i32
      %dma_start3A_390 = tpu.memref_slice %arg6[%run_scoped3A_32, %dma_start3A_389] : memref<4x128xi32, #tpu.memory_space<vmem>> -> memref<1x128xi32, #tpu.memory_space<vmem>>
      %dma_start3A_391 = tpu.memref_squeeze %dma_start3A_390 : memref<1x128xi32, #tpu.memory_space<vmem>> -> memref<128xi32, #tpu.memory_space<vmem>>
      %dma_start3A_392 = tpu.memref_slice %arg3[%add3A_31] : memref<655360xi32, #tpu.memory_space<hbm>> -> memref<128xi32, #tpu.memory_space<hbm>>
      %dma_start3A_393 = arith.constant 0 : i32
      %dma_start3A_394 = tpu.memref_slice %arg6[%run_scoped3A_32, %dma_start3A_393] : memref<4x128xi32, #tpu.memory_space<vmem>> -> memref<1x128xi32, #tpu.memory_space<vmem>>
      %dma_start3A_395 = tpu.memref_squeeze %dma_start3A_394 : memref<1x128xi32, #tpu.memory_space<vmem>> -> memref<128xi32, #tpu.memory_space<vmem>>
      %dma_start3A_396 = tpu.memref_slice %arg3[%add3A_31] : memref<655360xi32, #tpu.memory_space<hbm>> -> memref<128xi32, #tpu.memory_space<hbm>>
      tpu.enqueue_dma source(%dma_start3A_396 : memref<128xi32, #tpu.memory_space<hbm>>) target(%dma_start3A_395 : memref<128xi32, #tpu.memory_space<vmem>>) target_semaphore(%run_scoped3A_388 : memref<!tpu.dma_semaphore, #tpu.memory_space<semaphore_mem>>)
      %dma_wait3A_397 = arith.constant 0 : i32
      %dma_wait3A_398 = tpu.memref_slice %arg6[%run_scoped3A_32, %dma_wait3A_397] : memref<4x128xi32, #tpu.memory_space<vmem>> -> memref<1x128xi32, #tpu.memory_space<vmem>>
      %dma_wait3A_399 = tpu.memref_squeeze %dma_wait3A_398 : memref<1x128xi32, #tpu.memory_space<vmem>> -> memref<128xi32, #tpu.memory_space<vmem>>
      %dma_wait3A_400 = tpu.memref_slice %arg3[%add3A_31] : memref<655360xi32, #tpu.memory_space<hbm>> -> memref<128xi32, #tpu.memory_space<hbm>>
      %dma_wait3A_401 = arith.constant 0 : i32
      %dma_wait3A_402 = tpu.memref_slice %arg6[%run_scoped3A_32, %dma_wait3A_401] : memref<4x128xi32, #tpu.memory_space<vmem>> -> memref<1x128xi32, #tpu.memory_space<vmem>>
      %dma_wait3A_403 = tpu.memref_squeeze %dma_wait3A_402 : memref<1x128xi32, #tpu.memory_space<vmem>> -> memref<128xi32, #tpu.memory_space<vmem>>
      %dma_wait3A_404 = tpu.memref_slice %arg3[%add3A_31] : memref<655360xi32, #tpu.memory_space<hbm>> -> memref<128xi32, #tpu.memory_space<hbm>>
      tpu.wait_dma2 semaphore(%run_scoped3A_388 : memref<!tpu.dma_semaphore, #tpu.memory_space<semaphore_mem>>) src(%dma_wait3A_404 : memref<128xi32, #tpu.memory_space<hbm>>) dst(%dma_wait3A_403 : memref<128xi32, #tpu.memory_space<vmem>>)
      tpu.yield
    }) : () -> ()
    %dma_start3A = arith.constant 0 : i32
    %dma_start3A_33 = arith.constant 0 : i32
    %dma_start3A_34 = arith.constant 0 : i32
    %dma_start3A_35 = arith.constant 0 : i32
    %dma_start3A_36 = tpu.memref_slice %arg7[%dma_start3A_33, %dma_start3A_34, %dma_start3A_35] : memref<2x128x128xf32, #tpu.memory_space<vmem>> -> memref<1x128x128xf32, #tpu.memory_space<vmem>>
    %dma_start3A_37 = tpu.memref_squeeze %dma_start3A_36 : memref<1x128x128xf32, #tpu.memory_space<vmem>> -> memref<128x128xf32, #tpu.memory_space<vmem>>
    %dma_start3A_38 = arith.constant 0 : i32
    %dma_start3A_39 = tpu.memref_slice %arg5[%dma_start3A, %dma_start3A_38] : memref<4x128xi32, #tpu.memory_space<vmem>> -> memref<1x128xi32, #tpu.memory_space<vmem>>
    %dma_start3A_40 = tpu.memref_squeeze %dma_start3A_39 : memref<1x128xi32, #tpu.memory_space<vmem>> -> memref<128xi32, #tpu.memory_space<vmem>>
    %dma_start3A_41 = arith.constant 0 : i32
    %dma_start3A_42 = arith.constant 0 : i32
    %dma_start3A_43 = tpu.memref_slice %arg2[%dma_start3A_41, %dma_start3A_42] : memref<10112x128xf32, #tpu.memory_space<hbm>> -> memref<10112x128xf32, #tpu.memory_space<hbm>>
    tpu.enqueue_indirect_dma source(%dma_start3A_43 : memref<10112x128xf32, #tpu.memory_space<hbm>>) target(%dma_start3A_37 : memref<128x128xf32, #tpu.memory_space<vmem>>) offsets(%dma_start3A_40 : memref<128xi32, #tpu.memory_space<vmem>>) semaphore(%arg10 : memref<!tpu.dma_semaphore, #tpu.memory_space<semaphore_mem>>)
    %add3A_44 = arith.constant 0 : i32
    %add3A_45 = arith.addi %add3A_44, %mul3A_4 : i32
    %add3A_46 = arith.constant 128 : i32
    %add3A_47 = arith.addi %add3A_45, %add3A_46 : i32
    %dma_start3A_48 = arith.constant 1 : i32
    %dma_start3A_49 = arith.constant 0 : i32
    %dma_start3A_50 = tpu.memref_slice %arg5[%dma_start3A_48, %dma_start3A_49] : memref<4x128xi32, #tpu.memory_space<vmem>> -> memref<1x128xi32, #tpu.memory_space<vmem>>
    %dma_start3A_51 = tpu.memref_squeeze %dma_start3A_50 : memref<1x128xi32, #tpu.memory_space<vmem>> -> memref<128xi32, #tpu.memory_space<vmem>>
    %dma_start3A_52 = tpu.memref_slice %arg3[%add3A_47] : memref<655360xi32, #tpu.memory_space<hbm>> -> memref<128xi32, #tpu.memory_space<hbm>>
    %dma_start3A_53 = arith.constant 0 : i32
    %dma_start3A_54 = tpu.memref_slice %arg5[%dma_start3A_48, %dma_start3A_53] : memref<4x128xi32, #tpu.memory_space<vmem>> -> memref<1x128xi32, #tpu.memory_space<vmem>>
    %dma_start3A_55 = tpu.memref_squeeze %dma_start3A_54 : memref<1x128xi32, #tpu.memory_space<vmem>> -> memref<128xi32, #tpu.memory_space<vmem>>
    %dma_start3A_56 = tpu.memref_slice %arg3[%add3A_47] : memref<655360xi32, #tpu.memory_space<hbm>> -> memref<128xi32, #tpu.memory_space<hbm>>
    tpu.enqueue_dma source(%dma_start3A_56 : memref<128xi32, #tpu.memory_space<hbm>>) target(%dma_start3A_55 : memref<128xi32, #tpu.memory_space<vmem>>) target_semaphore(%arg9 : memref<!tpu.dma_semaphore, #tpu.memory_space<semaphore_mem>>)
    %add3A_57 = arith.constant 327680 : i32
    %add3A_58 = arith.addi %add3A_57, %mul3A_4 : i32
    %add3A_59 = arith.constant 128 : i32
    %add3A_60 = arith.addi %add3A_58, %add3A_59 : i32
    %dma_start3A_61 = arith.constant 1 : i32
    %dma_start3A_62 = arith.constant 0 : i32
    %dma_start3A_63 = tpu.memref_slice %arg6[%dma_start3A_61, %dma_start3A_62] : memref<4x128xi32, #tpu.memory_space<vmem>> -> memref<1x128xi32, #tpu.memory_space<vmem>>
    %dma_start3A_64 = tpu.memref_squeeze %dma_start3A_63 : memref<1x128xi32, #tpu.memory_space<vmem>> -> memref<128xi32, #tpu.memory_space<vmem>>
    %dma_start3A_65 = tpu.memref_slice %arg3[%add3A_60] : memref<655360xi32, #tpu.memory_space<hbm>> -> memref<128xi32, #tpu.memory_space<hbm>>
    %dma_start3A_66 = arith.constant 0 : i32
    %dma_start3A_67 = tpu.memref_slice %arg6[%dma_start3A_61, %dma_start3A_66] : memref<4x128xi32, #tpu.memory_space<vmem>> -> memref<1x128xi32, #tpu.memory_space<vmem>>
    %dma_start3A_68 = tpu.memref_squeeze %dma_start3A_67 : memref<1x128xi32, #tpu.memory_space<vmem>> -> memref<128xi32, #tpu.memory_space<vmem>>
    %dma_start3A_69 = tpu.memref_slice %arg3[%add3A_60] : memref<655360xi32, #tpu.memory_space<hbm>> -> memref<128xi32, #tpu.memory_space<hbm>>
    tpu.enqueue_dma source(%dma_start3A_69 : memref<128xi32, #tpu.memory_space<hbm>>) target(%dma_start3A_68 : memref<128xi32, #tpu.memory_space<vmem>>) target_semaphore(%arg9 : memref<!tpu.dma_semaphore, #tpu.memory_space<semaphore_mem>>)
    %add3A_70 = arith.constant 0 : i32
    %add3A_71 = arith.addi %add3A_70, %mul3A_4 : i32
    %add3A_72 = arith.constant 128 : i32
    %add3A_73 = arith.addi %add3A_71, %add3A_72 : i32
    %dma_wait3A = arith.constant 1 : i32
    %dma_wait3A_74 = arith.constant 0 : i32
    %dma_wait3A_75 = tpu.memref_slice %arg5[%dma_wait3A, %dma_wait3A_74] : memref<4x128xi32, #tpu.memory_space<vmem>> -> memref<1x128xi32, #tpu.memory_space<vmem>>
    %dma_wait3A_76 = tpu.memref_squeeze %dma_wait3A_75 : memref<1x128xi32, #tpu.memory_space<vmem>> -> memref<128xi32, #tpu.memory_space<vmem>>
    %dma_wait3A_77 = tpu.memref_slice %arg3[%add3A_73] : memref<655360xi32, #tpu.memory_space<hbm>> -> memref<128xi32, #tpu.memory_space<hbm>>
    %dma_wait3A_78 = arith.constant 0 : i32
    %dma_wait3A_79 = tpu.memref_slice %arg5[%dma_wait3A, %dma_wait3A_78] : memref<4x128xi32, #tpu.memory_space<vmem>> -> memref<1x128xi32, #tpu.memory_space<vmem>>
    %dma_wait3A_80 = tpu.memref_squeeze %dma_wait3A_79 : memref<1x128xi32, #tpu.memory_space<vmem>> -> memref<128xi32, #tpu.memory_space<vmem>>
    %dma_wait3A_81 = tpu.memref_slice %arg3[%add3A_73] : memref<655360xi32, #tpu.memory_space<hbm>> -> memref<128xi32, #tpu.memory_space<hbm>>
    tpu.wait_dma2 semaphore(%arg9 : memref<!tpu.dma_semaphore, #tpu.memory_space<semaphore_mem>>) src(%dma_wait3A_81 : memref<128xi32, #tpu.memory_space<hbm>>) dst(%dma_wait3A_80 : memref<128xi32, #tpu.memory_space<vmem>>)
    %add3A_82 = arith.constant 327680 : i32
    %add3A_83 = arith.addi %add3A_82, %mul3A_4 : i32
    %add3A_84 = arith.constant 128 : i32
    %add3A_85 = arith.addi %add3A_83, %add3A_84 : i32
    %dma_wait3A_86 = arith.constant 1 : i32
    %dma_wait3A_87 = arith.constant 0 : i32
    %dma_wait3A_88 = tpu.memref_slice %arg6[%dma_wait3A_86, %dma_wait3A_87] : memref<4x128xi32, #tpu.memory_space<vmem>> -> memref<1x128xi32, #tpu.memory_space<vmem>>
    %dma_wait3A_89 = tpu.memref_squeeze %dma_wait3A_88 : memref<1x128xi32, #tpu.memory_space<vmem>> -> memref<128xi32, #tpu.memory_space<vmem>>
    %dma_wait3A_90 = tpu.memref_slice %arg3[%add3A_85] : memref<655360xi32, #tpu.memory_space<hbm>> -> memref<128xi32, #tpu.memory_space<hbm>>
    %dma_wait3A_91 = arith.constant 0 : i32
    %dma_wait3A_92 = tpu.memref_slice %arg6[%dma_wait3A_86, %dma_wait3A_91] : memref<4x128xi32, #tpu.memory_space<vmem>> -> memref<1x128xi32, #tpu.memory_space<vmem>>
    %dma_wait3A_93 = tpu.memref_squeeze %dma_wait3A_92 : memref<1x128xi32, #tpu.memory_space<vmem>> -> memref<128xi32, #tpu.memory_space<vmem>>
    %dma_wait3A_94 = tpu.memref_slice %arg3[%add3A_85] : memref<655360xi32, #tpu.memory_space<hbm>> -> memref<128xi32, #tpu.memory_space<hbm>>
    tpu.wait_dma2 semaphore(%arg9 : memref<!tpu.dma_semaphore, #tpu.memory_space<semaphore_mem>>) src(%dma_wait3A_94 : memref<128xi32, #tpu.memory_space<hbm>>) dst(%dma_wait3A_93 : memref<128xi32, #tpu.memory_space<vmem>>)
    %dma_start3A_95 = arith.constant 1 : i32
    %dma_start3A_96 = arith.constant 1 : i32
    %dma_start3A_97 = arith.constant 0 : i32
    %dma_start3A_98 = arith.constant 0 : i32
    %dma_start3A_99 = tpu.memref_slice %arg7[%dma_start3A_96, %dma_start3A_97, %dma_start3A_98] : memref<2x128x128xf32, #tpu.memory_space<vmem>> -> memref<1x128x128xf32, #tpu.memory_space<vmem>>
    %dma_start3A_100 = tpu.memref_squeeze %dma_start3A_99 : memref<1x128x128xf32, #tpu.memory_space<vmem>> -> memref<128x128xf32, #tpu.memory_space<vmem>>
    %dma_start3A_101 = arith.constant 0 : i32
    %dma_start3A_102 = tpu.memref_slice %arg5[%dma_start3A_95, %dma_start3A_101] : memref<4x128xi32, #tpu.memory_space<vmem>> -> memref<1x128xi32, #tpu.memory_space<vmem>>
    %dma_start3A_103 = tpu.memref_squeeze %dma_start3A_102 : memref<1x128xi32, #tpu.memory_space<vmem>> -> memref<128xi32, #tpu.memory_space<vmem>>
    %dma_start3A_104 = arith.constant 0 : i32
    %dma_start3A_105 = arith.constant 0 : i32
    %dma_start3A_106 = tpu.memref_slice %arg2[%dma_start3A_104, %dma_start3A_105] : memref<10112x128xf32, #tpu.memory_space<hbm>> -> memref<10112x128xf32, #tpu.memory_space<hbm>>
    tpu.enqueue_indirect_dma source(%dma_start3A_106 : memref<10112x128xf32, #tpu.memory_space<hbm>>) target(%dma_start3A_100 : memref<128x128xf32, #tpu.memory_space<vmem>>) offsets(%dma_start3A_103 : memref<128xi32, #tpu.memory_space<vmem>>) semaphore(%arg10 : memref<!tpu.dma_semaphore, #tpu.memory_space<semaphore_mem>>)
    %dma_wait3A_107 = arith.constant 0 : i32
    %dma_wait3A_108 = arith.constant 0 : i32
    %dma_wait3A_109 = arith.constant 0 : i32
    %dma_wait3A_110 = arith.constant 0 : i32
    %dma_wait3A_111 = tpu.memref_slice %arg7[%dma_wait3A_108, %dma_wait3A_109, %dma_wait3A_110] : memref<2x128x128xf32, #tpu.memory_space<vmem>> -> memref<1x128x128xf32, #tpu.memory_space<vmem>>
    %dma_wait3A_112 = tpu.memref_squeeze %dma_wait3A_111 : memref<1x128x128xf32, #tpu.memory_space<vmem>> -> memref<128x128xf32, #tpu.memory_space<vmem>>
    %dma_wait3A_113 = arith.constant 0 : i32
    %dma_wait3A_114 = tpu.memref_slice %arg5[%dma_wait3A_107, %dma_wait3A_113] : memref<4x128xi32, #tpu.memory_space<vmem>> -> memref<1x128xi32, #tpu.memory_space<vmem>>
    %dma_wait3A_115 = tpu.memref_squeeze %dma_wait3A_114 : memref<1x128xi32, #tpu.memory_space<vmem>> -> memref<128xi32, #tpu.memory_space<vmem>>
    %dma_wait3A_116 = arith.constant 0 : i32
    %dma_wait3A_117 = arith.constant 0 : i32
    %dma_wait3A_118 = tpu.memref_slice %arg2[%dma_wait3A_116, %dma_wait3A_117] : memref<10112x128xf32, #tpu.memory_space<hbm>> -> memref<10112x128xf32, #tpu.memory_space<hbm>>
    tpu.wait_indirect_dma semaphore(%arg10 : memref<!tpu.dma_semaphore, #tpu.memory_space<semaphore_mem>>) src(%dma_wait3A_118 : memref<10112x128xf32, #tpu.memory_space<hbm>>) dst(%dma_wait3A_112 : memref<128x128xf32, #tpu.memory_space<vmem>>)
    %dma_start3A_119 = arith.constant 0 : i32
    %dma_start3A_120 = arith.constant 0 : i32
    %dma_start3A_121 = arith.constant 0 : i32
    %dma_start3A_122 = arith.constant 0 : i32
    %dma_start3A_123 = tpu.memref_slice %arg7[%dma_start3A_119, %dma_start3A_121, %dma_start3A_122] : memref<2x128x128xf32, #tpu.memory_space<vmem>> -> memref<1x128x128xf32, #tpu.memory_space<vmem>>
    %dma_start3A_124 = tpu.memref_squeeze %dma_start3A_123 : memref<1x128x128xf32, #tpu.memory_space<vmem>> -> memref<128x128xf32, #tpu.memory_space<vmem>>
    %dma_start3A_125 = arith.constant 0 : i32
    %dma_start3A_126 = tpu.memref_slice %arg6[%dma_start3A_120, %dma_start3A_125] : memref<4x128xi32, #tpu.memory_space<vmem>> -> memref<1x128xi32, #tpu.memory_space<vmem>>
    %dma_start3A_127 = tpu.memref_squeeze %dma_start3A_126 : memref<1x128xi32, #tpu.memory_space<vmem>> -> memref<128xi32, #tpu.memory_space<vmem>>
    %dma_start3A_128 = arith.constant 0 : i32
    %dma_start3A_129 = arith.constant 0 : i32
    %dma_start3A_130 = tpu.memref_slice %arg8[%dma_start3A_128, %dma_start3A_129] : memref<10112x128xf32, #tpu.memory_space<vmem_shared>> -> memref<10112x128xf32, #tpu.memory_space<vmem_shared>>
    tpu.enqueue_indirect_dma source(%dma_start3A_124 : memref<128x128xf32, #tpu.memory_space<vmem>>) target(%dma_start3A_130 : memref<10112x128xf32, #tpu.memory_space<vmem_shared>>) offsets(%dma_start3A_127 : memref<128xi32, #tpu.memory_space<vmem>>) semaphore(%arg11 : memref<!tpu.dma_semaphore, #tpu.memory_space<semaphore_mem>>) {add = true}
    %add3A_131 = arith.constant 0 : i32
    %add3A_132 = arith.addi %add3A_131, %mul3A_4 : i32
    %add3A_133 = arith.constant 256 : i32
    %add3A_134 = arith.addi %add3A_132, %add3A_133 : i32
    %dma_start3A_135 = arith.constant 2 : i32
    %dma_start3A_136 = arith.constant 0 : i32
    %dma_start3A_137 = tpu.memref_slice %arg5[%dma_start3A_135, %dma_start3A_136] : memref<4x128xi32, #tpu.memory_space<vmem>> -> memref<1x128xi32, #tpu.memory_space<vmem>>
    %dma_start3A_138 = tpu.memref_squeeze %dma_start3A_137 : memref<1x128xi32, #tpu.memory_space<vmem>> -> memref<128xi32, #tpu.memory_space<vmem>>
    %dma_start3A_139 = tpu.memref_slice %arg3[%add3A_134] : memref<655360xi32, #tpu.memory_space<hbm>> -> memref<128xi32, #tpu.memory_space<hbm>>
    %dma_start3A_140 = arith.constant 0 : i32
    %dma_start3A_141 = tpu.memref_slice %arg5[%dma_start3A_135, %dma_start3A_140] : memref<4x128xi32, #tpu.memory_space<vmem>> -> memref<1x128xi32, #tpu.memory_space<vmem>>
    %dma_start3A_142 = tpu.memref_squeeze %dma_start3A_141 : memref<1x128xi32, #tpu.memory_space<vmem>> -> memref<128xi32, #tpu.memory_space<vmem>>
    %dma_start3A_143 = tpu.memref_slice %arg3[%add3A_134] : memref<655360xi32, #tpu.memory_space<hbm>> -> memref<128xi32, #tpu.memory_space<hbm>>
    tpu.enqueue_dma source(%dma_start3A_143 : memref<128xi32, #tpu.memory_space<hbm>>) target(%dma_start3A_142 : memref<128xi32, #tpu.memory_space<vmem>>) target_semaphore(%arg9 : memref<!tpu.dma_semaphore, #tpu.memory_space<semaphore_mem>>)
    %add3A_144 = arith.constant 327680 : i32
    %add3A_145 = arith.addi %add3A_144, %mul3A_4 : i32
    %add3A_146 = arith.constant 256 : i32
    %add3A_147 = arith.addi %add3A_145, %add3A_146 : i32
    %dma_start3A_148 = arith.constant 2 : i32
    %dma_start3A_149 = arith.constant 0 : i32
    %dma_start3A_150 = tpu.memref_slice %arg6[%dma_start3A_148, %dma_start3A_149] : memref<4x128xi32, #tpu.memory_space<vmem>> -> memref<1x128xi32, #tpu.memory_space<vmem>>
    %dma_start3A_151 = tpu.memref_squeeze %dma_start3A_150 : memref<1x128xi32, #tpu.memory_space<vmem>> -> memref<128xi32, #tpu.memory_space<vmem>>
    %dma_start3A_152 = tpu.memref_slice %arg3[%add3A_147] : memref<655360xi32, #tpu.memory_space<hbm>> -> memref<128xi32, #tpu.memory_space<hbm>>
    %dma_start3A_153 = arith.constant 0 : i32
    %dma_start3A_154 = tpu.memref_slice %arg6[%dma_start3A_148, %dma_start3A_153] : memref<4x128xi32, #tpu.memory_space<vmem>> -> memref<1x128xi32, #tpu.memory_space<vmem>>
    %dma_start3A_155 = tpu.memref_squeeze %dma_start3A_154 : memref<1x128xi32, #tpu.memory_space<vmem>> -> memref<128xi32, #tpu.memory_space<vmem>>
    %dma_start3A_156 = tpu.memref_slice %arg3[%add3A_147] : memref<655360xi32, #tpu.memory_space<hbm>> -> memref<128xi32, #tpu.memory_space<hbm>>
    tpu.enqueue_dma source(%dma_start3A_156 : memref<128xi32, #tpu.memory_space<hbm>>) target(%dma_start3A_155 : memref<128xi32, #tpu.memory_space<vmem>>) target_semaphore(%arg9 : memref<!tpu.dma_semaphore, #tpu.memory_space<semaphore_mem>>)
    %scan3A_157 = arith.constant 0 : i32
    %scan3A_158 = arith.constant 19 : i32
    %scan3A_159 = arith.addi %scan3A_157, %scan3A_158 : i32
    %scan3A_160 = arith.constant 1 : i32
    scf.for %scan3A_388 = %scan3A_157 to %scan3A_159 step %scan3A_160  : i32 {
      %mul3A_389 = arith.constant 4 : i32
      %mul3A_390 = arith.muli %mul3A_389, %scan3A_388 : i32
      %add3A_391 = arith.constant 1 : i32
      %add3A_392 = arith.addi %mul3A_390, %add3A_391 : i32
      %add3A_393 = arith.constant 0 : i32
      %add3A_394 = arith.addi %add3A_392, %add3A_393 : i32
      %add3A_395 = arith.constant 1 : i32
      %add3A_396 = arith.addi %add3A_394, %add3A_395 : i32
      %add3A_397 = arith.constant 0 : i32
      %add3A_398 = arith.addi %add3A_397, %mul3A_4 : i32
      %mul3A_399 = arith.constant 128 : i32
      %mul3A_400 = arith.muli %add3A_396, %mul3A_399 : i32
      %add3A_401 = arith.addi %add3A_398, %mul3A_400 : i32
      %dma_wait3A_402 = arith.constant 2 : i32
      %dma_wait3A_403 = arith.constant 0 : i32
      %dma_wait3A_404 = tpu.memref_slice %arg5[%dma_wait3A_402, %dma_wait3A_403] : memref<4x128xi32, #tpu.memory_space<vmem>> -> memref<1x128xi32, #tpu.memory_space<vmem>>
      %dma_wait3A_405 = tpu.memref_squeeze %dma_wait3A_404 : memref<1x128xi32, #tpu.memory_space<vmem>> -> memref<128xi32, #tpu.memory_space<vmem>>
      %dma_wait3A_406 = tpu.memref_slice %arg3[%add3A_401] : memref<655360xi32, #tpu.memory_space<hbm>> -> memref<128xi32, #tpu.memory_space<hbm>>
      %dma_wait3A_407 = arith.constant 0 : i32
      %dma_wait3A_408 = tpu.memref_slice %arg5[%dma_wait3A_402, %dma_wait3A_407] : memref<4x128xi32, #tpu.memory_space<vmem>> -> memref<1x128xi32, #tpu.memory_space<vmem>>
      %dma_wait3A_409 = tpu.memref_squeeze %dma_wait3A_408 : memref<1x128xi32, #tpu.memory_space<vmem>> -> memref<128xi32, #tpu.memory_space<vmem>>
      %dma_wait3A_410 = tpu.memref_slice %arg3[%add3A_401] : memref<655360xi32, #tpu.memory_space<hbm>> -> memref<128xi32, #tpu.memory_space<hbm>>
      tpu.wait_dma2 semaphore(%arg9 : memref<!tpu.dma_semaphore, #tpu.memory_space<semaphore_mem>>) src(%dma_wait3A_410 : memref<128xi32, #tpu.memory_space<hbm>>) dst(%dma_wait3A_409 : memref<128xi32, #tpu.memory_space<vmem>>)
      %add3A_411 = arith.constant 327680 : i32
      %add3A_412 = arith.addi %add3A_411, %mul3A_4 : i32
      %mul3A_413 = arith.constant 128 : i32
      %mul3A_414 = arith.muli %add3A_396, %mul3A_413 : i32
      %add3A_415 = arith.addi %add3A_412, %mul3A_414 : i32
      %dma_wait3A_416 = arith.constant 2 : i32
      %dma_wait3A_417 = arith.constant 0 : i32
      %dma_wait3A_418 = tpu.memref_slice %arg6[%dma_wait3A_416, %dma_wait3A_417] : memref<4x128xi32, #tpu.memory_space<vmem>> -> memref<1x128xi32, #tpu.memory_space<vmem>>
      %dma_wait3A_419 = tpu.memref_squeeze %dma_wait3A_418 : memref<1x128xi32, #tpu.memory_space<vmem>> -> memref<128xi32, #tpu.memory_space<vmem>>
      %dma_wait3A_420 = tpu.memref_slice %arg3[%add3A_415] : memref<655360xi32, #tpu.memory_space<hbm>> -> memref<128xi32, #tpu.memory_space<hbm>>
      %dma_wait3A_421 = arith.constant 0 : i32
      %dma_wait3A_422 = tpu.memref_slice %arg6[%dma_wait3A_416, %dma_wait3A_421] : memref<4x128xi32, #tpu.memory_space<vmem>> -> memref<1x128xi32, #tpu.memory_space<vmem>>
      %dma_wait3A_423 = tpu.memref_squeeze %dma_wait3A_422 : memref<1x128xi32, #tpu.memory_space<vmem>> -> memref<128xi32, #tpu.memory_space<vmem>>
      %dma_wait3A_424 = tpu.memref_slice %arg3[%add3A_415] : memref<655360xi32, #tpu.memory_space<hbm>> -> memref<128xi32, #tpu.memory_space<hbm>>
      tpu.wait_dma2 semaphore(%arg9 : memref<!tpu.dma_semaphore, #tpu.memory_space<semaphore_mem>>) src(%dma_wait3A_424 : memref<128xi32, #tpu.memory_space<hbm>>) dst(%dma_wait3A_423 : memref<128xi32, #tpu.memory_space<vmem>>)
      %sub3A = arith.constant 1 : i32
      %sub3A_425 = arith.subi %add3A_394, %sub3A : i32
      %dma_wait3A_426 = arith.constant 0 : i32
      %dma_wait3A_427 = arith.constant 0 : i32
      %dma_wait3A_428 = arith.constant 0 : i32
      %dma_wait3A_429 = arith.constant 0 : i32
      %dma_wait3A_430 = tpu.memref_slice %arg7[%dma_wait3A_426, %dma_wait3A_428, %dma_wait3A_429] : memref<2x128x128xf32, #tpu.memory_space<vmem>> -> memref<1x128x128xf32, #tpu.memory_space<vmem>>
      %dma_wait3A_431 = tpu.memref_squeeze %dma_wait3A_430 : memref<1x128x128xf32, #tpu.memory_space<vmem>> -> memref<128x128xf32, #tpu.memory_space<vmem>>
      %dma_wait3A_432 = arith.constant 0 : i32
      %dma_wait3A_433 = tpu.memref_slice %arg6[%dma_wait3A_427, %dma_wait3A_432] : memref<4x128xi32, #tpu.memory_space<vmem>> -> memref<1x128xi32, #tpu.memory_space<vmem>>
      %dma_wait3A_434 = tpu.memref_squeeze %dma_wait3A_433 : memref<1x128xi32, #tpu.memory_space<vmem>> -> memref<128xi32, #tpu.memory_space<vmem>>
      %dma_wait3A_435 = arith.constant 0 : i32
      %dma_wait3A_436 = arith.constant 0 : i32
      %dma_wait3A_437 = tpu.memref_slice %arg8[%dma_wait3A_435, %dma_wait3A_436] : memref<10112x128xf32, #tpu.memory_space<vmem_shared>> -> memref<10112x128xf32, #tpu.memory_space<vmem_shared>>
      tpu.wait_indirect_dma semaphore(%arg11 : memref<!tpu.dma_semaphore, #tpu.memory_space<semaphore_mem>>) src(%dma_wait3A_431 : memref<128x128xf32, #tpu.memory_space<vmem>>) dst(%dma_wait3A_437 : memref<10112x128xf32, #tpu.memory_space<vmem_shared>>)
      %add3A_438 = arith.constant 1 : i32
      %add3A_439 = arith.addi %add3A_394, %add3A_438 : i32
      %dma_start3A_440 = arith.constant 2 : i32
      %dma_start3A_441 = arith.constant 0 : i32
      %dma_start3A_442 = arith.constant 0 : i32
      %dma_start3A_443 = arith.constant 0 : i32
      %dma_start3A_444 = tpu.memref_slice %arg7[%dma_start3A_441, %dma_start3A_442, %dma_start3A_443] : memref<2x128x128xf32, #tpu.memory_space<vmem>> -> memref<1x128x128xf32, #tpu.memory_space<vmem>>
      %dma_start3A_445 = tpu.memref_squeeze %dma_start3A_444 : memref<1x128x128xf32, #tpu.memory_space<vmem>> -> memref<128x128xf32, #tpu.memory_space<vmem>>
      %dma_start3A_446 = arith.constant 0 : i32
      %dma_start3A_447 = tpu.memref_slice %arg5[%dma_start3A_440, %dma_start3A_446] : memref<4x128xi32, #tpu.memory_space<vmem>> -> memref<1x128xi32, #tpu.memory_space<vmem>>
      %dma_start3A_448 = tpu.memref_squeeze %dma_start3A_447 : memref<1x128xi32, #tpu.memory_space<vmem>> -> memref<128xi32, #tpu.memory_space<vmem>>
      %dma_start3A_449 = arith.constant 0 : i32
      %dma_start3A_450 = arith.constant 0 : i32
      %dma_start3A_451 = tpu.memref_slice %arg2[%dma_start3A_449, %dma_start3A_450] : memref<10112x128xf32, #tpu.memory_space<hbm>> -> memref<10112x128xf32, #tpu.memory_space<hbm>>
      tpu.enqueue_indirect_dma source(%dma_start3A_451 : memref<10112x128xf32, #tpu.memory_space<hbm>>) target(%dma_start3A_445 : memref<128x128xf32, #tpu.memory_space<vmem>>) offsets(%dma_start3A_448 : memref<128xi32, #tpu.memory_space<vmem>>) semaphore(%arg10 : memref<!tpu.dma_semaphore, #tpu.memory_space<semaphore_mem>>)
      %dma_wait3A_452 = arith.constant 1 : i32
      %dma_wait3A_453 = arith.constant 1 : i32
      %dma_wait3A_454 = arith.constant 0 : i32
      %dma_wait3A_455 = arith.constant 0 : i32
      %dma_wait3A_456 = tpu.memref_slice %arg7[%dma_wait3A_453, %dma_wait3A_454, %dma_wait3A_455] : memref<2x128x128xf32, #tpu.memory_space<vmem>> -> memref<1x128x128xf32, #tpu.memory_space<vmem>>
      %dma_wait3A_457 = tpu.memref_squeeze %dma_wait3A_456 : memref<1x128x128xf32, #tpu.memory_space<vmem>> -> memref<128x128xf32, #tpu.memory_space<vmem>>
      %dma_wait3A_458 = arith.constant 0 : i32
      %dma_wait3A_459 = tpu.memref_slice %arg5[%dma_wait3A_452, %dma_wait3A_458] : memref<4x128xi32, #tpu.memory_space<vmem>> -> memref<1x128xi32, #tpu.memory_space<vmem>>
      %dma_wait3A_460 = tpu.memref_squeeze %dma_wait3A_459 : memref<1x128xi32, #tpu.memory_space<vmem>> -> memref<128xi32, #tpu.memory_space<vmem>>
      %dma_wait3A_461 = arith.constant 0 : i32
      %dma_wait3A_462 = arith.constant 0 : i32
      %dma_wait3A_463 = tpu.memref_slice %arg2[%dma_wait3A_461, %dma_wait3A_462] : memref<10112x128xf32, #tpu.memory_space<hbm>> -> memref<10112x128xf32, #tpu.memory_space<hbm>>
      tpu.wait_indirect_dma semaphore(%arg10 : memref<!tpu.dma_semaphore, #tpu.memory_space<semaphore_mem>>) src(%dma_wait3A_463 : memref<10112x128xf32, #tpu.memory_space<hbm>>) dst(%dma_wait3A_457 : memref<128x128xf32, #tpu.memory_space<vmem>>)
      %dma_start3A_464 = arith.constant 1 : i32
      %dma_start3A_465 = arith.constant 1 : i32
      %dma_start3A_466 = arith.constant 0 : i32
      %dma_start3A_467 = arith.constant 0 : i32
      %dma_start3A_468 = tpu.memref_slice %arg7[%dma_start3A_464, %dma_start3A_466, %dma_start3A_467] : memref<2x128x128xf32, #tpu.memory_space<vmem>> -> memref<1x128x128xf32, #tpu.memory_space<vmem>>
      %dma_start3A_469 = tpu.memref_squeeze %dma_start3A_468 : memref<1x128x128xf32, #tpu.memory_space<vmem>> -> memref<128x128xf32, #tpu.memory_space<vmem>>
      %dma_start3A_470 = arith.constant 0 : i32
      %dma_start3A_471 = tpu.memref_slice %arg6[%dma_start3A_465, %dma_start3A_470] : memref<4x128xi32, #tpu.memory_space<vmem>> -> memref<1x128xi32, #tpu.memory_space<vmem>>
      %dma_start3A_472 = tpu.memref_squeeze %dma_start3A_471 : memref<1x128xi32, #tpu.memory_space<vmem>> -> memref<128xi32, #tpu.memory_space<vmem>>
      %dma_start3A_473 = arith.constant 0 : i32
      %dma_start3A_474 = arith.constant 0 : i32
      %dma_start3A_475 = tpu.memref_slice %arg8[%dma_start3A_473, %dma_start3A_474] : memref<10112x128xf32, #tpu.memory_space<vmem_shared>> -> memref<10112x128xf32, #tpu.memory_space<vmem_shared>>
      tpu.enqueue_indirect_dma source(%dma_start3A_469 : memref<128x128xf32, #tpu.memory_space<vmem>>) target(%dma_start3A_475 : memref<10112x128xf32, #tpu.memory_space<vmem_shared>>) offsets(%dma_start3A_472 : memref<128xi32, #tpu.memory_space<vmem>>) semaphore(%arg11 : memref<!tpu.dma_semaphore, #tpu.memory_space<semaphore_mem>>) {add = true}
      %add3A_476 = arith.constant 2 : i32
      %add3A_477 = arith.addi %add3A_394, %add3A_476 : i32
      %add3A_478 = arith.constant 0 : i32
      %add3A_479 = arith.addi %add3A_478, %mul3A_4 : i32
      %mul3A_480 = arith.constant 128 : i32
      %mul3A_481 = arith.muli %add3A_477, %mul3A_480 : i32
      %add3A_482 = arith.addi %add3A_479, %mul3A_481 : i32
      %dma_start3A_483 = arith.constant 3 : i32
      %dma_start3A_484 = arith.constant 0 : i32
      %dma_start3A_485 = tpu.memref_slice %arg5[%dma_start3A_483, %dma_start3A_484] : memref<4x128xi32, #tpu.memory_space<vmem>> -> memref<1x128xi32, #tpu.memory_space<vmem>>
      %dma_start3A_486 = tpu.memref_squeeze %dma_start3A_485 : memref<1x128xi32, #tpu.memory_space<vmem>> -> memref<128xi32, #tpu.memory_space<vmem>>
      %dma_start3A_487 = tpu.memref_slice %arg3[%add3A_482] : memref<655360xi32, #tpu.memory_space<hbm>> -> memref<128xi32, #tpu.memory_space<hbm>>
      %dma_start3A_488 = arith.constant 0 : i32
      %dma_start3A_489 = tpu.memref_slice %arg5[%dma_start3A_483, %dma_start3A_488] : memref<4x128xi32, #tpu.memory_space<vmem>> -> memref<1x128xi32, #tpu.memory_space<vmem>>
      %dma_start3A_490 = tpu.memref_squeeze %dma_start3A_489 : memref<1x128xi32, #tpu.memory_space<vmem>> -> memref<128xi32, #tpu.memory_space<vmem>>
      %dma_start3A_491 = tpu.memref_slice %arg3[%add3A_482] : memref<655360xi32, #tpu.memory_space<hbm>> -> memref<128xi32, #tpu.memory_space<hbm>>
      tpu.enqueue_dma source(%dma_start3A_491 : memref<128xi32, #tpu.memory_space<hbm>>) target(%dma_start3A_490 : memref<128xi32, #tpu.memory_space<vmem>>) target_semaphore(%arg9 : memref<!tpu.dma_semaphore, #tpu.memory_space<semaphore_mem>>)
      %add3A_492 = arith.constant 327680 : i32
      %add3A_493 = arith.addi %add3A_492, %mul3A_4 : i32
      %mul3A_494 = arith.constant 128 : i32
      %mul3A_495 = arith.muli %add3A_477, %mul3A_494 : i32
      %add3A_496 = arith.addi %add3A_493, %mul3A_495 : i32
      %dma_start3A_497 = arith.constant 3 : i32
      %dma_start3A_498 = arith.constant 0 : i32
      %dma_start3A_499 = tpu.memref_slice %arg6[%dma_start3A_497, %dma_start3A_498] : memref<4x128xi32, #tpu.memory_space<vmem>> -> memref<1x128xi32, #tpu.memory_space<vmem>>
      %dma_start3A_500 = tpu.memref_squeeze %dma_start3A_499 : memref<1x128xi32, #tpu.memory_space<vmem>> -> memref<128xi32, #tpu.memory_space<vmem>>
      %dma_start3A_501 = tpu.memref_slice %arg3[%add3A_496] : memref<655360xi32, #tpu.memory_space<hbm>> -> memref<128xi32, #tpu.memory_space<hbm>>
      %dma_start3A_502 = arith.constant 0 : i32
      %dma_start3A_503 = tpu.memref_slice %arg6[%dma_start3A_497, %dma_start3A_502] : memref<4x128xi32, #tpu.memory_space<vmem>> -> memref<1x128xi32, #tpu.memory_space<vmem>>
      %dma_start3A_504 = tpu.memref_squeeze %dma_start3A_503 : memref<1x128xi32, #tpu.memory_space<vmem>> -> memref<128xi32, #tpu.memory_space<vmem>>
      %dma_start3A_505 = tpu.memref_slice %arg3[%add3A_496] : memref<655360xi32, #tpu.memory_space<hbm>> -> memref<128xi32, #tpu.memory_space<hbm>>
      tpu.enqueue_dma source(%dma_start3A_505 : memref<128xi32, #tpu.memory_space<hbm>>) target(%dma_start3A_504 : memref<128xi32, #tpu.memory_space<vmem>>) target_semaphore(%arg9 : memref<!tpu.dma_semaphore, #tpu.memory_space<semaphore_mem>>)
      %mul3A_506 = arith.constant 4 : i32
      %mul3A_507 = arith.muli %mul3A_506, %scan3A_388 : i32
      %add3A_508 = arith.constant 1 : i32
      %add3A_509 = arith.addi %mul3A_507, %add3A_508 : i32
      %add3A_510 = arith.constant 1 : i32
      %add3A_511 = arith.addi %add3A_509, %add3A_510 : i32
      %add3A_512 = arith.constant 1 : i32
      %add3A_513 = arith.addi %add3A_511, %add3A_512 : i32
      %add3A_514 = arith.constant 0 : i32
      %add3A_515 = arith.addi %add3A_514, %mul3A_4 : i32
      %mul3A_516 = arith.constant 128 : i32
      %mul3A_517 = arith.muli %add3A_513, %mul3A_516 : i32
      %add3A_518 = arith.addi %add3A_515, %mul3A_517 : i32
      %dma_wait3A_519 = arith.constant 3 : i32
      %dma_wait3A_520 = arith.constant 0 : i32
      %dma_wait3A_521 = tpu.memref_slice %arg5[%dma_wait3A_519, %dma_wait3A_520] : memref<4x128xi32, #tpu.memory_space<vmem>> -> memref<1x128xi32, #tpu.memory_space<vmem>>
      %dma_wait3A_522 = tpu.memref_squeeze %dma_wait3A_521 : memref<1x128xi32, #tpu.memory_space<vmem>> -> memref<128xi32, #tpu.memory_space<vmem>>
      %dma_wait3A_523 = tpu.memref_slice %arg3[%add3A_518] : memref<655360xi32, #tpu.memory_space<hbm>> -> memref<128xi32, #tpu.memory_space<hbm>>
      %dma_wait3A_524 = arith.constant 0 : i32
      %dma_wait3A_525 = tpu.memref_slice %arg5[%dma_wait3A_519, %dma_wait3A_524] : memref<4x128xi32, #tpu.memory_space<vmem>> -> memref<1x128xi32, #tpu.memory_space<vmem>>
      %dma_wait3A_526 = tpu.memref_squeeze %dma_wait3A_525 : memref<1x128xi32, #tpu.memory_space<vmem>> -> memref<128xi32, #tpu.memory_space<vmem>>
      %dma_wait3A_527 = tpu.memref_slice %arg3[%add3A_518] : memref<655360xi32, #tpu.memory_space<hbm>> -> memref<128xi32, #tpu.memory_space<hbm>>
      tpu.wait_dma2 semaphore(%arg9 : memref<!tpu.dma_semaphore, #tpu.memory_space<semaphore_mem>>) src(%dma_wait3A_527 : memref<128xi32, #tpu.memory_space<hbm>>) dst(%dma_wait3A_526 : memref<128xi32, #tpu.memory_space<vmem>>)
      %add3A_528 = arith.constant 327680 : i32
      %add3A_529 = arith.addi %add3A_528, %mul3A_4 : i32
      %mul3A_530 = arith.constant 128 : i32
      %mul3A_531 = arith.muli %add3A_513, %mul3A_530 : i32
      %add3A_532 = arith.addi %add3A_529, %mul3A_531 : i32
      %dma_wait3A_533 = arith.constant 3 : i32
      %dma_wait3A_534 = arith.constant 0 : i32
      %dma_wait3A_535 = tpu.memref_slice %arg6[%dma_wait3A_533, %dma_wait3A_534] : memref<4x128xi32, #tpu.memory_space<vmem>> -> memref<1x128xi32, #tpu.memory_space<vmem>>
      %dma_wait3A_536 = tpu.memref_squeeze %dma_wait3A_535 : memref<1x128xi32, #tpu.memory_space<vmem>> -> memref<128xi32, #tpu.memory_space<vmem>>
      %dma_wait3A_537 = tpu.memref_slice %arg3[%add3A_532] : memref<655360xi32, #tpu.memory_space<hbm>> -> memref<128xi32, #tpu.memory_space<hbm>>
      %dma_wait3A_538 = arith.constant 0 : i32
      %dma_wait3A_539 = tpu.memref_slice %arg6[%dma_wait3A_533, %dma_wait3A_538] : memref<4x128xi32, #tpu.memory_space<vmem>> -> memref<1x128xi32, #tpu.memory_space<vmem>>
      %dma_wait3A_540 = tpu.memref_squeeze %dma_wait3A_539 : memref<1x128xi32, #tpu.memory_space<vmem>> -> memref<128xi32, #tpu.memory_space<vmem>>
      %dma_wait3A_541 = tpu.memref_slice %arg3[%add3A_532] : memref<655360xi32, #tpu.memory_space<hbm>> -> memref<128xi32, #tpu.memory_space<hbm>>
      tpu.wait_dma2 semaphore(%arg9 : memref<!tpu.dma_semaphore, #tpu.memory_space<semaphore_mem>>) src(%dma_wait3A_541 : memref<128xi32, #tpu.memory_space<hbm>>) dst(%dma_wait3A_540 : memref<128xi32, #tpu.memory_space<vmem>>)
      %sub3A_542 = arith.constant 1 : i32
      %sub3A_543 = arith.subi %add3A_511, %sub3A_542 : i32
      %dma_wait3A_544 = arith.constant 1 : i32
      %dma_wait3A_545 = arith.constant 1 : i32
      %dma_wait3A_546 = arith.constant 0 : i32
      %dma_wait3A_547 = arith.constant 0 : i32
      %dma_wait3A_548 = tpu.memref_slice %arg7[%dma_wait3A_544, %dma_wait3A_546, %dma_wait3A_547] : memref<2x128x128xf32, #tpu.memory_space<vmem>> -> memref<1x128x128xf32, #tpu.memory_space<vmem>>
      %dma_wait3A_549 = tpu.memref_squeeze %dma_wait3A_548 : memref<1x128x128xf32, #tpu.memory_space<vmem>> -> memref<128x128xf32, #tpu.memory_space<vmem>>
      %dma_wait3A_550 = arith.constant 0 : i32
      %dma_wait3A_551 = tpu.memref_slice %arg6[%dma_wait3A_545, %dma_wait3A_550] : memref<4x128xi32, #tpu.memory_space<vmem>> -> memref<1x128xi32, #tpu.memory_space<vmem>>
      %dma_wait3A_552 = tpu.memref_squeeze %dma_wait3A_551 : memref<1x128xi32, #tpu.memory_space<vmem>> -> memref<128xi32, #tpu.memory_space<vmem>>
      %dma_wait3A_553 = arith.constant 0 : i32
      %dma_wait3A_554 = arith.constant 0 : i32
      %dma_wait3A_555 = tpu.memref_slice %arg8[%dma_wait3A_553, %dma_wait3A_554] : memref<10112x128xf32, #tpu.memory_space<vmem_shared>> -> memref<10112x128xf32, #tpu.memory_space<vmem_shared>>
      tpu.wait_indirect_dma semaphore(%arg11 : memref<!tpu.dma_semaphore, #tpu.memory_space<semaphore_mem>>) src(%dma_wait3A_549 : memref<128x128xf32, #tpu.memory_space<vmem>>) dst(%dma_wait3A_555 : memref<10112x128xf32, #tpu.memory_space<vmem_shared>>)
      %add3A_556 = arith.constant 1 : i32
      %add3A_557 = arith.addi %add3A_511, %add3A_556 : i32
      %dma_start3A_558 = arith.constant 3 : i32
      %dma_start3A_559 = arith.constant 1 : i32
      %dma_start3A_560 = arith.constant 0 : i32
      %dma_start3A_561 = arith.constant 0 : i32
      %dma_start3A_562 = tpu.memref_slice %arg7[%dma_start3A_559, %dma_start3A_560, %dma_start3A_561] : memref<2x128x128xf32, #tpu.memory_space<vmem>> -> memref<1x128x128xf32, #tpu.memory_space<vmem>>
      %dma_start3A_563 = tpu.memref_squeeze %dma_start3A_562 : memref<1x128x128xf32, #tpu.memory_space<vmem>> -> memref<128x128xf32, #tpu.memory_space<vmem>>
      %dma_start3A_564 = arith.constant 0 : i32
      %dma_start3A_565 = tpu.memref_slice %arg5[%dma_start3A_558, %dma_start3A_564] : memref<4x128xi32, #tpu.memory_space<vmem>> -> memref<1x128xi32, #tpu.memory_space<vmem>>
      %dma_start3A_566 = tpu.memref_squeeze %dma_start3A_565 : memref<1x128xi32, #tpu.memory_space<vmem>> -> memref<128xi32, #tpu.memory_space<vmem>>
      %dma_start3A_567 = arith.constant 0 : i32
      %dma_start3A_568 = arith.constant 0 : i32
      %dma_start3A_569 = tpu.memref_slice %arg2[%dma_start3A_567, %dma_start3A_568] : memref<10112x128xf32, #tpu.memory_space<hbm>> -> memref<10112x128xf32, #tpu.memory_space<hbm>>
      tpu.enqueue_indirect_dma source(%dma_start3A_569 : memref<10112x128xf32, #tpu.memory_space<hbm>>) target(%dma_start3A_563 : memref<128x128xf32, #tpu.memory_space<vmem>>) offsets(%dma_start3A_566 : memref<128xi32, #tpu.memory_space<vmem>>) semaphore(%arg10 : memref<!tpu.dma_semaphore, #tpu.memory_space<semaphore_mem>>)
      %dma_wait3A_570 = arith.constant 2 : i32
      %dma_wait3A_571 = arith.constant 0 : i32
      %dma_wait3A_572 = arith.constant 0 : i32
      %dma_wait3A_573 = arith.constant 0 : i32
      %dma_wait3A_574 = tpu.memref_slice %arg7[%dma_wait3A_571, %dma_wait3A_572, %dma_wait3A_573] : memref<2x128x128xf32, #tpu.memory_space<vmem>> -> memref<1x128x128xf32, #tpu.memory_space<vmem>>
      %dma_wait3A_575 = tpu.memref_squeeze %dma_wait3A_574 : memref<1x128x128xf32, #tpu.memory_space<vmem>> -> memref<128x128xf32, #tpu.memory_space<vmem>>
      %dma_wait3A_576 = arith.constant 0 : i32
      %dma_wait3A_577 = tpu.memref_slice %arg5[%dma_wait3A_570, %dma_wait3A_576] : memref<4x128xi32, #tpu.memory_space<vmem>> -> memref<1x128xi32, #tpu.memory_space<vmem>>
      %dma_wait3A_578 = tpu.memref_squeeze %dma_wait3A_577 : memref<1x128xi32, #tpu.memory_space<vmem>> -> memref<128xi32, #tpu.memory_space<vmem>>
      %dma_wait3A_579 = arith.constant 0 : i32
      %dma_wait3A_580 = arith.constant 0 : i32
      %dma_wait3A_581 = tpu.memref_slice %arg2[%dma_wait3A_579, %dma_wait3A_580] : memref<10112x128xf32, #tpu.memory_space<hbm>> -> memref<10112x128xf32, #tpu.memory_space<hbm>>
      tpu.wait_indirect_dma semaphore(%arg10 : memref<!tpu.dma_semaphore, #tpu.memory_space<semaphore_mem>>) src(%dma_wait3A_581 : memref<10112x128xf32, #tpu.memory_space<hbm>>) dst(%dma_wait3A_575 : memref<128x128xf32, #tpu.memory_space<vmem>>)
      %dma_start3A_582 = arith.constant 0 : i32
      %dma_start3A_583 = arith.constant 2 : i32
      %dma_start3A_584 = arith.constant 0 : i32
      %dma_start3A_585 = arith.constant 0 : i32
      %dma_start3A_586 = tpu.memref_slice %arg7[%dma_start3A_582, %dma_start3A_584, %dma_start3A_585] : memref<2x128x128xf32, #tpu.memory_space<vmem>> -> memref<1x128x128xf32, #tpu.memory_space<vmem>>
      %dma_start3A_587 = tpu.memref_squeeze %dma_start3A_586 : memref<1x128x128xf32, #tpu.memory_space<vmem>> -> memref<128x128xf32, #tpu.memory_space<vmem>>
      %dma_start3A_588 = arith.constant 0 : i32
      %dma_start3A_589 = tpu.memref_slice %arg6[%dma_start3A_583, %dma_start3A_588] : memref<4x128xi32, #tpu.memory_space<vmem>> -> memref<1x128xi32, #tpu.memory_space<vmem>>
      %dma_start3A_590 = tpu.memref_squeeze %dma_start3A_589 : memref<1x128xi32, #tpu.memory_space<vmem>> -> memref<128xi32, #tpu.memory_space<vmem>>
      %dma_start3A_591 = arith.constant 0 : i32
      %dma_start3A_592 = arith.constant 0 : i32
      %dma_start3A_593 = tpu.memref_slice %arg8[%dma_start3A_591, %dma_start3A_592] : memref<10112x128xf32, #tpu.memory_space<vmem_shared>> -> memref<10112x128xf32, #tpu.memory_space<vmem_shared>>
      tpu.enqueue_indirect_dma source(%dma_start3A_587 : memref<128x128xf32, #tpu.memory_space<vmem>>) target(%dma_start3A_593 : memref<10112x128xf32, #tpu.memory_space<vmem_shared>>) offsets(%dma_start3A_590 : memref<128xi32, #tpu.memory_space<vmem>>) semaphore(%arg11 : memref<!tpu.dma_semaphore, #tpu.memory_space<semaphore_mem>>) {add = true}
      %add3A_594 = arith.constant 2 : i32
      %add3A_595 = arith.addi %add3A_511, %add3A_594 : i32
      %add3A_596 = arith.constant 0 : i32
      %add3A_597 = arith.addi %add3A_596, %mul3A_4 : i32
      %mul3A_598 = arith.constant 128 : i32
      %mul3A_599 = arith.muli %add3A_595, %mul3A_598 : i32
      %add3A_600 = arith.addi %add3A_597, %mul3A_599 : i32
      %dma_start3A_601 = arith.constant 0 : i32
      %dma_start3A_602 = arith.constant 0 : i32
      %dma_start3A_603 = tpu.memref_slice %arg5[%dma_start3A_601, %dma_start3A_602] : memref<4x128xi32, #tpu.memory_space<vmem>> -> memref<1x128xi32, #tpu.memory_space<vmem>>
      %dma_start3A_604 = tpu.memref_squeeze %dma_start3A_603 : memref<1x128xi32, #tpu.memory_space<vmem>> -> memref<128xi32, #tpu.memory_space<vmem>>
      %dma_start3A_605 = tpu.memref_slice %arg3[%add3A_600] : memref<655360xi32, #tpu.memory_space<hbm>> -> memref<128xi32, #tpu.memory_space<hbm>>
      %dma_start3A_606 = arith.constant 0 : i32
      %dma_start3A_607 = tpu.memref_slice %arg5[%dma_start3A_601, %dma_start3A_606] : memref<4x128xi32, #tpu.memory_space<vmem>> -> memref<1x128xi32, #tpu.memory_space<vmem>>
      %dma_start3A_608 = tpu.memref_squeeze %dma_start3A_607 : memref<1x128xi32, #tpu.memory_space<vmem>> -> memref<128xi32, #tpu.memory_space<vmem>>
      %dma_start3A_609 = tpu.memref_slice %arg3[%add3A_600] : memref<655360xi32, #tpu.memory_space<hbm>> -> memref<128xi32, #tpu.memory_space<hbm>>
      tpu.enqueue_dma source(%dma_start3A_609 : memref<128xi32, #tpu.memory_space<hbm>>) target(%dma_start3A_608 : memref<128xi32, #tpu.memory_space<vmem>>) target_semaphore(%arg9 : memref<!tpu.dma_semaphore, #tpu.memory_space<semaphore_mem>>)
      %add3A_610 = arith.constant 327680 : i32
      %add3A_611 = arith.addi %add3A_610, %mul3A_4 : i32
      %mul3A_612 = arith.constant 128 : i32
      %mul3A_613 = arith.muli %add3A_595, %mul3A_612 : i32
      %add3A_614 = arith.addi %add3A_611, %mul3A_613 : i32
      %dma_start3A_615 = arith.constant 0 : i32
      %dma_start3A_616 = arith.constant 0 : i32
      %dma_start3A_617 = tpu.memref_slice %arg6[%dma_start3A_615, %dma_start3A_616] : memref<4x128xi32, #tpu.memory_space<vmem>> -> memref<1x128xi32, #tpu.memory_space<vmem>>
      %dma_start3A_618 = tpu.memref_squeeze %dma_start3A_617 : memref<1x128xi32, #tpu.memory_space<vmem>> -> memref<128xi32, #tpu.memory_space<vmem>>
      %dma_start3A_619 = tpu.memref_slice %arg3[%add3A_614] : memref<655360xi32, #tpu.memory_space<hbm>> -> memref<128xi32, #tpu.memory_space<hbm>>
      %dma_start3A_620 = arith.constant 0 : i32
      %dma_start3A_621 = tpu.memref_slice %arg6[%dma_start3A_615, %dma_start3A_620] : memref<4x128xi32, #tpu.memory_space<vmem>> -> memref<1x128xi32, #tpu.memory_space<vmem>>
      %dma_start3A_622 = tpu.memref_squeeze %dma_start3A_621 : memref<1x128xi32, #tpu.memory_space<vmem>> -> memref<128xi32, #tpu.memory_space<vmem>>
      %dma_start3A_623 = tpu.memref_slice %arg3[%add3A_614] : memref<655360xi32, #tpu.memory_space<hbm>> -> memref<128xi32, #tpu.memory_space<hbm>>
      tpu.enqueue_dma source(%dma_start3A_623 : memref<128xi32, #tpu.memory_space<hbm>>) target(%dma_start3A_622 : memref<128xi32, #tpu.memory_space<vmem>>) target_semaphore(%arg9 : memref<!tpu.dma_semaphore, #tpu.memory_space<semaphore_mem>>)
      %mul3A_624 = arith.constant 4 : i32
      %mul3A_625 = arith.muli %mul3A_624, %scan3A_388 : i32
      %add3A_626 = arith.constant 1 : i32
      %add3A_627 = arith.addi %mul3A_625, %add3A_626 : i32
      %add3A_628 = arith.constant 2 : i32
      %add3A_629 = arith.addi %add3A_627, %add3A_628 : i32
      %add3A_630 = arith.constant 1 : i32
      %add3A_631 = arith.addi %add3A_629, %add3A_630 : i32
      %add3A_632 = arith.constant 0 : i32
      %add3A_633 = arith.addi %add3A_632, %mul3A_4 : i32
      %mul3A_634 = arith.constant 128 : i32
      %mul3A_635 = arith.muli %add3A_631, %mul3A_634 : i32
      %add3A_636 = arith.addi %add3A_633, %mul3A_635 : i32
      %dma_wait3A_637 = arith.constant 0 : i32
      %dma_wait3A_638 = arith.constant 0 : i32
      %dma_wait3A_639 = tpu.memref_slice %arg5[%dma_wait3A_637, %dma_wait3A_638] : memref<4x128xi32, #tpu.memory_space<vmem>> -> memref<1x128xi32, #tpu.memory_space<vmem>>
      %dma_wait3A_640 = tpu.memref_squeeze %dma_wait3A_639 : memref<1x128xi32, #tpu.memory_space<vmem>> -> memref<128xi32, #tpu.memory_space<vmem>>
      %dma_wait3A_641 = tpu.memref_slice %arg3[%add3A_636] : memref<655360xi32, #tpu.memory_space<hbm>> -> memref<128xi32, #tpu.memory_space<hbm>>
      %dma_wait3A_642 = arith.constant 0 : i32
      %dma_wait3A_643 = tpu.memref_slice %arg5[%dma_wait3A_637, %dma_wait3A_642] : memref<4x128xi32, #tpu.memory_space<vmem>> -> memref<1x128xi32, #tpu.memory_space<vmem>>
      %dma_wait3A_644 = tpu.memref_squeeze %dma_wait3A_643 : memref<1x128xi32, #tpu.memory_space<vmem>> -> memref<128xi32, #tpu.memory_space<vmem>>
      %dma_wait3A_645 = tpu.memref_slice %arg3[%add3A_636] : memref<655360xi32, #tpu.memory_space<hbm>> -> memref<128xi32, #tpu.memory_space<hbm>>
      tpu.wait_dma2 semaphore(%arg9 : memref<!tpu.dma_semaphore, #tpu.memory_space<semaphore_mem>>) src(%dma_wait3A_645 : memref<128xi32, #tpu.memory_space<hbm>>) dst(%dma_wait3A_644 : memref<128xi32, #tpu.memory_space<vmem>>)
      %add3A_646 = arith.constant 327680 : i32
      %add3A_647 = arith.addi %add3A_646, %mul3A_4 : i32
      %mul3A_648 = arith.constant 128 : i32
      %mul3A_649 = arith.muli %add3A_631, %mul3A_648 : i32
      %add3A_650 = arith.addi %add3A_647, %mul3A_649 : i32
      %dma_wait3A_651 = arith.constant 0 : i32
      %dma_wait3A_652 = arith.constant 0 : i32
      %dma_wait3A_653 = tpu.memref_slice %arg6[%dma_wait3A_651, %dma_wait3A_652] : memref<4x128xi32, #tpu.memory_space<vmem>> -> memref<1x128xi32, #tpu.memory_space<vmem>>
      %dma_wait3A_654 = tpu.memref_squeeze %dma_wait3A_653 : memref<1x128xi32, #tpu.memory_space<vmem>> -> memref<128xi32, #tpu.memory_space<vmem>>
      %dma_wait3A_655 = tpu.memref_slice %arg3[%add3A_650] : memref<655360xi32, #tpu.memory_space<hbm>> -> memref<128xi32, #tpu.memory_space<hbm>>
      %dma_wait3A_656 = arith.constant 0 : i32
      %dma_wait3A_657 = tpu.memref_slice %arg6[%dma_wait3A_651, %dma_wait3A_656] : memref<4x128xi32, #tpu.memory_space<vmem>> -> memref<1x128xi32, #tpu.memory_space<vmem>>
      %dma_wait3A_658 = tpu.memref_squeeze %dma_wait3A_657 : memref<1x128xi32, #tpu.memory_space<vmem>> -> memref<128xi32, #tpu.memory_space<vmem>>
      %dma_wait3A_659 = tpu.memref_slice %arg3[%add3A_650] : memref<655360xi32, #tpu.memory_space<hbm>> -> memref<128xi32, #tpu.memory_space<hbm>>
      tpu.wait_dma2 semaphore(%arg9 : memref<!tpu.dma_semaphore, #tpu.memory_space<semaphore_mem>>) src(%dma_wait3A_659 : memref<128xi32, #tpu.memory_space<hbm>>) dst(%dma_wait3A_658 : memref<128xi32, #tpu.memory_space<vmem>>)
      %sub3A_660 = arith.constant 1 : i32
      %sub3A_661 = arith.subi %add3A_629, %sub3A_660 : i32
      %dma_wait3A_662 = arith.constant 0 : i32
      %dma_wait3A_663 = arith.constant 2 : i32
      %dma_wait3A_664 = arith.constant 0 : i32
      %dma_wait3A_665 = arith.constant 0 : i32
      %dma_wait3A_666 = tpu.memref_slice %arg7[%dma_wait3A_662, %dma_wait3A_664, %dma_wait3A_665] : memref<2x128x128xf32, #tpu.memory_space<vmem>> -> memref<1x128x128xf32, #tpu.memory_space<vmem>>
      %dma_wait3A_667 = tpu.memref_squeeze %dma_wait3A_666 : memref<1x128x128xf32, #tpu.memory_space<vmem>> -> memref<128x128xf32, #tpu.memory_space<vmem>>
      %dma_wait3A_668 = arith.constant 0 : i32
      %dma_wait3A_669 = tpu.memref_slice %arg6[%dma_wait3A_663, %dma_wait3A_668] : memref<4x128xi32, #tpu.memory_space<vmem>> -> memref<1x128xi32, #tpu.memory_space<vmem>>
      %dma_wait3A_670 = tpu.memref_squeeze %dma_wait3A_669 : memref<1x128xi32, #tpu.memory_space<vmem>> -> memref<128xi32, #tpu.memory_space<vmem>>
      %dma_wait3A_671 = arith.constant 0 : i32
      %dma_wait3A_672 = arith.constant 0 : i32
      %dma_wait3A_673 = tpu.memref_slice %arg8[%dma_wait3A_671, %dma_wait3A_672] : memref<10112x128xf32, #tpu.memory_space<vmem_shared>> -> memref<10112x128xf32, #tpu.memory_space<vmem_shared>>
      tpu.wait_indirect_dma semaphore(%arg11 : memref<!tpu.dma_semaphore, #tpu.memory_space<semaphore_mem>>) src(%dma_wait3A_667 : memref<128x128xf32, #tpu.memory_space<vmem>>) dst(%dma_wait3A_673 : memref<10112x128xf32, #tpu.memory_space<vmem_shared>>)
      %add3A_674 = arith.constant 1 : i32
      %add3A_675 = arith.addi %add3A_629, %add3A_674 : i32
      %dma_start3A_676 = arith.constant 0 : i32
      %dma_start3A_677 = arith.constant 0 : i32
      %dma_start3A_678 = arith.constant 0 : i32
      %dma_start3A_679 = arith.constant 0 : i32
      %dma_start3A_680 = tpu.memref_slice %arg7[%dma_start3A_677, %dma_start3A_678, %dma_start3A_679] : memref<2x128x128xf32, #tpu.memory_space<vmem>> -> memref<1x128x128xf32, #tpu.memory_space<vmem>>
      %dma_start3A_681 = tpu.memref_squeeze %dma_start3A_680 : memref<1x128x128xf32, #tpu.memory_space<vmem>> -> memref<128x128xf32, #tpu.memory_space<vmem>>
      %dma_start3A_682 = arith.constant 0 : i32
      %dma_start3A_683 = tpu.memref_slice %arg5[%dma_start3A_676, %dma_start3A_682] : memref<4x128xi32, #tpu.memory_space<vmem>> -> memref<1x128xi32, #tpu.memory_space<vmem>>
      %dma_start3A_684 = tpu.memref_squeeze %dma_start3A_683 : memref<1x128xi32, #tpu.memory_space<vmem>> -> memref<128xi32, #tpu.memory_space<vmem>>
      %dma_start3A_685 = arith.constant 0 : i32
      %dma_start3A_686 = arith.constant 0 : i32
      %dma_start3A_687 = tpu.memref_slice %arg2[%dma_start3A_685, %dma_start3A_686] : memref<10112x128xf32, #tpu.memory_space<hbm>> -> memref<10112x128xf32, #tpu.memory_space<hbm>>
      tpu.enqueue_indirect_dma source(%dma_start3A_687 : memref<10112x128xf32, #tpu.memory_space<hbm>>) target(%dma_start3A_681 : memref<128x128xf32, #tpu.memory_space<vmem>>) offsets(%dma_start3A_684 : memref<128xi32, #tpu.memory_space<vmem>>) semaphore(%arg10 : memref<!tpu.dma_semaphore, #tpu.memory_space<semaphore_mem>>)
      %dma_wait3A_688 = arith.constant 3 : i32
      %dma_wait3A_689 = arith.constant 1 : i32
      %dma_wait3A_690 = arith.constant 0 : i32
      %dma_wait3A_691 = arith.constant 0 : i32
      %dma_wait3A_692 = tpu.memref_slice %arg7[%dma_wait3A_689, %dma_wait3A_690, %dma_wait3A_691] : memref<2x128x128xf32, #tpu.memory_space<vmem>> -> memref<1x128x128xf32, #tpu.memory_space<vmem>>
      %dma_wait3A_693 = tpu.memref_squeeze %dma_wait3A_692 : memref<1x128x128xf32, #tpu.memory_space<vmem>> -> memref<128x128xf32, #tpu.memory_space<vmem>>
      %dma_wait3A_694 = arith.constant 0 : i32
      %dma_wait3A_695 = tpu.memref_slice %arg5[%dma_wait3A_688, %dma_wait3A_694] : memref<4x128xi32, #tpu.memory_space<vmem>> -> memref<1x128xi32, #tpu.memory_space<vmem>>
      %dma_wait3A_696 = tpu.memref_squeeze %dma_wait3A_695 : memref<1x128xi32, #tpu.memory_space<vmem>> -> memref<128xi32, #tpu.memory_space<vmem>>
      %dma_wait3A_697 = arith.constant 0 : i32
      %dma_wait3A_698 = arith.constant 0 : i32
      %dma_wait3A_699 = tpu.memref_slice %arg2[%dma_wait3A_697, %dma_wait3A_698] : memref<10112x128xf32, #tpu.memory_space<hbm>> -> memref<10112x128xf32, #tpu.memory_space<hbm>>
      tpu.wait_indirect_dma semaphore(%arg10 : memref<!tpu.dma_semaphore, #tpu.memory_space<semaphore_mem>>) src(%dma_wait3A_699 : memref<10112x128xf32, #tpu.memory_space<hbm>>) dst(%dma_wait3A_693 : memref<128x128xf32, #tpu.memory_space<vmem>>)
      %dma_start3A_700 = arith.constant 1 : i32
      %dma_start3A_701 = arith.constant 3 : i32
      %dma_start3A_702 = arith.constant 0 : i32
      %dma_start3A_703 = arith.constant 0 : i32
      %dma_start3A_704 = tpu.memref_slice %arg7[%dma_start3A_700, %dma_start3A_702, %dma_start3A_703] : memref<2x128x128xf32, #tpu.memory_space<vmem>> -> memref<1x128x128xf32, #tpu.memory_space<vmem>>
      %dma_start3A_705 = tpu.memref_squeeze %dma_start3A_704 : memref<1x128x128xf32, #tpu.memory_space<vmem>> -> memref<128x128xf32, #tpu.memory_space<vmem>>
      %dma_start3A_706 = arith.constant 0 : i32
      %dma_start3A_707 = tpu.memref_slice %arg6[%dma_start3A_701, %dma_start3A_706] : memref<4x128xi32, #tpu.memory_space<vmem>> -> memref<1x128xi32, #tpu.memory_space<vmem>>
      %dma_start3A_708 = tpu.memref_squeeze %dma_start3A_707 : memref<1x128xi32, #tpu.memory_space<vmem>> -> memref<128xi32, #tpu.memory_space<vmem>>
      %dma_start3A_709 = arith.constant 0 : i32
      %dma_start3A_710 = arith.constant 0 : i32
      %dma_start3A_711 = tpu.memref_slice %arg8[%dma_start3A_709, %dma_start3A_710] : memref<10112x128xf32, #tpu.memory_space<vmem_shared>> -> memref<10112x128xf32, #tpu.memory_space<vmem_shared>>
      tpu.enqueue_indirect_dma source(%dma_start3A_705 : memref<128x128xf32, #tpu.memory_space<vmem>>) target(%dma_start3A_711 : memref<10112x128xf32, #tpu.memory_space<vmem_shared>>) offsets(%dma_start3A_708 : memref<128xi32, #tpu.memory_space<vmem>>) semaphore(%arg11 : memref<!tpu.dma_semaphore, #tpu.memory_space<semaphore_mem>>) {add = true}
      %add3A_712 = arith.constant 2 : i32
      %add3A_713 = arith.addi %add3A_629, %add3A_712 : i32
      %add3A_714 = arith.constant 0 : i32
      %add3A_715 = arith.addi %add3A_714, %mul3A_4 : i32
      %mul3A_716 = arith.constant 128 : i32
      %mul3A_717 = arith.muli %add3A_713, %mul3A_716 : i32
      %add3A_718 = arith.addi %add3A_715, %mul3A_717 : i32
      %dma_start3A_719 = arith.constant 1 : i32
      %dma_start3A_720 = arith.constant 0 : i32
      %dma_start3A_721 = tpu.memref_slice %arg5[%dma_start3A_719, %dma_start3A_720] : memref<4x128xi32, #tpu.memory_space<vmem>> -> memref<1x128xi32, #tpu.memory_space<vmem>>
      %dma_start3A_722 = tpu.memref_squeeze %dma_start3A_721 : memref<1x128xi32, #tpu.memory_space<vmem>> -> memref<128xi32, #tpu.memory_space<vmem>>
      %dma_start3A_723 = tpu.memref_slice %arg3[%add3A_718] : memref<655360xi32, #tpu.memory_space<hbm>> -> memref<128xi32, #tpu.memory_space<hbm>>
      %dma_start3A_724 = arith.constant 0 : i32
      %dma_start3A_725 = tpu.memref_slice %arg5[%dma_start3A_719, %dma_start3A_724] : memref<4x128xi32, #tpu.memory_space<vmem>> -> memref<1x128xi32, #tpu.memory_space<vmem>>
      %dma_start3A_726 = tpu.memref_squeeze %dma_start3A_725 : memref<1x128xi32, #tpu.memory_space<vmem>> -> memref<128xi32, #tpu.memory_space<vmem>>
      %dma_start3A_727 = tpu.memref_slice %arg3[%add3A_718] : memref<655360xi32, #tpu.memory_space<hbm>> -> memref<128xi32, #tpu.memory_space<hbm>>
      tpu.enqueue_dma source(%dma_start3A_727 : memref<128xi32, #tpu.memory_space<hbm>>) target(%dma_start3A_726 : memref<128xi32, #tpu.memory_space<vmem>>) target_semaphore(%arg9 : memref<!tpu.dma_semaphore, #tpu.memory_space<semaphore_mem>>)
      %add3A_728 = arith.constant 327680 : i32
      %add3A_729 = arith.addi %add3A_728, %mul3A_4 : i32
      %mul3A_730 = arith.constant 128 : i32
      %mul3A_731 = arith.muli %add3A_713, %mul3A_730 : i32
      %add3A_732 = arith.addi %add3A_729, %mul3A_731 : i32
      %dma_start3A_733 = arith.constant 1 : i32
      %dma_start3A_734 = arith.constant 0 : i32
      %dma_start3A_735 = tpu.memref_slice %arg6[%dma_start3A_733, %dma_start3A_734] : memref<4x128xi32, #tpu.memory_space<vmem>> -> memref<1x128xi32, #tpu.memory_space<vmem>>
      %dma_start3A_736 = tpu.memref_squeeze %dma_start3A_735 : memref<1x128xi32, #tpu.memory_space<vmem>> -> memref<128xi32, #tpu.memory_space<vmem>>
      %dma_start3A_737 = tpu.memref_slice %arg3[%add3A_732] : memref<655360xi32, #tpu.memory_space<hbm>> -> memref<128xi32, #tpu.memory_space<hbm>>
      %dma_start3A_738 = arith.constant 0 : i32
      %dma_start3A_739 = tpu.memref_slice %arg6[%dma_start3A_733, %dma_start3A_738] : memref<4x128xi32, #tpu.memory_space<vmem>> -> memref<1x128xi32, #tpu.memory_space<vmem>>
      %dma_start3A_740 = tpu.memref_squeeze %dma_start3A_739 : memref<1x128xi32, #tpu.memory_space<vmem>> -> memref<128xi32, #tpu.memory_space<vmem>>
      %dma_start3A_741 = tpu.memref_slice %arg3[%add3A_732] : memref<655360xi32, #tpu.memory_space<hbm>> -> memref<128xi32, #tpu.memory_space<hbm>>
      tpu.enqueue_dma source(%dma_start3A_741 : memref<128xi32, #tpu.memory_space<hbm>>) target(%dma_start3A_740 : memref<128xi32, #tpu.memory_space<vmem>>) target_semaphore(%arg9 : memref<!tpu.dma_semaphore, #tpu.memory_space<semaphore_mem>>)
      %mul3A_742 = arith.constant 4 : i32
      %mul3A_743 = arith.muli %mul3A_742, %scan3A_388 : i32
      %add3A_744 = arith.constant 1 : i32
      %add3A_745 = arith.addi %mul3A_743, %add3A_744 : i32
      %add3A_746 = arith.constant 3 : i32
      %add3A_747 = arith.addi %add3A_745, %add3A_746 : i32
      %add3A_748 = arith.constant 1 : i32
      %add3A_749 = arith.addi %add3A_747, %add3A_748 : i32
      %add3A_750 = arith.constant 0 : i32
      %add3A_751 = arith.addi %add3A_750, %mul3A_4 : i32
      %mul3A_752 = arith.constant 128 : i32
      %mul3A_753 = arith.muli %add3A_749, %mul3A_752 : i32
      %add3A_754 = arith.addi %add3A_751, %mul3A_753 : i32
      %dma_wait3A_755 = arith.constant 1 : i32
      %dma_wait3A_756 = arith.constant 0 : i32
      %dma_wait3A_757 = tpu.memref_slice %arg5[%dma_wait3A_755, %dma_wait3A_756] : memref<4x128xi32, #tpu.memory_space<vmem>> -> memref<1x128xi32, #tpu.memory_space<vmem>>
      %dma_wait3A_758 = tpu.memref_squeeze %dma_wait3A_757 : memref<1x128xi32, #tpu.memory_space<vmem>> -> memref<128xi32, #tpu.memory_space<vmem>>
      %dma_wait3A_759 = tpu.memref_slice %arg3[%add3A_754] : memref<655360xi32, #tpu.memory_space<hbm>> -> memref<128xi32, #tpu.memory_space<hbm>>
      %dma_wait3A_760 = arith.constant 0 : i32
      %dma_wait3A_761 = tpu.memref_slice %arg5[%dma_wait3A_755, %dma_wait3A_760] : memref<4x128xi32, #tpu.memory_space<vmem>> -> memref<1x128xi32, #tpu.memory_space<vmem>>
      %dma_wait3A_762 = tpu.memref_squeeze %dma_wait3A_761 : memref<1x128xi32, #tpu.memory_space<vmem>> -> memref<128xi32, #tpu.memory_space<vmem>>
      %dma_wait3A_763 = tpu.memref_slice %arg3[%add3A_754] : memref<655360xi32, #tpu.memory_space<hbm>> -> memref<128xi32, #tpu.memory_space<hbm>>
      tpu.wait_dma2 semaphore(%arg9 : memref<!tpu.dma_semaphore, #tpu.memory_space<semaphore_mem>>) src(%dma_wait3A_763 : memref<128xi32, #tpu.memory_space<hbm>>) dst(%dma_wait3A_762 : memref<128xi32, #tpu.memory_space<vmem>>)
      %add3A_764 = arith.constant 327680 : i32
      %add3A_765 = arith.addi %add3A_764, %mul3A_4 : i32
      %mul3A_766 = arith.constant 128 : i32
      %mul3A_767 = arith.muli %add3A_749, %mul3A_766 : i32
      %add3A_768 = arith.addi %add3A_765, %mul3A_767 : i32
      %dma_wait3A_769 = arith.constant 1 : i32
      %dma_wait3A_770 = arith.constant 0 : i32
      %dma_wait3A_771 = tpu.memref_slice %arg6[%dma_wait3A_769, %dma_wait3A_770] : memref<4x128xi32, #tpu.memory_space<vmem>> -> memref<1x128xi32, #tpu.memory_space<vmem>>
      %dma_wait3A_772 = tpu.memref_squeeze %dma_wait3A_771 : memref<1x128xi32, #tpu.memory_space<vmem>> -> memref<128xi32, #tpu.memory_space<vmem>>
      %dma_wait3A_773 = tpu.memref_slice %arg3[%add3A_768] : memref<655360xi32, #tpu.memory_space<hbm>> -> memref<128xi32, #tpu.memory_space<hbm>>
      %dma_wait3A_774 = arith.constant 0 : i32
      %dma_wait3A_775 = tpu.memref_slice %arg6[%dma_wait3A_769, %dma_wait3A_774] : memref<4x128xi32, #tpu.memory_space<vmem>> -> memref<1x128xi32, #tpu.memory_space<vmem>>
      %dma_wait3A_776 = tpu.memref_squeeze %dma_wait3A_775 : memref<1x128xi32, #tpu.memory_space<vmem>> -> memref<128xi32, #tpu.memory_space<vmem>>
      %dma_wait3A_777 = tpu.memref_slice %arg3[%add3A_768] : memref<655360xi32, #tpu.memory_space<hbm>> -> memref<128xi32, #tpu.memory_space<hbm>>
      tpu.wait_dma2 semaphore(%arg9 : memref<!tpu.dma_semaphore, #tpu.memory_space<semaphore_mem>>) src(%dma_wait3A_777 : memref<128xi32, #tpu.memory_space<hbm>>) dst(%dma_wait3A_776 : memref<128xi32, #tpu.memory_space<vmem>>)
      %sub3A_778 = arith.constant 1 : i32
      %sub3A_779 = arith.subi %add3A_747, %sub3A_778 : i32
      %dma_wait3A_780 = arith.constant 1 : i32
      %dma_wait3A_781 = arith.constant 3 : i32
      %dma_wait3A_782 = arith.constant 0 : i32
      %dma_wait3A_783 = arith.constant 0 : i32
      %dma_wait3A_784 = tpu.memref_slice %arg7[%dma_wait3A_780, %dma_wait3A_782, %dma_wait3A_783] : memref<2x128x128xf32, #tpu.memory_space<vmem>> -> memref<1x128x128xf32, #tpu.memory_space<vmem>>
      %dma_wait3A_785 = tpu.memref_squeeze %dma_wait3A_784 : memref<1x128x128xf32, #tpu.memory_space<vmem>> -> memref<128x128xf32, #tpu.memory_space<vmem>>
      %dma_wait3A_786 = arith.constant 0 : i32
      %dma_wait3A_787 = tpu.memref_slice %arg6[%dma_wait3A_781, %dma_wait3A_786] : memref<4x128xi32, #tpu.memory_space<vmem>> -> memref<1x128xi32, #tpu.memory_space<vmem>>
      %dma_wait3A_788 = tpu.memref_squeeze %dma_wait3A_787 : memref<1x128xi32, #tpu.memory_space<vmem>> -> memref<128xi32, #tpu.memory_space<vmem>>
      %dma_wait3A_789 = arith.constant 0 : i32
      %dma_wait3A_790 = arith.constant 0 : i32
      %dma_wait3A_791 = tpu.memref_slice %arg8[%dma_wait3A_789, %dma_wait3A_790] : memref<10112x128xf32, #tpu.memory_space<vmem_shared>> -> memref<10112x128xf32, #tpu.memory_space<vmem_shared>>
      tpu.wait_indirect_dma semaphore(%arg11 : memref<!tpu.dma_semaphore, #tpu.memory_space<semaphore_mem>>) src(%dma_wait3A_785 : memref<128x128xf32, #tpu.memory_space<vmem>>) dst(%dma_wait3A_791 : memref<10112x128xf32, #tpu.memory_space<vmem_shared>>)
      %add3A_792 = arith.constant 1 : i32
      %add3A_793 = arith.addi %add3A_747, %add3A_792 : i32
      %dma_start3A_794 = arith.constant 1 : i32
      %dma_start3A_795 = arith.constant 1 : i32
      %dma_start3A_796 = arith.constant 0 : i32
      %dma_start3A_797 = arith.constant 0 : i32
      %dma_start3A_798 = tpu.memref_slice %arg7[%dma_start3A_795, %dma_start3A_796, %dma_start3A_797] : memref<2x128x128xf32, #tpu.memory_space<vmem>> -> memref<1x128x128xf32, #tpu.memory_space<vmem>>
      %dma_start3A_799 = tpu.memref_squeeze %dma_start3A_798 : memref<1x128x128xf32, #tpu.memory_space<vmem>> -> memref<128x128xf32, #tpu.memory_space<vmem>>
      %dma_start3A_800 = arith.constant 0 : i32
      %dma_start3A_801 = tpu.memref_slice %arg5[%dma_start3A_794, %dma_start3A_800] : memref<4x128xi32, #tpu.memory_space<vmem>> -> memref<1x128xi32, #tpu.memory_space<vmem>>
      %dma_start3A_802 = tpu.memref_squeeze %dma_start3A_801 : memref<1x128xi32, #tpu.memory_space<vmem>> -> memref<128xi32, #tpu.memory_space<vmem>>
      %dma_start3A_803 = arith.constant 0 : i32
      %dma_start3A_804 = arith.constant 0 : i32
      %dma_start3A_805 = tpu.memref_slice %arg2[%dma_start3A_803, %dma_start3A_804] : memref<10112x128xf32, #tpu.memory_space<hbm>> -> memref<10112x128xf32, #tpu.memory_space<hbm>>
      tpu.enqueue_indirect_dma source(%dma_start3A_805 : memref<10112x128xf32, #tpu.memory_space<hbm>>) target(%dma_start3A_799 : memref<128x128xf32, #tpu.memory_space<vmem>>) offsets(%dma_start3A_802 : memref<128xi32, #tpu.memory_space<vmem>>) semaphore(%arg10 : memref<!tpu.dma_semaphore, #tpu.memory_space<semaphore_mem>>)
      %dma_wait3A_806 = arith.constant 0 : i32
      %dma_wait3A_807 = arith.constant 0 : i32
      %dma_wait3A_808 = arith.constant 0 : i32
      %dma_wait3A_809 = arith.constant 0 : i32
      %dma_wait3A_810 = tpu.memref_slice %arg7[%dma_wait3A_807, %dma_wait3A_808, %dma_wait3A_809] : memref<2x128x128xf32, #tpu.memory_space<vmem>> -> memref<1x128x128xf32, #tpu.memory_space<vmem>>
      %dma_wait3A_811 = tpu.memref_squeeze %dma_wait3A_810 : memref<1x128x128xf32, #tpu.memory_space<vmem>> -> memref<128x128xf32, #tpu.memory_space<vmem>>
      %dma_wait3A_812 = arith.constant 0 : i32
      %dma_wait3A_813 = tpu.memref_slice %arg5[%dma_wait3A_806, %dma_wait3A_812] : memref<4x128xi32, #tpu.memory_space<vmem>> -> memref<1x128xi32, #tpu.memory_space<vmem>>
      %dma_wait3A_814 = tpu.memref_squeeze %dma_wait3A_813 : memref<1x128xi32, #tpu.memory_space<vmem>> -> memref<128xi32, #tpu.memory_space<vmem>>
      %dma_wait3A_815 = arith.constant 0 : i32
      %dma_wait3A_816 = arith.constant 0 : i32
      %dma_wait3A_817 = tpu.memref_slice %arg2[%dma_wait3A_815, %dma_wait3A_816] : memref<10112x128xf32, #tpu.memory_space<hbm>> -> memref<10112x128xf32, #tpu.memory_space<hbm>>
      tpu.wait_indirect_dma semaphore(%arg10 : memref<!tpu.dma_semaphore, #tpu.memory_space<semaphore_mem>>) src(%dma_wait3A_817 : memref<10112x128xf32, #tpu.memory_space<hbm>>) dst(%dma_wait3A_811 : memref<128x128xf32, #tpu.memory_space<vmem>>)
      %dma_start3A_818 = arith.constant 0 : i32
      %dma_start3A_819 = arith.constant 0 : i32
      %dma_start3A_820 = arith.constant 0 : i32
      %dma_start3A_821 = arith.constant 0 : i32
      %dma_start3A_822 = tpu.memref_slice %arg7[%dma_start3A_818, %dma_start3A_820, %dma_start3A_821] : memref<2x128x128xf32, #tpu.memory_space<vmem>> -> memref<1x128x128xf32, #tpu.memory_space<vmem>>
      %dma_start3A_823 = tpu.memref_squeeze %dma_start3A_822 : memref<1x128x128xf32, #tpu.memory_space<vmem>> -> memref<128x128xf32, #tpu.memory_space<vmem>>
      %dma_start3A_824 = arith.constant 0 : i32
      %dma_start3A_825 = tpu.memref_slice %arg6[%dma_start3A_819, %dma_start3A_824] : memref<4x128xi32, #tpu.memory_space<vmem>> -> memref<1x128xi32, #tpu.memory_space<vmem>>
      %dma_start3A_826 = tpu.memref_squeeze %dma_start3A_825 : memref<1x128xi32, #tpu.memory_space<vmem>> -> memref<128xi32, #tpu.memory_space<vmem>>
      %dma_start3A_827 = arith.constant 0 : i32
      %dma_start3A_828 = arith.constant 0 : i32
      %dma_start3A_829 = tpu.memref_slice %arg8[%dma_start3A_827, %dma_start3A_828] : memref<10112x128xf32, #tpu.memory_space<vmem_shared>> -> memref<10112x128xf32, #tpu.memory_space<vmem_shared>>
      tpu.enqueue_indirect_dma source(%dma_start3A_823 : memref<128x128xf32, #tpu.memory_space<vmem>>) target(%dma_start3A_829 : memref<10112x128xf32, #tpu.memory_space<vmem_shared>>) offsets(%dma_start3A_826 : memref<128xi32, #tpu.memory_space<vmem>>) semaphore(%arg11 : memref<!tpu.dma_semaphore, #tpu.memory_space<semaphore_mem>>) {add = true}
      %add3A_830 = arith.constant 2 : i32
      %add3A_831 = arith.addi %add3A_747, %add3A_830 : i32
      %add3A_832 = arith.constant 0 : i32
      %add3A_833 = arith.addi %add3A_832, %mul3A_4 : i32
      %mul3A_834 = arith.constant 128 : i32
      %mul3A_835 = arith.muli %add3A_831, %mul3A_834 : i32
      %add3A_836 = arith.addi %add3A_833, %mul3A_835 : i32
      %dma_start3A_837 = arith.constant 2 : i32
      %dma_start3A_838 = arith.constant 0 : i32
      %dma_start3A_839 = tpu.memref_slice %arg5[%dma_start3A_837, %dma_start3A_838] : memref<4x128xi32, #tpu.memory_space<vmem>> -> memref<1x128xi32, #tpu.memory_space<vmem>>
      %dma_start3A_840 = tpu.memref_squeeze %dma_start3A_839 : memref<1x128xi32, #tpu.memory_space<vmem>> -> memref<128xi32, #tpu.memory_space<vmem>>
      %dma_start3A_841 = tpu.memref_slice %arg3[%add3A_836] : memref<655360xi32, #tpu.memory_space<hbm>> -> memref<128xi32, #tpu.memory_space<hbm>>
      %dma_start3A_842 = arith.constant 0 : i32
      %dma_start3A_843 = tpu.memref_slice %arg5[%dma_start3A_837, %dma_start3A_842] : memref<4x128xi32, #tpu.memory_space<vmem>> -> memref<1x128xi32, #tpu.memory_space<vmem>>
      %dma_start3A_844 = tpu.memref_squeeze %dma_start3A_843 : memref<1x128xi32, #tpu.memory_space<vmem>> -> memref<128xi32, #tpu.memory_space<vmem>>
      %dma_start3A_845 = tpu.memref_slice %arg3[%add3A_836] : memref<655360xi32, #tpu.memory_space<hbm>> -> memref<128xi32, #tpu.memory_space<hbm>>
      tpu.enqueue_dma source(%dma_start3A_845 : memref<128xi32, #tpu.memory_space<hbm>>) target(%dma_start3A_844 : memref<128xi32, #tpu.memory_space<vmem>>) target_semaphore(%arg9 : memref<!tpu.dma_semaphore, #tpu.memory_space<semaphore_mem>>)
      %add3A_846 = arith.constant 327680 : i32
      %add3A_847 = arith.addi %add3A_846, %mul3A_4 : i32
      %mul3A_848 = arith.constant 128 : i32
      %mul3A_849 = arith.muli %add3A_831, %mul3A_848 : i32
      %add3A_850 = arith.addi %add3A_847, %mul3A_849 : i32
      %dma_start3A_851 = arith.constant 2 : i32
      %dma_start3A_852 = arith.constant 0 : i32
      %dma_start3A_853 = tpu.memref_slice %arg6[%dma_start3A_851, %dma_start3A_852] : memref<4x128xi32, #tpu.memory_space<vmem>> -> memref<1x128xi32, #tpu.memory_space<vmem>>
      %dma_start3A_854 = tpu.memref_squeeze %dma_start3A_853 : memref<1x128xi32, #tpu.memory_space<vmem>> -> memref<128xi32, #tpu.memory_space<vmem>>
      %dma_start3A_855 = tpu.memref_slice %arg3[%add3A_850] : memref<655360xi32, #tpu.memory_space<hbm>> -> memref<128xi32, #tpu.memory_space<hbm>>
      %dma_start3A_856 = arith.constant 0 : i32
      %dma_start3A_857 = tpu.memref_slice %arg6[%dma_start3A_851, %dma_start3A_856] : memref<4x128xi32, #tpu.memory_space<vmem>> -> memref<1x128xi32, #tpu.memory_space<vmem>>
      %dma_start3A_858 = tpu.memref_squeeze %dma_start3A_857 : memref<1x128xi32, #tpu.memory_space<vmem>> -> memref<128xi32, #tpu.memory_space<vmem>>
      %dma_start3A_859 = tpu.memref_slice %arg3[%add3A_850] : memref<655360xi32, #tpu.memory_space<hbm>> -> memref<128xi32, #tpu.memory_space<hbm>>
      tpu.enqueue_dma source(%dma_start3A_859 : memref<128xi32, #tpu.memory_space<hbm>>) target(%dma_start3A_858 : memref<128xi32, #tpu.memory_space<vmem>>) target_semaphore(%arg9 : memref<!tpu.dma_semaphore, #tpu.memory_space<semaphore_mem>>)
    }
    %scan3A_161 = arith.constant 19 : i32
    %add3A_162 = arith.constant 0 : i32
    %add3A_163 = arith.addi %add3A_162, %mul3A_4 : i32
    %add3A_164 = arith.constant 9984 : i32
    %add3A_165 = arith.addi %add3A_163, %add3A_164 : i32
    %dma_wait3A_166 = arith.constant 2 : i32
    %dma_wait3A_167 = arith.constant 0 : i32
    %dma_wait3A_168 = tpu.memref_slice %arg5[%dma_wait3A_166, %dma_wait3A_167] : memref<4x128xi32, #tpu.memory_space<vmem>> -> memref<1x128xi32, #tpu.memory_space<vmem>>
    %dma_wait3A_169 = tpu.memref_squeeze %dma_wait3A_168 : memref<1x128xi32, #tpu.memory_space<vmem>> -> memref<128xi32, #tpu.memory_space<vmem>>
    %dma_wait3A_170 = tpu.memref_slice %arg3[%add3A_165] : memref<655360xi32, #tpu.memory_space<hbm>> -> memref<128xi32, #tpu.memory_space<hbm>>
    %dma_wait3A_171 = arith.constant 0 : i32
    %dma_wait3A_172 = tpu.memref_slice %arg5[%dma_wait3A_166, %dma_wait3A_171] : memref<4x128xi32, #tpu.memory_space<vmem>> -> memref<1x128xi32, #tpu.memory_space<vmem>>
    %dma_wait3A_173 = tpu.memref_squeeze %dma_wait3A_172 : memref<1x128xi32, #tpu.memory_space<vmem>> -> memref<128xi32, #tpu.memory_space<vmem>>
    %dma_wait3A_174 = tpu.memref_slice %arg3[%add3A_165] : memref<655360xi32, #tpu.memory_space<hbm>> -> memref<128xi32, #tpu.memory_space<hbm>>
    tpu.wait_dma2 semaphore(%arg9 : memref<!tpu.dma_semaphore, #tpu.memory_space<semaphore_mem>>) src(%dma_wait3A_174 : memref<128xi32, #tpu.memory_space<hbm>>) dst(%dma_wait3A_173 : memref<128xi32, #tpu.memory_space<vmem>>)
    %add3A_175 = arith.constant 327680 : i32
    %add3A_176 = arith.addi %add3A_175, %mul3A_4 : i32
    %add3A_177 = arith.constant 9984 : i32
    %add3A_178 = arith.addi %add3A_176, %add3A_177 : i32
    %dma_wait3A_179 = arith.constant 2 : i32
    %dma_wait3A_180 = arith.constant 0 : i32
    %dma_wait3A_181 = tpu.memref_slice %arg6[%dma_wait3A_179, %dma_wait3A_180] : memref<4x128xi32, #tpu.memory_space<vmem>> -> memref<1x128xi32, #tpu.memory_space<vmem>>
    %dma_wait3A_182 = tpu.memref_squeeze %dma_wait3A_181 : memref<1x128xi32, #tpu.memory_space<vmem>> -> memref<128xi32, #tpu.memory_space<vmem>>
    %dma_wait3A_183 = tpu.memref_slice %arg3[%add3A_178] : memref<655360xi32, #tpu.memory_space<hbm>> -> memref<128xi32, #tpu.memory_space<hbm>>
    %dma_wait3A_184 = arith.constant 0 : i32
    %dma_wait3A_185 = tpu.memref_slice %arg6[%dma_wait3A_179, %dma_wait3A_184] : memref<4x128xi32, #tpu.memory_space<vmem>> -> memref<1x128xi32, #tpu.memory_space<vmem>>
    %dma_wait3A_186 = tpu.memref_squeeze %dma_wait3A_185 : memref<1x128xi32, #tpu.memory_space<vmem>> -> memref<128xi32, #tpu.memory_space<vmem>>
    %dma_wait3A_187 = tpu.memref_slice %arg3[%add3A_178] : memref<655360xi32, #tpu.memory_space<hbm>> -> memref<128xi32, #tpu.memory_space<hbm>>
    tpu.wait_dma2 semaphore(%arg9 : memref<!tpu.dma_semaphore, #tpu.memory_space<semaphore_mem>>) src(%dma_wait3A_187 : memref<128xi32, #tpu.memory_space<hbm>>) dst(%dma_wait3A_186 : memref<128xi32, #tpu.memory_space<vmem>>)
    %dma_wait3A_188 = arith.constant 0 : i32
    %dma_wait3A_189 = arith.constant 0 : i32
    %dma_wait3A_190 = arith.constant 0 : i32
    %dma_wait3A_191 = arith.constant 0 : i32
    %dma_wait3A_192 = tpu.memref_slice %arg7[%dma_wait3A_188, %dma_wait3A_190, %dma_wait3A_191] : memref<2x128x128xf32, #tpu.memory_space<vmem>> -> memref<1x128x128xf32, #tpu.memory_space<vmem>>
    %dma_wait3A_193 = tpu.memref_squeeze %dma_wait3A_192 : memref<1x128x128xf32, #tpu.memory_space<vmem>> -> memref<128x128xf32, #tpu.memory_space<vmem>>
    %dma_wait3A_194 = arith.constant 0 : i32
    %dma_wait3A_195 = tpu.memref_slice %arg6[%dma_wait3A_189, %dma_wait3A_194] : memref<4x128xi32, #tpu.memory_space<vmem>> -> memref<1x128xi32, #tpu.memory_space<vmem>>
    %dma_wait3A_196 = tpu.memref_squeeze %dma_wait3A_195 : memref<1x128xi32, #tpu.memory_space<vmem>> -> memref<128xi32, #tpu.memory_space<vmem>>
    %dma_wait3A_197 = arith.constant 0 : i32
    %dma_wait3A_198 = arith.constant 0 : i32
    %dma_wait3A_199 = tpu.memref_slice %arg8[%dma_wait3A_197, %dma_wait3A_198] : memref<10112x128xf32, #tpu.memory_space<vmem_shared>> -> memref<10112x128xf32, #tpu.memory_space<vmem_shared>>
    tpu.wait_indirect_dma semaphore(%arg11 : memref<!tpu.dma_semaphore, #tpu.memory_space<semaphore_mem>>) src(%dma_wait3A_193 : memref<128x128xf32, #tpu.memory_space<vmem>>) dst(%dma_wait3A_199 : memref<10112x128xf32, #tpu.memory_space<vmem_shared>>)
    %dma_start3A_200 = arith.constant 2 : i32
    %dma_start3A_201 = arith.constant 0 : i32
    %dma_start3A_202 = arith.constant 0 : i32
    %dma_start3A_203 = arith.constant 0 : i32
    %dma_start3A_204 = tpu.memref_slice %arg7[%dma_start3A_201, %dma_start3A_202, %dma_start3A_203] : memref<2x128x128xf32, #tpu.memory_space<vmem>> -> memref<1x128x128xf32, #tpu.memory_space<vmem>>
    %dma_start3A_205 = tpu.memref_squeeze %dma_start3A_204 : memref<1x128x128xf32, #tpu.memory_space<vmem>> -> memref<128x128xf32, #tpu.memory_space<vmem>>
    %dma_start3A_206 = arith.constant 0 : i32
    %dma_start3A_207 = tpu.memref_slice %arg5[%dma_start3A_200, %dma_start3A_206] : memref<4x128xi32, #tpu.memory_space<vmem>> -> memref<1x128xi32, #tpu.memory_space<vmem>>
    %dma_start3A_208 = tpu.memref_squeeze %dma_start3A_207 : memref<1x128xi32, #tpu.memory_space<vmem>> -> memref<128xi32, #tpu.memory_space<vmem>>
    %dma_start3A_209 = arith.constant 0 : i32
    %dma_start3A_210 = arith.constant 0 : i32
    %dma_start3A_211 = tpu.memref_slice %arg2[%dma_start3A_209, %dma_start3A_210] : memref<10112x128xf32, #tpu.memory_space<hbm>> -> memref<10112x128xf32, #tpu.memory_space<hbm>>
    tpu.enqueue_indirect_dma source(%dma_start3A_211 : memref<10112x128xf32, #tpu.memory_space<hbm>>) target(%dma_start3A_205 : memref<128x128xf32, #tpu.memory_space<vmem>>) offsets(%dma_start3A_208 : memref<128xi32, #tpu.memory_space<vmem>>) semaphore(%arg10 : memref<!tpu.dma_semaphore, #tpu.memory_space<semaphore_mem>>)
    %dma_wait3A_212 = arith.constant 1 : i32
    %dma_wait3A_213 = arith.constant 1 : i32
    %dma_wait3A_214 = arith.constant 0 : i32
    %dma_wait3A_215 = arith.constant 0 : i32
    %dma_wait3A_216 = tpu.memref_slice %arg7[%dma_wait3A_213, %dma_wait3A_214, %dma_wait3A_215] : memref<2x128x128xf32, #tpu.memory_space<vmem>> -> memref<1x128x128xf32, #tpu.memory_space<vmem>>
    %dma_wait3A_217 = tpu.memref_squeeze %dma_wait3A_216 : memref<1x128x128xf32, #tpu.memory_space<vmem>> -> memref<128x128xf32, #tpu.memory_space<vmem>>
    %dma_wait3A_218 = arith.constant 0 : i32
    %dma_wait3A_219 = tpu.memref_slice %arg5[%dma_wait3A_212, %dma_wait3A_218] : memref<4x128xi32, #tpu.memory_space<vmem>> -> memref<1x128xi32, #tpu.memory_space<vmem>>
    %dma_wait3A_220 = tpu.memref_squeeze %dma_wait3A_219 : memref<1x128xi32, #tpu.memory_space<vmem>> -> memref<128xi32, #tpu.memory_space<vmem>>
    %dma_wait3A_221 = arith.constant 0 : i32
    %dma_wait3A_222 = arith.constant 0 : i32
    %dma_wait3A_223 = tpu.memref_slice %arg2[%dma_wait3A_221, %dma_wait3A_222] : memref<10112x128xf32, #tpu.memory_space<hbm>> -> memref<10112x128xf32, #tpu.memory_space<hbm>>
    tpu.wait_indirect_dma semaphore(%arg10 : memref<!tpu.dma_semaphore, #tpu.memory_space<semaphore_mem>>) src(%dma_wait3A_223 : memref<10112x128xf32, #tpu.memory_space<hbm>>) dst(%dma_wait3A_217 : memref<128x128xf32, #tpu.memory_space<vmem>>)
    %dma_start3A_224 = arith.constant 1 : i32
    %dma_start3A_225 = arith.constant 1 : i32
    %dma_start3A_226 = arith.constant 0 : i32
    %dma_start3A_227 = arith.constant 0 : i32
    %dma_start3A_228 = tpu.memref_slice %arg7[%dma_start3A_224, %dma_start3A_226, %dma_start3A_227] : memref<2x128x128xf32, #tpu.memory_space<vmem>> -> memref<1x128x128xf32, #tpu.memory_space<vmem>>
    %dma_start3A_229 = tpu.memref_squeeze %dma_start3A_228 : memref<1x128x128xf32, #tpu.memory_space<vmem>> -> memref<128x128xf32, #tpu.memory_space<vmem>>
    %dma_start3A_230 = arith.constant 0 : i32
    %dma_start3A_231 = tpu.memref_slice %arg6[%dma_start3A_225, %dma_start3A_230] : memref<4x128xi32, #tpu.memory_space<vmem>> -> memref<1x128xi32, #tpu.memory_space<vmem>>
    %dma_start3A_232 = tpu.memref_squeeze %dma_start3A_231 : memref<1x128xi32, #tpu.memory_space<vmem>> -> memref<128xi32, #tpu.memory_space<vmem>>
    %dma_start3A_233 = arith.constant 0 : i32
    %dma_start3A_234 = arith.constant 0 : i32
    %dma_start3A_235 = tpu.memref_slice %arg8[%dma_start3A_233, %dma_start3A_234] : memref<10112x128xf32, #tpu.memory_space<vmem_shared>> -> memref<10112x128xf32, #tpu.memory_space<vmem_shared>>
    tpu.enqueue_indirect_dma source(%dma_start3A_229 : memref<128x128xf32, #tpu.memory_space<vmem>>) target(%dma_start3A_235 : memref<10112x128xf32, #tpu.memory_space<vmem_shared>>) offsets(%dma_start3A_232 : memref<128xi32, #tpu.memory_space<vmem>>) semaphore(%arg11 : memref<!tpu.dma_semaphore, #tpu.memory_space<semaphore_mem>>) {add = true}
    %add3A_236 = arith.constant 0 : i32
    %add3A_237 = arith.addi %add3A_236, %mul3A_4 : i32
    %add3A_238 = arith.constant 10112 : i32
    %add3A_239 = arith.addi %add3A_237, %add3A_238 : i32
    %dma_start3A_240 = arith.constant 3 : i32
    %dma_start3A_241 = arith.constant 0 : i32
    %dma_start3A_242 = tpu.memref_slice %arg5[%dma_start3A_240, %dma_start3A_241] : memref<4x128xi32, #tpu.memory_space<vmem>> -> memref<1x128xi32, #tpu.memory_space<vmem>>
    %dma_start3A_243 = tpu.memref_squeeze %dma_start3A_242 : memref<1x128xi32, #tpu.memory_space<vmem>> -> memref<128xi32, #tpu.memory_space<vmem>>
    %dma_start3A_244 = tpu.memref_slice %arg3[%add3A_239] : memref<655360xi32, #tpu.memory_space<hbm>> -> memref<128xi32, #tpu.memory_space<hbm>>
    %dma_start3A_245 = arith.constant 0 : i32
    %dma_start3A_246 = tpu.memref_slice %arg5[%dma_start3A_240, %dma_start3A_245] : memref<4x128xi32, #tpu.memory_space<vmem>> -> memref<1x128xi32, #tpu.memory_space<vmem>>
    %dma_start3A_247 = tpu.memref_squeeze %dma_start3A_246 : memref<1x128xi32, #tpu.memory_space<vmem>> -> memref<128xi32, #tpu.memory_space<vmem>>
    %dma_start3A_248 = tpu.memref_slice %arg3[%add3A_239] : memref<655360xi32, #tpu.memory_space<hbm>> -> memref<128xi32, #tpu.memory_space<hbm>>
    tpu.enqueue_dma source(%dma_start3A_248 : memref<128xi32, #tpu.memory_space<hbm>>) target(%dma_start3A_247 : memref<128xi32, #tpu.memory_space<vmem>>) target_semaphore(%arg9 : memref<!tpu.dma_semaphore, #tpu.memory_space<semaphore_mem>>)
    %add3A_249 = arith.constant 327680 : i32
    %add3A_250 = arith.addi %add3A_249, %mul3A_4 : i32
    %add3A_251 = arith.constant 10112 : i32
    %add3A_252 = arith.addi %add3A_250, %add3A_251 : i32
    %dma_start3A_253 = arith.constant 3 : i32
    %dma_start3A_254 = arith.constant 0 : i32
    %dma_start3A_255 = tpu.memref_slice %arg6[%dma_start3A_253, %dma_start3A_254] : memref<4x128xi32, #tpu.memory_space<vmem>> -> memref<1x128xi32, #tpu.memory_space<vmem>>
    %dma_start3A_256 = tpu.memref_squeeze %dma_start3A_255 : memref<1x128xi32, #tpu.memory_space<vmem>> -> memref<128xi32, #tpu.memory_space<vmem>>
    %dma_start3A_257 = tpu.memref_slice %arg3[%add3A_252] : memref<655360xi32, #tpu.memory_space<hbm>> -> memref<128xi32, #tpu.memory_space<hbm>>
    %dma_start3A_258 = arith.constant 0 : i32
    %dma_start3A_259 = tpu.memref_slice %arg6[%dma_start3A_253, %dma_start3A_258] : memref<4x128xi32, #tpu.memory_space<vmem>> -> memref<1x128xi32, #tpu.memory_space<vmem>>
    %dma_start3A_260 = tpu.memref_squeeze %dma_start3A_259 : memref<1x128xi32, #tpu.memory_space<vmem>> -> memref<128xi32, #tpu.memory_space<vmem>>
    %dma_start3A_261 = tpu.memref_slice %arg3[%add3A_252] : memref<655360xi32, #tpu.memory_space<hbm>> -> memref<128xi32, #tpu.memory_space<hbm>>
    tpu.enqueue_dma source(%dma_start3A_261 : memref<128xi32, #tpu.memory_space<hbm>>) target(%dma_start3A_260 : memref<128xi32, #tpu.memory_space<vmem>>) target_semaphore(%arg9 : memref<!tpu.dma_semaphore, #tpu.memory_space<semaphore_mem>>)
    %add3A_262 = arith.constant 0 : i32
    %add3A_263 = arith.addi %add3A_262, %mul3A_4 : i32
    %add3A_264 = arith.constant 10112 : i32
    %add3A_265 = arith.addi %add3A_263, %add3A_264 : i32
    %dma_wait3A_266 = arith.constant 3 : i32
    %dma_wait3A_267 = arith.constant 0 : i32
    %dma_wait3A_268 = tpu.memref_slice %arg5[%dma_wait3A_266, %dma_wait3A_267] : memref<4x128xi32, #tpu.memory_space<vmem>> -> memref<1x128xi32, #tpu.memory_space<vmem>>
    %dma_wait3A_269 = tpu.memref_squeeze %dma_wait3A_268 : memref<1x128xi32, #tpu.memory_space<vmem>> -> memref<128xi32, #tpu.memory_space<vmem>>
    %dma_wait3A_270 = tpu.memref_slice %arg3[%add3A_265] : memref<655360xi32, #tpu.memory_space<hbm>> -> memref<128xi32, #tpu.memory_space<hbm>>
    %dma_wait3A_271 = arith.constant 0 : i32
    %dma_wait3A_272 = tpu.memref_slice %arg5[%dma_wait3A_266, %dma_wait3A_271] : memref<4x128xi32, #tpu.memory_space<vmem>> -> memref<1x128xi32, #tpu.memory_space<vmem>>
    %dma_wait3A_273 = tpu.memref_squeeze %dma_wait3A_272 : memref<1x128xi32, #tpu.memory_space<vmem>> -> memref<128xi32, #tpu.memory_space<vmem>>
    %dma_wait3A_274 = tpu.memref_slice %arg3[%add3A_265] : memref<655360xi32, #tpu.memory_space<hbm>> -> memref<128xi32, #tpu.memory_space<hbm>>
    tpu.wait_dma2 semaphore(%arg9 : memref<!tpu.dma_semaphore, #tpu.memory_space<semaphore_mem>>) src(%dma_wait3A_274 : memref<128xi32, #tpu.memory_space<hbm>>) dst(%dma_wait3A_273 : memref<128xi32, #tpu.memory_space<vmem>>)
    %add3A_275 = arith.constant 327680 : i32
    %add3A_276 = arith.addi %add3A_275, %mul3A_4 : i32
    %add3A_277 = arith.constant 10112 : i32
    %add3A_278 = arith.addi %add3A_276, %add3A_277 : i32
    %dma_wait3A_279 = arith.constant 3 : i32
    %dma_wait3A_280 = arith.constant 0 : i32
    %dma_wait3A_281 = tpu.memref_slice %arg6[%dma_wait3A_279, %dma_wait3A_280] : memref<4x128xi32, #tpu.memory_space<vmem>> -> memref<1x128xi32, #tpu.memory_space<vmem>>
    %dma_wait3A_282 = tpu.memref_squeeze %dma_wait3A_281 : memref<1x128xi32, #tpu.memory_space<vmem>> -> memref<128xi32, #tpu.memory_space<vmem>>
    %dma_wait3A_283 = tpu.memref_slice %arg3[%add3A_278] : memref<655360xi32, #tpu.memory_space<hbm>> -> memref<128xi32, #tpu.memory_space<hbm>>
    %dma_wait3A_284 = arith.constant 0 : i32
    %dma_wait3A_285 = tpu.memref_slice %arg6[%dma_wait3A_279, %dma_wait3A_284] : memref<4x128xi32, #tpu.memory_space<vmem>> -> memref<1x128xi32, #tpu.memory_space<vmem>>
    %dma_wait3A_286 = tpu.memref_squeeze %dma_wait3A_285 : memref<1x128xi32, #tpu.memory_space<vmem>> -> memref<128xi32, #tpu.memory_space<vmem>>
    %dma_wait3A_287 = tpu.memref_slice %arg3[%add3A_278] : memref<655360xi32, #tpu.memory_space<hbm>> -> memref<128xi32, #tpu.memory_space<hbm>>
    tpu.wait_dma2 semaphore(%arg9 : memref<!tpu.dma_semaphore, #tpu.memory_space<semaphore_mem>>) src(%dma_wait3A_287 : memref<128xi32, #tpu.memory_space<hbm>>) dst(%dma_wait3A_286 : memref<128xi32, #tpu.memory_space<vmem>>)
    %dma_wait3A_288 = arith.constant 1 : i32
    %dma_wait3A_289 = arith.constant 1 : i32
    %dma_wait3A_290 = arith.constant 0 : i32
    %dma_wait3A_291 = arith.constant 0 : i32
    %dma_wait3A_292 = tpu.memref_slice %arg7[%dma_wait3A_288, %dma_wait3A_290, %dma_wait3A_291] : memref<2x128x128xf32, #tpu.memory_space<vmem>> -> memref<1x128x128xf32, #tpu.memory_space<vmem>>
    %dma_wait3A_293 = tpu.memref_squeeze %dma_wait3A_292 : memref<1x128x128xf32, #tpu.memory_space<vmem>> -> memref<128x128xf32, #tpu.memory_space<vmem>>
    %dma_wait3A_294 = arith.constant 0 : i32
    %dma_wait3A_295 = tpu.memref_slice %arg6[%dma_wait3A_289, %dma_wait3A_294] : memref<4x128xi32, #tpu.memory_space<vmem>> -> memref<1x128xi32, #tpu.memory_space<vmem>>
    %dma_wait3A_296 = tpu.memref_squeeze %dma_wait3A_295 : memref<1x128xi32, #tpu.memory_space<vmem>> -> memref<128xi32, #tpu.memory_space<vmem>>
    %dma_wait3A_297 = arith.constant 0 : i32
    %dma_wait3A_298 = arith.constant 0 : i32
    %dma_wait3A_299 = tpu.memref_slice %arg8[%dma_wait3A_297, %dma_wait3A_298] : memref<10112x128xf32, #tpu.memory_space<vmem_shared>> -> memref<10112x128xf32, #tpu.memory_space<vmem_shared>>
    tpu.wait_indirect_dma semaphore(%arg11 : memref<!tpu.dma_semaphore, #tpu.memory_space<semaphore_mem>>) src(%dma_wait3A_293 : memref<128x128xf32, #tpu.memory_space<vmem>>) dst(%dma_wait3A_299 : memref<10112x128xf32, #tpu.memory_space<vmem_shared>>)
    %dma_start3A_300 = arith.constant 3 : i32
    %dma_start3A_301 = arith.constant 1 : i32
    %dma_start3A_302 = arith.constant 0 : i32
    %dma_start3A_303 = arith.constant 0 : i32
    %dma_start3A_304 = tpu.memref_slice %arg7[%dma_start3A_301, %dma_start3A_302, %dma_start3A_303] : memref<2x128x128xf32, #tpu.memory_space<vmem>> -> memref<1x128x128xf32, #tpu.memory_space<vmem>>
    %dma_start3A_305 = tpu.memref_squeeze %dma_start3A_304 : memref<1x128x128xf32, #tpu.memory_space<vmem>> -> memref<128x128xf32, #tpu.memory_space<vmem>>
    %dma_start3A_306 = arith.constant 0 : i32
    %dma_start3A_307 = tpu.memref_slice %arg5[%dma_start3A_300, %dma_start3A_306] : memref<4x128xi32, #tpu.memory_space<vmem>> -> memref<1x128xi32, #tpu.memory_space<vmem>>
    %dma_start3A_308 = tpu.memref_squeeze %dma_start3A_307 : memref<1x128xi32, #tpu.memory_space<vmem>> -> memref<128xi32, #tpu.memory_space<vmem>>
    %dma_start3A_309 = arith.constant 0 : i32
    %dma_start3A_310 = arith.constant 0 : i32
    %dma_start3A_311 = tpu.memref_slice %arg2[%dma_start3A_309, %dma_start3A_310] : memref<10112x128xf32, #tpu.memory_space<hbm>> -> memref<10112x128xf32, #tpu.memory_space<hbm>>
    tpu.enqueue_indirect_dma source(%dma_start3A_311 : memref<10112x128xf32, #tpu.memory_space<hbm>>) target(%dma_start3A_305 : memref<128x128xf32, #tpu.memory_space<vmem>>) offsets(%dma_start3A_308 : memref<128xi32, #tpu.memory_space<vmem>>) semaphore(%arg10 : memref<!tpu.dma_semaphore, #tpu.memory_space<semaphore_mem>>)
    %dma_wait3A_312 = arith.constant 2 : i32
    %dma_wait3A_313 = arith.constant 0 : i32
    %dma_wait3A_314 = arith.constant 0 : i32
    %dma_wait3A_315 = arith.constant 0 : i32
    %dma_wait3A_316 = tpu.memref_slice %arg7[%dma_wait3A_313, %dma_wait3A_314, %dma_wait3A_315] : memref<2x128x128xf32, #tpu.memory_space<vmem>> -> memref<1x128x128xf32, #tpu.memory_space<vmem>>
    %dma_wait3A_317 = tpu.memref_squeeze %dma_wait3A_316 : memref<1x128x128xf32, #tpu.memory_space<vmem>> -> memref<128x128xf32, #tpu.memory_space<vmem>>
    %dma_wait3A_318 = arith.constant 0 : i32
    %dma_wait3A_319 = tpu.memref_slice %arg5[%dma_wait3A_312, %dma_wait3A_318] : memref<4x128xi32, #tpu.memory_space<vmem>> -> memref<1x128xi32, #tpu.memory_space<vmem>>
    %dma_wait3A_320 = tpu.memref_squeeze %dma_wait3A_319 : memref<1x128xi32, #tpu.memory_space<vmem>> -> memref<128xi32, #tpu.memory_space<vmem>>
    %dma_wait3A_321 = arith.constant 0 : i32
    %dma_wait3A_322 = arith.constant 0 : i32
    %dma_wait3A_323 = tpu.memref_slice %arg2[%dma_wait3A_321, %dma_wait3A_322] : memref<10112x128xf32, #tpu.memory_space<hbm>> -> memref<10112x128xf32, #tpu.memory_space<hbm>>
    tpu.wait_indirect_dma semaphore(%arg10 : memref<!tpu.dma_semaphore, #tpu.memory_space<semaphore_mem>>) src(%dma_wait3A_323 : memref<10112x128xf32, #tpu.memory_space<hbm>>) dst(%dma_wait3A_317 : memref<128x128xf32, #tpu.memory_space<vmem>>)
    %dma_start3A_324 = arith.constant 0 : i32
    %dma_start3A_325 = arith.constant 2 : i32
    %dma_start3A_326 = arith.constant 0 : i32
    %dma_start3A_327 = arith.constant 0 : i32
    %dma_start3A_328 = tpu.memref_slice %arg7[%dma_start3A_324, %dma_start3A_326, %dma_start3A_327] : memref<2x128x128xf32, #tpu.memory_space<vmem>> -> memref<1x128x128xf32, #tpu.memory_space<vmem>>
    %dma_start3A_329 = tpu.memref_squeeze %dma_start3A_328 : memref<1x128x128xf32, #tpu.memory_space<vmem>> -> memref<128x128xf32, #tpu.memory_space<vmem>>
    %dma_start3A_330 = arith.constant 0 : i32
    %dma_start3A_331 = tpu.memref_slice %arg6[%dma_start3A_325, %dma_start3A_330] : memref<4x128xi32, #tpu.memory_space<vmem>> -> memref<1x128xi32, #tpu.memory_space<vmem>>
    %dma_start3A_332 = tpu.memref_squeeze %dma_start3A_331 : memref<1x128xi32, #tpu.memory_space<vmem>> -> memref<128xi32, #tpu.memory_space<vmem>>
    %dma_start3A_333 = arith.constant 0 : i32
    %dma_start3A_334 = arith.constant 0 : i32
    %dma_start3A_335 = tpu.memref_slice %arg8[%dma_start3A_333, %dma_start3A_334] : memref<10112x128xf32, #tpu.memory_space<vmem_shared>> -> memref<10112x128xf32, #tpu.memory_space<vmem_shared>>
    tpu.enqueue_indirect_dma source(%dma_start3A_329 : memref<128x128xf32, #tpu.memory_space<vmem>>) target(%dma_start3A_335 : memref<10112x128xf32, #tpu.memory_space<vmem_shared>>) offsets(%dma_start3A_332 : memref<128xi32, #tpu.memory_space<vmem>>) semaphore(%arg11 : memref<!tpu.dma_semaphore, #tpu.memory_space<semaphore_mem>>) {add = true}
    %dma_wait3A_336 = arith.constant 3 : i32
    %dma_wait3A_337 = arith.constant 1 : i32
    %dma_wait3A_338 = arith.constant 0 : i32
    %dma_wait3A_339 = arith.constant 0 : i32
    %dma_wait3A_340 = tpu.memref_slice %arg7[%dma_wait3A_337, %dma_wait3A_338, %dma_wait3A_339] : memref<2x128x128xf32, #tpu.memory_space<vmem>> -> memref<1x128x128xf32, #tpu.memory_space<vmem>>
    %dma_wait3A_341 = tpu.memref_squeeze %dma_wait3A_340 : memref<1x128x128xf32, #tpu.memory_space<vmem>> -> memref<128x128xf32, #tpu.memory_space<vmem>>
    %dma_wait3A_342 = arith.constant 0 : i32
    %dma_wait3A_343 = tpu.memref_slice %arg5[%dma_wait3A_336, %dma_wait3A_342] : memref<4x128xi32, #tpu.memory_space<vmem>> -> memref<1x128xi32, #tpu.memory_space<vmem>>
    %dma_wait3A_344 = tpu.memref_squeeze %dma_wait3A_343 : memref<1x128xi32, #tpu.memory_space<vmem>> -> memref<128xi32, #tpu.memory_space<vmem>>
    %dma_wait3A_345 = arith.constant 0 : i32
    %dma_wait3A_346 = arith.constant 0 : i32
    %dma_wait3A_347 = tpu.memref_slice %arg2[%dma_wait3A_345, %dma_wait3A_346] : memref<10112x128xf32, #tpu.memory_space<hbm>> -> memref<10112x128xf32, #tpu.memory_space<hbm>>
    tpu.wait_indirect_dma semaphore(%arg10 : memref<!tpu.dma_semaphore, #tpu.memory_space<semaphore_mem>>) src(%dma_wait3A_347 : memref<10112x128xf32, #tpu.memory_space<hbm>>) dst(%dma_wait3A_341 : memref<128x128xf32, #tpu.memory_space<vmem>>)
    %dma_start3A_348 = arith.constant 1 : i32
    %dma_start3A_349 = arith.constant 3 : i32
    %dma_start3A_350 = arith.constant 0 : i32
    %dma_start3A_351 = arith.constant 0 : i32
    %dma_start3A_352 = tpu.memref_slice %arg7[%dma_start3A_348, %dma_start3A_350, %dma_start3A_351] : memref<2x128x128xf32, #tpu.memory_space<vmem>> -> memref<1x128x128xf32, #tpu.memory_space<vmem>>
    %dma_start3A_353 = tpu.memref_squeeze %dma_start3A_352 : memref<1x128x128xf32, #tpu.memory_space<vmem>> -> memref<128x128xf32, #tpu.memory_space<vmem>>
    %dma_start3A_354 = arith.constant 0 : i32
    %dma_start3A_355 = tpu.memref_slice %arg6[%dma_start3A_349, %dma_start3A_354] : memref<4x128xi32, #tpu.memory_space<vmem>> -> memref<1x128xi32, #tpu.memory_space<vmem>>
    %dma_start3A_356 = tpu.memref_squeeze %dma_start3A_355 : memref<1x128xi32, #tpu.memory_space<vmem>> -> memref<128xi32, #tpu.memory_space<vmem>>
    %dma_start3A_357 = arith.constant 0 : i32
    %dma_start3A_358 = arith.constant 0 : i32
    %dma_start3A_359 = tpu.memref_slice %arg8[%dma_start3A_357, %dma_start3A_358] : memref<10112x128xf32, #tpu.memory_space<vmem_shared>> -> memref<10112x128xf32, #tpu.memory_space<vmem_shared>>
    tpu.enqueue_indirect_dma source(%dma_start3A_353 : memref<128x128xf32, #tpu.memory_space<vmem>>) target(%dma_start3A_359 : memref<10112x128xf32, #tpu.memory_space<vmem_shared>>) offsets(%dma_start3A_356 : memref<128xi32, #tpu.memory_space<vmem>>) semaphore(%arg11 : memref<!tpu.dma_semaphore, #tpu.memory_space<semaphore_mem>>) {add = true}
    %dma_wait3A_360 = arith.constant 0 : i32
    %dma_wait3A_361 = arith.constant 2 : i32
    %dma_wait3A_362 = arith.constant 0 : i32
    %dma_wait3A_363 = arith.constant 0 : i32
    %dma_wait3A_364 = tpu.memref_slice %arg7[%dma_wait3A_360, %dma_wait3A_362, %dma_wait3A_363] : memref<2x128x128xf32, #tpu.memory_space<vmem>> -> memref<1x128x128xf32, #tpu.memory_space<vmem>>
    %dma_wait3A_365 = tpu.memref_squeeze %dma_wait3A_364 : memref<1x128x128xf32, #tpu.memory_space<vmem>> -> memref<128x128xf32, #tpu.memory_space<vmem>>
    %dma_wait3A_366 = arith.constant 0 : i32
    %dma_wait3A_367 = tpu.memref_slice %arg6[%dma_wait3A_361, %dma_wait3A_366] : memref<4x128xi32, #tpu.memory_space<vmem>> -> memref<1x128xi32, #tpu.memory_space<vmem>>
    %dma_wait3A_368 = tpu.memref_squeeze %dma_wait3A_367 : memref<1x128xi32, #tpu.memory_space<vmem>> -> memref<128xi32, #tpu.memory_space<vmem>>
    %dma_wait3A_369 = arith.constant 0 : i32
    %dma_wait3A_370 = arith.constant 0 : i32
    %dma_wait3A_371 = tpu.memref_slice %arg8[%dma_wait3A_369, %dma_wait3A_370] : memref<10112x128xf32, #tpu.memory_space<vmem_shared>> -> memref<10112x128xf32, #tpu.memory_space<vmem_shared>>
    tpu.wait_indirect_dma semaphore(%arg11 : memref<!tpu.dma_semaphore, #tpu.memory_space<semaphore_mem>>) src(%dma_wait3A_365 : memref<128x128xf32, #tpu.memory_space<vmem>>) dst(%dma_wait3A_371 : memref<10112x128xf32, #tpu.memory_space<vmem_shared>>)
    %dma_wait3A_372 = arith.constant 1 : i32
    %dma_wait3A_373 = arith.constant 3 : i32
    %dma_wait3A_374 = arith.constant 0 : i32
    %dma_wait3A_375 = arith.constant 0 : i32
    %dma_wait3A_376 = tpu.memref_slice %arg7[%dma_wait3A_372, %dma_wait3A_374, %dma_wait3A_375] : memref<2x128x128xf32, #tpu.memory_space<vmem>> -> memref<1x128x128xf32, #tpu.memory_space<vmem>>
    %dma_wait3A_377 = tpu.memref_squeeze %dma_wait3A_376 : memref<1x128x128xf32, #tpu.memory_space<vmem>> -> memref<128x128xf32, #tpu.memory_space<vmem>>
    %dma_wait3A_378 = arith.constant 0 : i32
    %dma_wait3A_379 = tpu.memref_slice %arg6[%dma_wait3A_373, %dma_wait3A_378] : memref<4x128xi32, #tpu.memory_space<vmem>> -> memref<1x128xi32, #tpu.memory_space<vmem>>
    %dma_wait3A_380 = tpu.memref_squeeze %dma_wait3A_379 : memref<1x128xi32, #tpu.memory_space<vmem>> -> memref<128xi32, #tpu.memory_space<vmem>>
    %dma_wait3A_381 = arith.constant 0 : i32
    %dma_wait3A_382 = arith.constant 0 : i32
    %dma_wait3A_383 = tpu.memref_slice %arg8[%dma_wait3A_381, %dma_wait3A_382] : memref<10112x128xf32, #tpu.memory_space<vmem_shared>> -> memref<10112x128xf32, #tpu.memory_space<vmem_shared>>
    tpu.wait_indirect_dma semaphore(%arg11 : memref<!tpu.dma_semaphore, #tpu.memory_space<semaphore_mem>>) src(%dma_wait3A_377 : memref<128x128xf32, #tpu.memory_space<vmem>>) dst(%dma_wait3A_383 : memref<10112x128xf32, #tpu.memory_space<vmem_shared>>)
    %barrier3A_384 = arith.constant 0 : index
    tpu.barrier barrier_id(%barrier3A_384)
    %mul3A_385 = arith.constant 10112 : i32
    %mul3A_386 = arith.muli %arg0, %mul3A_385 : i32
    %add3A_387 = arith.addi %mul3A_386, %mul3A_0 : i32
    "tpu.region"() ({
      %run_scoped3A_388 = tpu.sem_alloc : memref<!tpu.dma_semaphore, #tpu.memory_space<semaphore_mem>>
      %dma_start3A_389 = arith.constant 0 : i32
      %dma_start3A_390 = tpu.memref_slice %arg4[%add3A_387, %dma_start3A_389] : memref<20224x128xf32, #tpu.memory_space<hbm>> -> memref<632x128xf32, #tpu.memory_space<hbm>>
      %dma_start3A_391 = arith.constant 0 : i32
      %dma_start3A_392 = tpu.memref_slice %arg8[%mul3A_0, %dma_start3A_391] : memref<10112x128xf32, #tpu.memory_space<vmem_shared>> -> memref<632x128xf32, #tpu.memory_space<vmem_shared>>
      tpu.enqueue_dma source(%dma_start3A_392 : memref<632x128xf32, #tpu.memory_space<vmem_shared>>) target(%dma_start3A_390 : memref<632x128xf32, #tpu.memory_space<hbm>>) target_semaphore(%run_scoped3A_388 : memref<!tpu.dma_semaphore, #tpu.memory_space<semaphore_mem>>)
      %dma_wait3A_393 = arith.constant 0 : i32
      %dma_wait3A_394 = tpu.memref_slice %arg4[%add3A_387, %dma_wait3A_393] : memref<20224x128xf32, #tpu.memory_space<hbm>> -> memref<632x128xf32, #tpu.memory_space<hbm>>
      %dma_wait3A_395 = arith.constant 0 : i32
      %dma_wait3A_396 = tpu.memref_slice %arg8[%mul3A_0, %dma_wait3A_395] : memref<10112x128xf32, #tpu.memory_space<vmem_shared>> -> memref<632x128xf32, #tpu.memory_space<vmem_shared>>
      tpu.wait_dma2 semaphore(%run_scoped3A_388 : memref<!tpu.dma_semaphore, #tpu.memory_space<semaphore_mem>>) src(%dma_wait3A_396 : memref<632x128xf32, #tpu.memory_space<vmem_shared>>) dst(%dma_wait3A_394 : memref<632x128xf32, #tpu.memory_space<hbm>>)
      tpu.yield
    }) : () -> ()
    return
  }
}

#map = affine_map<(d0, d1) -> (0)>
#map1 = affine_map<(d0, d1) -> (0, 0)>
module attributes {stable_mosaic.version = 14 : i64} {
  func.func @_sc_degree(%arg0: i32, %arg1: i32, %arg2: memref<655360xi32, #tpu.memory_space<hbm>>, %arg3: memref<20224x128xf32, #tpu.memory_space<hbm>>, %arg4: memref<2x128xi32, #tpu.memory_space<vmem>>, %arg5: memref<128x128xf32, #tpu.memory_space<vmem>>, %arg6: memref<10112x128xf32, #tpu.memory_space<vmem_shared>>, %arg7: memref<!tpu.dma_semaphore, #tpu.memory_space<semaphore_mem>>) attributes {dimension_semantics = [#tpu.dimension_semantics<core_parallel>, #tpu.dimension_semantics<subcore_parallel>], iteration_bounds = array<i64: 2, 16>, scalar_prefetch = 0 : i64, scratch_operands = 4 : i64, tpu.core_type = #tpu.core_type<sc_vector_subcore>, window_params = [{transform_indices = #map}, {transform_indices = #map1}]} {
    %mul3A = arith.constant 632 : i32
    %mul3A_0 = arith.muli %arg1, %mul3A : i32
    %mul3A_1 = arith.constant 16 : i32
    %mul3A_2 = arith.muli %arg0, %mul3A_1 : i32
    %add3A = arith.addi %mul3A_2, %arg1 : i32
    %mul3A_3 = arith.constant 10240 : i32
    %mul3A_4 = arith.muli %add3A, %mul3A_3 : i32
    %scan3A = arith.constant 0 : i32
    %scan3A_5 = arith.constant 128 : i32
    %scan3A_6 = arith.addi %scan3A, %scan3A_5 : i32
    %scan3A_7 = arith.constant 1 : i32
    scf.for %scan3A_63 = %scan3A to %scan3A_6 step %scan3A_7  : i32 {
      %broadcast_in_dim3A = arith.constant 0.000000e+00 : f32
      %broadcast_in_dim3A_64 = vector.broadcast %broadcast_in_dim3A : f32 to vector<16xf32>
      %swap3A = arith.index_cast %scan3A_63 : i32 to index
      %swap3A_65 = arith.constant 0 : index
      %swap3A_66 = tpu.vector_load %arg5[%swap3A, %swap3A_65] {strides = array<i32>} : memref<128x128xf32, #tpu.memory_space<vmem>>, vector<1x16xf32>,
      %swap3A_67 = vector.shape_cast %swap3A_66 : vector<1x16xf32> to vector<16xf32>
      %swap3A_68 = vector.shape_cast %broadcast_in_dim3A_64 : vector<16xf32> to vector<1x16xf32>
      tpu.vector_store %arg5[%swap3A, %swap3A_65], %swap3A_68 {strides = array<i32>} : memref<128x128xf32, #tpu.memory_space<vmem>>, vector<1x16xf32>,
      %broadcast_in_dim3A_69 = arith.constant 0.000000e+00 : f32
      %broadcast_in_dim3A_70 = vector.broadcast %broadcast_in_dim3A_69 : f32 to vector<16xf32>
      %swap3A_71 = arith.index_cast %scan3A_63 : i32 to index
      %swap3A_72 = arith.constant 16 : index
      %swap3A_73 = tpu.vector_load %arg5[%swap3A_71, %swap3A_72] {strides = array<i32>} : memref<128x128xf32, #tpu.memory_space<vmem>>, vector<1x16xf32>,
      %swap3A_74 = vector.shape_cast %swap3A_73 : vector<1x16xf32> to vector<16xf32>
      %swap3A_75 = vector.shape_cast %broadcast_in_dim3A_70 : vector<16xf32> to vector<1x16xf32>
      tpu.vector_store %arg5[%swap3A_71, %swap3A_72], %swap3A_75 {strides = array<i32>} : memref<128x128xf32, #tpu.memory_space<vmem>>, vector<1x16xf32>,
      %broadcast_in_dim3A_76 = arith.constant 0.000000e+00 : f32
      %broadcast_in_dim3A_77 = vector.broadcast %broadcast_in_dim3A_76 : f32 to vector<16xf32>
      %swap3A_78 = arith.index_cast %scan3A_63 : i32 to index
      %swap3A_79 = arith.constant 32 : index
      %swap3A_80 = tpu.vector_load %arg5[%swap3A_78, %swap3A_79] {strides = array<i32>} : memref<128x128xf32, #tpu.memory_space<vmem>>, vector<1x16xf32>,
      %swap3A_81 = vector.shape_cast %swap3A_80 : vector<1x16xf32> to vector<16xf32>
      %swap3A_82 = vector.shape_cast %broadcast_in_dim3A_77 : vector<16xf32> to vector<1x16xf32>
      tpu.vector_store %arg5[%swap3A_78, %swap3A_79], %swap3A_82 {strides = array<i32>} : memref<128x128xf32, #tpu.memory_space<vmem>>, vector<1x16xf32>,
      %broadcast_in_dim3A_83 = arith.constant 0.000000e+00 : f32
      %broadcast_in_dim3A_84 = vector.broadcast %broadcast_in_dim3A_83 : f32 to vector<16xf32>
      %swap3A_85 = arith.index_cast %scan3A_63 : i32 to index
      %swap3A_86 = arith.constant 48 : index
      %swap3A_87 = tpu.vector_load %arg5[%swap3A_85, %swap3A_86] {strides = array<i32>} : memref<128x128xf32, #tpu.memory_space<vmem>>, vector<1x16xf32>,
      %swap3A_88 = vector.shape_cast %swap3A_87 : vector<1x16xf32> to vector<16xf32>
      %swap3A_89 = vector.shape_cast %broadcast_in_dim3A_84 : vector<16xf32> to vector<1x16xf32>
      tpu.vector_store %arg5[%swap3A_85, %swap3A_86], %swap3A_89 {strides = array<i32>} : memref<128x128xf32, #tpu.memory_space<vmem>>, vector<1x16xf32>,
      %broadcast_in_dim3A_90 = arith.constant 0.000000e+00 : f32
      %broadcast_in_dim3A_91 = vector.broadcast %broadcast_in_dim3A_90 : f32 to vector<16xf32>
      %swap3A_92 = arith.index_cast %scan3A_63 : i32 to index
      %swap3A_93 = arith.constant 64 : index
      %swap3A_94 = tpu.vector_load %arg5[%swap3A_92, %swap3A_93] {strides = array<i32>} : memref<128x128xf32, #tpu.memory_space<vmem>>, vector<1x16xf32>,
      %swap3A_95 = vector.shape_cast %swap3A_94 : vector<1x16xf32> to vector<16xf32>
      %swap3A_96 = vector.shape_cast %broadcast_in_dim3A_91 : vector<16xf32> to vector<1x16xf32>
      tpu.vector_store %arg5[%swap3A_92, %swap3A_93], %swap3A_96 {strides = array<i32>} : memref<128x128xf32, #tpu.memory_space<vmem>>, vector<1x16xf32>,
      %broadcast_in_dim3A_97 = arith.constant 0.000000e+00 : f32
      %broadcast_in_dim3A_98 = vector.broadcast %broadcast_in_dim3A_97 : f32 to vector<16xf32>
      %swap3A_99 = arith.index_cast %scan3A_63 : i32 to index
      %swap3A_100 = arith.constant 80 : index
      %swap3A_101 = tpu.vector_load %arg5[%swap3A_99, %swap3A_100] {strides = array<i32>} : memref<128x128xf32, #tpu.memory_space<vmem>>, vector<1x16xf32>,
      %swap3A_102 = vector.shape_cast %swap3A_101 : vector<1x16xf32> to vector<16xf32>
      %swap3A_103 = vector.shape_cast %broadcast_in_dim3A_98 : vector<16xf32> to vector<1x16xf32>
      tpu.vector_store %arg5[%swap3A_99, %swap3A_100], %swap3A_103 {strides = array<i32>} : memref<128x128xf32, #tpu.memory_space<vmem>>, vector<1x16xf32>,
      %broadcast_in_dim3A_104 = arith.constant 0.000000e+00 : f32
      %broadcast_in_dim3A_105 = vector.broadcast %broadcast_in_dim3A_104 : f32 to vector<16xf32>
      %swap3A_106 = arith.index_cast %scan3A_63 : i32 to index
      %swap3A_107 = arith.constant 96 : index
      %swap3A_108 = tpu.vector_load %arg5[%swap3A_106, %swap3A_107] {strides = array<i32>} : memref<128x128xf32, #tpu.memory_space<vmem>>, vector<1x16xf32>,
      %swap3A_109 = vector.shape_cast %swap3A_108 : vector<1x16xf32> to vector<16xf32>
      %swap3A_110 = vector.shape_cast %broadcast_in_dim3A_105 : vector<16xf32> to vector<1x16xf32>
      tpu.vector_store %arg5[%swap3A_106, %swap3A_107], %swap3A_110 {strides = array<i32>} : memref<128x128xf32, #tpu.memory_space<vmem>>, vector<1x16xf32>,
      %broadcast_in_dim3A_111 = arith.constant 0.000000e+00 : f32
      %broadcast_in_dim3A_112 = vector.broadcast %broadcast_in_dim3A_111 : f32 to vector<16xf32>
      %swap3A_113 = arith.index_cast %scan3A_63 : i32 to index
      %swap3A_114 = arith.constant 112 : index
      %swap3A_115 = tpu.vector_load %arg5[%swap3A_113, %swap3A_114] {strides = array<i32>} : memref<128x128xf32, #tpu.memory_space<vmem>>, vector<1x16xf32>,
      %swap3A_116 = vector.shape_cast %swap3A_115 : vector<1x16xf32> to vector<16xf32>
      %swap3A_117 = vector.shape_cast %broadcast_in_dim3A_112 : vector<16xf32> to vector<1x16xf32>
      tpu.vector_store %arg5[%swap3A_113, %swap3A_114], %swap3A_117 {strides = array<i32>} : memref<128x128xf32, #tpu.memory_space<vmem>>, vector<1x16xf32>,
    }
    %scan3A_8 = arith.constant 128 : i32
    %add3A_9 = arith.constant 0 : i32
    %add3A_10 = arith.addi %mul3A_0, %add3A_9 : i32
    "tpu.region"() ({
      %run_scoped3A_63 = tpu.sem_alloc : memref<!tpu.dma_semaphore, #tpu.memory_space<semaphore_mem>>
      %dma_start3A_64 = arith.constant 0 : i32
      %dma_start3A_65 = arith.constant 0 : i32
      %dma_start3A_66 = tpu.memref_slice %arg5[%dma_start3A_64, %dma_start3A_65] : memref<128x128xf32, #tpu.memory_space<vmem>> -> memref<128x128xf32, #tpu.memory_space<vmem>>
      %dma_start3A_67 = arith.constant 0 : i32
      %dma_start3A_68 = tpu.memref_slice %arg6[%add3A_10, %dma_start3A_67] : memref<10112x128xf32, #tpu.memory_space<vmem_shared>> -> memref<128x128xf32, #tpu.memory_space<vmem_shared>>
      %dma_start3A_69 = arith.constant 0 : i32
      %dma_start3A_70 = tpu.memref_slice %arg6[%add3A_10, %dma_start3A_69] : memref<10112x128xf32, #tpu.memory_space<vmem_shared>> -> memref<128x128xf32, #tpu.memory_space<vmem_shared>>
      %dma_start3A_71 = arith.constant 0 : i32
      %dma_start3A_72 = arith.constant 0 : i32
      %dma_start3A_73 = tpu.memref_slice %arg5[%dma_start3A_71, %dma_start3A_72] : memref<128x128xf32, #tpu.memory_space<vmem>> -> memref<128x128xf32, #tpu.memory_space<vmem>>
      tpu.enqueue_dma source(%dma_start3A_73 : memref<128x128xf32, #tpu.memory_space<vmem>>) target(%dma_start3A_70 : memref<128x128xf32, #tpu.memory_space<vmem_shared>>) target_semaphore(%run_scoped3A_63 : memref<!tpu.dma_semaphore, #tpu.memory_space<semaphore_mem>>)
      %dma_wait3A_74 = arith.constant 0 : i32
      %dma_wait3A_75 = arith.constant 0 : i32
      %dma_wait3A_76 = tpu.memref_slice %arg5[%dma_wait3A_74, %dma_wait3A_75] : memref<128x128xf32, #tpu.memory_space<vmem>> -> memref<128x128xf32, #tpu.memory_space<vmem>>
      %dma_wait3A_77 = arith.constant 0 : i32
      %dma_wait3A_78 = tpu.memref_slice %arg6[%add3A_10, %dma_wait3A_77] : memref<10112x128xf32, #tpu.memory_space<vmem_shared>> -> memref<128x128xf32, #tpu.memory_space<vmem_shared>>
      %dma_wait3A_79 = arith.constant 0 : i32
      %dma_wait3A_80 = tpu.memref_slice %arg6[%add3A_10, %dma_wait3A_79] : memref<10112x128xf32, #tpu.memory_space<vmem_shared>> -> memref<128x128xf32, #tpu.memory_space<vmem_shared>>
      %dma_wait3A_81 = arith.constant 0 : i32
      %dma_wait3A_82 = arith.constant 0 : i32
      %dma_wait3A_83 = tpu.memref_slice %arg5[%dma_wait3A_81, %dma_wait3A_82] : memref<128x128xf32, #tpu.memory_space<vmem>> -> memref<128x128xf32, #tpu.memory_space<vmem>>
      tpu.wait_dma2 semaphore(%run_scoped3A_63 : memref<!tpu.dma_semaphore, #tpu.memory_space<semaphore_mem>>) src(%dma_wait3A_83 : memref<128x128xf32, #tpu.memory_space<vmem>>) dst(%dma_wait3A_80 : memref<128x128xf32, #tpu.memory_space<vmem_shared>>)
      tpu.yield
    }) : () -> ()
    %add3A_11 = arith.constant 128 : i32
    %add3A_12 = arith.addi %mul3A_0, %add3A_11 : i32
    "tpu.region"() ({
      %run_scoped3A_63 = tpu.sem_alloc : memref<!tpu.dma_semaphore, #tpu.memory_space<semaphore_mem>>
      %dma_start3A_64 = arith.constant 0 : i32
      %dma_start3A_65 = arith.constant 0 : i32
      %dma_start3A_66 = tpu.memref_slice %arg5[%dma_start3A_64, %dma_start3A_65] : memref<128x128xf32, #tpu.memory_space<vmem>> -> memref<128x128xf32, #tpu.memory_space<vmem>>
      %dma_start3A_67 = arith.constant 0 : i32
      %dma_start3A_68 = tpu.memref_slice %arg6[%add3A_12, %dma_start3A_67] : memref<10112x128xf32, #tpu.memory_space<vmem_shared>> -> memref<128x128xf32, #tpu.memory_space<vmem_shared>>
      %dma_start3A_69 = arith.constant 0 : i32
      %dma_start3A_70 = tpu.memref_slice %arg6[%add3A_12, %dma_start3A_69] : memref<10112x128xf32, #tpu.memory_space<vmem_shared>> -> memref<128x128xf32, #tpu.memory_space<vmem_shared>>
      %dma_start3A_71 = arith.constant 0 : i32
      %dma_start3A_72 = arith.constant 0 : i32
      %dma_start3A_73 = tpu.memref_slice %arg5[%dma_start3A_71, %dma_start3A_72] : memref<128x128xf32, #tpu.memory_space<vmem>> -> memref<128x128xf32, #tpu.memory_space<vmem>>
      tpu.enqueue_dma source(%dma_start3A_73 : memref<128x128xf32, #tpu.memory_space<vmem>>) target(%dma_start3A_70 : memref<128x128xf32, #tpu.memory_space<vmem_shared>>) target_semaphore(%run_scoped3A_63 : memref<!tpu.dma_semaphore, #tpu.memory_space<semaphore_mem>>)
      %dma_wait3A_74 = arith.constant 0 : i32
      %dma_wait3A_75 = arith.constant 0 : i32
      %dma_wait3A_76 = tpu.memref_slice %arg5[%dma_wait3A_74, %dma_wait3A_75] : memref<128x128xf32, #tpu.memory_space<vmem>> -> memref<128x128xf32, #tpu.memory_space<vmem>>
      %dma_wait3A_77 = arith.constant 0 : i32
      %dma_wait3A_78 = tpu.memref_slice %arg6[%add3A_12, %dma_wait3A_77] : memref<10112x128xf32, #tpu.memory_space<vmem_shared>> -> memref<128x128xf32, #tpu.memory_space<vmem_shared>>
      %dma_wait3A_79 = arith.constant 0 : i32
      %dma_wait3A_80 = tpu.memref_slice %arg6[%add3A_12, %dma_wait3A_79] : memref<10112x128xf32, #tpu.memory_space<vmem_shared>> -> memref<128x128xf32, #tpu.memory_space<vmem_shared>>
      %dma_wait3A_81 = arith.constant 0 : i32
      %dma_wait3A_82 = arith.constant 0 : i32
      %dma_wait3A_83 = tpu.memref_slice %arg5[%dma_wait3A_81, %dma_wait3A_82] : memref<128x128xf32, #tpu.memory_space<vmem>> -> memref<128x128xf32, #tpu.memory_space<vmem>>
      tpu.wait_dma2 semaphore(%run_scoped3A_63 : memref<!tpu.dma_semaphore, #tpu.memory_space<semaphore_mem>>) src(%dma_wait3A_83 : memref<128x128xf32, #tpu.memory_space<vmem>>) dst(%dma_wait3A_80 : memref<128x128xf32, #tpu.memory_space<vmem_shared>>)
      tpu.yield
    }) : () -> ()
    %add3A_13 = arith.constant 256 : i32
    %add3A_14 = arith.addi %mul3A_0, %add3A_13 : i32
    "tpu.region"() ({
      %run_scoped3A_63 = tpu.sem_alloc : memref<!tpu.dma_semaphore, #tpu.memory_space<semaphore_mem>>
      %dma_start3A_64 = arith.constant 0 : i32
      %dma_start3A_65 = arith.constant 0 : i32
      %dma_start3A_66 = tpu.memref_slice %arg5[%dma_start3A_64, %dma_start3A_65] : memref<128x128xf32, #tpu.memory_space<vmem>> -> memref<128x128xf32, #tpu.memory_space<vmem>>
      %dma_start3A_67 = arith.constant 0 : i32
      %dma_start3A_68 = tpu.memref_slice %arg6[%add3A_14, %dma_start3A_67] : memref<10112x128xf32, #tpu.memory_space<vmem_shared>> -> memref<128x128xf32, #tpu.memory_space<vmem_shared>>
      %dma_start3A_69 = arith.constant 0 : i32
      %dma_start3A_70 = tpu.memref_slice %arg6[%add3A_14, %dma_start3A_69] : memref<10112x128xf32, #tpu.memory_space<vmem_shared>> -> memref<128x128xf32, #tpu.memory_space<vmem_shared>>
      %dma_start3A_71 = arith.constant 0 : i32
      %dma_start3A_72 = arith.constant 0 : i32
      %dma_start3A_73 = tpu.memref_slice %arg5[%dma_start3A_71, %dma_start3A_72] : memref<128x128xf32, #tpu.memory_space<vmem>> -> memref<128x128xf32, #tpu.memory_space<vmem>>
      tpu.enqueue_dma source(%dma_start3A_73 : memref<128x128xf32, #tpu.memory_space<vmem>>) target(%dma_start3A_70 : memref<128x128xf32, #tpu.memory_space<vmem_shared>>) target_semaphore(%run_scoped3A_63 : memref<!tpu.dma_semaphore, #tpu.memory_space<semaphore_mem>>)
      %dma_wait3A_74 = arith.constant 0 : i32
      %dma_wait3A_75 = arith.constant 0 : i32
      %dma_wait3A_76 = tpu.memref_slice %arg5[%dma_wait3A_74, %dma_wait3A_75] : memref<128x128xf32, #tpu.memory_space<vmem>> -> memref<128x128xf32, #tpu.memory_space<vmem>>
      %dma_wait3A_77 = arith.constant 0 : i32
      %dma_wait3A_78 = tpu.memref_slice %arg6[%add3A_14, %dma_wait3A_77] : memref<10112x128xf32, #tpu.memory_space<vmem_shared>> -> memref<128x128xf32, #tpu.memory_space<vmem_shared>>
      %dma_wait3A_79 = arith.constant 0 : i32
      %dma_wait3A_80 = tpu.memref_slice %arg6[%add3A_14, %dma_wait3A_79] : memref<10112x128xf32, #tpu.memory_space<vmem_shared>> -> memref<128x128xf32, #tpu.memory_space<vmem_shared>>
      %dma_wait3A_81 = arith.constant 0 : i32
      %dma_wait3A_82 = arith.constant 0 : i32
      %dma_wait3A_83 = tpu.memref_slice %arg5[%dma_wait3A_81, %dma_wait3A_82] : memref<128x128xf32, #tpu.memory_space<vmem>> -> memref<128x128xf32, #tpu.memory_space<vmem>>
      tpu.wait_dma2 semaphore(%run_scoped3A_63 : memref<!tpu.dma_semaphore, #tpu.memory_space<semaphore_mem>>) src(%dma_wait3A_83 : memref<128x128xf32, #tpu.memory_space<vmem>>) dst(%dma_wait3A_80 : memref<128x128xf32, #tpu.memory_space<vmem_shared>>)
      tpu.yield
    }) : () -> ()
    %add3A_15 = arith.constant 384 : i32
    %add3A_16 = arith.addi %mul3A_0, %add3A_15 : i32
    "tpu.region"() ({
      %run_scoped3A_63 = tpu.sem_alloc : memref<!tpu.dma_semaphore, #tpu.memory_space<semaphore_mem>>
      %dma_start3A_64 = arith.constant 0 : i32
      %dma_start3A_65 = arith.constant 0 : i32
      %dma_start3A_66 = tpu.memref_slice %arg5[%dma_start3A_64, %dma_start3A_65] : memref<128x128xf32, #tpu.memory_space<vmem>> -> memref<128x128xf32, #tpu.memory_space<vmem>>
      %dma_start3A_67 = arith.constant 0 : i32
      %dma_start3A_68 = tpu.memref_slice %arg6[%add3A_16, %dma_start3A_67] : memref<10112x128xf32, #tpu.memory_space<vmem_shared>> -> memref<128x128xf32, #tpu.memory_space<vmem_shared>>
      %dma_start3A_69 = arith.constant 0 : i32
      %dma_start3A_70 = tpu.memref_slice %arg6[%add3A_16, %dma_start3A_69] : memref<10112x128xf32, #tpu.memory_space<vmem_shared>> -> memref<128x128xf32, #tpu.memory_space<vmem_shared>>
      %dma_start3A_71 = arith.constant 0 : i32
      %dma_start3A_72 = arith.constant 0 : i32
      %dma_start3A_73 = tpu.memref_slice %arg5[%dma_start3A_71, %dma_start3A_72] : memref<128x128xf32, #tpu.memory_space<vmem>> -> memref<128x128xf32, #tpu.memory_space<vmem>>
      tpu.enqueue_dma source(%dma_start3A_73 : memref<128x128xf32, #tpu.memory_space<vmem>>) target(%dma_start3A_70 : memref<128x128xf32, #tpu.memory_space<vmem_shared>>) target_semaphore(%run_scoped3A_63 : memref<!tpu.dma_semaphore, #tpu.memory_space<semaphore_mem>>)
      %dma_wait3A_74 = arith.constant 0 : i32
      %dma_wait3A_75 = arith.constant 0 : i32
      %dma_wait3A_76 = tpu.memref_slice %arg5[%dma_wait3A_74, %dma_wait3A_75] : memref<128x128xf32, #tpu.memory_space<vmem>> -> memref<128x128xf32, #tpu.memory_space<vmem>>
      %dma_wait3A_77 = arith.constant 0 : i32
      %dma_wait3A_78 = tpu.memref_slice %arg6[%add3A_16, %dma_wait3A_77] : memref<10112x128xf32, #tpu.memory_space<vmem_shared>> -> memref<128x128xf32, #tpu.memory_space<vmem_shared>>
      %dma_wait3A_79 = arith.constant 0 : i32
      %dma_wait3A_80 = tpu.memref_slice %arg6[%add3A_16, %dma_wait3A_79] : memref<10112x128xf32, #tpu.memory_space<vmem_shared>> -> memref<128x128xf32, #tpu.memory_space<vmem_shared>>
      %dma_wait3A_81 = arith.constant 0 : i32
      %dma_wait3A_82 = arith.constant 0 : i32
      %dma_wait3A_83 = tpu.memref_slice %arg5[%dma_wait3A_81, %dma_wait3A_82] : memref<128x128xf32, #tpu.memory_space<vmem>> -> memref<128x128xf32, #tpu.memory_space<vmem>>
      tpu.wait_dma2 semaphore(%run_scoped3A_63 : memref<!tpu.dma_semaphore, #tpu.memory_space<semaphore_mem>>) src(%dma_wait3A_83 : memref<128x128xf32, #tpu.memory_space<vmem>>) dst(%dma_wait3A_80 : memref<128x128xf32, #tpu.memory_space<vmem_shared>>)
      tpu.yield
    }) : () -> ()
    %add3A_17 = arith.constant 512 : i32
    %add3A_18 = arith.addi %mul3A_0, %add3A_17 : i32
    "tpu.region"() ({
      %run_scoped3A_63 = tpu.sem_alloc : memref<!tpu.dma_semaphore, #tpu.memory_space<semaphore_mem>>
      %dma_start3A_64 = arith.constant 0 : i32
      %dma_start3A_65 = arith.constant 0 : i32
      %dma_start3A_66 = tpu.memref_slice %arg5[%dma_start3A_64, %dma_start3A_65] : memref<128x128xf32, #tpu.memory_space<vmem>> -> memref<120x128xf32, #tpu.memory_space<vmem>>
      %dma_start3A_67 = arith.constant 0 : i32
      %dma_start3A_68 = tpu.memref_slice %arg6[%add3A_18, %dma_start3A_67] : memref<10112x128xf32, #tpu.memory_space<vmem_shared>> -> memref<120x128xf32, #tpu.memory_space<vmem_shared>>
      %dma_start3A_69 = arith.constant 0 : i32
      %dma_start3A_70 = tpu.memref_slice %arg6[%add3A_18, %dma_start3A_69] : memref<10112x128xf32, #tpu.memory_space<vmem_shared>> -> memref<120x128xf32, #tpu.memory_space<vmem_shared>>
      %dma_start3A_71 = arith.constant 0 : i32
      %dma_start3A_72 = arith.constant 0 : i32
      %dma_start3A_73 = tpu.memref_slice %arg5[%dma_start3A_71, %dma_start3A_72] : memref<128x128xf32, #tpu.memory_space<vmem>> -> memref<120x128xf32, #tpu.memory_space<vmem>>
      tpu.enqueue_dma source(%dma_start3A_73 : memref<120x128xf32, #tpu.memory_space<vmem>>) target(%dma_start3A_70 : memref<120x128xf32, #tpu.memory_space<vmem_shared>>) target_semaphore(%run_scoped3A_63 : memref<!tpu.dma_semaphore, #tpu.memory_space<semaphore_mem>>)
      %dma_wait3A_74 = arith.constant 0 : i32
      %dma_wait3A_75 = arith.constant 0 : i32
      %dma_wait3A_76 = tpu.memref_slice %arg5[%dma_wait3A_74, %dma_wait3A_75] : memref<128x128xf32, #tpu.memory_space<vmem>> -> memref<120x128xf32, #tpu.memory_space<vmem>>
      %dma_wait3A_77 = arith.constant 0 : i32
      %dma_wait3A_78 = tpu.memref_slice %arg6[%add3A_18, %dma_wait3A_77] : memref<10112x128xf32, #tpu.memory_space<vmem_shared>> -> memref<120x128xf32, #tpu.memory_space<vmem_shared>>
      %dma_wait3A_79 = arith.constant 0 : i32
      %dma_wait3A_80 = tpu.memref_slice %arg6[%add3A_18, %dma_wait3A_79] : memref<10112x128xf32, #tpu.memory_space<vmem_shared>> -> memref<120x128xf32, #tpu.memory_space<vmem_shared>>
      %dma_wait3A_81 = arith.constant 0 : i32
      %dma_wait3A_82 = arith.constant 0 : i32
      %dma_wait3A_83 = tpu.memref_slice %arg5[%dma_wait3A_81, %dma_wait3A_82] : memref<128x128xf32, #tpu.memory_space<vmem>> -> memref<120x128xf32, #tpu.memory_space<vmem>>
      tpu.wait_dma2 semaphore(%run_scoped3A_63 : memref<!tpu.dma_semaphore, #tpu.memory_space<semaphore_mem>>) src(%dma_wait3A_83 : memref<120x128xf32, #tpu.memory_space<vmem>>) dst(%dma_wait3A_80 : memref<120x128xf32, #tpu.memory_space<vmem_shared>>)
      tpu.yield
    }) : () -> ()
    %scan3A_19 = arith.constant 0 : i32
    %scan3A_20 = arith.constant 128 : i32
    %scan3A_21 = arith.addi %scan3A_19, %scan3A_20 : i32
    %scan3A_22 = arith.constant 1 : i32
    scf.for %scan3A_63 = %scan3A_19 to %scan3A_21 step %scan3A_22  : i32 {
      %broadcast_in_dim3A = arith.constant 1.000000e+00 : f32
      %broadcast_in_dim3A_64 = vector.broadcast %broadcast_in_dim3A : f32 to vector<16xf32>
      %swap3A = arith.index_cast %scan3A_63 : i32 to index
      %swap3A_65 = arith.constant 0 : index
      %swap3A_66 = tpu.vector_load %arg5[%swap3A, %swap3A_65] {strides = array<i32>} : memref<128x128xf32, #tpu.memory_space<vmem>>, vector<1x16xf32>,
      %swap3A_67 = vector.shape_cast %swap3A_66 : vector<1x16xf32> to vector<16xf32>
      %swap3A_68 = vector.shape_cast %broadcast_in_dim3A_64 : vector<16xf32> to vector<1x16xf32>
      tpu.vector_store %arg5[%swap3A, %swap3A_65], %swap3A_68 {strides = array<i32>} : memref<128x128xf32, #tpu.memory_space<vmem>>, vector<1x16xf32>,
      %broadcast_in_dim3A_69 = arith.constant 1.000000e+00 : f32
      %broadcast_in_dim3A_70 = vector.broadcast %broadcast_in_dim3A_69 : f32 to vector<16xf32>
      %swap3A_71 = arith.index_cast %scan3A_63 : i32 to index
      %swap3A_72 = arith.constant 16 : index
      %swap3A_73 = tpu.vector_load %arg5[%swap3A_71, %swap3A_72] {strides = array<i32>} : memref<128x128xf32, #tpu.memory_space<vmem>>, vector<1x16xf32>,
      %swap3A_74 = vector.shape_cast %swap3A_73 : vector<1x16xf32> to vector<16xf32>
      %swap3A_75 = vector.shape_cast %broadcast_in_dim3A_70 : vector<16xf32> to vector<1x16xf32>
      tpu.vector_store %arg5[%swap3A_71, %swap3A_72], %swap3A_75 {strides = array<i32>} : memref<128x128xf32, #tpu.memory_space<vmem>>, vector<1x16xf32>,
      %broadcast_in_dim3A_76 = arith.constant 1.000000e+00 : f32
      %broadcast_in_dim3A_77 = vector.broadcast %broadcast_in_dim3A_76 : f32 to vector<16xf32>
      %swap3A_78 = arith.index_cast %scan3A_63 : i32 to index
      %swap3A_79 = arith.constant 32 : index
      %swap3A_80 = tpu.vector_load %arg5[%swap3A_78, %swap3A_79] {strides = array<i32>} : memref<128x128xf32, #tpu.memory_space<vmem>>, vector<1x16xf32>,
      %swap3A_81 = vector.shape_cast %swap3A_80 : vector<1x16xf32> to vector<16xf32>
      %swap3A_82 = vector.shape_cast %broadcast_in_dim3A_77 : vector<16xf32> to vector<1x16xf32>
      tpu.vector_store %arg5[%swap3A_78, %swap3A_79], %swap3A_82 {strides = array<i32>} : memref<128x128xf32, #tpu.memory_space<vmem>>, vector<1x16xf32>,
      %broadcast_in_dim3A_83 = arith.constant 1.000000e+00 : f32
      %broadcast_in_dim3A_84 = vector.broadcast %broadcast_in_dim3A_83 : f32 to vector<16xf32>
      %swap3A_85 = arith.index_cast %scan3A_63 : i32 to index
      %swap3A_86 = arith.constant 48 : index
      %swap3A_87 = tpu.vector_load %arg5[%swap3A_85, %swap3A_86] {strides = array<i32>} : memref<128x128xf32, #tpu.memory_space<vmem>>, vector<1x16xf32>,
      %swap3A_88 = vector.shape_cast %swap3A_87 : vector<1x16xf32> to vector<16xf32>
      %swap3A_89 = vector.shape_cast %broadcast_in_dim3A_84 : vector<16xf32> to vector<1x16xf32>
      tpu.vector_store %arg5[%swap3A_85, %swap3A_86], %swap3A_89 {strides = array<i32>} : memref<128x128xf32, #tpu.memory_space<vmem>>, vector<1x16xf32>,
      %broadcast_in_dim3A_90 = arith.constant 1.000000e+00 : f32
      %broadcast_in_dim3A_91 = vector.broadcast %broadcast_in_dim3A_90 : f32 to vector<16xf32>
      %swap3A_92 = arith.index_cast %scan3A_63 : i32 to index
      %swap3A_93 = arith.constant 64 : index
      %swap3A_94 = tpu.vector_load %arg5[%swap3A_92, %swap3A_93] {strides = array<i32>} : memref<128x128xf32, #tpu.memory_space<vmem>>, vector<1x16xf32>,
      %swap3A_95 = vector.shape_cast %swap3A_94 : vector<1x16xf32> to vector<16xf32>
      %swap3A_96 = vector.shape_cast %broadcast_in_dim3A_91 : vector<16xf32> to vector<1x16xf32>
      tpu.vector_store %arg5[%swap3A_92, %swap3A_93], %swap3A_96 {strides = array<i32>} : memref<128x128xf32, #tpu.memory_space<vmem>>, vector<1x16xf32>,
      %broadcast_in_dim3A_97 = arith.constant 1.000000e+00 : f32
      %broadcast_in_dim3A_98 = vector.broadcast %broadcast_in_dim3A_97 : f32 to vector<16xf32>
      %swap3A_99 = arith.index_cast %scan3A_63 : i32 to index
      %swap3A_100 = arith.constant 80 : index
      %swap3A_101 = tpu.vector_load %arg5[%swap3A_99, %swap3A_100] {strides = array<i32>} : memref<128x128xf32, #tpu.memory_space<vmem>>, vector<1x16xf32>,
      %swap3A_102 = vector.shape_cast %swap3A_101 : vector<1x16xf32> to vector<16xf32>
      %swap3A_103 = vector.shape_cast %broadcast_in_dim3A_98 : vector<16xf32> to vector<1x16xf32>
      tpu.vector_store %arg5[%swap3A_99, %swap3A_100], %swap3A_103 {strides = array<i32>} : memref<128x128xf32, #tpu.memory_space<vmem>>, vector<1x16xf32>,
      %broadcast_in_dim3A_104 = arith.constant 1.000000e+00 : f32
      %broadcast_in_dim3A_105 = vector.broadcast %broadcast_in_dim3A_104 : f32 to vector<16xf32>
      %swap3A_106 = arith.index_cast %scan3A_63 : i32 to index
      %swap3A_107 = arith.constant 96 : index
      %swap3A_108 = tpu.vector_load %arg5[%swap3A_106, %swap3A_107] {strides = array<i32>} : memref<128x128xf32, #tpu.memory_space<vmem>>, vector<1x16xf32>,
      %swap3A_109 = vector.shape_cast %swap3A_108 : vector<1x16xf32> to vector<16xf32>
      %swap3A_110 = vector.shape_cast %broadcast_in_dim3A_105 : vector<16xf32> to vector<1x16xf32>
      tpu.vector_store %arg5[%swap3A_106, %swap3A_107], %swap3A_110 {strides = array<i32>} : memref<128x128xf32, #tpu.memory_space<vmem>>, vector<1x16xf32>,
      %broadcast_in_dim3A_111 = arith.constant 1.000000e+00 : f32
      %broadcast_in_dim3A_112 = vector.broadcast %broadcast_in_dim3A_111 : f32 to vector<16xf32>
      %swap3A_113 = arith.index_cast %scan3A_63 : i32 to index
      %swap3A_114 = arith.constant 112 : index
      %swap3A_115 = tpu.vector_load %arg5[%swap3A_113, %swap3A_114] {strides = array<i32>} : memref<128x128xf32, #tpu.memory_space<vmem>>, vector<1x16xf32>,
      %swap3A_116 = vector.shape_cast %swap3A_115 : vector<1x16xf32> to vector<16xf32>
      %swap3A_117 = vector.shape_cast %broadcast_in_dim3A_112 : vector<16xf32> to vector<1x16xf32>
      tpu.vector_store %arg5[%swap3A_113, %swap3A_114], %swap3A_117 {strides = array<i32>} : memref<128x128xf32, #tpu.memory_space<vmem>>, vector<1x16xf32>,
    }
    %scan3A_23 = arith.constant 128 : i32
    %barrier3A = arith.constant 0 : index
    tpu.barrier barrier_id(%barrier3A)
    %add3A_24 = arith.constant 327680 : i32
    %add3A_25 = arith.addi %add3A_24, %mul3A_4 : i32
    %add3A_26 = arith.constant 0 : i32
    %add3A_27 = arith.addi %add3A_25, %add3A_26 : i32
    %run_scoped3A = arith.constant 0 : i32
    "tpu.region"() ({
      %run_scoped3A_63 = tpu.sem_alloc : memref<!tpu.dma_semaphore, #tpu.memory_space<semaphore_mem>>
      %dma_start3A_64 = arith.constant 0 : i32
      %dma_start3A_65 = tpu.memref_slice %arg4[%run_scoped3A, %dma_start3A_64] : memref<2x128xi32, #tpu.memory_space<vmem>> -> memref<1x128xi32, #tpu.memory_space<vmem>>
      %dma_start3A_66 = tpu.memref_squeeze %dma_start3A_65 : memref<1x128xi32, #tpu.memory_space<vmem>> -> memref<128xi32, #tpu.memory_space<vmem>>
      %dma_start3A_67 = tpu.memref_slice %arg2[%add3A_27] : memref<655360xi32, #tpu.memory_space<hbm>> -> memref<128xi32, #tpu.memory_space<hbm>>
      %dma_start3A_68 = arith.constant 0 : i32
      %dma_start3A_69 = tpu.memref_slice %arg4[%run_scoped3A, %dma_start3A_68] : memref<2x128xi32, #tpu.memory_space<vmem>> -> memref<1x128xi32, #tpu.memory_space<vmem>>
      %dma_start3A_70 = tpu.memref_squeeze %dma_start3A_69 : memref<1x128xi32, #tpu.memory_space<vmem>> -> memref<128xi32, #tpu.memory_space<vmem>>
      %dma_start3A_71 = tpu.memref_slice %arg2[%add3A_27] : memref<655360xi32, #tpu.memory_space<hbm>> -> memref<128xi32, #tpu.memory_space<hbm>>
      tpu.enqueue_dma source(%dma_start3A_71 : memref<128xi32, #tpu.memory_space<hbm>>) target(%dma_start3A_70 : memref<128xi32, #tpu.memory_space<vmem>>) target_semaphore(%run_scoped3A_63 : memref<!tpu.dma_semaphore, #tpu.memory_space<semaphore_mem>>)
      %dma_wait3A_72 = arith.constant 0 : i32
      %dma_wait3A_73 = tpu.memref_slice %arg4[%run_scoped3A, %dma_wait3A_72] : memref<2x128xi32, #tpu.memory_space<vmem>> -> memref<1x128xi32, #tpu.memory_space<vmem>>
      %dma_wait3A_74 = tpu.memref_squeeze %dma_wait3A_73 : memref<1x128xi32, #tpu.memory_space<vmem>> -> memref<128xi32, #tpu.memory_space<vmem>>
      %dma_wait3A_75 = tpu.memref_slice %arg2[%add3A_27] : memref<655360xi32, #tpu.memory_space<hbm>> -> memref<128xi32, #tpu.memory_space<hbm>>
      %dma_wait3A_76 = arith.constant 0 : i32
      %dma_wait3A_77 = tpu.memref_slice %arg4[%run_scoped3A, %dma_wait3A_76] : memref<2x128xi32, #tpu.memory_space<vmem>> -> memref<1x128xi32, #tpu.memory_space<vmem>>
      %dma_wait3A_78 = tpu.memref_squeeze %dma_wait3A_77 : memref<1x128xi32, #tpu.memory_space<vmem>> -> memref<128xi32, #tpu.memory_space<vmem>>
      %dma_wait3A_79 = tpu.memref_slice %arg2[%add3A_27] : memref<655360xi32, #tpu.memory_space<hbm>> -> memref<128xi32, #tpu.memory_space<hbm>>
      tpu.wait_dma2 semaphore(%run_scoped3A_63 : memref<!tpu.dma_semaphore, #tpu.memory_space<semaphore_mem>>) src(%dma_wait3A_79 : memref<128xi32, #tpu.memory_space<hbm>>) dst(%dma_wait3A_78 : memref<128xi32, #tpu.memory_space<vmem>>)
      tpu.yield
    }) : () -> ()
    %add3A_28 = arith.constant 327680 : i32
    %add3A_29 = arith.addi %add3A_28, %mul3A_4 : i32
    %add3A_30 = arith.constant 128 : i32
    %add3A_31 = arith.addi %add3A_29, %add3A_30 : i32
    %dma_start3A = arith.constant 1 : i32
    %dma_start3A_32 = arith.constant 0 : i32
    %dma_start3A_33 = tpu.memref_slice %arg4[%dma_start3A, %dma_start3A_32] : memref<2x128xi32, #tpu.memory_space<vmem>> -> memref<1x128xi32, #tpu.memory_space<vmem>>
    %dma_start3A_34 = tpu.memref_squeeze %dma_start3A_33 : memref<1x128xi32, #tpu.memory_space<vmem>> -> memref<128xi32, #tpu.memory_space<vmem>>
    %dma_start3A_35 = tpu.memref_slice %arg2[%add3A_31] : memref<655360xi32, #tpu.memory_space<hbm>> -> memref<128xi32, #tpu.memory_space<hbm>>
    %dma_start3A_36 = arith.constant 0 : i32
    %dma_start3A_37 = tpu.memref_slice %arg4[%dma_start3A, %dma_start3A_36] : memref<2x128xi32, #tpu.memory_space<vmem>> -> memref<1x128xi32, #tpu.memory_space<vmem>>
    %dma_start3A_38 = tpu.memref_squeeze %dma_start3A_37 : memref<1x128xi32, #tpu.memory_space<vmem>> -> memref<128xi32, #tpu.memory_space<vmem>>
    %dma_start3A_39 = tpu.memref_slice %arg2[%add3A_31] : memref<655360xi32, #tpu.memory_space<hbm>> -> memref<128xi32, #tpu.memory_space<hbm>>
    tpu.enqueue_dma source(%dma_start3A_39 : memref<128xi32, #tpu.memory_space<hbm>>) target(%dma_start3A_38 : memref<128xi32, #tpu.memory_space<vmem>>) target_semaphore(%arg7 : memref<!tpu.dma_semaphore, #tpu.memory_space<semaphore_mem>>)
    %scan3A_40 = arith.constant 0 : i32
    %scan3A_41 = arith.constant 39 : i32
    %scan3A_42 = arith.addi %scan3A_40, %scan3A_41 : i32
    %scan3A_43 = arith.constant 1 : i32
    scf.for %scan3A_63 = %scan3A_40 to %scan3A_42 step %scan3A_43  : i32 {
      %mul3A_64 = arith.constant 2 : i32
      %mul3A_65 = arith.muli %mul3A_64, %scan3A_63 : i32
      %add3A_66 = arith.constant 0 : i32
      %add3A_67 = arith.addi %mul3A_65, %add3A_66 : i32
      %run_scoped3A_68 = arith.constant 0 : i32
      "tpu.region"() ({
        %run_scoped3A_138 = tpu.sem_alloc : memref<!tpu.dma_semaphore, #tpu.memory_space<semaphore_mem>>
        %dma_start3A_139 = arith.constant 0 : i32
        %dma_start3A_140 = tpu.memref_slice %arg4[%run_scoped3A_68, %dma_start3A_139] : memref<2x128xi32, #tpu.memory_space<vmem>> -> memref<1x128xi32, #tpu.memory_space<vmem>>
        %dma_start3A_141 = tpu.memref_squeeze %dma_start3A_140 : memref<1x128xi32, #tpu.memory_space<vmem>> -> memref<128xi32, #tpu.memory_space<vmem>>
        %dma_start3A_142 = arith.constant 0 : i32
        %dma_start3A_143 = arith.constant 0 : i32
        %dma_start3A_144 = tpu.memref_slice %arg6[%dma_start3A_142, %dma_start3A_143] : memref<10112x128xf32, #tpu.memory_space<vmem_shared>> -> memref<10112x128xf32, #tpu.memory_space<vmem_shared>>
        tpu.enqueue_indirect_dma source(%arg5 : memref<128x128xf32, #tpu.memory_space<vmem>>) target(%dma_start3A_144 : memref<10112x128xf32, #tpu.memory_space<vmem_shared>>) offsets(%dma_start3A_141 : memref<128xi32, #tpu.memory_space<vmem>>) semaphore(%run_scoped3A_138 : memref<!tpu.dma_semaphore, #tpu.memory_space<semaphore_mem>>) {add = true}
        %dma_wait3A_145 = arith.constant 0 : i32
        %dma_wait3A_146 = tpu.memref_slice %arg4[%run_scoped3A_68, %dma_wait3A_145] : memref<2x128xi32, #tpu.memory_space<vmem>> -> memref<1x128xi32, #tpu.memory_space<vmem>>
        %dma_wait3A_147 = tpu.memref_squeeze %dma_wait3A_146 : memref<1x128xi32, #tpu.memory_space<vmem>> -> memref<128xi32, #tpu.memory_space<vmem>>
        %dma_wait3A_148 = arith.constant 0 : i32
        %dma_wait3A_149 = arith.constant 0 : i32
        %dma_wait3A_150 = tpu.memref_slice %arg6[%dma_wait3A_148, %dma_wait3A_149] : memref<10112x128xf32, #tpu.memory_space<vmem_shared>> -> memref<10112x128xf32, #tpu.memory_space<vmem_shared>>
        tpu.wait_indirect_dma semaphore(%run_scoped3A_138 : memref<!tpu.dma_semaphore, #tpu.memory_space<semaphore_mem>>) src(%arg5 : memref<128x128xf32, #tpu.memory_space<vmem>>) dst(%dma_wait3A_150 : memref<10112x128xf32, #tpu.memory_space<vmem_shared>>)
        tpu.yield
      }) : () -> ()
      %add3A_69 = arith.constant 1 : i32
      %add3A_70 = arith.addi %add3A_67, %add3A_69 : i32
      %add3A_71 = arith.constant 327680 : i32
      %add3A_72 = arith.addi %add3A_71, %mul3A_4 : i32
      %mul3A_73 = arith.constant 128 : i32
      %mul3A_74 = arith.muli %add3A_70, %mul3A_73 : i32
      %add3A_75 = arith.addi %add3A_72, %mul3A_74 : i32
      %dma_wait3A_76 = arith.constant 1 : i32
      %dma_wait3A_77 = arith.constant 0 : i32
      %dma_wait3A_78 = tpu.memref_slice %arg4[%dma_wait3A_76, %dma_wait3A_77] : memref<2x128xi32, #tpu.memory_space<vmem>> -> memref<1x128xi32, #tpu.memory_space<vmem>>
      %dma_wait3A_79 = tpu.memref_squeeze %dma_wait3A_78 : memref<1x128xi32, #tpu.memory_space<vmem>> -> memref<128xi32, #tpu.memory_space<vmem>>
      %dma_wait3A_80 = tpu.memref_slice %arg2[%add3A_75] : memref<655360xi32, #tpu.memory_space<hbm>> -> memref<128xi32, #tpu.memory_space<hbm>>
      %dma_wait3A_81 = arith.constant 0 : i32
      %dma_wait3A_82 = tpu.memref_slice %arg4[%dma_wait3A_76, %dma_wait3A_81] : memref<2x128xi32, #tpu.memory_space<vmem>> -> memref<1x128xi32, #tpu.memory_space<vmem>>
      %dma_wait3A_83 = tpu.memref_squeeze %dma_wait3A_82 : memref<1x128xi32, #tpu.memory_space<vmem>> -> memref<128xi32, #tpu.memory_space<vmem>>
      %dma_wait3A_84 = tpu.memref_slice %arg2[%add3A_75] : memref<655360xi32, #tpu.memory_space<hbm>> -> memref<128xi32, #tpu.memory_space<hbm>>
      tpu.wait_dma2 semaphore(%arg7 : memref<!tpu.dma_semaphore, #tpu.memory_space<semaphore_mem>>) src(%dma_wait3A_84 : memref<128xi32, #tpu.memory_space<hbm>>) dst(%dma_wait3A_83 : memref<128xi32, #tpu.memory_space<vmem>>)
      %add3A_85 = arith.constant 2 : i32
      %add3A_86 = arith.addi %add3A_67, %add3A_85 : i32
      %add3A_87 = arith.constant 327680 : i32
      %add3A_88 = arith.addi %add3A_87, %mul3A_4 : i32
      %mul3A_89 = arith.constant 128 : i32
      %mul3A_90 = arith.muli %add3A_86, %mul3A_89 : i32
      %add3A_91 = arith.addi %add3A_88, %mul3A_90 : i32
      %dma_start3A_92 = arith.constant 0 : i32
      %dma_start3A_93 = arith.constant 0 : i32
      %dma_start3A_94 = tpu.memref_slice %arg4[%dma_start3A_92, %dma_start3A_93] : memref<2x128xi32, #tpu.memory_space<vmem>> -> memref<1x128xi32, #tpu.memory_space<vmem>>
      %dma_start3A_95 = tpu.memref_squeeze %dma_start3A_94 : memref<1x128xi32, #tpu.memory_space<vmem>> -> memref<128xi32, #tpu.memory_space<vmem>>
      %dma_start3A_96 = tpu.memref_slice %arg2[%add3A_91] : memref<655360xi32, #tpu.memory_space<hbm>> -> memref<128xi32, #tpu.memory_space<hbm>>
      %dma_start3A_97 = arith.constant 0 : i32
      %dma_start3A_98 = tpu.memref_slice %arg4[%dma_start3A_92, %dma_start3A_97] : memref<2x128xi32, #tpu.memory_space<vmem>> -> memref<1x128xi32, #tpu.memory_space<vmem>>
      %dma_start3A_99 = tpu.memref_squeeze %dma_start3A_98 : memref<1x128xi32, #tpu.memory_space<vmem>> -> memref<128xi32, #tpu.memory_space<vmem>>
      %dma_start3A_100 = tpu.memref_slice %arg2[%add3A_91] : memref<655360xi32, #tpu.memory_space<hbm>> -> memref<128xi32, #tpu.memory_space<hbm>>
      tpu.enqueue_dma source(%dma_start3A_100 : memref<128xi32, #tpu.memory_space<hbm>>) target(%dma_start3A_99 : memref<128xi32, #tpu.memory_space<vmem>>) target_semaphore(%arg7 : memref<!tpu.dma_semaphore, #tpu.memory_space<semaphore_mem>>)
      %mul3A_101 = arith.constant 2 : i32
      %mul3A_102 = arith.muli %mul3A_101, %scan3A_63 : i32
      %add3A_103 = arith.constant 1 : i32
      %add3A_104 = arith.addi %mul3A_102, %add3A_103 : i32
      %run_scoped3A_105 = arith.constant 1 : i32
      "tpu.region"() ({
        %run_scoped3A_138 = tpu.sem_alloc : memref<!tpu.dma_semaphore, #tpu.memory_space<semaphore_mem>>
        %dma_start3A_139 = arith.constant 0 : i32
        %dma_start3A_140 = tpu.memref_slice %arg4[%run_scoped3A_105, %dma_start3A_139] : memref<2x128xi32, #tpu.memory_space<vmem>> -> memref<1x128xi32, #tpu.memory_space<vmem>>
        %dma_start3A_141 = tpu.memref_squeeze %dma_start3A_140 : memref<1x128xi32, #tpu.memory_space<vmem>> -> memref<128xi32, #tpu.memory_space<vmem>>
        %dma_start3A_142 = arith.constant 0 : i32
        %dma_start3A_143 = arith.constant 0 : i32
        %dma_start3A_144 = tpu.memref_slice %arg6[%dma_start3A_142, %dma_start3A_143] : memref<10112x128xf32, #tpu.memory_space<vmem_shared>> -> memref<10112x128xf32, #tpu.memory_space<vmem_shared>>
        tpu.enqueue_indirect_dma source(%arg5 : memref<128x128xf32, #tpu.memory_space<vmem>>) target(%dma_start3A_144 : memref<10112x128xf32, #tpu.memory_space<vmem_shared>>) offsets(%dma_start3A_141 : memref<128xi32, #tpu.memory_space<vmem>>) semaphore(%run_scoped3A_138 : memref<!tpu.dma_semaphore, #tpu.memory_space<semaphore_mem>>) {add = true}
        %dma_wait3A_145 = arith.constant 0 : i32
        %dma_wait3A_146 = tpu.memref_slice %arg4[%run_scoped3A_105, %dma_wait3A_145] : memref<2x128xi32, #tpu.memory_space<vmem>> -> memref<1x128xi32, #tpu.memory_space<vmem>>
        %dma_wait3A_147 = tpu.memref_squeeze %dma_wait3A_146 : memref<1x128xi32, #tpu.memory_space<vmem>> -> memref<128xi32, #tpu.memory_space<vmem>>
        %dma_wait3A_148 = arith.constant 0 : i32
        %dma_wait3A_149 = arith.constant 0 : i32
        %dma_wait3A_150 = tpu.memref_slice %arg6[%dma_wait3A_148, %dma_wait3A_149] : memref<10112x128xf32, #tpu.memory_space<vmem_shared>> -> memref<10112x128xf32, #tpu.memory_space<vmem_shared>>
        tpu.wait_indirect_dma semaphore(%run_scoped3A_138 : memref<!tpu.dma_semaphore, #tpu.memory_space<semaphore_mem>>) src(%arg5 : memref<128x128xf32, #tpu.memory_space<vmem>>) dst(%dma_wait3A_150 : memref<10112x128xf32, #tpu.memory_space<vmem_shared>>)
        tpu.yield
      }) : () -> ()
      %add3A_106 = arith.constant 1 : i32
      %add3A_107 = arith.addi %add3A_104, %add3A_106 : i32
      %add3A_108 = arith.constant 327680 : i32
      %add3A_109 = arith.addi %add3A_108, %mul3A_4 : i32
      %mul3A_110 = arith.constant 128 : i32
      %mul3A_111 = arith.muli %add3A_107, %mul3A_110 : i32
      %add3A_112 = arith.addi %add3A_109, %mul3A_111 : i32
      %dma_wait3A_113 = arith.constant 0 : i32
      %dma_wait3A_114 = arith.constant 0 : i32
      %dma_wait3A_115 = tpu.memref_slice %arg4[%dma_wait3A_113, %dma_wait3A_114] : memref<2x128xi32, #tpu.memory_space<vmem>> -> memref<1x128xi32, #tpu.memory_space<vmem>>
      %dma_wait3A_116 = tpu.memref_squeeze %dma_wait3A_115 : memref<1x128xi32, #tpu.memory_space<vmem>> -> memref<128xi32, #tpu.memory_space<vmem>>
      %dma_wait3A_117 = tpu.memref_slice %arg2[%add3A_112] : memref<655360xi32, #tpu.memory_space<hbm>> -> memref<128xi32, #tpu.memory_space<hbm>>
      %dma_wait3A_118 = arith.constant 0 : i32
      %dma_wait3A_119 = tpu.memref_slice %arg4[%dma_wait3A_113, %dma_wait3A_118] : memref<2x128xi32, #tpu.memory_space<vmem>> -> memref<1x128xi32, #tpu.memory_space<vmem>>
      %dma_wait3A_120 = tpu.memref_squeeze %dma_wait3A_119 : memref<1x128xi32, #tpu.memory_space<vmem>> -> memref<128xi32, #tpu.memory_space<vmem>>
      %dma_wait3A_121 = tpu.memref_slice %arg2[%add3A_112] : memref<655360xi32, #tpu.memory_space<hbm>> -> memref<128xi32, #tpu.memory_space<hbm>>
      tpu.wait_dma2 semaphore(%arg7 : memref<!tpu.dma_semaphore, #tpu.memory_space<semaphore_mem>>) src(%dma_wait3A_121 : memref<128xi32, #tpu.memory_space<hbm>>) dst(%dma_wait3A_120 : memref<128xi32, #tpu.memory_space<vmem>>)
      %add3A_122 = arith.constant 2 : i32
      %add3A_123 = arith.addi %add3A_104, %add3A_122 : i32
      %add3A_124 = arith.constant 327680 : i32
      %add3A_125 = arith.addi %add3A_124, %mul3A_4 : i32
      %mul3A_126 = arith.constant 128 : i32
      %mul3A_127 = arith.muli %add3A_123, %mul3A_126 : i32
      %add3A_128 = arith.addi %add3A_125, %mul3A_127 : i32
      %dma_start3A_129 = arith.constant 1 : i32
      %dma_start3A_130 = arith.constant 0 : i32
      %dma_start3A_131 = tpu.memref_slice %arg4[%dma_start3A_129, %dma_start3A_130] : memref<2x128xi32, #tpu.memory_space<vmem>> -> memref<1x128xi32, #tpu.memory_space<vmem>>
      %dma_start3A_132 = tpu.memref_squeeze %dma_start3A_131 : memref<1x128xi32, #tpu.memory_space<vmem>> -> memref<128xi32, #tpu.memory_space<vmem>>
      %dma_start3A_133 = tpu.memref_slice %arg2[%add3A_128] : memref<655360xi32, #tpu.memory_space<hbm>> -> memref<128xi32, #tpu.memory_space<hbm>>
      %dma_start3A_134 = arith.constant 0 : i32
      %dma_start3A_135 = tpu.memref_slice %arg4[%dma_start3A_129, %dma_start3A_134] : memref<2x128xi32, #tpu.memory_space<vmem>> -> memref<1x128xi32, #tpu.memory_space<vmem>>
      %dma_start3A_136 = tpu.memref_squeeze %dma_start3A_135 : memref<1x128xi32, #tpu.memory_space<vmem>> -> memref<128xi32, #tpu.memory_space<vmem>>
      %dma_start3A_137 = tpu.memref_slice %arg2[%add3A_128] : memref<655360xi32, #tpu.memory_space<hbm>> -> memref<128xi32, #tpu.memory_space<hbm>>
      tpu.enqueue_dma source(%dma_start3A_137 : memref<128xi32, #tpu.memory_space<hbm>>) target(%dma_start3A_136 : memref<128xi32, #tpu.memory_space<vmem>>) target_semaphore(%arg7 : memref<!tpu.dma_semaphore, #tpu.memory_space<semaphore_mem>>)
    }
    %scan3A_44 = arith.constant 39 : i32
    %run_scoped3A_45 = arith.constant 0 : i32
    "tpu.region"() ({
      %run_scoped3A_63 = tpu.sem_alloc : memref<!tpu.dma_semaphore, #tpu.memory_space<semaphore_mem>>
      %dma_start3A_64 = arith.constant 0 : i32
      %dma_start3A_65 = tpu.memref_slice %arg4[%run_scoped3A_45, %dma_start3A_64] : memref<2x128xi32, #tpu.memory_space<vmem>> -> memref<1x128xi32, #tpu.memory_space<vmem>>
      %dma_start3A_66 = tpu.memref_squeeze %dma_start3A_65 : memref<1x128xi32, #tpu.memory_space<vmem>> -> memref<128xi32, #tpu.memory_space<vmem>>
      %dma_start3A_67 = arith.constant 0 : i32
      %dma_start3A_68 = arith.constant 0 : i32
      %dma_start3A_69 = tpu.memref_slice %arg6[%dma_start3A_67, %dma_start3A_68] : memref<10112x128xf32, #tpu.memory_space<vmem_shared>> -> memref<10112x128xf32, #tpu.memory_space<vmem_shared>>
      tpu.enqueue_indirect_dma source(%arg5 : memref<128x128xf32, #tpu.memory_space<vmem>>) target(%dma_start3A_69 : memref<10112x128xf32, #tpu.memory_space<vmem_shared>>) offsets(%dma_start3A_66 : memref<128xi32, #tpu.memory_space<vmem>>) semaphore(%run_scoped3A_63 : memref<!tpu.dma_semaphore, #tpu.memory_space<semaphore_mem>>) {add = true}
      %dma_wait3A_70 = arith.constant 0 : i32
      %dma_wait3A_71 = tpu.memref_slice %arg4[%run_scoped3A_45, %dma_wait3A_70] : memref<2x128xi32, #tpu.memory_space<vmem>> -> memref<1x128xi32, #tpu.memory_space<vmem>>
      %dma_wait3A_72 = tpu.memref_squeeze %dma_wait3A_71 : memref<1x128xi32, #tpu.memory_space<vmem>> -> memref<128xi32, #tpu.memory_space<vmem>>
      %dma_wait3A_73 = arith.constant 0 : i32
      %dma_wait3A_74 = arith.constant 0 : i32
      %dma_wait3A_75 = tpu.memref_slice %arg6[%dma_wait3A_73, %dma_wait3A_74] : memref<10112x128xf32, #tpu.memory_space<vmem_shared>> -> memref<10112x128xf32, #tpu.memory_space<vmem_shared>>
      tpu.wait_indirect_dma semaphore(%run_scoped3A_63 : memref<!tpu.dma_semaphore, #tpu.memory_space<semaphore_mem>>) src(%arg5 : memref<128x128xf32, #tpu.memory_space<vmem>>) dst(%dma_wait3A_75 : memref<10112x128xf32, #tpu.memory_space<vmem_shared>>)
      tpu.yield
    }) : () -> ()
    %add3A_46 = arith.constant 327680 : i32
    %add3A_47 = arith.addi %add3A_46, %mul3A_4 : i32
    %add3A_48 = arith.constant 10112 : i32
    %add3A_49 = arith.addi %add3A_47, %add3A_48 : i32
    %dma_wait3A = arith.constant 1 : i32
    %dma_wait3A_50 = arith.constant 0 : i32
    %dma_wait3A_51 = tpu.memref_slice %arg4[%dma_wait3A, %dma_wait3A_50] : memref<2x128xi32, #tpu.memory_space<vmem>> -> memref<1x128xi32, #tpu.memory_space<vmem>>
    %dma_wait3A_52 = tpu.memref_squeeze %dma_wait3A_51 : memref<1x128xi32, #tpu.memory_space<vmem>> -> memref<128xi32, #tpu.memory_space<vmem>>
    %dma_wait3A_53 = tpu.memref_slice %arg2[%add3A_49] : memref<655360xi32, #tpu.memory_space<hbm>> -> memref<128xi32, #tpu.memory_space<hbm>>
    %dma_wait3A_54 = arith.constant 0 : i32
    %dma_wait3A_55 = tpu.memref_slice %arg4[%dma_wait3A, %dma_wait3A_54] : memref<2x128xi32, #tpu.memory_space<vmem>> -> memref<1x128xi32, #tpu.memory_space<vmem>>
    %dma_wait3A_56 = tpu.memref_squeeze %dma_wait3A_55 : memref<1x128xi32, #tpu.memory_space<vmem>> -> memref<128xi32, #tpu.memory_space<vmem>>
    %dma_wait3A_57 = tpu.memref_slice %arg2[%add3A_49] : memref<655360xi32, #tpu.memory_space<hbm>> -> memref<128xi32, #tpu.memory_space<hbm>>
    tpu.wait_dma2 semaphore(%arg7 : memref<!tpu.dma_semaphore, #tpu.memory_space<semaphore_mem>>) src(%dma_wait3A_57 : memref<128xi32, #tpu.memory_space<hbm>>) dst(%dma_wait3A_56 : memref<128xi32, #tpu.memory_space<vmem>>)
    %run_scoped3A_58 = arith.constant 1 : i32
    "tpu.region"() ({
      %run_scoped3A_63 = tpu.sem_alloc : memref<!tpu.dma_semaphore, #tpu.memory_space<semaphore_mem>>
      %dma_start3A_64 = arith.constant 0 : i32
      %dma_start3A_65 = tpu.memref_slice %arg4[%run_scoped3A_58, %dma_start3A_64] : memref<2x128xi32, #tpu.memory_space<vmem>> -> memref<1x128xi32, #tpu.memory_space<vmem>>
      %dma_start3A_66 = tpu.memref_squeeze %dma_start3A_65 : memref<1x128xi32, #tpu.memory_space<vmem>> -> memref<128xi32, #tpu.memory_space<vmem>>
      %dma_start3A_67 = arith.constant 0 : i32
      %dma_start3A_68 = arith.constant 0 : i32
      %dma_start3A_69 = tpu.memref_slice %arg6[%dma_start3A_67, %dma_start3A_68] : memref<10112x128xf32, #tpu.memory_space<vmem_shared>> -> memref<10112x128xf32, #tpu.memory_space<vmem_shared>>
      tpu.enqueue_indirect_dma source(%arg5 : memref<128x128xf32, #tpu.memory_space<vmem>>) target(%dma_start3A_69 : memref<10112x128xf32, #tpu.memory_space<vmem_shared>>) offsets(%dma_start3A_66 : memref<128xi32, #tpu.memory_space<vmem>>) semaphore(%run_scoped3A_63 : memref<!tpu.dma_semaphore, #tpu.memory_space<semaphore_mem>>) {add = true}
      %dma_wait3A_70 = arith.constant 0 : i32
      %dma_wait3A_71 = tpu.memref_slice %arg4[%run_scoped3A_58, %dma_wait3A_70] : memref<2x128xi32, #tpu.memory_space<vmem>> -> memref<1x128xi32, #tpu.memory_space<vmem>>
      %dma_wait3A_72 = tpu.memref_squeeze %dma_wait3A_71 : memref<1x128xi32, #tpu.memory_space<vmem>> -> memref<128xi32, #tpu.memory_space<vmem>>
      %dma_wait3A_73 = arith.constant 0 : i32
      %dma_wait3A_74 = arith.constant 0 : i32
      %dma_wait3A_75 = tpu.memref_slice %arg6[%dma_wait3A_73, %dma_wait3A_74] : memref<10112x128xf32, #tpu.memory_space<vmem_shared>> -> memref<10112x128xf32, #tpu.memory_space<vmem_shared>>
      tpu.wait_indirect_dma semaphore(%run_scoped3A_63 : memref<!tpu.dma_semaphore, #tpu.memory_space<semaphore_mem>>) src(%arg5 : memref<128x128xf32, #tpu.memory_space<vmem>>) dst(%dma_wait3A_75 : memref<10112x128xf32, #tpu.memory_space<vmem_shared>>)
      tpu.yield
    }) : () -> ()
    %barrier3A_59 = arith.constant 0 : index
    tpu.barrier barrier_id(%barrier3A_59)
    %mul3A_60 = arith.constant 10112 : i32
    %mul3A_61 = arith.muli %arg0, %mul3A_60 : i32
    %add3A_62 = arith.addi %mul3A_61, %mul3A_0 : i32
    "tpu.region"() ({
      %run_scoped3A_63 = tpu.sem_alloc : memref<!tpu.dma_semaphore, #tpu.memory_space<semaphore_mem>>
      %dma_start3A_64 = arith.constant 0 : i32
      %dma_start3A_65 = tpu.memref_slice %arg3[%add3A_62, %dma_start3A_64] : memref<20224x128xf32, #tpu.memory_space<hbm>> -> memref<632x128xf32, #tpu.memory_space<hbm>>
      %dma_start3A_66 = arith.constant 0 : i32
      %dma_start3A_67 = tpu.memref_slice %arg6[%mul3A_0, %dma_start3A_66] : memref<10112x128xf32, #tpu.memory_space<vmem_shared>> -> memref<632x128xf32, #tpu.memory_space<vmem_shared>>
      tpu.enqueue_dma source(%dma_start3A_67 : memref<632x128xf32, #tpu.memory_space<vmem_shared>>) target(%dma_start3A_65 : memref<632x128xf32, #tpu.memory_space<hbm>>) target_semaphore(%run_scoped3A_63 : memref<!tpu.dma_semaphore, #tpu.memory_space<semaphore_mem>>)
      %dma_wait3A_68 = arith.constant 0 : i32
      %dma_wait3A_69 = tpu.memref_slice %arg3[%add3A_62, %dma_wait3A_68] : memref<20224x128xf32, #tpu.memory_space<hbm>> -> memref<632x128xf32, #tpu.memory_space<hbm>>
      %dma_wait3A_70 = arith.constant 0 : i32
      %dma_wait3A_71 = tpu.memref_slice %arg6[%mul3A_0, %dma_wait3A_70] : memref<10112x128xf32, #tpu.memory_space<vmem_shared>> -> memref<632x128xf32, #tpu.memory_space<vmem_shared>>
      tpu.wait_dma2 semaphore(%run_scoped3A_63 : memref<!tpu.dma_semaphore, #tpu.memory_space<semaphore_mem>>) src(%dma_wait3A_71 : memref<632x128xf32, #tpu.memory_space<vmem_shared>>) dst(%dma_wait3A_69 : memref<632x128xf32, #tpu.memory_space<hbm>>)
      tpu.yield
    }) : () -> ()
    return
  }
}

module attributes {stable_mosaic.version = 14 : i64} {
  func.func @_tc_mm_body(%arg0: i32, %arg1: memref<128x128xf32, #tpu.memory_space<vmem>>, %arg2: memref<128x128xf32, #tpu.memory_space<vmem>>, %arg3: memref<128x128xf32, #tpu.memory_space<vmem>>) attributes {dimension_semantics = [#tpu.dimension_semantics<arbitrary>], iteration_bounds = array<i64: 79>, scalar_prefetch = 0 : i64, scratch_operands = 0 : i64, tpu.core_type = #tpu.core_type<tc>, window_params = [{transform_indices = @transform_0, window_bounds = array<i64: 128, 128>}, {pipeline_mode = #tpu.pipeline_mode<synchronous>, transform_indices = @transform_1, window_bounds = array<i64: 128, 128>}, {transform_indices = @transform_2, window_bounds = array<i64: 128, 128>}]} {
    %get3A = arith.constant 0 : index
    %get3A_0 = arith.constant 0 : index
    %get3A_1 = vector.load %arg1[%get3A, %get3A_0] : memref<128x128xf32, #tpu.memory_space<vmem>>, vector<128x128xf32>
    %get3A_2 = arith.constant 0 : index
    %get3A_3 = arith.constant 0 : index
    %get3A_4 = vector.load %arg2[%get3A_2, %get3A_3] : memref<128x128xf32, #tpu.memory_space<vmem>>, vector<128x128xf32>
    %dot_general3A = arith.constant dense<0.000000e+00> : vector<128x128xf32>
    %dot_general3A_5 = tpu.matmul %get3A_1, %get3A_4, %dot_general3A {dimension_numbers = #tpu.dot_dimension_numbers<[1], [0], [0], [1], [0, 0, 1, 1], [], []>, transpose_lhs_hint = false} : vector<128x128xf32>, vector<128x128xf32>, vector<128x128xf32> -> vector<128x128xf32>
    %swap3A = arith.constant 0 : index
    %swap3A_6 = arith.constant 0 : index
    %swap3A_7 = vector.load %arg3[%swap3A, %swap3A_6] : memref<128x128xf32, #tpu.memory_space<vmem>>, vector<128x128xf32>
    tpu.vector_store %arg3[%swap3A, %swap3A_6], %dot_general3A_5 {strides = array<i32>} : memref<128x128xf32, #tpu.memory_space<vmem>>, vector<128x128xf32>,
    return
  }
  func.func @transform_0(%arg0: i32) -> (i32, i32) {
    %c0_i32 = arith.constant 0 : i32
    %c0_i32_0 = arith.constant 0 : i32
    return %arg0, %c0_i32 : i32, i32
  }
  func.func @transform_1(%arg0: i32) -> (i32, i32) {
    %c0_i32 = arith.constant 0 : i32
    %c0_i32_0 = arith.constant 0 : i32
    %c0_i32_1 = arith.constant 0 : i32
    return %c0_i32, %c0_i32_0 : i32, i32
  }
  func.func @transform_2(%arg0: i32) -> (i32, i32) {
    %c0_i32 = arith.constant 0 : i32
    %c0_i32_0 = arith.constant 0 : i32
    return %arg0, %c0_i32 : i32, i32
  }
}

module attributes {stable_mosaic.version = 14 : i64} {
  func.func @_tc_scale_body(%arg0: i32, %arg1: memref<128x128xf32, #tpu.memory_space<vmem>>, %arg2: memref<128x128xf32, #tpu.memory_space<vmem>>, %arg3: memref<128x128xf32, #tpu.memory_space<vmem>>, %arg4: memref<128x128xf32, #tpu.memory_space<vmem>>) attributes {dimension_semantics = [#tpu.dimension_semantics<arbitrary>], iteration_bounds = array<i64: 79>, scalar_prefetch = 0 : i64, scratch_operands = 0 : i64, tpu.core_type = #tpu.core_type<tc>, window_params = [{transform_indices = @transform_0, window_bounds = array<i64: 128, 128>}, {transform_indices = @transform_1, window_bounds = array<i64: 128, 128>}, {transform_indices = @transform_2, window_bounds = array<i64: 128, 128>}, {transform_indices = @transform_3, window_bounds = array<i64: 128, 128>}]} {
    %get3A = arith.constant 0 : index
    %get3A_0 = arith.constant 0 : index
    %get3A_1 = vector.load %arg2[%get3A, %get3A_0] : memref<128x128xf32, #tpu.memory_space<vmem>>, vector<128x128xf32>
    %get3A_2 = arith.constant 0 : index
    %get3A_3 = arith.constant 0 : index
    %get3A_4 = vector.load %arg3[%get3A_2, %get3A_3] : memref<128x128xf32, #tpu.memory_space<vmem>>, vector<128x128xf32>
    %slice3A = vector.extract_strided_slice %get3A_1 {offsets = [0, 0], sizes = [128, 1], strides = [1, 1]} : vector<128x128xf32> to vector<128x1xf32>
    %slice3A_5 = vector.extract_strided_slice %get3A_4 {offsets = [0, 0], sizes = [128, 1], strides = [1, 1]} : vector<128x128xf32> to vector<128x1xf32>
    %add3A = arith.addf %slice3A, %slice3A_5 : vector<128x1xf32>
    %add3A_6 = arith.constant 1.000000e+00 : f32
    %add3A_7 = vector.broadcast %add3A_6 : f32 to vector<128x1xf32>
    %add3A_8 = arith.addf %add3A, %add3A_7 : vector<128x1xf32>
    %mul3A = arith.constant 128 : i32
    %mul3A_9 = arith.muli %arg0, %mul3A : i32
    %iota3A = tpu.iota {dimensions = array<i32: 0>} : vector<128x1xi32>
    %add3A_10 = vector.broadcast %mul3A_9 : i32 to vector<128x1xi32>
    %add3A_11 = arith.addi %add3A_10, %iota3A : vector<128x1xi32>
    %lt3A = arith.constant 10000 : i32
    %lt3A_12 = vector.broadcast %lt3A : i32 to vector<128x1xi32>
    %lt3A_13 = arith.cmpi slt, %add3A_11, %lt3A_12 : vector<128x1xi32>
    %rsqrt3A = math.rsqrt %add3A_8 : vector<128x1xf32>
    %jit3A = arith.constant 0.000000e+00 : f32
    %broadcast_in_dim3A = vector.broadcast %jit3A : f32 to vector<128x1xf32>
    %select_n3A = arith.select %lt3A_13, %rsqrt3A, %broadcast_in_dim3A : vector<128x1xi1>, vector<128x1xf32>
    %get3A_14 = arith.constant 0 : index
    %get3A_15 = arith.constant 0 : index
    %get3A_16 = vector.load %arg1[%get3A_14, %get3A_15] : memref<128x128xf32, #tpu.memory_space<vmem>>, vector<128x128xf32>
    %mul3A_17 = vector.broadcast %select_n3A : vector<128x1xf32> to vector<128x128xf32>
    %mul3A_18 = arith.mulf %get3A_16, %mul3A_17 : vector<128x128xf32>
    %swap3A = arith.constant 0 : index
    %swap3A_19 = arith.constant 0 : index
    %swap3A_20 = vector.load %arg4[%swap3A, %swap3A_19] : memref<128x128xf32, #tpu.memory_space<vmem>>, vector<128x128xf32>
    tpu.vector_store %arg4[%swap3A, %swap3A_19], %mul3A_18 {strides = array<i32>} : memref<128x128xf32, #tpu.memory_space<vmem>>, vector<128x128xf32>,
    return
  }
  func.func @transform_0(%arg0: i32) -> (i32, i32) {
    %c0_i32 = arith.constant 0 : i32
    %c0_i32_0 = arith.constant 0 : i32
    return %arg0, %c0_i32 : i32, i32
  }
  func.func @transform_1(%arg0: i32) -> (i32, i32) {
    %c0_i32 = arith.constant 0 : i32
    %c0_i32_0 = arith.constant 0 : i32
    return %arg0, %c0_i32 : i32, i32
  }
  func.func @transform_2(%arg0: i32) -> (i32, i32) {
    %add3A = arith.constant 79 : i32
    %add3A_0 = arith.addi %add3A, %arg0 : i32
    %c0_i32 = arith.constant 0 : i32
    %c0_i32_1 = arith.constant 0 : i32
    return %add3A_0, %c0_i32 : i32, i32
  }
  func.func @transform_3(%arg0: i32) -> (i32, i32) {
    %c0_i32 = arith.constant 0 : i32
    %c0_i32_0 = arith.constant 0 : i32
    return %arg0, %c0_i32 : i32, i32
  }
}

module attributes {stable_mosaic.version = 14 : i64} {
  func.func @_tc_mid_body(%arg0: i32, %arg1: memref<128x128xf32, #tpu.memory_space<vmem>>, %arg2: memref<128x128xf32, #tpu.memory_space<vmem>>, %arg3: memref<128x128xf32, #tpu.memory_space<vmem>>, %arg4: memref<1x128xf32, #tpu.memory_space<vmem>>, %arg5: memref<128x128xf32, #tpu.memory_space<vmem>>, %arg6: memref<128x128xf32, #tpu.memory_space<vmem>>, %arg7: memref<128x128xf32, #tpu.memory_space<vmem>>, %arg8: memref<128x128xf32, #tpu.memory_space<vmem>>) attributes {dimension_semantics = [#tpu.dimension_semantics<arbitrary>], iteration_bounds = array<i64: 79>, scalar_prefetch = 0 : i64, scratch_operands = 0 : i64, tpu.core_type = #tpu.core_type<tc>, window_params = [{transform_indices = @transform_0, window_bounds = array<i64: 128, 128>}, {transform_indices = @transform_1, window_bounds = array<i64: 128, 128>}, {transform_indices = @transform_2, window_bounds = array<i64: 128, 128>}, {pipeline_mode = #tpu.pipeline_mode<synchronous>, transform_indices = @transform_3, window_bounds = array<i64: 1, 128>}, {pipeline_mode = #tpu.pipeline_mode<synchronous>, transform_indices = @transform_4, window_bounds = array<i64: 128, 128>}, {transform_indices = @transform_5, window_bounds = array<i64: 128, 128>}, {transform_indices = @transform_6, window_bounds = array<i64: 128, 128>}, {transform_indices = @transform_7, window_bounds = array<i64: 128, 128>}]} {
    %get3A = arith.constant 0 : index
    %get3A_0 = arith.constant 0 : index
    %get3A_1 = vector.load %arg6[%get3A, %get3A_0] : memref<128x128xf32, #tpu.memory_space<vmem>>, vector<128x128xf32>
    %get3A_2 = arith.constant 0 : index
    %get3A_3 = arith.constant 0 : index
    %get3A_4 = vector.load %arg7[%get3A_2, %get3A_3] : memref<128x128xf32, #tpu.memory_space<vmem>>, vector<128x128xf32>
    %slice3A = vector.extract_strided_slice %get3A_1 {offsets = [0, 0], sizes = [128, 1], strides = [1, 1]} : vector<128x128xf32> to vector<128x1xf32>
    %slice3A_5 = vector.extract_strided_slice %get3A_4 {offsets = [0, 0], sizes = [128, 1], strides = [1, 1]} : vector<128x128xf32> to vector<128x1xf32>
    %add3A = arith.addf %slice3A, %slice3A_5 : vector<128x1xf32>
    %add3A_6 = arith.constant 1.000000e+00 : f32
    %add3A_7 = vector.broadcast %add3A_6 : f32 to vector<128x1xf32>
    %add3A_8 = arith.addf %add3A, %add3A_7 : vector<128x1xf32>
    %mul3A = arith.constant 128 : i32
    %mul3A_9 = arith.muli %arg0, %mul3A : i32
    %iota3A = tpu.iota {dimensions = array<i32: 0>} : vector<128x1xi32>
    %add3A_10 = vector.broadcast %mul3A_9 : i32 to vector<128x1xi32>
    %add3A_11 = arith.addi %add3A_10, %iota3A : vector<128x1xi32>
    %lt3A = arith.constant 10000 : i32
    %lt3A_12 = vector.broadcast %lt3A : i32 to vector<128x1xi32>
    %lt3A_13 = arith.cmpi slt, %add3A_11, %lt3A_12 : vector<128x1xi32>
    %rsqrt3A = math.rsqrt %add3A_8 : vector<128x1xf32>
    %jit3A = arith.constant 0.000000e+00 : f32
    %broadcast_in_dim3A = vector.broadcast %jit3A : f32 to vector<128x1xf32>
    %select_n3A = arith.select %lt3A_13, %rsqrt3A, %broadcast_in_dim3A : vector<128x1xi1>, vector<128x1xf32>
    %get3A_14 = arith.constant 0 : index
    %get3A_15 = arith.constant 0 : index
    %get3A_16 = vector.load %arg1[%get3A_14, %get3A_15] : memref<128x128xf32, #tpu.memory_space<vmem>>, vector<128x128xf32>
    %get3A_17 = arith.constant 0 : index
    %get3A_18 = arith.constant 0 : index
    %get3A_19 = vector.load %arg2[%get3A_17, %get3A_18] : memref<128x128xf32, #tpu.memory_space<vmem>>, vector<128x128xf32>
    %add3A_20 = arith.addf %get3A_16, %get3A_19 : vector<128x128xf32>
    %get3A_21 = arith.constant 0 : index
    %get3A_22 = arith.constant 0 : index
    %get3A_23 = vector.load %arg3[%get3A_21, %get3A_22] : memref<128x128xf32, #tpu.memory_space<vmem>>, vector<128x128xf32>
    %add3A_24 = arith.addf %add3A_20, %get3A_23 : vector<128x128xf32>
    %mul3A_25 = vector.broadcast %select_n3A : vector<128x1xf32> to vector<128x128xf32>
    %mul3A_26 = arith.mulf %mul3A_25, %add3A_24 : vector<128x128xf32>
    %get3A_27 = arith.constant 0 : index
    %get3A_28 = arith.constant 0 : index
    %get3A_29 = vector.load %arg4[%get3A_27, %get3A_28] : memref<1x128xf32, #tpu.memory_space<vmem>>, vector<1x128xf32>
    %add3A_30 = vector.broadcast %get3A_29 : vector<1x128xf32> to vector<128x128xf32>
    %add3A_31 = arith.addf %mul3A_26, %add3A_30 : vector<128x128xf32>
    %max3A = arith.constant 0.000000e+00 : f32
    %max3A_32 = vector.broadcast %max3A : f32 to vector<128x128xf32>
    %max3A_33 = arith.maximumf %add3A_31, %max3A_32 : vector<128x128xf32>
    %get3A_34 = arith.constant 0 : index
    %get3A_35 = arith.constant 0 : index
    %get3A_36 = vector.load %arg5[%get3A_34, %get3A_35] : memref<128x128xf32, #tpu.memory_space<vmem>>, vector<128x128xf32>
    %dot_general3A = arith.constant dense<0.000000e+00> : vector<128x128xf32>
    %dot_general3A_37 = tpu.matmul %max3A_33, %get3A_36, %dot_general3A {dimension_numbers = #tpu.dot_dimension_numbers<[1], [0], [0], [1], [0, 0, 1, 1], [], []>, transpose_lhs_hint = false} : vector<128x128xf32>, vector<128x128xf32>, vector<128x128xf32> -> vector<128x128xf32>
    %mul3A_38 = vector.broadcast %select_n3A : vector<128x1xf32> to vector<128x128xf32>
    %mul3A_39 = arith.mulf %dot_general3A_37, %mul3A_38 : vector<128x128xf32>
    %swap3A = arith.constant 0 : index
    %swap3A_40 = arith.constant 0 : index
    %swap3A_41 = vector.load %arg8[%swap3A, %swap3A_40] : memref<128x128xf32, #tpu.memory_space<vmem>>, vector<128x128xf32>
    tpu.vector_store %arg8[%swap3A, %swap3A_40], %mul3A_39 {strides = array<i32>} : memref<128x128xf32, #tpu.memory_space<vmem>>, vector<128x128xf32>,
    return
  }
  func.func @transform_0(%arg0: i32) -> (i32, i32) {
    %c0_i32 = arith.constant 0 : i32
    %c0_i32_0 = arith.constant 0 : i32
    return %arg0, %c0_i32 : i32, i32
  }
  func.func @transform_1(%arg0: i32) -> (i32, i32) {
    %add3A = arith.constant 79 : i32
    %add3A_0 = arith.addi %add3A, %arg0 : i32
    %c0_i32 = arith.constant 0 : i32
    %c0_i32_1 = arith.constant 0 : i32
    return %add3A_0, %c0_i32 : i32, i32
  }
  func.func @transform_2(%arg0: i32) -> (i32, i32) {
    %c0_i32 = arith.constant 0 : i32
    %c0_i32_0 = arith.constant 0 : i32
    return %arg0, %c0_i32 : i32, i32
  }
  func.func @transform_3(%arg0: i32) -> (i32, i32) {
    %c0_i32 = arith.constant 0 : i32
    %c0_i32_0 = arith.constant 0 : i32
    %c0_i32_1 = arith.constant 0 : i32
    return %c0_i32, %c0_i32_0 : i32, i32
  }
  func.func @transform_4(%arg0: i32) -> (i32, i32) {
    %c0_i32 = arith.constant 0 : i32
    %c0_i32_0 = arith.constant 0 : i32
    %c0_i32_1 = arith.constant 0 : i32
    return %c0_i32, %c0_i32_0 : i32, i32
  }
  func.func @transform_5(%arg0: i32) -> (i32, i32) {
    %c0_i32 = arith.constant 0 : i32
    %c0_i32_0 = arith.constant 0 : i32
    return %arg0, %c0_i32 : i32, i32
  }
  func.func @transform_6(%arg0: i32) -> (i32, i32) {
    %add3A = arith.constant 79 : i32
    %add3A_0 = arith.addi %add3A, %arg0 : i32
    %c0_i32 = arith.constant 0 : i32
    %c0_i32_1 = arith.constant 0 : i32
    return %add3A_0, %c0_i32 : i32, i32
  }
  func.func @transform_7(%arg0: i32) -> (i32, i32) {
    %c0_i32 = arith.constant 0 : i32
    %c0_i32_0 = arith.constant 0 : i32
    return %arg0, %c0_i32 : i32, i32
  }
}

module attributes {stable_mosaic.version = 14 : i64} {
  func.func @_tc_out_body(%arg0: i32, %arg1: memref<128x128xf32, #tpu.memory_space<vmem>>, %arg2: memref<128x128xf32, #tpu.memory_space<vmem>>, %arg3: memref<128x128xf32, #tpu.memory_space<vmem>>, %arg4: memref<1x128xf32, #tpu.memory_space<vmem>>, %arg5: memref<128x128xf32, #tpu.memory_space<vmem>>, %arg6: memref<128x128xf32, #tpu.memory_space<vmem>>, %arg7: memref<128x128xf32, #tpu.memory_space<vmem>>) attributes {dimension_semantics = [#tpu.dimension_semantics<arbitrary>], iteration_bounds = array<i64: 79>, scalar_prefetch = 0 : i64, scratch_operands = 0 : i64, tpu.core_type = #tpu.core_type<tc>, window_params = [{transform_indices = @transform_0, window_bounds = array<i64: 128, 128>}, {transform_indices = @transform_1, window_bounds = array<i64: 128, 128>}, {transform_indices = @transform_2, window_bounds = array<i64: 128, 128>}, {pipeline_mode = #tpu.pipeline_mode<synchronous>, transform_indices = @transform_3, window_bounds = array<i64: 1, 128>}, {transform_indices = @transform_4, window_bounds = array<i64: 128, 128>}, {transform_indices = @transform_5, window_bounds = array<i64: 128, 128>}, {transform_indices = @transform_6, window_bounds = array<i64: 128, 128>}]} {
    %get3A = arith.constant 0 : index
    %get3A_0 = arith.constant 0 : index
    %get3A_1 = vector.load %arg5[%get3A, %get3A_0] : memref<128x128xf32, #tpu.memory_space<vmem>>, vector<128x128xf32>
    %get3A_2 = arith.constant 0 : index
    %get3A_3 = arith.constant 0 : index
    %get3A_4 = vector.load %arg6[%get3A_2, %get3A_3] : memref<128x128xf32, #tpu.memory_space<vmem>>, vector<128x128xf32>
    %slice3A = vector.extract_strided_slice %get3A_1 {offsets = [0, 0], sizes = [128, 1], strides = [1, 1]} : vector<128x128xf32> to vector<128x1xf32>
    %slice3A_5 = vector.extract_strided_slice %get3A_4 {offsets = [0, 0], sizes = [128, 1], strides = [1, 1]} : vector<128x128xf32> to vector<128x1xf32>
    %add3A = arith.addf %slice3A, %slice3A_5 : vector<128x1xf32>
    %add3A_6 = arith.constant 1.000000e+00 : f32
    %add3A_7 = vector.broadcast %add3A_6 : f32 to vector<128x1xf32>
    %add3A_8 = arith.addf %add3A, %add3A_7 : vector<128x1xf32>
    %mul3A = arith.constant 128 : i32
    %mul3A_9 = arith.muli %arg0, %mul3A : i32
    %iota3A = tpu.iota {dimensions = array<i32: 0>} : vector<128x1xi32>
    %add3A_10 = vector.broadcast %mul3A_9 : i32 to vector<128x1xi32>
    %add3A_11 = arith.addi %add3A_10, %iota3A : vector<128x1xi32>
    %lt3A = arith.constant 10000 : i32
    %lt3A_12 = vector.broadcast %lt3A : i32 to vector<128x1xi32>
    %lt3A_13 = arith.cmpi slt, %add3A_11, %lt3A_12 : vector<128x1xi32>
    %rsqrt3A = math.rsqrt %add3A_8 : vector<128x1xf32>
    %jit3A = arith.constant 0.000000e+00 : f32
    %broadcast_in_dim3A = vector.broadcast %jit3A : f32 to vector<128x1xf32>
    %select_n3A = arith.select %lt3A_13, %rsqrt3A, %broadcast_in_dim3A : vector<128x1xi1>, vector<128x1xf32>
    %get3A_14 = arith.constant 0 : index
    %get3A_15 = arith.constant 0 : index
    %get3A_16 = vector.load %arg1[%get3A_14, %get3A_15] : memref<128x128xf32, #tpu.memory_space<vmem>>, vector<128x128xf32>
    %get3A_17 = arith.constant 0 : index
    %get3A_18 = arith.constant 0 : index
    %get3A_19 = vector.load %arg2[%get3A_17, %get3A_18] : memref<128x128xf32, #tpu.memory_space<vmem>>, vector<128x128xf32>
    %add3A_20 = arith.addf %get3A_16, %get3A_19 : vector<128x128xf32>
    %get3A_21 = arith.constant 0 : index
    %get3A_22 = arith.constant 0 : index
    %get3A_23 = vector.load %arg3[%get3A_21, %get3A_22] : memref<128x128xf32, #tpu.memory_space<vmem>>, vector<128x128xf32>
    %add3A_24 = arith.addf %add3A_20, %get3A_23 : vector<128x128xf32>
    %mul3A_25 = vector.broadcast %select_n3A : vector<128x1xf32> to vector<128x128xf32>
    %mul3A_26 = arith.mulf %mul3A_25, %add3A_24 : vector<128x128xf32>
    %get3A_27 = arith.constant 0 : index
    %get3A_28 = arith.constant 0 : index
    %get3A_29 = vector.load %arg4[%get3A_27, %get3A_28] : memref<1x128xf32, #tpu.memory_space<vmem>>, vector<1x128xf32>
    %add3A_30 = vector.broadcast %get3A_29 : vector<1x128xf32> to vector<128x128xf32>
    %add3A_31 = arith.addf %mul3A_26, %add3A_30 : vector<128x128xf32>
    %max3A = arith.constant 0.000000e+00 : f32
    %max3A_32 = vector.broadcast %max3A : f32 to vector<128x128xf32>
    %max3A_33 = arith.maximumf %add3A_31, %max3A_32 : vector<128x128xf32>
    %swap3A = arith.constant 0 : index
    %swap3A_34 = arith.constant 0 : index
    %swap3A_35 = vector.load %arg7[%swap3A, %swap3A_34] : memref<128x128xf32, #tpu.memory_space<vmem>>, vector<128x128xf32>
    tpu.vector_store %arg7[%swap3A, %swap3A_34], %max3A_33 {strides = array<i32>} : memref<128x128xf32, #tpu.memory_space<vmem>>, vector<128x128xf32>,
    return
  }
  func.func @transform_0(%arg0: i32) -> (i32, i32) {
    %c0_i32 = arith.constant 0 : i32
    %c0_i32_0 = arith.constant 0 : i32
    return %arg0, %c0_i32 : i32, i32
  }
  func.func @transform_1(%arg0: i32) -> (i32, i32) {
    %add3A = arith.constant 79 : i32
    %add3A_0 = arith.addi %add3A, %arg0 : i32
    %c0_i32 = arith.constant 0 : i32
    %c0_i32_1 = arith.constant 0 : i32
    return %add3A_0, %c0_i32 : i32, i32
  }
  func.func @transform_2(%arg0: i32) -> (i32, i32) {
    %c0_i32 = arith.constant 0 : i32
    %c0_i32_0 = arith.constant 0 : i32
    return %arg0, %c0_i32 : i32, i32
  }
  func.func @transform_3(%arg0: i32) -> (i32, i32) {
    %c0_i32 = arith.constant 0 : i32
    %c0_i32_0 = arith.constant 0 : i32
    %c0_i32_1 = arith.constant 0 : i32
    return %c0_i32, %c0_i32_0 : i32, i32
  }
  func.func @transform_4(%arg0: i32) -> (i32, i32) {
    %c0_i32 = arith.constant 0 : i32
    %c0_i32_0 = arith.constant 0 : i32
    return %arg0, %c0_i32 : i32, i32
  }
  func.func @transform_5(%arg0: i32) -> (i32, i32) {
    %add3A = arith.constant 79 : i32
    %add3A_0 = arith.addi %add3A, %arg0 : i32
    %c0_i32 = arith.constant 0 : i32
    %c0_i32_1 = arith.constant 0 : i32
    return %add3A_0, %c0_i32 : i32, i32
  }
  func.func @transform_6(%arg0: i32) -> (i32, i32) {
    %c0_i32 = arith.constant 0 : i32
    %c0_i32_0 = arith.constant 0 : i32
    return %arg0, %c0_i32 : i32, i32
  }
}

</mosaic_0001>

<sc_bundles>
// kernel: kernel.12.cloned.1.call-start
scs
__scs_entry_jumppad:
0x0: {  	(pc) =	sbr.rel $0x88, $3  }
0x1: {  	(tag) =	ssettag $0x0;
	lr =	simm.s32 $0x1  }
0x2: {  	[smem:$0x3F9B] =	sst lr;
	_ =	strace $0xD0000000  }
0x3: {  	_ = 	snop  }
0x4: {  	_ = 	snop  }
0x5: {  	_ = 	snop  }
0x6: {  	_ = 	snop  }
0x7: {  	_ = 	snop  }
__scs_overlays_trampoline_lowered:
0x8: {  	[smem:$0x3FAA] =	sst s0  }
0x9: {  	[smem:$0x3FAB] =	sst s1  }
0xa: {  	[smem:$0x3FAC] =	sst s2  }
0xb: {  	[smem:$0x3FAD] =	sst s3  }
0xc: {  	[smem:$0x3FAE] =	sst s4  }
0xd: {  	[smem:$0x3FAF] =	sst s5  }
0xe: {  	[smem:$0x3FB0] =	sst s6  }
0xf: {  	[smem:$0x3FB1] =	sst s7  }
0x10: {  	[smem:$0x3FB2] =	sst s8  }
0x11: {  	[smem:$0x3FB3] =	sst s9;
	s0 =	simm.s32 @!p0 $0x0  }
0x12: {  	s1 =	sld [smem:$0x3F99];
	s0 =	simm.s32 @p0 $0x1  }
0x13: {  	[smem:$0x3FB4] =	sst s0;
	s0 =	simm.s32 @!p1 $0x0  }
0x14: {  	s2 =	sld [smem:$0x3F98];
	s0 =	simm.s32 @p1 $0x1  }
0x15: {  	[smem:$0x3FB5] =	sst s0;
	s0 =	simm.s32 @!p2 $0x0  }
0x16: {  	s3 =	sld [smem:$0x3FDB];
	s0 =	simm.s32 @p2 $0x1  }
0x17: {  	s4 =	simm.s32 $0x1BF5;
	[smem:$0x3FB7] =	sst s0  }
0x18: {  	s0 =	sld [smem:$0x3F9A];
	_ =	swait.ge [sflag:s4], $0x0  }
0x19: {  	s7 =	sld [smem:$0x3F9B]  }
0x1a: {  	s8 =	sadd.s32 $0xFFFFE003, lr  }
0x1b: {  	s9 =	sadd.s32 $0xFFFFFEF7, lr;
	s5 =	simm.s32 $0xFFFFFFFF;
	p2 =	slt.u32 s8, $0xFFFFF086  }
0x1c: {  	p1 =	slt.u32 s9, $0xF7A;
	s5 =	simm.s32 @!p2 $0x0  }
0x1d: {  	s5 =	simm.s32 @p1 $0x1;
	p0 =	seq.s32 s7, s2  }
0x1e: {  	s7 =	smul.u32 @!p0 $0xF7A, s2;
	p2 =	seq.s32 @!p0 s5, $0x0  }
0x1f: {  	s9 =	smul.u32 $0xF7A, s1;
	s8 =	simm.s32 @!p0 $0x1BF5;
	p2 =	por !p2, p0  }
0x20: {  	[sflag:s8] =	ssyncset.s32 @!p0 $0xFFFFF086;
	s6 =	sadd.s32 @!p0 s3, s7;
	s7 =	simm.s32 @!p0 $0x108  }
0x21: {  	s3 =	sadd.s32 s3, s9;
	s6 =	sadd.s32 @!p0 $0x88, s6;
	s7 =	simm.s32 @p2 $0x1082  }
0x22: {  	[simem:s7], [sflag:s8] =	dma.local @!p0 [hbm:s6], $0xF7A  }
0x23: {  	s9 =	sor.u32 $0xD0000000, s2;
	s6 =	simm.s32 $0x108;
	_ =	swait.ge @!p0 [sflag:s8], $0x0  }
0x24: {  	s3 =	sadd.s32 $0x88, s3;
	s6 =	simm.s32 @!p1 $0x1082;
	[sflag:s4] =	ssyncset.s32 $0xFFFFF086  }
0x25: {  	[simem:s6], [sflag:s4] =	dma.local [hbm:s3], $0xF7A  }
0x26: {  	[smem:$0x3F9B] =	sst s1;
	(tag) =	ssettag s2;
	_ =	strace s9  }
0x27: {  	s1 =	sld [smem:$0x3FAB]  }
0x28: {  	s2 =	sld [smem:$0x3FAC]  }
0x29: {  	s4 =	sld [smem:$0x3FAE]  }
0x2a: {  	p0 =	seq.s32 s5, $0x0;
	s5 =	sld [smem:$0x3FAF]  }
0x2b: {  	s6 =	sld [smem:$0x3FB0]  }
0x2c: {  	s7 =	sld [smem:$0x3FB1]  }
0x2d: {  	s3 =	simm.s32 $0x108;
	s8 =	sld [smem:$0x3FB2]  }
0x2e: {  	s3 =	simm.s32 @!p0 $0x1082;
	s9 =	sld [smem:$0x3FB3]  }
0x2f: {  	lr =	sadd.s32 s0, s3;
	s0 =	sld [smem:$0x3FAA]  }
0x30: {  	s3 =	sld [smem:$0x3FAD]  }
0x31: {  	[smem:$0x3FB6] =	sst s10  }
0x32: {  	s10 =	sld [smem:$0x3FB4];
	_ =	sdelay $0x3  }
0x33: {  	p0 =	seq.s32 s10, $0x1;
	s10 =	sld [smem:$0x3FB6];
	_ =	sdelay $0x3  }
0x34: {  	[smem:$0x3FB6] =	sst s10  }
0x35: {  	s10 =	sld [smem:$0x3FB5];
	_ =	sdelay $0x3  }
0x36: {  	p1 =	seq.s32 s10, $0x1;
	s10 =	sld [smem:$0x3FB6];
	_ =	sdelay $0x3  }
0x37: {  	[smem:$0x3FB6] =	sst s10  }
0x38: {  	s10 =	sld [smem:$0x3FB7]  }
0x39: {  	_ = 	snop;
	(pc) =	sbr.ind lr, $3  }
0x3a: {  	_ = 	snop  }
0x3b: {  	_ = 	snop  }
0x3c: {  	p2 =	seq.s32 s10, $0x1;
	s10 =	sld [smem:$0x3FB6]  }
0x3d: {  	_ =	shalt  }
0x3e: {  	_ =	shalt  }
0x3f: {  	_ =	shalt  }
0x40: {  	_ =	shalt  }
0x41: {  	_ =	shalt  }
0x42: {  	_ =	shalt  }
0x43: {  	_ =	shalt  }
0x44: {  	_ =	shalt  }
0x45: {  	_ =	shalt  }
0x46: {  	_ =	shalt  }
0x47: {  	_ =	shalt  }
0x48: {  	_ =	shalt  }
0x49: {  	_ =	shalt  }
0x4a: {  	_ =	shalt  }
0x4b: {  	_ =	shalt  }
0x4c: {  	_ =	shalt  }
0x4d: {  	_ =	shalt  }
0x4e: {  	_ =	shalt  }
0x4f: {  	_ =	shalt  }
0x50: {  	_ =	shalt  }
0x51: {  	_ =	shalt  }
0x52: {  	_ =	shalt  }
0x53: {  	_ =	shalt  }
0x54: {  	_ =	shalt  }
0x55: {  	_ =	shalt  }
0x56: {  	_ =	shalt  }
0x57: {  	_ =	shalt  }
0x58: {  	_ =	shalt  }
0x59: {  	_ =	shalt  }
0x5a: {  	_ =	shalt  }
0x5b: {  	_ =	shalt  }
0x5c: {  	_ =	shalt  }
0x5d: {  	_ =	shalt  }
0x5e: {  	_ =	shalt  }
0x5f: {  	_ =	shalt  }
0x60: {  	_ =	shalt  }
0x61: {  	_ =	shalt  }
0x62: {  	_ =	shalt  }
0x63: {  	_ =	shalt  }
0x64: {  	_ =	shalt  }
0x65: {  	_ =	shalt  }
0x66: {  	_ =	shalt  }
0x67: {  	_ =	shalt  }
0x68: {  	_ =	shalt  }
0x69: {  	_ =	shalt  }
0x6a: {  	_ =	shalt  }
0x6b: {  	_ =	shalt  }
0x6c: {  	_ =	shalt  }
0x6d: {  	_ =	shalt  }
0x6e: {  	_ =	shalt  }
0x6f: {  	_ =	shalt  }
0x70: {  	_ =	shalt  }
0x71: {  	_ =	shalt  }
0x72: {  	_ =	shalt  }
0x73: {  	_ =	shalt  }
0x74: {  	_ =	shalt  }
0x75: {  	_ =	shalt  }
0x76: {  	_ =	shalt  }
0x77: {  	_ =	shalt  }
0x78: {  	_ =	shalt  }
0x79: {  	_ =	shalt  }
0x7a: {  	_ =	shalt  }
0x7b: {  	_ =	shalt  }
0x7c: {  	_ =	shalt  }
0x7d: {  	_ =	shalt  }
0x7e: {  	_ =	shalt  }
0x7f: {  	_ =	shalt  }
0x80: {  	_ =	shalt  }
0x81: {  	_ =	shalt  }
0x82: {  	_ =	shalt  }
0x83: {  	_ =	shalt  }
0x84: {  	_ =	shalt  }
0x85: {  	_ =	shalt  }
0x86: {  	_ =	shalt  }
0x87: {  	_ =	shalt  }
.Lfunc_end0:
.L_simem_size_0:
called_computation.1_lowered:
.L_overlay_start_0:
0x88: {  	s2 =	sld [smem:$0x3FD9]  }
0x89: {  	s3 =	sld [smem:$0x3FFE];
	_ =	sdelay $0x1  }
0x8a: {  	s1 =	srdreg.scid  }
0x8b: {  	s0 =	sand.u32 $0x1, s1  }
0x8c: {  	s17 =	sshll.u32 s0, $0xA;
	s2 =	sadd.s32 s3, s2  }
0x8d: {  	s2 =	sadd.s32 s2, s17  }
0x8e: {  	[smem:$0x3FC2] =	sst s2  }
0x8f: {  	_ = 	snop  }
0x90: {  	s2 =	sld [smem:$0x3FD0];
	(tm) =	ssettm $0x1  }
0x91: {  	s18 =	sld [smem:$0x3FFB];
	_ =	sdelay $0x3  }
0x92: {  	_ =	strace s18  }
0x93: {  	s3 =	sld [smem:$0x3FFC];
	_ =	sdelay $0x3  }
0x94: {  	_ =	strace s3  }
0x95: {  	s3 =	sld [smem:$0x3FFD];
	_ =	sdelay $0x3  }
0x96: {  	_ =	strace s3  }
0x97: {  	_ =	strace $0x8FFFFFFF  }
0x98: {  	s19 =	sld [smem:$0x3FDB];
	_ =	sdelay $0x1  }
0x99: {  	s4 =	simm.s32 $_scs_section_size  }
0x9a: {  	s5 =	simm.s32 $_size__tile_overlayer_lowered;
	s6 =	simm.s32 $_tile_overlayer_lowered  }
0x9b: {  	s22 =	simm.s32 $0x1BFF;
	s21 =	sshll.u32 s6, $0x1;
	s3 =	sadd.s32 s4, s19  }
0x9c: {  	s7 =	simm.s32 $0x0;
	s20 =	sshll.u32 s5, $0x1;
	s5 =	sadd.s32 s21, s3  }
0x9d: {  	[timem:s7], [sflag:s22] =	dma.local [hbm:s5], s20  }
0x9e: {  	_ =	swait.ge [sflag:s22], s20  }
0x9f: {  	s4 =	ssub.s32 $0x0, s20;
	[sflag:s22] =	ssyncset.done $0x0  }
0xa0: {  	[sflag:s22] =	ssyncadd.s32 s4;
	_ =	sdelay $0x1  }
0xa1: {  	s23 =	simm.s32 $0x1B8B  }
0xa2: {  	_ =	swait.ge [sflag:s23], $0x1  }
0xa3: {  	[sflag:s23] =	ssyncset.done $0x0  }
0xa4: {  	s25 =	simm.s32 $0x1B8E;
	s24 =	sld [smem:$0x3FFE];
	[sflag:s23] =	ssyncadd.s32 $0xFFFFFFFF  }
0xa5: {  	s26 =	simm.s32 $execute0_lowered;
	[smem:$0x3FD2] =	sst s25  }
0xa6: {  	s5 =	sshll.u32 s26, $0x1;
	_ =	strace $0x80000049;
	[dreg:$0x1] =	wrdreg $0xFFFFFFFF  }
0xa7: {  	s28 =	simm.s32 $_size_execute0_lowered;
	s3 =	sadd.s32 s3, s5;
	[dreg:$0x0] =	wrdreg $0x0  }
0xa8: {  	s5 =	sshll.u32 s28, $0x1;
	[dreg:$0x2] =	wrdreg s3  }
0xa9: {  	[dreg:$0x3] =	wrdreg s5  }
0xaa: {  	[dreg:$0x4] =	wrdreg $0xC0  }
0xab: {  	_ =	task [dreg:s7], $0x5FFFF  }
0xac: {  	[dreg:$0x1] =	wrdreg $0xFFFFFFFF  }
0xad: {  	[dreg:$0x0] =	wrdreg $0x60  }
0xae: {  	[dreg:$0x2] =	wrdreg s24  }
0xaf: {  	[dreg:$0x3] =	wrdreg s2  }
0xb0: {  	[dreg:$0x4] =	wrdreg $0x84000  }
0xb1: {  	[dreg:$0x5] =	wrdreg $0x9  }
0xb2: {  	_ =	task.clear_ibuf [dreg:s7], $0x6FFFF;
	_ =	strace $0x90000049  }
0xb3: {  	s29 =	simm.s32 $0x9;
	_ =	strace $0x8000004B  }
0xb4: {  	_ =	swait.ge [sflag:s29], $0x1  }
0xb5: {  	[sflag:s29] =	ssyncadd.s32 $0xFFFFFFFF  }
0xb6: {  	_ =	strace $0x9000004B  }
0xb7: {  	_ =	sfence  }
0xb8: {  	s30 =	sld [smem:$0x0];
	_ =	sdelay $0x2  }
0xb9: {  	s31 =	sshll.u32 s1, $0xD;
	s1 =	sshrl.u32 s1, $0x2  }
0xba: {  	s3 =	sand.u32 $0x4000, s31;
	s1 =	sadd.s32 s1, s30  }
0xbb: {  	s0 =	sor.u32 s3, s0;
	s1 =	sshll.u32 s1, $0x11  }
0xbc: {  	s0 =	sor.u32 s1, s0  }
0xbd: {  	s0 =	sadd.s32 $0x8F2B, s0  }
0xbe: {  	[sflag:s0] =	ssyncadd.remote.s32 $0x1  }
0xbf: {  	_ =	sfence.sel $0xFFFF  }
0xc0: {  	[dreg:$0x0] =	wrdreg $0xFFFFFFFF;
	(pc) =	sbr.abs _section_cstart, $3  }
0xc1: {  	[dreg:$0x1] =	wrdreg $0xFFFFFFFF  }
0xc2: {  	_ =	task.clear_ibuf [dreg:s7], $0x2FFFF;
	_ =	strace $0x9FFFFFFF  }
0xc3: {  	(tm) =	ssettm $0x7FFFFFFF  }
tec
execute0_lowered:
.L_overlay_start_1:
0x0: {  	(tag) =	ssettag $0x1  }
0x1: {  	s0 =	rddreg [dreg:$0x0]  }
0x2: {  	s1 =	rddreg [dreg:$0x1]  }
0x3: {  	s2 =	rddreg [dreg:$0x2]  }
0x4: {  	s4 =	srdreg.scid;
	s10 =	stileid.u32  }
0x5: {  	s3 =	simm.s32 $0x0;
	s28 =	simm.s32 $0x400;
	s21 =	smul.u32 $0x2780, s10  }
0x6: {  	s29 =	simm.s32 $0x4;
	s30 =	simm.s32 $0x200;
	s8 =	smul.u32 $0x4F000, s10  }
0x7: {  	s31 =	simm.s32 $0x80;
	s6 =	sand.u32 $0x1, s4;
	s11 =	smul.u32 $0x2800, s10  }
0x8: {  	[smem:$0x7FF] =	sst s3;
	s4 =	sadd.s32 $0x51200, s0;
	s5 =	smul.u32 $0x27800, s6  }
0x9: {  	_ =	strace $0x8000004A;
	s7 =	sshll.u32 s6, $0x4;
	s23 =	ssub.s32 $0x2, s6  }
0xa: {  	s6 =	smul.u32 $0x28000, s6;
	s22 =	sor.u32 s10, s7;
	s24 =	sshrl.u32 s8, $0x2  }
0xb: {  	s25 =	sshrl.u32 s23, $0x1;
	s5 =	sadd.s32 s21, s5;
	s9 =	smul.u32 $0x2800, s22  }
0xc: {  	s7 =	ssub.s32 s23, s25;
	s6 =	sadd.s32 s11, s6;
	s0 =	sadd.s32 s5, s0  }
0xd: {  	s5 =	sadd.s32 s24, s2;
	s17 =	sadd.s32 $0x50280, s6;
	s18 =	sor.u32 $0x280, s6  }
0xe: {  	s20 =	sadd.s32 $0x50200, s6;
	s21 =	sor.u32 $0x200, s6;
	s22 =	sadd.s32 $0x50180, s6  }
0xf: {  	s23 =	sor.u32 $0x180, s6;
	s24 =	sadd.s32 $0x50300, s6;
	s26 =	sadd.s32 $0x4000, s5  }
0x10: {  	s6 =	sor.u32 $0x300, s6;
	s12 =	sadd.s32 $0x8000, s5;
	[dreg:$0x5] =	wrdreg s26  }
0x11: {  	s13 =	sadd.s32 $0xC000, s5;
	s9 =	sshrl.u32 s9, $0x3;
	[dreg:$0x6] =	wrdreg s12  }
0x12: {  	s14 =	sadd.s32 $0x10000, s5;
	s8 =	sshrl.u32 s17, $0x3;
	[dreg:$0x7] =	wrdreg s13  }
0x13: {  	s6 =	sshrl.u32 s6, $0x3;
	s0 =	sadd.s32 $0x78A00, s0;
	[dreg:$0x8] =	wrdreg s14  }
0x14: {  	s10 =	sadd.s32 s1, s9;
	s8 =	sadd.s32 s8, s1;
	[dreg:$0xf] =	wrdreg s0  }
0x15: {  	s26 =	smax.u32 s7, $0x1;
	s0 =	simm.s32 $0x280;
	s7 =	simm.s32 $0x2  }
0x16: {  	s12 =	simm.s32 $0x180;
	s13 =	simm.s32 $0x380;
	[dreg:$0x4] =	wrdreg s8  }
0x17: {  	s14 =	simm.s32 $0x0;
	s15 =	sadd.s32 $0xA000, s10;
	[dreg:$0x10] =	wrdreg s26  }
0x18: {  	s16 =	sadd.s32 $0x10, s10;
	s9 =	sadd.s32 $0xA010, s10;
	[dreg:$0x9] =	wrdreg s15  }
0x19: {  	s11 =	sadd.s32 $0x20, s10;
	s19 =	sadd.s32 $0xA020, s10;
	[dreg:$0xa] =	wrdreg s16  }
0x1a: {  	s8 =	sshrl.u32 s20, $0x3;
	s25 =	sadd.s32 $0x4F0, s10;
	[dreg:$0xb] =	wrdreg s9  }
0x1b: {  	s26 =	sadd.s32 $0xA4F0, s10;
	[dreg:$0xc] =	wrdreg s11;
	s9 =	sshrl.u32 s18, $0x3  }
0x1c: {  	[dreg:$0xd] =	wrdreg s19;
	s11 =	sshrl.u32 s22, $0x3;
	s17 =	sadd.s32 s8, s1  }
0x1d: {  	s8 =	sshrl.u32 s23, $0x3;
	s22 =	sadd.s32 s6, s1;
	[dreg:$0xe] =	wrdreg s25  }
0x1e: {  	s6 =	simm.s32 $0x4400;
	s16 =	sadd.s32 s9, s1;
	s9 =	sshrl.u32 s21, $0x3  }
0x1f: {  	s19 =	sadd.s32 s11, s1;
	s20 =	sadd.s32 s8, s1;
	s8 =	simm.s32 $0x100  }
0x20: {  	s11 =	simm.s32 $0x3;
	s18 =	sadd.s32 s9, s1;
	s9 =	sshrl.u32 s24, $0x3  }
0x21: {  	v0 =	vimm.f32 $0.0e+00;
	s21 =	sadd.s32 s9, s1;
	s1 =	simm.s32 $0x1;
	s9 =	simm.s32 $0x300  }
.LBB2_1:
0x22: {  	s15 =	simm.s32 $0x0;
	s23 =	simm.s32 $0x200  }
.LBB2_2:
0x23: {  	p0 =	sne.s32 s23, $0xFE00;
	[tilespmem:s15+$0x470] =	vst v0  }
0x24: {  	[tilespmem:s15+$0x400] =	vst v0  }
0x25: {  	[tilespmem:s15+$0x410] =	vst v0  }
.Ltmp0:
0x26: {  	[tilespmem:s15+$0x420] =	vst v0;
	(pc) =	sbr.rel @p0 .LBB2_2-.Ltmp0, $4  }
0x27: {  	[tilespmem:s15+$0x430] =	vst v0  }
0x28: {  	[tilespmem:s15+$0x440] =	vst v0  }
0x29: {  	[tilespmem:s15+$0x450] =	vst v0  }
0x2a: {  	[tilespmem:s15+$0x460] =	vst v0;
	s15 =	sshra.s32 s23, $0x2;
	s23 =	sadd.s32 $0x200, s23  }
0x2b: {  	[tilespmem:s15+$0x470] =	vst v0  }
0x2c: {  	[tilespmem:s15+$0x400] =	vst v0  }
0x2d: {  	[tilespmem:s15+$0x410] =	vst v0  }
0x2e: {  	[tilespmem:s15+$0x420] =	vst v0  }
0x2f: {  	[tilespmem:s15+$0x430] =	vst v0  }
0x30: {  	[tilespmem:s15+$0x440] =	vst v0  }
0x31: {  	[tilespmem:s15+$0x450] =	vst v0  }
0x32: {  	[tilespmem:s15+$0x460] =	vst v0  }
0x33: {  	[spmem:s5] =	stream.linear.scatter [tilespmem:s28], [sflag:$0x4], $0x4000, $0x38;
	[tilespmem:$0x1C000] =	vst v63  }
0x34: {  	_ =	swait.ge [sflag:s29], $0x4000  }
0x35: {  	[sflag:s29] =	ssyncset.done $0x0  }
0x36: {  	s23 =	rddreg [dreg:$0x5];
	[sflag:s29] =	ssyncadd.s32 $0xFFFFC000  }
0x37: {  	[spmem:s23] =	stream.linear.scatter [tilespmem:s28], [sflag:$0x4], $0x4000, $0x38;
	[tilespmem:$0x1C000] =	vst v63  }
0x38: {  	_ =	swait.ge [sflag:s29], $0x4000  }
0x39: {  	[sflag:s29] =	ssyncset.done $0x0  }
0x3a: {  	s24 =	rddreg [dreg:$0x6];
	[sflag:s29] =	ssyncadd.s32 $0xFFFFC000  }
0x3b: {  	[spmem:s24] =	stream.linear.scatter [tilespmem:s28], [sflag:$0x4], $0x4000, $0x38;
	[tilespmem:$0x1C000] =	vst v63  }
0x3c: {  	_ =	swait.ge [sflag:s29], $0x4000  }
0x3d: {  	[sflag:s29] =	ssyncset.done $0x0  }
0x3e: {  	s25 =	rddreg [dreg:$0x7];
	[sflag:s29] =	ssyncadd.s32 $0xFFFFC000  }
0x3f: {  	[spmem:s25] =	stream.linear.scatter [tilespmem:s28], [sflag:$0x4], $0x4000, $0x38;
	[tilespmem:$0x1C000] =	vst v63  }
0x40: {  	_ =	swait.ge [sflag:s29], $0x4000  }
0x41: {  	[sflag:s29] =	ssyncset.done $0x0  }
0x42: {  	s23 =	rddreg [dreg:$0x8];
	[sflag:s29] =	ssyncadd.s32 $0xFFFFC000  }
0x43: {  	[spmem:s23] =	stream.linear.scatter [tilespmem:s28], [sflag:$0x4], $0x3C00, $0x38;
	[tilespmem:$0x1C000] =	vst v63  }
0x44: {  	_ =	swait.ge [sflag:s29], $0x3C00  }
0x45: {  	[sflag:s29] =	ssyncset.done $0x0  }
0x46: {  	[sflag:s29] =	ssyncadd.s32 $0xFFFFC400  }
0x47: {  	s15 =	simm.s32 $0x0;
	[bflag:$0x0] =	sbarrier.arrive $0xFFFF  }
0x48: {  	[tilespmem:s15], [sflag:$0x4] =	stream.linear.gather [hbm4b:s10+s15], $0x80, $0x38;
	[tilespmem:$0x1C000] =	vst v63  }
0x49: {  	_ =	swait.ge [sflag:s29], $0x80  }
0x4a: {  	[sflag:s29] =	ssyncset.done $0x0  }
0x4b: {  	s23 =	rddreg [dreg:$0x9];
	[sflag:s29] =	ssyncadd.s32 $0xFFFFFF80  }
0x4c: {  	[tilespmem:s30], [sflag:$0x4] =	stream.linear.gather [hbm4b:s23+s15], $0x80, $0x38;
	[tilespmem:$0x1C000] =	vst v63  }
0x4d: {  	_ =	swait.ge [sflag:s29], $0x80  }
0x4e: {  	[sflag:s29] =	ssyncset.done $0x0  }
0x4f: {  	[sflag:s29] =	ssyncadd.s32 $0xFFFFFF80  }
0x50: {  	[tilespmem:s28], [sflag:$0x2] =	stream.indirect.gather [hbm4b:s4+s31], $0x80, s15, s31, $0xb8;
	[tilespmem:$0x1C000] =	vst v63  }
0x51: {  	s24 =	rddreg [dreg:$0xa]  }
0x52: {  	[tilespmem:s31], [sflag:$0x1] =	stream.linear.gather [hbm4b:s24+s15], $0x80, $0x38;
	[tilespmem:$0x1C000] =	vst v63  }
0x53: {  	s25 =	rddreg [dreg:$0xb]  }
0x54: {  	[tilespmem:s0], [sflag:$0x1] =	stream.linear.gather [hbm4b:s25+s15], $0x80, $0x38;
	[tilespmem:$0x1C000] =	vst v63  }
0x55: {  	_ =	swait.ge [sflag:s1], $0x80  }
0x56: {  	[sflag:s1] =	ssyncset.done $0x0  }
0x57: {  	[sflag:s1] =	ssyncadd.s32 $0xFFFFFF80  }
0x58: {  	_ =	swait.ge [sflag:s1], $0x80  }
0x59: {  	[sflag:s1] =	ssyncset.done $0x0  }
0x5a: {  	[sflag:s1] =	ssyncadd.s32 $0xFFFFFF80  }
0x5b: {  	[tilespmem:s6], [sflag:$0x2] =	stream.indirect.gather [hbm4b:s4+s31], $0x80, s31, s31, $0xb8;
	[tilespmem:$0x1C000] =	vst v63  }
0x5c: {  	_ =	swait.ge [sflag:s7], $0x4000  }
0x5d: {  	[sflag:s7] =	ssyncset.done $0x0  }
0x5e: {  	[sflag:s7] =	ssyncadd.s32 $0xFFFFC000  }
0x5f: {  	[spmem:s2] =	stream.indirect.scatter.add.f32 [tilespmem:s28], [sflag:$0x3], $0x80, s30, s31, $0xb8;
	[tilespmem:$0x1C000] =	vst v63  }
0x60: {  	s24 =	rddreg [dreg:$0xc]  }
0x61: {  	[tilespmem:s8], [sflag:$0x1] =	stream.linear.gather [hbm4b:s24+s15], $0x80, $0x38;
	[tilespmem:$0x1C000] =	vst v63  }
0x62: {  	s25 =	rddreg [dreg:$0xd]  }
0x63: {  	[tilespmem:s9], [sflag:$0x1] =	stream.linear.gather [hbm4b:s25+s15], $0x80, $0x38;
	[tilespmem:$0x1C000] =	vst v63  }
0x64: {  	_ =	swait.ge [sflag:s1], $0x80  }
0x65: {  	[sflag:s1] =	ssyncset.done $0x0  }
0x66: {  	[sflag:s1] =	ssyncadd.s32 $0xFFFFFF80  }
0x67: {  	_ =	swait.ge [sflag:s1], $0x80  }
0x68: {  	[sflag:s1] =	ssyncset.done $0x0  }
0x69: {  	[sflag:s1] =	ssyncadd.s32 $0xFFFFFF80  }
0x6a: {  	_ =	swait.ge [sflag:s11], $0x4000  }
0x6b: {  	[sflag:s11] =	ssyncset.done $0x0  }
0x6c: {  	[sflag:s11] =	ssyncadd.s32 $0xFFFFC000  }
0x6d: {  	[tilespmem:s28], [sflag:$0x2] =	stream.indirect.gather [hbm4b:s4+s31], $0x80, s8, s31, $0xb8;
	[tilespmem:$0x1C000] =	vst v63  }
0x6e: {  	_ =	swait.ge [sflag:s7], $0x4000  }
0x6f: {  	[sflag:s7] =	ssyncset.done $0x0  }
0x70: {  	[sflag:s7] =	ssyncadd.s32 $0xFFFFC000  }
0x71: {  	[spmem:s2] =	stream.indirect.scatter.add.f32 [tilespmem:s6], [sflag:$0x3], $0x80, s0, s31, $0xb8;
	[tilespmem:$0x1C000] =	vst v63  }
0x72: {  	s24 =	sadd.s32 $0x0, s20  }
0x73: {  	[tilespmem:s12], [sflag:$0x1] =	stream.linear.gather [hbm4b:s24+s3], $0x80, $0x38;
	[tilespmem:$0x1C000] =	vst v63  }
0x74: {  	s25 =	sadd.s32 $0x0, s19  }
0x75: {  	[tilespmem:s13], [sflag:$0x1] =	stream.linear.gather [hbm4b:s25+s3], $0x80, $0x38;
	[tilespmem:$0x1C000] =	vst v63  }
0x76: {  	_ =	swait.ge [sflag:s1], $0x80  }
0x77: {  	[sflag:s1] =	ssyncset.done $0x0  }
0x78: {  	[sflag:s1] =	ssyncadd.s32 $0xFFFFFF80  }
0x79: {  	_ =	swait.ge [sflag:s1], $0x80  }
0x7a: {  	[sflag:s1] =	ssyncset.done $0x0  }
0x7b: {  	[sflag:s1] =	ssyncadd.s32 $0xFFFFFF80  }
0x7c: {  	_ =	swait.ge [sflag:s11], $0x4000  }
0x7d: {  	[sflag:s11] =	ssyncset.done $0x0  }
0x7e: {  	[sflag:s11] =	ssyncadd.s32 $0xFFFFC000  }
0x7f: {  	[tilespmem:s6], [sflag:$0x2] =	stream.indirect.gather [hbm4b:s4+s31], $0x80, s12, s31, $0xb8;
	[tilespmem:$0x1C000] =	vst v63  }
0x80: {  	_ =	swait.ge [sflag:s7], $0x4000  }
0x81: {  	[sflag:s7] =	ssyncset.done $0x0  }
0x82: {  	[sflag:s7] =	ssyncadd.s32 $0xFFFFC000  }
0x83: {  	[spmem:s2] =	stream.indirect.scatter.add.f32 [tilespmem:s28], [sflag:$0x3], $0x80, s9, s31, $0xb8;
	[tilespmem:$0x1C000] =	vst v63  }
0x84: {  	s23 =	sadd.s32 $0x0, s18  }
0x85: {  	[tilespmem:s3], [sflag:$0x1] =	stream.linear.gather [hbm4b:s23+s3], $0x80, $0x38;
	[tilespmem:$0x1C000] =	vst v63  }
0x86: {  	s24 =	sadd.s32 $0x0, s17  }
0x87: {  	[tilespmem:s30], [sflag:$0x1] =	stream.linear.gather [hbm4b:s24+s3], $0x80, $0x38;
	[tilespmem:$0x1C000] =	vst v63  }
0x88: {  	_ =	swait.ge [sflag:s1], $0x80  }
0x89: {  	[sflag:s1] =	ssyncset.done $0x0  }
0x8a: {  	[sflag:s1] =	ssyncadd.s32 $0xFFFFFF80  }
0x8b: {  	_ =	swait.ge [sflag:s1], $0x80  }
0x8c: {  	[sflag:s1] =	ssyncset.done $0x0  }
0x8d: {  	[sflag:s1] =	ssyncadd.s32 $0xFFFFFF80  }
0x8e: {  	_ =	swait.ge [sflag:s11], $0x4000  }
0x8f: {  	[sflag:s11] =	ssyncset.done $0x0  }
0x90: {  	[sflag:s11] =	ssyncadd.s32 $0xFFFFC000  }
0x91: {  	[tilespmem:s28], [sflag:$0x2] =	stream.indirect.gather [hbm4b:s4+s31], $0x80, s3, s31, $0xb8;
	[tilespmem:$0x1C000] =	vst v63  }
0x92: {  	_ =	swait.ge [sflag:s7], $0x4000  }
0x93: {  	[sflag:s7] =	ssyncset.done $0x0  }
0x94: {  	[sflag:s7] =	ssyncadd.s32 $0xFFFFC000  }
0x95: {  	[spmem:s2] =	stream.indirect.scatter.add.f32 [tilespmem:s6], [sflag:$0x3], $0x80, s13, s31, $0xb8;
	[tilespmem:$0x1C000] =	vst v63  }
0x96: {  	s24 =	sadd.s32 $0x0, s16;
	s25 =	rddreg [dreg:$0x4]  }
0x97: {  	[tilespmem:s31], [sflag:$0x1] =	stream.linear.gather [hbm4b:s24+s3], $0x80, $0x38;
	[tilespmem:$0x1C000] =	vst v63  }
0x98: {  	s15 =	sadd.s32 $0x0, s25  }
0x99: {  	[tilespmem:s0], [sflag:$0x1] =	stream.linear.gather [hbm4b:s15+s3], $0x80, $0x38;
	[tilespmem:$0x1C000] =	vst v63  }
0x9a: {  	_ =	swait.ge [sflag:s1], $0x80  }
0x9b: {  	[sflag:s1] =	ssyncset.done $0x0  }
0x9c: {  	[sflag:s1] =	ssyncadd.s32 $0xFFFFFF80  }
0x9d: {  	_ =	swait.ge [sflag:s1], $0x80  }
0x9e: {  	[sflag:s1] =	ssyncset.done $0x0  }
0x9f: {  	[sflag:s1] =	ssyncadd.s32 $0xFFFFFF80  }
0xa0: {  	_ =	swait.ge [sflag:s11], $0x4000  }
0xa1: {  	[sflag:s11] =	ssyncset.done $0x0  }
0xa2: {  	[sflag:s11] =	ssyncadd.s32 $0xFFFFC000  }
0xa3: {  	[tilespmem:s6], [sflag:$0x2] =	stream.indirect.gather [hbm4b:s4+s31], $0x80, s31, s31, $0xb8;
	[tilespmem:$0x1C000] =	vst v63  }
0xa4: {  	_ =	swait.ge [sflag:s7], $0x4000  }
0xa5: {  	[sflag:s7] =	ssyncset.done $0x0  }
0xa6: {  	[sflag:s7] =	ssyncadd.s32 $0xFFFFC000  }
0xa7: {  	[spmem:s2] =	stream.indirect.scatter.add.f32 [tilespmem:s28], [sflag:$0x3], $0x80, s30, s31, $0xb8;
	[tilespmem:$0x1C000] =	vst v63  }
0xa8: {  	s23 =	sadd.s32 $0x0, s21;
	s25 =	sadd.s32 $0x0, s22;
	s15 =	simm.s32 $0x40  }
0xa9: {  	[tilespmem:s8], [sflag:$0x1] =	stream.linear.gather [hbm4b:s25+s3], $0x80, $0x38;
	[tilespmem:$0x1C000] =	vst v63  }
.LBB2_4:
0xaa: {  	[tilespmem:s9], [sflag:$0x1] =	stream.linear.gather [hbm4b:s23+s3], $0x80, $0x38;
	[tilespmem:$0x1C000] =	vst v63  }
0xab: {  	_ =	swait.ge [sflag:s1], $0x80  }
0xac: {  	[sflag:s1] =	ssyncset.done $0x0  }
0xad: {  	[sflag:s1] =	ssyncadd.s32 $0xFFFFFF80  }
0xae: {  	_ =	swait.ge [sflag:s1], $0x80  }
0xaf: {  	[sflag:s1] =	ssyncset.done $0x0  }
0xb0: {  	[sflag:s1] =	ssyncadd.s32 $0xFFFFFF80  }
0xb1: {  	_ =	swait.ge [sflag:s11], $0x4000  }
0xb2: {  	[sflag:s11] =	ssyncset.done $0x0  }
0xb3: {  	[sflag:s11] =	ssyncadd.s32 $0xFFFFC000  }
0xb4: {  	[tilespmem:s28], [sflag:$0x2] =	stream.indirect.gather [hbm4b:s4+s31], $0x80, s8, s31, $0xb8;
	[tilespmem:$0x1C000] =	vst v63  }
0xb5: {  	_ =	swait.ge [sflag:s7], $0x4000  }
0xb6: {  	[sflag:s7] =	ssyncset.done $0x0  }
0xb7: {  	s23 =	smov.u32 s15;
	[sflag:s7] =	ssyncadd.s32 $0xFFFFC000  }
0xb8: {  	[spmem:s2] =	stream.indirect.scatter.add.f32 [tilespmem:s6], [sflag:$0x3], $0x80, s0, s31, $0xb8;
	[tilespmem:$0x1C000] =	vst v63  }
0xb9: {  	s24 =	sadd.s32 s23, s20  }
0xba: {  	[tilespmem:s12], [sflag:$0x1] =	stream.linear.gather [hbm4b:s24+s3], $0x80, $0x38;
	[tilespmem:$0x1C000] =	vst v63  }
0xbb: {  	s25 =	sadd.s32 s23, s19  }
0xbc: {  	[tilespmem:s13], [sflag:$0x1] =	stream.linear.gather [hbm4b:s25+s3], $0x80, $0x38;
	[tilespmem:$0x1C000] =	vst v63  }
0xbd: {  	_ =	swait.ge [sflag:s1], $0x80  }
0xbe: {  	[sflag:s1] =	ssyncset.done $0x0  }
0xbf: {  	[sflag:s1] =	ssyncadd.s32 $0xFFFFFF80  }
0xc0: {  	_ =	swait.ge [sflag:s1], $0x80  }
0xc1: {  	[sflag:s1] =	ssyncset.done $0x0  }
0xc2: {  	[sflag:s1] =	ssyncadd.s32 $0xFFFFFF80  }
0xc3: {  	_ =	swait.ge [sflag:s11], $0x4000  }
0xc4: {  	[sflag:s11] =	ssyncset.done $0x0  }
0xc5: {  	[sflag:s11] =	ssyncadd.s32 $0xFFFFC000  }
0xc6: {  	[tilespmem:s6], [sflag:$0x2] =	stream.indirect.gather [hbm4b:s4+s31], $0x80, s12, s31, $0xb8;
	[tilespmem:$0x1C000] =	vst v63  }
0xc7: {  	_ =	swait.ge [sflag:s7], $0x4000  }
0xc8: {  	[sflag:s7] =	ssyncset.done $0x0  }
0xc9: {  	[sflag:s7] =	ssyncadd.s32 $0xFFFFC000  }
0xca: {  	[spmem:s2] =	stream.indirect.scatter.add.f32 [tilespmem:s28], [sflag:$0x3], $0x80, s9, s31, $0xb8;
	[tilespmem:$0x1C000] =	vst v63  }
0xcb: {  	s25 =	sadd.s32 s23, s18  }
0xcc: {  	[tilespmem:s3], [sflag:$0x1] =	stream.linear.gather [hbm4b:s25+s3], $0x80, $0x38;
	[tilespmem:$0x1C000] =	vst v63  }
0xcd: {  	s25 =	sadd.s32 s23, s17  }
0xce: {  	[tilespmem:s30], [sflag:$0x1] =	stream.linear.gather [hbm4b:s25+s3], $0x80, $0x38;
	[tilespmem:$0x1C000] =	vst v63  }
0xcf: {  	_ =	swait.ge [sflag:s1], $0x80  }
0xd0: {  	[sflag:s1] =	ssyncset.done $0x0  }
0xd1: {  	[sflag:s1] =	ssyncadd.s32 $0xFFFFFF80  }
0xd2: {  	_ =	swait.ge [sflag:s1], $0x80  }
0xd3: {  	[sflag:s1] =	ssyncset.done $0x0  }
0xd4: {  	[sflag:s1] =	ssyncadd.s32 $0xFFFFFF80  }
0xd5: {  	_ =	swait.ge [sflag:s11], $0x4000  }
0xd6: {  	[sflag:s11] =	ssyncset.done $0x0  }
0xd7: {  	[sflag:s11] =	ssyncadd.s32 $0xFFFFC000  }
0xd8: {  	[tilespmem:s28], [sflag:$0x2] =	stream.indirect.gather [hbm4b:s4+s31], $0x80, s3, s31, $0xb8;
	[tilespmem:$0x1C000] =	vst v63  }
0xd9: {  	_ =	swait.ge [sflag:s7], $0x4000  }
0xda: {  	[sflag:s7] =	ssyncset.done $0x0  }
0xdb: {  	[sflag:s7] =	ssyncadd.s32 $0xFFFFC000  }
0xdc: {  	[spmem:s2] =	stream.indirect.scatter.add.f32 [tilespmem:s6], [sflag:$0x3], $0x80, s13, s31, $0xb8;
	[tilespmem:$0x1C000] =	vst v63  }
0xdd: {  	s25 =	sadd.s32 s23, s16;
	s24 =	rddreg [dreg:$0x4]  }
0xde: {  	[tilespmem:s31], [sflag:$0x1] =	stream.linear.gather [hbm4b:s25+s3], $0x80, $0x38;
	[tilespmem:$0x1C000] =	vst v63  }
0xdf: {  	s24 =	sadd.s32 s23, s24  }
0xe0: {  	[tilespmem:s0], [sflag:$0x1] =	stream.linear.gather [hbm4b:s24+s3], $0x80, $0x38;
	[tilespmem:$0x1C000] =	vst v63  }
0xe1: {  	_ =	swait.ge [sflag:s1], $0x80  }
0xe2: {  	[sflag:s1] =	ssyncset.done $0x0  }
0xe3: {  	[sflag:s1] =	ssyncadd.s32 $0xFFFFFF80  }
0xe4: {  	_ =	swait.ge [sflag:s1], $0x80  }
0xe5: {  	[sflag:s1] =	ssyncset.done $0x0  }
0xe6: {  	[sflag:s1] =	ssyncadd.s32 $0xFFFFFF80  }
0xe7: {  	_ =	swait.ge [sflag:s11], $0x4000  }
0xe8: {  	[sflag:s11] =	ssyncset.done $0x0  }
0xe9: {  	[sflag:s11] =	ssyncadd.s32 $0xFFFFC000  }
0xea: {  	[tilespmem:s6], [sflag:$0x2] =	stream.indirect.gather [hbm4b:s4+s31], $0x80, s31, s31, $0xb8;
	[tilespmem:$0x1C000] =	vst v63  }
0xeb: {  	p0 =	sne.s32 s15, $0x480;
	_ =	swait.ge [sflag:s7], $0x4000  }
.Ltmp1:
0xec: {  	[sflag:s7] =	ssyncset.done $0x0;
	(pc) =	sbr.rel @p0 .LBB2_4-.Ltmp1, $4  }
0xed: {  	[sflag:s7] =	ssyncadd.s32 $0xFFFFC000  }
0xee: {  	[spmem:s2] =	stream.indirect.scatter.add.f32 [tilespmem:s28], [sflag:$0x3], $0x80, s30, s31, $0xb8;
	[tilespmem:$0x1C000] =	vst v63  }
0xef: {  	s15 =	sadd.s32 $0x40, s15;
	s25 =	sadd.s32 s23, s22;
	s23 =	sadd.s32 s23, s21  }
0xf0: {  	[tilespmem:s8], [sflag:$0x1] =	stream.linear.gather [hbm4b:s25+s3], $0x80, $0x38;
	[tilespmem:$0x1C000] =	vst v63  }
0xf1: {  	[tilespmem:s9], [sflag:$0x1] =	stream.linear.gather [hbm4b:s23+s3], $0x80, $0x38;
	[tilespmem:$0x1C000] =	vst v63  }
0xf2: {  	_ =	swait.ge [sflag:s1], $0x80  }
0xf3: {  	[sflag:s1] =	ssyncset.done $0x0  }
0xf4: {  	[sflag:s1] =	ssyncadd.s32 $0xFFFFFF80  }
0xf5: {  	_ =	swait.ge [sflag:s1], $0x80  }
0xf6: {  	[sflag:s1] =	ssyncset.done $0x0  }
0xf7: {  	[sflag:s1] =	ssyncadd.s32 $0xFFFFFF80  }
0xf8: {  	_ =	swait.ge [sflag:s11], $0x4000  }
0xf9: {  	[sflag:s11] =	ssyncset.done $0x0  }
0xfa: {  	[sflag:s11] =	ssyncadd.s32 $0xFFFFC000  }
0xfb: {  	[tilespmem:s28], [sflag:$0x2] =	stream.indirect.gather [hbm4b:s4+s31], $0x80, s8, s31, $0xb8;
	[tilespmem:$0x1C000] =	vst v63  }
0xfc: {  	_ =	swait.ge [sflag:s7], $0x4000  }
0xfd: {  	[sflag:s7] =	ssyncset.done $0x0  }
0xfe: {  	[sflag:s7] =	ssyncadd.s32 $0xFFFFC000  }
0xff: {  	[spmem:s2] =	stream.indirect.scatter.add.f32 [tilespmem:s6], [sflag:$0x3], $0x80, s0, s31, $0xb8;
	[tilespmem:$0x1C000] =	vst v63  }
0x100: {  	s15 =	rddreg [dreg:$0xe]  }
0x101: {  	[tilespmem:s12], [sflag:$0x1] =	stream.linear.gather [hbm4b:s15+s3], $0x80, $0x38;
	[tilespmem:$0x1C000] =	vst v63  }
0x102: {  	_ = 	snop  }
0x103: {  	[tilespmem:s13], [sflag:$0x1] =	stream.linear.gather [hbm4b:s26+s3], $0x80, $0x38;
	[tilespmem:$0x1C000] =	vst v63  }
0x104: {  	_ =	swait.ge [sflag:s1], $0x80  }
0x105: {  	[sflag:s1] =	ssyncset.done $0x0  }
0x106: {  	[sflag:s1] =	ssyncadd.s32 $0xFFFFFF80  }
0x107: {  	_ =	swait.ge [sflag:s1], $0x80  }
0x108: {  	[sflag:s1] =	ssyncset.done $0x0  }
0x109: {  	[sflag:s1] =	ssyncadd.s32 $0xFFFFFF80  }
0x10a: {  	_ =	swait.ge [sflag:s11], $0x4000  }
0x10b: {  	[sflag:s11] =	ssyncset.done $0x0  }
0x10c: {  	[sflag:s11] =	ssyncadd.s32 $0xFFFFC000  }
0x10d: {  	[tilespmem:s6], [sflag:$0x2] =	stream.indirect.gather [hbm4b:s4+s31], $0x80, s12, s31, $0xb8;
	[tilespmem:$0x1C000] =	vst v63  }
0x10e: {  	_ =	swait.ge [sflag:s7], $0x4000  }
0x10f: {  	[sflag:s7] =	ssyncset.done $0x0  }
0x110: {  	[sflag:s7] =	ssyncadd.s32 $0xFFFFC000  }
0x111: {  	[spmem:s2] =	stream.indirect.scatter.add.f32 [tilespmem:s28], [sflag:$0x3], $0x80, s9, s31, $0xb8;
	[tilespmem:$0x1C000] =	vst v63  }
0x112: {  	_ =	swait.ge [sflag:s7], $0x4000  }
0x113: {  	[sflag:s7] =	ssyncset.done $0x0  }
0x114: {  	[sflag:s7] =	ssyncadd.s32 $0xFFFFC000  }
0x115: {  	[spmem:s2] =	stream.indirect.scatter.add.f32 [tilespmem:s6], [sflag:$0x3], $0x80, s13, s31, $0xb8;
	[tilespmem:$0x1C000] =	vst v63  }
0x116: {  	_ =	swait.ge [sflag:s11], $0x4000  }
0x117: {  	[sflag:s11] =	ssyncset.done $0x0  }
0x118: {  	[sflag:s11] =	ssyncadd.s32 $0xFFFFC000  }
0x119: {  	_ =	swait.ge [sflag:s11], $0x4000  }
0x11a: {  	[sflag:s11] =	ssyncset.done $0x0  }
0x11b: {  	s24 =	stileid.u32;
	[sflag:s11] =	ssyncadd.s32 $0xFFFFC000  }
0x11c: {  	s15 =	sshll.u32 s24, $0x6;
	[bflag:$0x0] =	sbarrier.arrive $0xFFFF  }
0x11d: {  	s25 =	sshrl.u32 s5, $0x3;
	s15 =	sor.u32 $0x1C04, s15;
	s24 =	rddreg [dreg:$0xf]  }
0x11e: {  	[hbm:s24], [sflag:s15] =	dma.local [spmem:s25], $0x2780  }
0x11f: {  	_ =	swait.ge [sflag:s29], $0x2780  }
0x120: {  	s14 =	sadd.s32 $0x1, s14;
	s25 =	rddreg [dreg:$0x10]  }
0x121: {  	p0 =	sne.s32 s14, s25  }
.Ltmp2:
0x122: {  	_ = 	snop;
	(pc) =	sbr.rel @p0 .LBB2_1-.Ltmp2, $3  }
0x123: {  	_ =	sdelay $0x1  }
0x124: {  	[sflag:s29] =	ssyncset.done $0x0  }
0x125: {  	[sflag:s29] =	ssyncadd.s32 $0xFFFFD880  }
0x126: {  	_ =	sfence.sel $0x180000  }
0x127: {  	[bflag:$0x0] =	sbarrier.arrive $0xFFFF  }
0x128: {  	_ =	strace $0x9000004A  }
0x129: {  	s0 =	stileid.u32;
	[bflag:$0x2] =	sbarrier.arrive $0xFFFF  }
0x12a: {  	p0 =	sne.s32 s0, $0x0;
	s0 =	rddreg [dreg:$0x3]  }
0x12b: {  	s0 =	sadd.s32 @!p0 $0x100000, s0  }
0x12c: {  	[sflag:s0] =	ssyncadd.tile.s32 @!p0 $0x1;
	_ =	shalt  }
.Lfunc_end2:
_tile_overlayer_lowered:
.L_overlay_start_2:
0x12d: {  	(tag) =	ssettag $0x2  }
0x12e: {  	s0 =	rddreg [dreg:$0x0];
	s2 =	stileid.u32  }
0x12f: {  	s1 =	rddreg [dreg:$0x1];
	p0 =	sne.s32 s2, $0x0  }
0x130: {  	s3 =	rddreg [dreg:$0x2];
	[bflag:$0x3] =	sbarrier.arrive $0xFFFF;
	s2 =	simm.s32 @!p0 $0x1C04  }
0x131: {  	[timem:s3], [sflag:s2] =	dma.local @!p0 [hbm:s0], s1  }
0x132: {  	s0 =	simm.s32 @!p0 $0x4  }
0x133: {  	_ =	swait.ge @!p0 [sflag:s0], s1  }
0x134: {  	s1 =	ssub.s32 @!p0 $0x0, s1;
	[sflag:s0] =	ssyncset.done @!p0 $0x0  }
0x135: {  	[sflag:s0] =	ssyncadd.s32 @!p0 s1  }
0x136: {  	[bflag:$0x3] =	sbarrier.arrive $0xFFFF  }
0x137: {  	_ =	shalt  }

// kernel: kernel.15.cloned.1.call-start
scs
__scs_entry_jumppad:
0x0: {  	(pc) =	sbr.rel $0x88, $3  }
0x1: {  	(tag) =	ssettag $0x0;
	lr =	simm.s32 $0x1  }
0x2: {  	[smem:$0x3F9B] =	sst lr;
	_ =	strace $0xD0000000  }
0x3: {  	_ = 	snop  }
0x4: {  	_ = 	snop  }
0x5: {  	_ = 	snop  }
0x6: {  	_ = 	snop  }
0x7: {  	_ = 	snop  }
__scs_overlays_trampoline_lowered:
0x8: {  	[smem:$0x3FAA] =	sst s0  }
0x9: {  	[smem:$0x3FAB] =	sst s1  }
0xa: {  	[smem:$0x3FAC] =	sst s2  }
0xb: {  	[smem:$0x3FAD] =	sst s3  }
0xc: {  	[smem:$0x3FAE] =	sst s4  }
0xd: {  	[smem:$0x3FAF] =	sst s5  }
0xe: {  	[smem:$0x3FB0] =	sst s6  }
0xf: {  	[smem:$0x3FB1] =	sst s7  }
0x10: {  	[smem:$0x3FB2] =	sst s8  }
0x11: {  	[smem:$0x3FB3] =	sst s9;
	s0 =	simm.s32 @!p0 $0x0  }
0x12: {  	s1 =	sld [smem:$0x3F99];
	s0 =	simm.s32 @p0 $0x1  }
0x13: {  	[smem:$0x3FB4] =	sst s0;
	s0 =	simm.s32 @!p1 $0x0  }
0x14: {  	s2 =	sld [smem:$0x3F98];
	s0 =	simm.s32 @p1 $0x1  }
0x15: {  	[smem:$0x3FB5] =	sst s0;
	s0 =	simm.s32 @!p2 $0x0  }
0x16: {  	s3 =	sld [smem:$0x3FDB];
	s0 =	simm.s32 @p2 $0x1  }
0x17: {  	s4 =	simm.s32 $0x1BF5;
	[smem:$0x3FB7] =	sst s0  }
0x18: {  	s0 =	sld [smem:$0x3F9A];
	_ =	swait.ge [sflag:s4], $0x0  }
0x19: {  	s7 =	sld [smem:$0x3F9B]  }
0x1a: {  	s8 =	sadd.s32 $0xFFFFE003, lr  }
0x1b: {  	s9 =	sadd.s32 $0xFFFFFEF7, lr;
	s5 =	simm.s32 $0xFFFFFFFF;
	p2 =	slt.u32 s8, $0xFFFFF086  }
0x1c: {  	p1 =	slt.u32 s9, $0xF7A;
	s5 =	simm.s32 @!p2 $0x0  }
0x1d: {  	s5 =	simm.s32 @p1 $0x1;
	p0 =	seq.s32 s7, s2  }
0x1e: {  	s7 =	smul.u32 @!p0 $0xF7A, s2;
	p2 =	seq.s32 @!p0 s5, $0x0  }
0x1f: {  	s9 =	smul.u32 $0xF7A, s1;
	s8 =	simm.s32 @!p0 $0x1BF5;
	p2 =	por !p2, p0  }
0x20: {  	[sflag:s8] =	ssyncset.s32 @!p0 $0xFFFFF086;
	s6 =	sadd.s32 @!p0 s3, s7;
	s7 =	simm.s32 @!p0 $0x108  }
0x21: {  	s3 =	sadd.s32 s3, s9;
	s6 =	sadd.s32 @!p0 $0x88, s6;
	s7 =	simm.s32 @p2 $0x1082  }
0x22: {  	[simem:s7], [sflag:s8] =	dma.local @!p0 [hbm:s6], $0xF7A  }
0x23: {  	s9 =	sor.u32 $0xD0000000, s2;
	s6 =	simm.s32 $0x108;
	_ =	swait.ge @!p0 [sflag:s8], $0x0  }
0x24: {  	s3 =	sadd.s32 $0x88, s3;
	s6 =	simm.s32 @!p1 $0x1082;
	[sflag:s4] =	ssyncset.s32 $0xFFFFF086  }
0x25: {  	[simem:s6], [sflag:s4] =	dma.local [hbm:s3], $0xF7A  }
0x26: {  	[smem:$0x3F9B] =	sst s1;
	(tag) =	ssettag s2;
	_ =	strace s9  }
0x27: {  	s1 =	sld [smem:$0x3FAB]  }
0x28: {  	s2 =	sld [smem:$0x3FAC]  }
0x29: {  	s4 =	sld [smem:$0x3FAE]  }
0x2a: {  	p0 =	seq.s32 s5, $0x0;
	s5 =	sld [smem:$0x3FAF]  }
0x2b: {  	s6 =	sld [smem:$0x3FB0]  }
0x2c: {  	s7 =	sld [smem:$0x3FB1]  }
0x2d: {  	s3 =	simm.s32 $0x108;
	s8 =	sld [smem:$0x3FB2]  }
0x2e: {  	s3 =	simm.s32 @!p0 $0x1082;
	s9 =	sld [smem:$0x3FB3]  }
0x2f: {  	lr =	sadd.s32 s0, s3;
	s0 =	sld [smem:$0x3FAA]  }
0x30: {  	s3 =	sld [smem:$0x3FAD]  }
0x31: {  	[smem:$0x3FB6] =	sst s10  }
0x32: {  	s10 =	sld [smem:$0x3FB4];
	_ =	sdelay $0x3  }
0x33: {  	p0 =	seq.s32 s10, $0x1;
	s10 =	sld [smem:$0x3FB6];
	_ =	sdelay $0x3  }
0x34: {  	[smem:$0x3FB6] =	sst s10  }
0x35: {  	s10 =	sld [smem:$0x3FB5];
	_ =	sdelay $0x3  }
0x36: {  	p1 =	seq.s32 s10, $0x1;
	s10 =	sld [smem:$0x3FB6];
	_ =	sdelay $0x3  }
0x37: {  	[smem:$0x3FB6] =	sst s10  }
0x38: {  	s10 =	sld [smem:$0x3FB7]  }
0x39: {  	_ = 	snop;
	(pc) =	sbr.ind lr, $3  }
0x3a: {  	_ = 	snop  }
0x3b: {  	_ = 	snop  }
0x3c: {  	p2 =	seq.s32 s10, $0x1;
	s10 =	sld [smem:$0x3FB6]  }
0x3d: {  	_ =	shalt  }
0x3e: {  	_ =	shalt  }
0x3f: {  	_ =	shalt  }
0x40: {  	_ =	shalt  }
0x41: {  	_ =	shalt  }
0x42: {  	_ =	shalt  }
0x43: {  	_ =	shalt  }
0x44: {  	_ =	shalt  }
0x45: {  	_ =	shalt  }
0x46: {  	_ =	shalt  }
0x47: {  	_ =	shalt  }
0x48: {  	_ =	shalt  }
0x49: {  	_ =	shalt  }
0x4a: {  	_ =	shalt  }
0x4b: {  	_ =	shalt  }
0x4c: {  	_ =	shalt  }
0x4d: {  	_ =	shalt  }
0x4e: {  	_ =	shalt  }
0x4f: {  	_ =	shalt  }
0x50: {  	_ =	shalt  }
0x51: {  	_ =	shalt  }
0x52: {  	_ =	shalt  }
0x53: {  	_ =	shalt  }
0x54: {  	_ =	shalt  }
0x55: {  	_ =	shalt  }
0x56: {  	_ =	shalt  }
0x57: {  	_ =	shalt  }
0x58: {  	_ =	shalt  }
0x59: {  	_ =	shalt  }
0x5a: {  	_ =	shalt  }
0x5b: {  	_ =	shalt  }
0x5c: {  	_ =	shalt  }
0x5d: {  	_ =	shalt  }
0x5e: {  	_ =	shalt  }
0x5f: {  	_ =	shalt  }
0x60: {  	_ =	shalt  }
0x61: {  	_ =	shalt  }
0x62: {  	_ =	shalt  }
0x63: {  	_ =	shalt  }
0x64: {  	_ =	shalt  }
0x65: {  	_ =	shalt  }
0x66: {  	_ =	shalt  }
0x67: {  	_ =	shalt  }
0x68: {  	_ =	shalt  }
0x69: {  	_ =	shalt  }
0x6a: {  	_ =	shalt  }
0x6b: {  	_ =	shalt  }
0x6c: {  	_ =	shalt  }
0x6d: {  	_ =	shalt  }
0x6e: {  	_ =	shalt  }
0x6f: {  	_ =	shalt  }
0x70: {  	_ =	shalt  }
0x71: {  	_ =	shalt  }
0x72: {  	_ =	shalt  }
0x73: {  	_ =	shalt  }
0x74: {  	_ =	shalt  }
0x75: {  	_ =	shalt  }
0x76: {  	_ =	shalt  }
0x77: {  	_ =	shalt  }
0x78: {  	_ =	shalt  }
0x79: {  	_ =	shalt  }
0x7a: {  	_ =	shalt  }
0x7b: {  	_ =	shalt  }
0x7c: {  	_ =	shalt  }
0x7d: {  	_ =	shalt  }
0x7e: {  	_ =	shalt  }
0x7f: {  	_ =	shalt  }
0x80: {  	_ =	shalt  }
0x81: {  	_ =	shalt  }
0x82: {  	_ =	shalt  }
0x83: {  	_ =	shalt  }
0x84: {  	_ =	shalt  }
0x85: {  	_ =	shalt  }
0x86: {  	_ =	shalt  }
0x87: {  	_ =	shalt  }
.Lfunc_end0:
.L_simem_size_0:
called_computation.2_lowered:
.L_overlay_start_0:
0x88: {  	s2 =	sld [smem:$0x3FD9]  }
0x89: {  	s3 =	sld [smem:$0x3FFE];
	_ =	sdelay $0x1  }
0x8a: {  	s1 =	srdreg.scid  }
0x8b: {  	s0 =	sand.u32 $0x1, s1  }
0x8c: {  	s17 =	sshll.u32 s0, $0xA;
	s2 =	sadd.s32 s3, s2  }
0x8d: {  	s2 =	sadd.s32 s2, s17  }
0x8e: {  	[smem:$0x3FC2] =	sst s2  }
0x8f: {  	_ = 	snop  }
0x90: {  	s2 =	sld [smem:$0x3FD0];
	(tm) =	ssettm $0x1  }
0x91: {  	s18 =	sld [smem:$0x3FFB];
	_ =	sdelay $0x3  }
0x92: {  	_ =	strace s18  }
0x93: {  	s3 =	sld [smem:$0x3FFC];
	_ =	sdelay $0x3  }
0x94: {  	_ =	strace s3  }
0x95: {  	s3 =	sld [smem:$0x3FFD];
	_ =	sdelay $0x3  }
0x96: {  	_ =	strace s3  }
0x97: {  	_ =	strace $0x8FFFFFFF  }
0x98: {  	s19 =	sld [smem:$0x3FDB];
	_ =	sdelay $0x1  }
0x99: {  	s4 =	simm.s32 $_scs_section_size  }
0x9a: {  	s5 =	simm.s32 $_size__tile_overlayer_lowered;
	s6 =	simm.s32 $_tile_overlayer_lowered  }
0x9b: {  	s22 =	simm.s32 $0x1BFF;
	s21 =	sshll.u32 s6, $0x1;
	s3 =	sadd.s32 s4, s19  }
0x9c: {  	s7 =	simm.s32 $0x0;
	s20 =	sshll.u32 s5, $0x1;
	s5 =	sadd.s32 s21, s3  }
0x9d: {  	[timem:s7], [sflag:s22] =	dma.local [hbm:s5], s20  }
0x9e: {  	_ =	swait.ge [sflag:s22], s20  }
0x9f: {  	s4 =	ssub.s32 $0x0, s20;
	[sflag:s22] =	ssyncset.done $0x0  }
0xa0: {  	[sflag:s22] =	ssyncadd.s32 s4;
	_ =	sdelay $0x1  }
0xa1: {  	s23 =	simm.s32 $0x1B8B  }
0xa2: {  	_ =	swait.ge [sflag:s23], $0x1  }
0xa3: {  	[sflag:s23] =	ssyncset.done $0x0  }
0xa4: {  	s25 =	simm.s32 $0x1B8E;
	s24 =	sld [smem:$0x3FFE];
	[sflag:s23] =	ssyncadd.s32 $0xFFFFFFFF  }
0xa5: {  	s26 =	simm.s32 $execute0_lowered;
	[smem:$0x3FD2] =	sst s25  }
0xa6: {  	s5 =	sshll.u32 s26, $0x1;
	_ =	strace $0x8000004C;
	[dreg:$0x1] =	wrdreg $0xFFFFFFFF  }
0xa7: {  	s28 =	simm.s32 $_size_execute0_lowered;
	s3 =	sadd.s32 s3, s5;
	[dreg:$0x0] =	wrdreg $0x0  }
0xa8: {  	s5 =	sshll.u32 s28, $0x1;
	[dreg:$0x2] =	wrdreg s3  }
0xa9: {  	[dreg:$0x3] =	wrdreg s5  }
0xaa: {  	[dreg:$0x4] =	wrdreg $0xC0  }
0xab: {  	_ =	task [dreg:s7], $0x5FFFF  }
0xac: {  	[dreg:$0x1] =	wrdreg $0xFFFFFFFF  }
0xad: {  	[dreg:$0x0] =	wrdreg $0x60  }
0xae: {  	[dreg:$0x2] =	wrdreg s24  }
0xaf: {  	[dreg:$0x3] =	wrdreg s2  }
0xb0: {  	[dreg:$0x4] =	wrdreg $0x84000  }
0xb1: {  	[dreg:$0x5] =	wrdreg $0x9  }
0xb2: {  	_ =	task.clear_ibuf [dreg:s7], $0x6FFFF;
	_ =	strace $0x9000004C  }
0xb3: {  	s29 =	simm.s32 $0x9;
	_ =	strace $0x8000004E  }
0xb4: {  	_ =	swait.ge [sflag:s29], $0x1  }
0xb5: {  	[sflag:s29] =	ssyncadd.s32 $0xFFFFFFFF  }
0xb6: {  	_ =	strace $0x9000004E  }
0xb7: {  	_ =	sfence  }
0xb8: {  	s30 =	sld [smem:$0x0];
	_ =	sdelay $0x2  }
0xb9: {  	s31 =	sshll.u32 s1, $0xD;
	s1 =	sshrl.u32 s1, $0x2  }
0xba: {  	s3 =	sand.u32 $0x4000, s31;
	s1 =	sadd.s32 s1, s30  }
0xbb: {  	s0 =	sor.u32 s3, s0;
	s1 =	sshll.u32 s1, $0x11  }
0xbc: {  	s0 =	sor.u32 s1, s0  }
0xbd: {  	s0 =	sadd.s32 $0x8F2B, s0  }
0xbe: {  	[sflag:s0] =	ssyncadd.remote.s32 $0x1  }
0xbf: {  	_ =	sfence.sel $0xFFFF  }
0xc0: {  	[dreg:$0x0] =	wrdreg $0xFFFFFFFF;
	(pc) =	sbr.abs _section_cstart, $3  }
0xc1: {  	[dreg:$0x1] =	wrdreg $0xFFFFFFFF  }
0xc2: {  	_ =	task.clear_ibuf [dreg:s7], $0x2FFFF;
	_ =	strace $0x9FFFFFFF  }
0xc3: {  	(tm) =	ssettm $0x7FFFFFFF  }
tec
execute0_lowered:
.L_overlay_start_1:
0x0: {  	(tag) =	ssettag $0x1  }
0x1: {  	s0 =	rddreg [dreg:$0x0]  }
0x2: {  	s1 =	rddreg [dreg:$0x1]  }
0x3: {  	s2 =	rddreg [dreg:$0x2]  }
0x4: {  	s4 =	srdreg.scid;
	s10 =	stileid.u32  }
0x5: {  	s3 =	simm.s32 $0x0;
	s28 =	simm.s32 $0x400;
	s21 =	smul.u32 $0x2780, s10  }
0x6: {  	s29 =	simm.s32 $0x4;
	s30 =	simm.s32 $0x200;
	s8 =	smul.u32 $0x4F000, s10  }
0x7: {  	s31 =	simm.s32 $0x80;
	s6 =	sand.u32 $0x1, s4;
	s11 =	smul.u32 $0x2800, s10  }
0x8: {  	[smem:$0x7FF] =	sst s3;
	s4 =	sadd.s32 $0x51200, s0;
	s5 =	smul.u32 $0x27800, s6  }
0x9: {  	_ =	strace $0x8000004D;
	s7 =	sshll.u32 s6, $0x4;
	s23 =	ssub.s32 $0x2, s6  }
0xa: {  	s6 =	smul.u32 $0x28000, s6;
	s22 =	sor.u32 s10, s7;
	s24 =	sshrl.u32 s8, $0x2  }
0xb: {  	s25 =	sshrl.u32 s23, $0x1;
	s5 =	sadd.s32 s21, s5;
	s9 =	smul.u32 $0x2800, s22  }
0xc: {  	s7 =	ssub.s32 s23, s25;
	s6 =	sadd.s32 s11, s6;
	s0 =	sadd.s32 s5, s0  }
0xd: {  	s5 =	sadd.s32 s24, s2;
	s17 =	sadd.s32 $0x50280, s6;
	s18 =	sor.u32 $0x280, s6  }
0xe: {  	s20 =	sadd.s32 $0x50200, s6;
	s21 =	sor.u32 $0x200, s6;
	s22 =	sadd.s32 $0x50180, s6  }
0xf: {  	s23 =	sor.u32 $0x180, s6;
	s24 =	sadd.s32 $0x50300, s6;
	s26 =	sadd.s32 $0x4000, s5  }
0x10: {  	s6 =	sor.u32 $0x300, s6;
	s12 =	sadd.s32 $0x8000, s5;
	[dreg:$0x5] =	wrdreg s26  }
0x11: {  	s13 =	sadd.s32 $0xC000, s5;
	s9 =	sshrl.u32 s9, $0x3;
	[dreg:$0x6] =	wrdreg s12  }
0x12: {  	s14 =	sadd.s32 $0x10000, s5;
	s8 =	sshrl.u32 s17, $0x3;
	[dreg:$0x7] =	wrdreg s13  }
0x13: {  	s6 =	sshrl.u32 s6, $0x3;
	s0 =	sadd.s32 $0x78A00, s0;
	[dreg:$0x8] =	wrdreg s14  }
0x14: {  	s10 =	sadd.s32 s1, s9;
	s8 =	sadd.s32 s8, s1;
	[dreg:$0xf] =	wrdreg s0  }
0x15: {  	s26 =	smax.u32 s7, $0x1;
	s0 =	simm.s32 $0x280;
	s7 =	simm.s32 $0x2  }
0x16: {  	s12 =	simm.s32 $0x180;
	s13 =	simm.s32 $0x380;
	[dreg:$0x4] =	wrdreg s8  }
0x17: {  	s14 =	simm.s32 $0x0;
	s15 =	sadd.s32 $0xA000, s10;
	[dreg:$0x10] =	wrdreg s26  }
0x18: {  	s16 =	sadd.s32 $0x10, s10;
	s9 =	sadd.s32 $0xA010, s10;
	[dreg:$0x9] =	wrdreg s15  }
0x19: {  	s11 =	sadd.s32 $0x20, s10;
	s19 =	sadd.s32 $0xA020, s10;
	[dreg:$0xa] =	wrdreg s16  }
0x1a: {  	s8 =	sshrl.u32 s20, $0x3;
	s25 =	sadd.s32 $0x4F0, s10;
	[dreg:$0xb] =	wrdreg s9  }
0x1b: {  	s26 =	sadd.s32 $0xA4F0, s10;
	[dreg:$0xc] =	wrdreg s11;
	s9 =	sshrl.u32 s18, $0x3  }
0x1c: {  	[dreg:$0xd] =	wrdreg s19;
	s11 =	sshrl.u32 s22, $0x3;
	s17 =	sadd.s32 s8, s1  }
0x1d: {  	s8 =	sshrl.u32 s23, $0x3;
	s22 =	sadd.s32 s6, s1;
	[dreg:$0xe] =	wrdreg s25  }
0x1e: {  	s6 =	simm.s32 $0x4400;
	s16 =	sadd.s32 s9, s1;
	s9 =	sshrl.u32 s21, $0x3  }
0x1f: {  	s19 =	sadd.s32 s11, s1;
	s20 =	sadd.s32 s8, s1;
	s8 =	simm.s32 $0x100  }
0x20: {  	s11 =	simm.s32 $0x3;
	s18 =	sadd.s32 s9, s1;
	s9 =	sshrl.u32 s24, $0x3  }
0x21: {  	v0 =	vimm.f32 $0.0e+00;
	s21 =	sadd.s32 s9, s1;
	s1 =	simm.s32 $0x1;
	s9 =	simm.s32 $0x300  }
.LBB2_1:
0x22: {  	s15 =	simm.s32 $0x0;
	s23 =	simm.s32 $0x200  }
.LBB2_2:
0x23: {  	p0 =	sne.s32 s23, $0xFE00;
	[tilespmem:s15+$0x470] =	vst v0  }
0x24: {  	[tilespmem:s15+$0x400] =	vst v0  }
0x25: {  	[tilespmem:s15+$0x410] =	vst v0  }
.Ltmp0:
0x26: {  	[tilespmem:s15+$0x420] =	vst v0;
	(pc) =	sbr.rel @p0 .LBB2_2-.Ltmp0, $4  }
0x27: {  	[tilespmem:s15+$0x430] =	vst v0  }
0x28: {  	[tilespmem:s15+$0x440] =	vst v0  }
0x29: {  	[tilespmem:s15+$0x450] =	vst v0  }
0x2a: {  	[tilespmem:s15+$0x460] =	vst v0;
	s15 =	sshra.s32 s23, $0x2;
	s23 =	sadd.s32 $0x200, s23  }
0x2b: {  	[tilespmem:s15+$0x470] =	vst v0  }
0x2c: {  	[tilespmem:s15+$0x400] =	vst v0  }
0x2d: {  	[tilespmem:s15+$0x410] =	vst v0  }
0x2e: {  	[tilespmem:s15+$0x420] =	vst v0  }
0x2f: {  	[tilespmem:s15+$0x430] =	vst v0  }
0x30: {  	[tilespmem:s15+$0x440] =	vst v0  }
0x31: {  	[tilespmem:s15+$0x450] =	vst v0  }
0x32: {  	[tilespmem:s15+$0x460] =	vst v0  }
0x33: {  	[spmem:s5] =	stream.linear.scatter [tilespmem:s28], [sflag:$0x4], $0x4000, $0x38;
	[tilespmem:$0x1C000] =	vst v63  }
0x34: {  	_ =	swait.ge [sflag:s29], $0x4000  }
0x35: {  	[sflag:s29] =	ssyncset.done $0x0  }
0x36: {  	s23 =	rddreg [dreg:$0x5];
	[sflag:s29] =	ssyncadd.s32 $0xFFFFC000  }
0x37: {  	[spmem:s23] =	stream.linear.scatter [tilespmem:s28], [sflag:$0x4], $0x4000, $0x38;
	[tilespmem:$0x1C000] =	vst v63  }
0x38: {  	_ =	swait.ge [sflag:s29], $0x4000  }
0x39: {  	[sflag:s29] =	ssyncset.done $0x0  }
0x3a: {  	s24 =	rddreg [dreg:$0x6];
	[sflag:s29] =	ssyncadd.s32 $0xFFFFC000  }
0x3b: {  	[spmem:s24] =	stream.linear.scatter [tilespmem:s28], [sflag:$0x4], $0x4000, $0x38;
	[tilespmem:$0x1C000] =	vst v63  }
0x3c: {  	_ =	swait.ge [sflag:s29], $0x4000  }
0x3d: {  	[sflag:s29] =	ssyncset.done $0x0  }
0x3e: {  	s25 =	rddreg [dreg:$0x7];
	[sflag:s29] =	ssyncadd.s32 $0xFFFFC000  }
0x3f: {  	[spmem:s25] =	stream.linear.scatter [tilespmem:s28], [sflag:$0x4], $0x4000, $0x38;
	[tilespmem:$0x1C000] =	vst v63  }
0x40: {  	_ =	swait.ge [sflag:s29], $0x4000  }
0x41: {  	[sflag:s29] =	ssyncset.done $0x0  }
0x42: {  	s23 =	rddreg [dreg:$0x8];
	[sflag:s29] =	ssyncadd.s32 $0xFFFFC000  }
0x43: {  	[spmem:s23] =	stream.linear.scatter [tilespmem:s28], [sflag:$0x4], $0x3C00, $0x38;
	[tilespmem:$0x1C000] =	vst v63  }
0x44: {  	_ =	swait.ge [sflag:s29], $0x3C00  }
0x45: {  	[sflag:s29] =	ssyncset.done $0x0  }
0x46: {  	[sflag:s29] =	ssyncadd.s32 $0xFFFFC400  }
0x47: {  	s15 =	simm.s32 $0x0;
	[bflag:$0x0] =	sbarrier.arrive $0xFFFF  }
0x48: {  	[tilespmem:s15], [sflag:$0x4] =	stream.linear.gather [hbm4b:s10+s15], $0x80, $0x38;
	[tilespmem:$0x1C000] =	vst v63  }
0x49: {  	_ =	swait.ge [sflag:s29], $0x80  }
0x4a: {  	[sflag:s29] =	ssyncset.done $0x0  }
0x4b: {  	s23 =	rddreg [dreg:$0x9];
	[sflag:s29] =	ssyncadd.s32 $0xFFFFFF80  }
0x4c: {  	[tilespmem:s30], [sflag:$0x4] =	stream.linear.gather [hbm4b:s23+s15], $0x80, $0x38;
	[tilespmem:$0x1C000] =	vst v63  }
0x4d: {  	_ =	swait.ge [sflag:s29], $0x80  }
0x4e: {  	[sflag:s29] =	ssyncset.done $0x0  }
0x4f: {  	[sflag:s29] =	ssyncadd.s32 $0xFFFFFF80  }
0x50: {  	[tilespmem:s28], [sflag:$0x2] =	stream.indirect.gather [hbm4b:s4+s31], $0x80, s15, s31, $0xb8;
	[tilespmem:$0x1C000] =	vst v63  }
0x51: {  	s24 =	rddreg [dreg:$0xa]  }
0x52: {  	[tilespmem:s31], [sflag:$0x1] =	stream.linear.gather [hbm4b:s24+s15], $0x80, $0x38;
	[tilespmem:$0x1C000] =	vst v63  }
0x53: {  	s25 =	rddreg [dreg:$0xb]  }
0x54: {  	[tilespmem:s0], [sflag:$0x1] =	stream.linear.gather [hbm4b:s25+s15], $0x80, $0x38;
	[tilespmem:$0x1C000] =	vst v63  }
0x55: {  	_ =	swait.ge [sflag:s1], $0x80  }
0x56: {  	[sflag:s1] =	ssyncset.done $0x0  }
0x57: {  	[sflag:s1] =	ssyncadd.s32 $0xFFFFFF80  }
0x58: {  	_ =	swait.ge [sflag:s1], $0x80  }
0x59: {  	[sflag:s1] =	ssyncset.done $0x0  }
0x5a: {  	[sflag:s1] =	ssyncadd.s32 $0xFFFFFF80  }
0x5b: {  	[tilespmem:s6], [sflag:$0x2] =	stream.indirect.gather [hbm4b:s4+s31], $0x80, s31, s31, $0xb8;
	[tilespmem:$0x1C000] =	vst v63  }
0x5c: {  	_ =	swait.ge [sflag:s7], $0x4000  }
0x5d: {  	[sflag:s7] =	ssyncset.done $0x0  }
0x5e: {  	[sflag:s7] =	ssyncadd.s32 $0xFFFFC000  }
0x5f: {  	[spmem:s2] =	stream.indirect.scatter.add.f32 [tilespmem:s28], [sflag:$0x3], $0x80, s30, s31, $0xb8;
	[tilespmem:$0x1C000] =	vst v63  }
0x60: {  	s24 =	rddreg [dreg:$0xc]  }
0x61: {  	[tilespmem:s8], [sflag:$0x1] =	stream.linear.gather [hbm4b:s24+s15], $0x80, $0x38;
	[tilespmem:$0x1C000] =	vst v63  }
0x62: {  	s25 =	rddreg [dreg:$0xd]  }
0x63: {  	[tilespmem:s9], [sflag:$0x1] =	stream.linear.gather [hbm4b:s25+s15], $0x80, $0x38;
	[tilespmem:$0x1C000] =	vst v63  }
0x64: {  	_ =	swait.ge [sflag:s1], $0x80  }
0x65: {  	[sflag:s1] =	ssyncset.done $0x0  }
0x66: {  	[sflag:s1] =	ssyncadd.s32 $0xFFFFFF80  }
0x67: {  	_ =	swait.ge [sflag:s1], $0x80  }
0x68: {  	[sflag:s1] =	ssyncset.done $0x0  }
0x69: {  	[sflag:s1] =	ssyncadd.s32 $0xFFFFFF80  }
0x6a: {  	_ =	swait.ge [sflag:s11], $0x4000  }
0x6b: {  	[sflag:s11] =	ssyncset.done $0x0  }
0x6c: {  	[sflag:s11] =	ssyncadd.s32 $0xFFFFC000  }
0x6d: {  	[tilespmem:s28], [sflag:$0x2] =	stream.indirect.gather [hbm4b:s4+s31], $0x80, s8, s31, $0xb8;
	[tilespmem:$0x1C000] =	vst v63  }
0x6e: {  	_ =	swait.ge [sflag:s7], $0x4000  }
0x6f: {  	[sflag:s7] =	ssyncset.done $0x0  }
0x70: {  	[sflag:s7] =	ssyncadd.s32 $0xFFFFC000  }
0x71: {  	[spmem:s2] =	stream.indirect.scatter.add.f32 [tilespmem:s6], [sflag:$0x3], $0x80, s0, s31, $0xb8;
	[tilespmem:$0x1C000] =	vst v63  }
0x72: {  	s24 =	sadd.s32 $0x0, s20  }
0x73: {  	[tilespmem:s12], [sflag:$0x1] =	stream.linear.gather [hbm4b:s24+s3], $0x80, $0x38;
	[tilespmem:$0x1C000] =	vst v63  }
0x74: {  	s25 =	sadd.s32 $0x0, s19  }
0x75: {  	[tilespmem:s13], [sflag:$0x1] =	stream.linear.gather [hbm4b:s25+s3], $0x80, $0x38;
	[tilespmem:$0x1C000] =	vst v63  }
0x76: {  	_ =	swait.ge [sflag:s1], $0x80  }
0x77: {  	[sflag:s1] =	ssyncset.done $0x0  }
0x78: {  	[sflag:s1] =	ssyncadd.s32 $0xFFFFFF80  }
0x79: {  	_ =	swait.ge [sflag:s1], $0x80  }
0x7a: {  	[sflag:s1] =	ssyncset.done $0x0  }
0x7b: {  	[sflag:s1] =	ssyncadd.s32 $0xFFFFFF80  }
0x7c: {  	_ =	swait.ge [sflag:s11], $0x4000  }
0x7d: {  	[sflag:s11] =	ssyncset.done $0x0  }
0x7e: {  	[sflag:s11] =	ssyncadd.s32 $0xFFFFC000  }
0x7f: {  	[tilespmem:s6], [sflag:$0x2] =	stream.indirect.gather [hbm4b:s4+s31], $0x80, s12, s31, $0xb8;
	[tilespmem:$0x1C000] =	vst v63  }
0x80: {  	_ =	swait.ge [sflag:s7], $0x4000  }
0x81: {  	[sflag:s7] =	ssyncset.done $0x0  }
0x82: {  	[sflag:s7] =	ssyncadd.s32 $0xFFFFC000  }
0x83: {  	[spmem:s2] =	stream.indirect.scatter.add.f32 [tilespmem:s28], [sflag:$0x3], $0x80, s9, s31, $0xb8;
	[tilespmem:$0x1C000] =	vst v63  }
0x84: {  	s23 =	sadd.s32 $0x0, s18  }
0x85: {  	[tilespmem:s3], [sflag:$0x1] =	stream.linear.gather [hbm4b:s23+s3], $0x80, $0x38;
	[tilespmem:$0x1C000] =	vst v63  }
0x86: {  	s24 =	sadd.s32 $0x0, s17  }
0x87: {  	[tilespmem:s30], [sflag:$0x1] =	stream.linear.gather [hbm4b:s24+s3], $0x80, $0x38;
	[tilespmem:$0x1C000] =	vst v63  }
0x88: {  	_ =	swait.ge [sflag:s1], $0x80  }
0x89: {  	[sflag:s1] =	ssyncset.done $0x0  }
0x8a: {  	[sflag:s1] =	ssyncadd.s32 $0xFFFFFF80  }
0x8b: {  	_ =	swait.ge [sflag:s1], $0x80  }
0x8c: {  	[sflag:s1] =	ssyncset.done $0x0  }
0x8d: {  	[sflag:s1] =	ssyncadd.s32 $0xFFFFFF80  }
0x8e: {  	_ =	swait.ge [sflag:s11], $0x4000  }
0x8f: {  	[sflag:s11] =	ssyncset.done $0x0  }
0x90: {  	[sflag:s11] =	ssyncadd.s32 $0xFFFFC000  }
0x91: {  	[tilespmem:s28], [sflag:$0x2] =	stream.indirect.gather [hbm4b:s4+s31], $0x80, s3, s31, $0xb8;
	[tilespmem:$0x1C000] =	vst v63  }
0x92: {  	_ =	swait.ge [sflag:s7], $0x4000  }
0x93: {  	[sflag:s7] =	ssyncset.done $0x0  }
0x94: {  	[sflag:s7] =	ssyncadd.s32 $0xFFFFC000  }
0x95: {  	[spmem:s2] =	stream.indirect.scatter.add.f32 [tilespmem:s6], [sflag:$0x3], $0x80, s13, s31, $0xb8;
	[tilespmem:$0x1C000] =	vst v63  }
0x96: {  	s24 =	sadd.s32 $0x0, s16;
	s25 =	rddreg [dreg:$0x4]  }
0x97: {  	[tilespmem:s31], [sflag:$0x1] =	stream.linear.gather [hbm4b:s24+s3], $0x80, $0x38;
	[tilespmem:$0x1C000] =	vst v63  }
0x98: {  	s15 =	sadd.s32 $0x0, s25  }
0x99: {  	[tilespmem:s0], [sflag:$0x1] =	stream.linear.gather [hbm4b:s15+s3], $0x80, $0x38;
	[tilespmem:$0x1C000] =	vst v63  }
0x9a: {  	_ =	swait.ge [sflag:s1], $0x80  }
0x9b: {  	[sflag:s1] =	ssyncset.done $0x0  }
0x9c: {  	[sflag:s1] =	ssyncadd.s32 $0xFFFFFF80  }
0x9d: {  	_ =	swait.ge [sflag:s1], $0x80  }
0x9e: {  	[sflag:s1] =	ssyncset.done $0x0  }
0x9f: {  	[sflag:s1] =	ssyncadd.s32 $0xFFFFFF80  }
0xa0: {  	_ =	swait.ge [sflag:s11], $0x4000  }
0xa1: {  	[sflag:s11] =	ssyncset.done $0x0  }
0xa2: {  	[sflag:s11] =	ssyncadd.s32 $0xFFFFC000  }
0xa3: {  	[tilespmem:s6], [sflag:$0x2] =	stream.indirect.gather [hbm4b:s4+s31], $0x80, s31, s31, $0xb8;
	[tilespmem:$0x1C000] =	vst v63  }
0xa4: {  	_ =	swait.ge [sflag:s7], $0x4000  }
0xa5: {  	[sflag:s7] =	ssyncset.done $0x0  }
0xa6: {  	[sflag:s7] =	ssyncadd.s32 $0xFFFFC000  }
0xa7: {  	[spmem:s2] =	stream.indirect.scatter.add.f32 [tilespmem:s28], [sflag:$0x3], $0x80, s30, s31, $0xb8;
	[tilespmem:$0x1C000] =	vst v63  }
0xa8: {  	s23 =	sadd.s32 $0x0, s21;
	s25 =	sadd.s32 $0x0, s22;
	s15 =	simm.s32 $0x40  }
0xa9: {  	[tilespmem:s8], [sflag:$0x1] =	stream.linear.gather [hbm4b:s25+s3], $0x80, $0x38;
	[tilespmem:$0x1C000] =	vst v63  }
.LBB2_4:
0xaa: {  	[tilespmem:s9], [sflag:$0x1] =	stream.linear.gather [hbm4b:s23+s3], $0x80, $0x38;
	[tilespmem:$0x1C000] =	vst v63  }
0xab: {  	_ =	swait.ge [sflag:s1], $0x80  }
0xac: {  	[sflag:s1] =	ssyncset.done $0x0  }
0xad: {  	[sflag:s1] =	ssyncadd.s32 $0xFFFFFF80  }
0xae: {  	_ =	swait.ge [sflag:s1], $0x80  }
0xaf: {  	[sflag:s1] =	ssyncset.done $0x0  }
0xb0: {  	[sflag:s1] =	ssyncadd.s32 $0xFFFFFF80  }
0xb1: {  	_ =	swait.ge [sflag:s11], $0x4000  }
0xb2: {  	[sflag:s11] =	ssyncset.done $0x0  }
0xb3: {  	[sflag:s11] =	ssyncadd.s32 $0xFFFFC000  }
0xb4: {  	[tilespmem:s28], [sflag:$0x2] =	stream.indirect.gather [hbm4b:s4+s31], $0x80, s8, s31, $0xb8;
	[tilespmem:$0x1C000] =	vst v63  }
0xb5: {  	_ =	swait.ge [sflag:s7], $0x4000  }
0xb6: {  	[sflag:s7] =	ssyncset.done $0x0  }
0xb7: {  	s23 =	smov.u32 s15;
	[sflag:s7] =	ssyncadd.s32 $0xFFFFC000  }
0xb8: {  	[spmem:s2] =	stream.indirect.scatter.add.f32 [tilespmem:s6], [sflag:$0x3], $0x80, s0, s31, $0xb8;
	[tilespmem:$0x1C000] =	vst v63  }
0xb9: {  	s24 =	sadd.s32 s23, s20  }
0xba: {  	[tilespmem:s12], [sflag:$0x1] =	stream.linear.gather [hbm4b:s24+s3], $0x80, $0x38;
	[tilespmem:$0x1C000] =	vst v63  }
0xbb: {  	s25 =	sadd.s32 s23, s19  }
0xbc: {  	[tilespmem:s13], [sflag:$0x1] =	stream.linear.gather [hbm4b:s25+s3], $0x80, $0x38;
	[tilespmem:$0x1C000] =	vst v63  }
0xbd: {  	_ =	swait.ge [sflag:s1], $0x80  }
0xbe: {  	[sflag:s1] =	ssyncset.done $0x0  }
0xbf: {  	[sflag:s1] =	ssyncadd.s32 $0xFFFFFF80  }
0xc0: {  	_ =	swait.ge [sflag:s1], $0x80  }
0xc1: {  	[sflag:s1] =	ssyncset.done $0x0  }
0xc2: {  	[sflag:s1] =	ssyncadd.s32 $0xFFFFFF80  }
0xc3: {  	_ =	swait.ge [sflag:s11], $0x4000  }
0xc4: {  	[sflag:s11] =	ssyncset.done $0x0  }
0xc5: {  	[sflag:s11] =	ssyncadd.s32 $0xFFFFC000  }
0xc6: {  	[tilespmem:s6], [sflag:$0x2] =	stream.indirect.gather [hbm4b:s4+s31], $0x80, s12, s31, $0xb8;
	[tilespmem:$0x1C000] =	vst v63  }
0xc7: {  	_ =	swait.ge [sflag:s7], $0x4000  }
0xc8: {  	[sflag:s7] =	ssyncset.done $0x0  }
0xc9: {  	[sflag:s7] =	ssyncadd.s32 $0xFFFFC000  }
0xca: {  	[spmem:s2] =	stream.indirect.scatter.add.f32 [tilespmem:s28], [sflag:$0x3], $0x80, s9, s31, $0xb8;
	[tilespmem:$0x1C000] =	vst v63  }
0xcb: {  	s25 =	sadd.s32 s23, s18  }
0xcc: {  	[tilespmem:s3], [sflag:$0x1] =	stream.linear.gather [hbm4b:s25+s3], $0x80, $0x38;
	[tilespmem:$0x1C000] =	vst v63  }
0xcd: {  	s25 =	sadd.s32 s23, s17  }
0xce: {  	[tilespmem:s30], [sflag:$0x1] =	stream.linear.gather [hbm4b:s25+s3], $0x80, $0x38;
	[tilespmem:$0x1C000] =	vst v63  }
0xcf: {  	_ =	swait.ge [sflag:s1], $0x80  }
0xd0: {  	[sflag:s1] =	ssyncset.done $0x0  }
0xd1: {  	[sflag:s1] =	ssyncadd.s32 $0xFFFFFF80  }
0xd2: {  	_ =	swait.ge [sflag:s1], $0x80  }
0xd3: {  	[sflag:s1] =	ssyncset.done $0x0  }
0xd4: {  	[sflag:s1] =	ssyncadd.s32 $0xFFFFFF80  }
0xd5: {  	_ =	swait.ge [sflag:s11], $0x4000  }
0xd6: {  	[sflag:s11] =	ssyncset.done $0x0  }
0xd7: {  	[sflag:s11] =	ssyncadd.s32 $0xFFFFC000  }
0xd8: {  	[tilespmem:s28], [sflag:$0x2] =	stream.indirect.gather [hbm4b:s4+s31], $0x80, s3, s31, $0xb8;
	[tilespmem:$0x1C000] =	vst v63  }
0xd9: {  	_ =	swait.ge [sflag:s7], $0x4000  }
0xda: {  	[sflag:s7] =	ssyncset.done $0x0  }
0xdb: {  	[sflag:s7] =	ssyncadd.s32 $0xFFFFC000  }
0xdc: {  	[spmem:s2] =	stream.indirect.scatter.add.f32 [tilespmem:s6], [sflag:$0x3], $0x80, s13, s31, $0xb8;
	[tilespmem:$0x1C000] =	vst v63  }
0xdd: {  	s25 =	sadd.s32 s23, s16;
	s24 =	rddreg [dreg:$0x4]  }
0xde: {  	[tilespmem:s31], [sflag:$0x1] =	stream.linear.gather [hbm4b:s25+s3], $0x80, $0x38;
	[tilespmem:$0x1C000] =	vst v63  }
0xdf: {  	s24 =	sadd.s32 s23, s24  }
0xe0: {  	[tilespmem:s0], [sflag:$0x1] =	stream.linear.gather [hbm4b:s24+s3], $0x80, $0x38;
	[tilespmem:$0x1C000] =	vst v63  }
0xe1: {  	_ =	swait.ge [sflag:s1], $0x80  }
0xe2: {  	[sflag:s1] =	ssyncset.done $0x0  }
0xe3: {  	[sflag:s1] =	ssyncadd.s32 $0xFFFFFF80  }
0xe4: {  	_ =	swait.ge [sflag:s1], $0x80  }
0xe5: {  	[sflag:s1] =	ssyncset.done $0x0  }
0xe6: {  	[sflag:s1] =	ssyncadd.s32 $0xFFFFFF80  }
0xe7: {  	_ =	swait.ge [sflag:s11], $0x4000  }
0xe8: {  	[sflag:s11] =	ssyncset.done $0x0  }
0xe9: {  	[sflag:s11] =	ssyncadd.s32 $0xFFFFC000  }
0xea: {  	[tilespmem:s6], [sflag:$0x2] =	stream.indirect.gather [hbm4b:s4+s31], $0x80, s31, s31, $0xb8;
	[tilespmem:$0x1C000] =	vst v63  }
0xeb: {  	p0 =	sne.s32 s15, $0x480;
	_ =	swait.ge [sflag:s7], $0x4000  }
.Ltmp1:
0xec: {  	[sflag:s7] =	ssyncset.done $0x0;
	(pc) =	sbr.rel @p0 .LBB2_4-.Ltmp1, $4  }
0xed: {  	[sflag:s7] =	ssyncadd.s32 $0xFFFFC000  }
0xee: {  	[spmem:s2] =	stream.indirect.scatter.add.f32 [tilespmem:s28], [sflag:$0x3], $0x80, s30, s31, $0xb8;
	[tilespmem:$0x1C000] =	vst v63  }
0xef: {  	s15 =	sadd.s32 $0x40, s15;
	s25 =	sadd.s32 s23, s22;
	s23 =	sadd.s32 s23, s21  }
0xf0: {  	[tilespmem:s8], [sflag:$0x1] =	stream.linear.gather [hbm4b:s25+s3], $0x80, $0x38;
	[tilespmem:$0x1C000] =	vst v63  }
0xf1: {  	[tilespmem:s9], [sflag:$0x1] =	stream.linear.gather [hbm4b:s23+s3], $0x80, $0x38;
	[tilespmem:$0x1C000] =	vst v63  }
0xf2: {  	_ =	swait.ge [sflag:s1], $0x80  }
0xf3: {  	[sflag:s1] =	ssyncset.done $0x0  }
0xf4: {  	[sflag:s1] =	ssyncadd.s32 $0xFFFFFF80  }
0xf5: {  	_ =	swait.ge [sflag:s1], $0x80  }
0xf6: {  	[sflag:s1] =	ssyncset.done $0x0  }
0xf7: {  	[sflag:s1] =	ssyncadd.s32 $0xFFFFFF80  }
0xf8: {  	_ =	swait.ge [sflag:s11], $0x4000  }
0xf9: {  	[sflag:s11] =	ssyncset.done $0x0  }
0xfa: {  	[sflag:s11] =	ssyncadd.s32 $0xFFFFC000  }
0xfb: {  	[tilespmem:s28], [sflag:$0x2] =	stream.indirect.gather [hbm4b:s4+s31], $0x80, s8, s31, $0xb8;
	[tilespmem:$0x1C000] =	vst v63  }
0xfc: {  	_ =	swait.ge [sflag:s7], $0x4000  }
0xfd: {  	[sflag:s7] =	ssyncset.done $0x0  }
0xfe: {  	[sflag:s7] =	ssyncadd.s32 $0xFFFFC000  }
0xff: {  	[spmem:s2] =	stream.indirect.scatter.add.f32 [tilespmem:s6], [sflag:$0x3], $0x80, s0, s31, $0xb8;
	[tilespmem:$0x1C000] =	vst v63  }
0x100: {  	s15 =	rddreg [dreg:$0xe]  }
0x101: {  	[tilespmem:s12], [sflag:$0x1] =	stream.linear.gather [hbm4b:s15+s3], $0x80, $0x38;
	[tilespmem:$0x1C000] =	vst v63  }
0x102: {  	_ = 	snop  }
0x103: {  	[tilespmem:s13], [sflag:$0x1] =	stream.linear.gather [hbm4b:s26+s3], $0x80, $0x38;
	[tilespmem:$0x1C000] =	vst v63  }
0x104: {  	_ =	swait.ge [sflag:s1], $0x80  }
0x105: {  	[sflag:s1] =	ssyncset.done $0x0  }
0x106: {  	[sflag:s1] =	ssyncadd.s32 $0xFFFFFF80  }
0x107: {  	_ =	swait.ge [sflag:s1], $0x80  }
0x108: {  	[sflag:s1] =	ssyncset.done $0x0  }
0x109: {  	[sflag:s1] =	ssyncadd.s32 $0xFFFFFF80  }
0x10a: {  	_ =	swait.ge [sflag:s11], $0x4000  }
0x10b: {  	[sflag:s11] =	ssyncset.done $0x0  }
0x10c: {  	[sflag:s11] =	ssyncadd.s32 $0xFFFFC000  }
0x10d: {  	[tilespmem:s6], [sflag:$0x2] =	stream.indirect.gather [hbm4b:s4+s31], $0x80, s12, s31, $0xb8;
	[tilespmem:$0x1C000] =	vst v63  }
0x10e: {  	_ =	swait.ge [sflag:s7], $0x4000  }
0x10f: {  	[sflag:s7] =	ssyncset.done $0x0  }
0x110: {  	[sflag:s7] =	ssyncadd.s32 $0xFFFFC000  }
0x111: {  	[spmem:s2] =	stream.indirect.scatter.add.f32 [tilespmem:s28], [sflag:$0x3], $0x80, s9, s31, $0xb8;
	[tilespmem:$0x1C000] =	vst v63  }
0x112: {  	_ =	swait.ge [sflag:s7], $0x4000  }
0x113: {  	[sflag:s7] =	ssyncset.done $0x0  }
0x114: {  	[sflag:s7] =	ssyncadd.s32 $0xFFFFC000  }
0x115: {  	[spmem:s2] =	stream.indirect.scatter.add.f32 [tilespmem:s6], [sflag:$0x3], $0x80, s13, s31, $0xb8;
	[tilespmem:$0x1C000] =	vst v63  }
0x116: {  	_ =	swait.ge [sflag:s11], $0x4000  }
0x117: {  	[sflag:s11] =	ssyncset.done $0x0  }
0x118: {  	[sflag:s11] =	ssyncadd.s32 $0xFFFFC000  }
0x119: {  	_ =	swait.ge [sflag:s11], $0x4000  }
0x11a: {  	[sflag:s11] =	ssyncset.done $0x0  }
0x11b: {  	s24 =	stileid.u32;
	[sflag:s11] =	ssyncadd.s32 $0xFFFFC000  }
0x11c: {  	s15 =	sshll.u32 s24, $0x6;
	[bflag:$0x0] =	sbarrier.arrive $0xFFFF  }
0x11d: {  	s25 =	sshrl.u32 s5, $0x3;
	s15 =	sor.u32 $0x1C04, s15;
	s24 =	rddreg [dreg:$0xf]  }
0x11e: {  	[hbm:s24], [sflag:s15] =	dma.local [spmem:s25], $0x2780  }
0x11f: {  	_ =	swait.ge [sflag:s29], $0x2780  }
0x120: {  	s14 =	sadd.s32 $0x1, s14;
	s25 =	rddreg [dreg:$0x10]  }
0x121: {  	p0 =	sne.s32 s14, s25  }
.Ltmp2:
0x122: {  	_ = 	snop;
	(pc) =	sbr.rel @p0 .LBB2_1-.Ltmp2, $3  }
0x123: {  	_ =	sdelay $0x1  }
0x124: {  	[sflag:s29] =	ssyncset.done $0x0  }
0x125: {  	[sflag:s29] =	ssyncadd.s32 $0xFFFFD880  }
0x126: {  	_ =	sfence.sel $0x180000  }
0x127: {  	[bflag:$0x0] =	sbarrier.arrive $0xFFFF  }
0x128: {  	_ =	strace $0x9000004D  }
0x129: {  	s0 =	stileid.u32;
	[bflag:$0x2] =	sbarrier.arrive $0xFFFF  }
0x12a: {  	p0 =	sne.s32 s0, $0x0;
	s0 =	rddreg [dreg:$0x3]  }
0x12b: {  	s0 =	sadd.s32 @!p0 $0x100000, s0  }
0x12c: {  	[sflag:s0] =	ssyncadd.tile.s32 @!p0 $0x1;
	_ =	shalt  }
.Lfunc_end2:
_tile_overlayer_lowered:
.L_overlay_start_2:
0x12d: {  	(tag) =	ssettag $0x2  }
0x12e: {  	s0 =	rddreg [dreg:$0x0];
	s2 =	stileid.u32  }
0x12f: {  	s1 =	rddreg [dreg:$0x1];
	p0 =	sne.s32 s2, $0x0  }
0x130: {  	s3 =	rddreg [dreg:$0x2];
	[bflag:$0x3] =	sbarrier.arrive $0xFFFF;
	s2 =	simm.s32 @!p0 $0x1C04  }
0x131: {  	[timem:s3], [sflag:s2] =	dma.local @!p0 [hbm:s0], s1  }
0x132: {  	s0 =	simm.s32 @!p0 $0x4  }
0x133: {  	_ =	swait.ge @!p0 [sflag:s0], s1  }
0x134: {  	s1 =	ssub.s32 @!p0 $0x0, s1;
	[sflag:s0] =	ssyncset.done @!p0 $0x0  }
0x135: {  	[sflag:s0] =	ssyncadd.s32 @!p0 s1  }
0x136: {  	[bflag:$0x3] =	sbarrier.arrive $0xFFFF  }
0x137: {  	_ =	shalt  }

// kernel: kernel.9.cloned.1.call-start
scs
__scs_entry_jumppad:
0x0: {  	(pc) =	sbr.rel $0x88, $3  }
0x1: {  	(tag) =	ssettag $0x0;
	lr =	simm.s32 $0x1  }
0x2: {  	[smem:$0x3F9B] =	sst lr;
	_ =	strace $0xD0000000  }
0x3: {  	_ = 	snop  }
0x4: {  	_ = 	snop  }
0x5: {  	_ = 	snop  }
0x6: {  	_ = 	snop  }
0x7: {  	_ = 	snop  }
__scs_overlays_trampoline_lowered:
0x8: {  	[smem:$0x3FAA] =	sst s0  }
0x9: {  	[smem:$0x3FAB] =	sst s1  }
0xa: {  	[smem:$0x3FAC] =	sst s2  }
0xb: {  	[smem:$0x3FAD] =	sst s3  }
0xc: {  	[smem:$0x3FAE] =	sst s4  }
0xd: {  	[smem:$0x3FAF] =	sst s5  }
0xe: {  	[smem:$0x3FB0] =	sst s6  }
0xf: {  	[smem:$0x3FB1] =	sst s7  }
0x10: {  	[smem:$0x3FB2] =	sst s8  }
0x11: {  	[smem:$0x3FB3] =	sst s9;
	s0 =	simm.s32 @!p0 $0x0  }
0x12: {  	s1 =	sld [smem:$0x3F99];
	s0 =	simm.s32 @p0 $0x1  }
0x13: {  	[smem:$0x3FB4] =	sst s0;
	s0 =	simm.s32 @!p1 $0x0  }
0x14: {  	s2 =	sld [smem:$0x3F98];
	s0 =	simm.s32 @p1 $0x1  }
0x15: {  	[smem:$0x3FB5] =	sst s0;
	s0 =	simm.s32 @!p2 $0x0  }
0x16: {  	s3 =	sld [smem:$0x3FDB];
	s0 =	simm.s32 @p2 $0x1  }
0x17: {  	s4 =	simm.s32 $0x1BF5;
	[smem:$0x3FB7] =	sst s0  }
0x18: {  	s0 =	sld [smem:$0x3F9A];
	_ =	swait.ge [sflag:s4], $0x0  }
0x19: {  	s7 =	sld [smem:$0x3F9B]  }
0x1a: {  	s8 =	sadd.s32 $0xFFFFE003, lr  }
0x1b: {  	s9 =	sadd.s32 $0xFFFFFEF7, lr;
	s5 =	simm.s32 $0xFFFFFFFF;
	p2 =	slt.u32 s8, $0xFFFFF086  }
0x1c: {  	p1 =	slt.u32 s9, $0xF7A;
	s5 =	simm.s32 @!p2 $0x0  }
0x1d: {  	s5 =	simm.s32 @p1 $0x1;
	p0 =	seq.s32 s7, s2  }
0x1e: {  	s7 =	smul.u32 @!p0 $0xF7A, s2;
	p2 =	seq.s32 @!p0 s5, $0x0  }
0x1f: {  	s9 =	smul.u32 $0xF7A, s1;
	s8 =	simm.s32 @!p0 $0x1BF5;
	p2 =	por !p2, p0  }
0x20: {  	[sflag:s8] =	ssyncset.s32 @!p0 $0xFFFFF086;
	s6 =	sadd.s32 @!p0 s3, s7;
	s7 =	simm.s32 @!p0 $0x108  }
0x21: {  	s3 =	sadd.s32 s3, s9;
	s6 =	sadd.s32 @!p0 $0x88, s6;
	s7 =	simm.s32 @p2 $0x1082  }
0x22: {  	[simem:s7], [sflag:s8] =	dma.local @!p0 [hbm:s6], $0xF7A  }
0x23: {  	s9 =	sor.u32 $0xD0000000, s2;
	s6 =	simm.s32 $0x108;
	_ =	swait.ge @!p0 [sflag:s8], $0x0  }
0x24: {  	s3 =	sadd.s32 $0x88, s3;
	s6 =	simm.s32 @!p1 $0x1082;
	[sflag:s4] =	ssyncset.s32 $0xFFFFF086  }
0x25: {  	[simem:s6], [sflag:s4] =	dma.local [hbm:s3], $0xF7A  }
0x26: {  	[smem:$0x3F9B] =	sst s1;
	(tag) =	ssettag s2;
	_ =	strace s9  }
0x27: {  	s1 =	sld [smem:$0x3FAB]  }
0x28: {  	s2 =	sld [smem:$0x3FAC]  }
0x29: {  	s4 =	sld [smem:$0x3FAE]  }
0x2a: {  	p0 =	seq.s32 s5, $0x0;
	s5 =	sld [smem:$0x3FAF]  }
0x2b: {  	s6 =	sld [smem:$0x3FB0]  }
0x2c: {  	s7 =	sld [smem:$0x3FB1]  }
0x2d: {  	s3 =	simm.s32 $0x108;
	s8 =	sld [smem:$0x3FB2]  }
0x2e: {  	s3 =	simm.s32 @!p0 $0x1082;
	s9 =	sld [smem:$0x3FB3]  }
0x2f: {  	lr =	sadd.s32 s0, s3;
	s0 =	sld [smem:$0x3FAA]  }
0x30: {  	s3 =	sld [smem:$0x3FAD]  }
0x31: {  	[smem:$0x3FB6] =	sst s10  }
0x32: {  	s10 =	sld [smem:$0x3FB4];
	_ =	sdelay $0x3  }
0x33: {  	p0 =	seq.s32 s10, $0x1;
	s10 =	sld [smem:$0x3FB6];
	_ =	sdelay $0x3  }
0x34: {  	[smem:$0x3FB6] =	sst s10  }
0x35: {  	s10 =	sld [smem:$0x3FB5];
	_ =	sdelay $0x3  }
0x36: {  	p1 =	seq.s32 s10, $0x1;
	s10 =	sld [smem:$0x3FB6];
	_ =	sdelay $0x3  }
0x37: {  	[smem:$0x3FB6] =	sst s10  }
0x38: {  	s10 =	sld [smem:$0x3FB7]  }
0x39: {  	_ = 	snop;
	(pc) =	sbr.ind lr, $3  }
0x3a: {  	_ = 	snop  }
0x3b: {  	_ = 	snop  }
0x3c: {  	p2 =	seq.s32 s10, $0x1;
	s10 =	sld [smem:$0x3FB6]  }
0x3d: {  	_ =	shalt  }
0x3e: {  	_ =	shalt  }
0x3f: {  	_ =	shalt  }
0x40: {  	_ =	shalt  }
0x41: {  	_ =	shalt  }
0x42: {  	_ =	shalt  }
0x43: {  	_ =	shalt  }
0x44: {  	_ =	shalt  }
0x45: {  	_ =	shalt  }
0x46: {  	_ =	shalt  }
0x47: {  	_ =	shalt  }
0x48: {  	_ =	shalt  }
0x49: {  	_ =	shalt  }
0x4a: {  	_ =	shalt  }
0x4b: {  	_ =	shalt  }
0x4c: {  	_ =	shalt  }
0x4d: {  	_ =	shalt  }
0x4e: {  	_ =	shalt  }
0x4f: {  	_ =	shalt  }
0x50: {  	_ =	shalt  }
0x51: {  	_ =	shalt  }
0x52: {  	_ =	shalt  }
0x53: {  	_ =	shalt  }
0x54: {  	_ =	shalt  }
0x55: {  	_ =	shalt  }
0x56: {  	_ =	shalt  }
0x57: {  	_ =	shalt  }
0x58: {  	_ =	shalt  }
0x59: {  	_ =	shalt  }
0x5a: {  	_ =	shalt  }
0x5b: {  	_ =	shalt  }
0x5c: {  	_ =	shalt  }
0x5d: {  	_ =	shalt  }
0x5e: {  	_ =	shalt  }
0x5f: {  	_ =	shalt  }
0x60: {  	_ =	shalt  }
0x61: {  	_ =	shalt  }
0x62: {  	_ =	shalt  }
0x63: {  	_ =	shalt  }
0x64: {  	_ =	shalt  }
0x65: {  	_ =	shalt  }
0x66: {  	_ =	shalt  }
0x67: {  	_ =	shalt  }
0x68: {  	_ =	shalt  }
0x69: {  	_ =	shalt  }
0x6a: {  	_ =	shalt  }
0x6b: {  	_ =	shalt  }
0x6c: {  	_ =	shalt  }
0x6d: {  	_ =	shalt  }
0x6e: {  	_ =	shalt  }
0x6f: {  	_ =	shalt  }
0x70: {  	_ =	shalt  }
0x71: {  	_ =	shalt  }
0x72: {  	_ =	shalt  }
0x73: {  	_ =	shalt  }
0x74: {  	_ =	shalt  }
0x75: {  	_ =	shalt  }
0x76: {  	_ =	shalt  }
0x77: {  	_ =	shalt  }
0x78: {  	_ =	shalt  }
0x79: {  	_ =	shalt  }
0x7a: {  	_ =	shalt  }
0x7b: {  	_ =	shalt  }
0x7c: {  	_ =	shalt  }
0x7d: {  	_ =	shalt  }
0x7e: {  	_ =	shalt  }
0x7f: {  	_ =	shalt  }
0x80: {  	_ =	shalt  }
0x81: {  	_ =	shalt  }
0x82: {  	_ =	shalt  }
0x83: {  	_ =	shalt  }
0x84: {  	_ =	shalt  }
0x85: {  	_ =	shalt  }
0x86: {  	_ =	shalt  }
0x87: {  	_ =	shalt  }
.Lfunc_end0:
.L_simem_size_0:
called_computation_lowered:
.L_overlay_start_0:
0x88: {  	s2 =	sld [smem:$0x3FD9]  }
0x89: {  	s3 =	sld [smem:$0x3FFE];
	_ =	sdelay $0x1  }
0x8a: {  	s1 =	srdreg.scid  }
0x8b: {  	s0 =	sand.u32 $0x1, s1  }
0x8c: {  	s17 =	sshll.u32 s0, $0xA;
	s2 =	sadd.s32 s3, s2  }
0x8d: {  	s2 =	sadd.s32 s2, s17  }
0x8e: {  	[smem:$0x3FC2] =	sst s2  }
0x8f: {  	_ = 	snop  }
0x90: {  	s2 =	sld [smem:$0x3FD0];
	(tm) =	ssettm $0x1  }
0x91: {  	s18 =	sld [smem:$0x3FFB];
	_ =	sdelay $0x3  }
0x92: {  	_ =	strace s18  }
0x93: {  	s3 =	sld [smem:$0x3FFC];
	_ =	sdelay $0x3  }
0x94: {  	_ =	strace s3  }
0x95: {  	s3 =	sld [smem:$0x3FFD];
	_ =	sdelay $0x3  }
0x96: {  	_ =	strace s3  }
0x97: {  	_ =	strace $0x8FFFFFFF  }
0x98: {  	s19 =	sld [smem:$0x3FDB];
	_ =	sdelay $0x1  }
0x99: {  	s4 =	simm.s32 $_scs_section_size  }
0x9a: {  	s5 =	simm.s32 $_size__tile_overlayer_lowered;
	s6 =	simm.s32 $_tile_overlayer_lowered  }
0x9b: {  	s22 =	simm.s32 $0x1BFF;
	s21 =	sshll.u32 s6, $0x1;
	s3 =	sadd.s32 s4, s19  }
0x9c: {  	s7 =	simm.s32 $0x0;
	s20 =	sshll.u32 s5, $0x1;
	s5 =	sadd.s32 s21, s3  }
0x9d: {  	[timem:s7], [sflag:s22] =	dma.local [hbm:s5], s20  }
0x9e: {  	_ =	swait.ge [sflag:s22], s20  }
0x9f: {  	s4 =	ssub.s32 $0x0, s20;
	[sflag:s22] =	ssyncset.done $0x0  }
0xa0: {  	[sflag:s22] =	ssyncadd.s32 s4;
	_ =	sdelay $0x1  }
0xa1: {  	s23 =	simm.s32 $0x1B8B  }
0xa2: {  	_ =	swait.ge [sflag:s23], $0x1  }
0xa3: {  	[sflag:s23] =	ssyncset.done $0x0  }
0xa4: {  	s25 =	simm.s32 $0x1B8E;
	s24 =	sld [smem:$0x3FFE];
	[sflag:s23] =	ssyncadd.s32 $0xFFFFFFFF  }
0xa5: {  	s26 =	simm.s32 $execute0_lowered;
	[smem:$0x3FD2] =	sst s25  }
0xa6: {  	s5 =	sshll.u32 s26, $0x1;
	_ =	strace $0x80000046;
	[dreg:$0x1] =	wrdreg $0xFFFFFFFF  }
0xa7: {  	s28 =	simm.s32 $_size_execute0_lowered;
	s3 =	sadd.s32 s3, s5;
	[dreg:$0x0] =	wrdreg $0x0  }
0xa8: {  	s5 =	sshll.u32 s28, $0x1;
	[dreg:$0x2] =	wrdreg s3  }
0xa9: {  	[dreg:$0x3] =	wrdreg s5  }
0xaa: {  	[dreg:$0x4] =	wrdreg $0xC0  }
0xab: {  	_ =	task [dreg:s7], $0x5FFFF  }
0xac: {  	[dreg:$0x1] =	wrdreg $0xFFFFFFFF  }
0xad: {  	[dreg:$0x0] =	wrdreg $0x60  }
0xae: {  	[dreg:$0x2] =	wrdreg s2  }
0xaf: {  	[dreg:$0x3] =	wrdreg s24  }
0xb0: {  	[dreg:$0x4] =	wrdreg $0x41000  }
0xb1: {  	[dreg:$0x5] =	wrdreg $0x9  }
0xb2: {  	_ =	task.clear_ibuf [dreg:s7], $0x6FFFF;
	_ =	strace $0x90000046  }
0xb3: {  	s29 =	simm.s32 $0x9;
	_ =	strace $0x80000048  }
0xb4: {  	_ =	swait.ge [sflag:s29], $0x1  }
0xb5: {  	[sflag:s29] =	ssyncadd.s32 $0xFFFFFFFF  }
0xb6: {  	_ =	strace $0x90000048  }
0xb7: {  	_ =	sfence  }
0xb8: {  	s30 =	sld [smem:$0x0];
	_ =	sdelay $0x2  }
0xb9: {  	s31 =	sshll.u32 s1, $0xD;
	s1 =	sshrl.u32 s1, $0x2  }
0xba: {  	s3 =	sand.u32 $0x4000, s31;
	s1 =	sadd.s32 s1, s30  }
0xbb: {  	s0 =	sor.u32 s3, s0;
	s1 =	sshll.u32 s1, $0x11  }
0xbc: {  	s0 =	sor.u32 s1, s0  }
0xbd: {  	s0 =	sadd.s32 $0x8F2B, s0  }
0xbe: {  	[sflag:s0] =	ssyncadd.remote.s32 $0x1  }
0xbf: {  	_ =	sfence.sel $0xFFFF  }
0xc0: {  	[dreg:$0x0] =	wrdreg $0xFFFFFFFF;
	(pc) =	sbr.abs _section_cstart, $3  }
0xc1: {  	[dreg:$0x1] =	wrdreg $0xFFFFFFFF  }
0xc2: {  	_ =	task.clear_ibuf [dreg:s7], $0x2FFFF;
	_ =	strace $0x9FFFFFFF  }
0xc3: {  	(tm) =	ssettm $0x7FFFFFFF  }
tec
execute0_lowered:
.L_overlay_start_1:
0x0: {  	(tag) =	ssettag $0x1  }
0x1: {  	s14 =	rddreg [dreg:$0x0]  }
0x2: {  	s4 =	rddreg [dreg:$0x1];
	s1 =	srdreg.scid  }
0x3: {  	s0 =	stileid.u32;
	s2 =	rddreg [dreg:$0x2]  }
0x4: {  	s3 =	simm.s32 $0x0;
	s17 =	simm.s32 $0x80;
	s6 =	smul.u32 $0x2780, s0  }
0x5: {  	s18 =	simm.s32 $0x1;
	s21 =	simm.s32 $0x0;
	s8 =	smul.u32 $0x4F000, s0  }
0x6: {  	s5 =	sand.u32 $0x1, s1;
	s1 =	rddreg [dreg:$0x3];
	s13 =	smul.u32 $0x2800, s0  }
0x7: {  	[smem:$0x7FF] =	sst s3;
	s19 =	sshll.u32 s0, $0x6;
	s7 =	smul.u32 $0x27800, s5  }
0x8: {  	s24 =	sshll.u32 s5, $0x4;
	_ =	strace $0x80000047;
	s26 =	ssub.s32 $0x2, s5  }
0x9: {  	s10 =	smul.u32 $0x28000, s5;
	s19 =	sor.u32 $0x1C02, s19;
	s25 =	sor.u32 s0, s24  }
0xa: {  	s28 =	sshrl.u32 s8, $0x2;
	s29 =	sshrl.u32 s26, $0x1;
	s6 =	sadd.s32 s6, s7  }
0xb: {  	s9 =	smul.u32 $0x2800, s25;
	s12 =	ssub.s32 s26, s29;
	s13 =	sadd.s32 s13, s10  }
0xc: {  	s11 =	sadd.s32 s6, s4;
	s4 =	sadd.s32 s28, s2;
	s30 =	sadd.s32 $0x50180, s13  }
0xd: {  	s16 =	sadd.s32 $0x50100, s13;
	s12 =	smax.u32 s12, $0x1;
	s5 =	sadd.s32 $0x4000, s4  }
0xe: {  	s6 =	sadd.s32 $0x8000, s4;
	s7 =	sadd.s32 $0xC000, s4;
	s9 =	sshrl.u32 s9, $0x3  }
0xf: {  	s8 =	sadd.s32 $0x10000, s4;
	s11 =	sadd.s32 $0x2200, s11;
	s31 =	sshrl.u32 s16, $0x3  }
0x10: {  	s16 =	simm.s32 $0x2;
	s20 =	sshrl.u32 s4, $0x3;
	s15 =	sadd.s32 s14, s9  }
0x11: {  	s9 =	sadd.s32 $0xA000, s15;
	s10 =	sadd.s32 $0xA010, s15;
	s15 =	sshrl.u32 s30, $0x3  }
0x12: {  	v0 =	vimm.f32 $0.0e+00;
	v1 =	vimm.f32 $1.000000000e+00;
	s13 =	sadd.s32 s15, s14;
	s14 =	sadd.s32 s31, s14;
	s15 =	simm.s32 $0x100  }
.LBB2_1:
0x13: {  	s22 =	simm.s32 $0x0;
	s23 =	simm.s32 $0x200  }
.LBB2_2:
0x14: {  	p0 =	sne.s32 s23, $0xFE00;
	[tilespmem:s22+$0x170] =	vst v0  }
0x15: {  	[tilespmem:s22+$0x100] =	vst v0  }
0x16: {  	[tilespmem:s22+$0x110] =	vst v0  }
.Ltmp0:
0x17: {  	[tilespmem:s22+$0x120] =	vst v0;
	(pc) =	sbr.rel @p0 .LBB2_2-.Ltmp0, $4  }
0x18: {  	[tilespmem:s22+$0x130] =	vst v0  }
0x19: {  	[tilespmem:s22+$0x140] =	vst v0  }
0x1a: {  	[tilespmem:s22+$0x150] =	vst v0  }
0x1b: {  	[tilespmem:s22+$0x160] =	vst v0;
	s22 =	sshra.s32 s23, $0x2;
	s23 =	sadd.s32 $0x200, s23  }
0x1c: {  	[tilespmem:s22+$0x170] =	vst v0  }
0x1d: {  	[tilespmem:s22+$0x100] =	vst v0  }
0x1e: {  	[tilespmem:s22+$0x110] =	vst v0  }
0x1f: {  	[tilespmem:s22+$0x120] =	vst v0  }
0x20: {  	[tilespmem:s22+$0x130] =	vst v0  }
0x21: {  	[tilespmem:s22+$0x140] =	vst v0  }
0x22: {  	[tilespmem:s22+$0x150] =	vst v0  }
0x23: {  	[tilespmem:s22+$0x160] =	vst v0  }
0x24: {  	[spmem:s4] =	stream.linear.scatter [tilespmem:s15], [sflag:$0x2], $0x4000, $0x38;
	[tilespmem:$0x17D00] =	vst v63  }
0x25: {  	_ =	swait.ge [sflag:s16], $0x4000  }
0x26: {  	[sflag:s16] =	ssyncset.done $0x0  }
0x27: {  	[sflag:s16] =	ssyncadd.s32 $0xFFFFC000  }
0x28: {  	[spmem:s5] =	stream.linear.scatter [tilespmem:s15], [sflag:$0x2], $0x4000, $0x38;
	[tilespmem:$0x17D00] =	vst v63  }
0x29: {  	_ =	swait.ge [sflag:s16], $0x4000  }
0x2a: {  	[sflag:s16] =	ssyncset.done $0x0  }
0x2b: {  	[sflag:s16] =	ssyncadd.s32 $0xFFFFC000  }
0x2c: {  	[spmem:s6] =	stream.linear.scatter [tilespmem:s15], [sflag:$0x2], $0x4000, $0x38;
	[tilespmem:$0x17D00] =	vst v63  }
0x2d: {  	_ =	swait.ge [sflag:s16], $0x4000  }
0x2e: {  	[sflag:s16] =	ssyncset.done $0x0  }
0x2f: {  	[sflag:s16] =	ssyncadd.s32 $0xFFFFC000  }
0x30: {  	[spmem:s7] =	stream.linear.scatter [tilespmem:s15], [sflag:$0x2], $0x4000, $0x38;
	[tilespmem:$0x17D00] =	vst v63  }
0x31: {  	_ =	swait.ge [sflag:s16], $0x4000  }
0x32: {  	[sflag:s16] =	ssyncset.done $0x0  }
0x33: {  	[sflag:s16] =	ssyncadd.s32 $0xFFFFC000  }
0x34: {  	[spmem:s8] =	stream.linear.scatter [tilespmem:s15], [sflag:$0x2], $0x3C00, $0x38;
	[tilespmem:$0x17D00] =	vst v63  }
0x35: {  	_ =	swait.ge [sflag:s16], $0x3C00  }
0x36: {  	[sflag:s16] =	ssyncset.done $0x0  }
0x37: {  	s22 =	simm.s32 $0x0;
	s23 =	simm.s32 $0x200;
	[sflag:s16] =	ssyncadd.s32 $0xFFFFC400  }
.LBB2_4:
0x38: {  	p0 =	sne.s32 s23, $0xFE00;
	[tilespmem:s22+$0x170] =	vst v1  }
0x39: {  	[tilespmem:s22+$0x100] =	vst v1  }
0x3a: {  	[tilespmem:s22+$0x110] =	vst v1  }
.Ltmp1:
0x3b: {  	[tilespmem:s22+$0x120] =	vst v1;
	(pc) =	sbr.rel @p0 .LBB2_4-.Ltmp1, $4  }
0x3c: {  	[tilespmem:s22+$0x130] =	vst v1  }
0x3d: {  	[tilespmem:s22+$0x140] =	vst v1  }
0x3e: {  	[tilespmem:s22+$0x150] =	vst v1  }
0x3f: {  	[tilespmem:s22+$0x160] =	vst v1;
	s22 =	sshra.s32 s23, $0x2;
	s23 =	sadd.s32 $0x200, s23  }
0x40: {  	[tilespmem:s22+$0x170] =	vst v1  }
0x41: {  	[tilespmem:s22+$0x100] =	vst v1  }
0x42: {  	[tilespmem:s22+$0x110] =	vst v1  }
0x43: {  	[tilespmem:s22+$0x120] =	vst v1  }
0x44: {  	[tilespmem:s22+$0x130] =	vst v1  }
0x45: {  	[tilespmem:s22+$0x140] =	vst v1  }
0x46: {  	[tilespmem:s22+$0x150] =	vst v1  }
0x47: {  	[tilespmem:s22+$0x160] =	vst v1  }
0x48: {  	s30 =	simm.s32 $0x0;
	[bflag:$0x0] =	sbarrier.arrive $0xFFFF  }
0x49: {  	[tilespmem:s30], [sflag:$0x2] =	stream.linear.gather [hbm4b:s9+s30], $0x80, $0x38;
	[tilespmem:$0x17D00] =	vst v63  }
0x4a: {  	_ =	swait.ge [sflag:s16], $0x80  }
0x4b: {  	[sflag:s16] =	ssyncset.done $0x0  }
0x4c: {  	[sflag:s16] =	ssyncadd.s32 $0xFFFFFF80  }
0x4d: {  	[tilespmem:s17], [sflag:$0x1] =	stream.linear.gather [hbm4b:s10+s30], $0x80, $0x38;
	[tilespmem:$0x17D00] =	vst v63  }
0x4e: {  	_ = 	snop  }
0x4f: {  	[spmem:s2] =	stream.indirect.scatter.add.f32 [tilespmem:s15], [sflag:$0x2], $0x80, s3, s17, $0xb8;
	[tilespmem:$0x17D00] =	vst v63  }
0x50: {  	_ =	swait.ge [sflag:s16], $0x4000  }
0x51: {  	[sflag:s16] =	ssyncset.done $0x0  }
0x52: {  	[sflag:s16] =	ssyncadd.s32 $0xFFFFC000  }
0x53: {  	_ =	swait.ge [sflag:s18], $0x80  }
0x54: {  	[sflag:s18] =	ssyncset.done $0x0  }
0x55: {  	s31 =	sadd.s32 $0x0, s14;
	[sflag:s18] =	ssyncadd.s32 $0xFFFFFF80  }
0x56: {  	[tilespmem:s3], [sflag:$0x1] =	stream.linear.gather [hbm4b:s31+s3], $0x80, $0x38;
	[tilespmem:$0x17D00] =	vst v63  }
0x57: {  	_ = 	snop  }
0x58: {  	[spmem:s2] =	stream.indirect.scatter.add.f32 [tilespmem:s15], [sflag:$0x2], $0x80, s17, s17, $0xb8;
	[tilespmem:$0x17D00] =	vst v63  }
0x59: {  	_ =	swait.ge [sflag:s16], $0x4000  }
0x5a: {  	[sflag:s16] =	ssyncset.done $0x0  }
0x5b: {  	[sflag:s16] =	ssyncadd.s32 $0xFFFFC000  }
0x5c: {  	_ =	swait.ge [sflag:s18], $0x80  }
0x5d: {  	[sflag:s18] =	ssyncset.done $0x0  }
0x5e: {  	s22 =	simm.s32 $0x20;
	s23 =	sadd.s32 $0x0, s13;
	[sflag:s18] =	ssyncadd.s32 $0xFFFFFF80  }
.LBB2_6:
0x5f: {  	[tilespmem:s17], [sflag:$0x1] =	stream.linear.gather [hbm4b:s23+s3], $0x80, $0x38;
	[tilespmem:$0x17D00] =	vst v63  }
0x60: {  	p0 =	sne.s32 s22, $0x4C0;
	s23 =	smov.u32 s22;
	s22 =	sadd.s32 $0x20, s22  }
0x61: {  	[spmem:s2] =	stream.indirect.scatter.add.f32 [tilespmem:s15], [sflag:$0x2], $0x80, s3, s17, $0xb8;
	[tilespmem:$0x17D00] =	vst v63  }
0x62: {  	_ =	swait.ge [sflag:s16], $0x4000  }
0x63: {  	[sflag:s16] =	ssyncset.done $0x0  }
0x64: {  	[sflag:s16] =	ssyncadd.s32 $0xFFFFC000  }
0x65: {  	_ =	swait.ge [sflag:s18], $0x80  }
0x66: {  	[sflag:s18] =	ssyncset.done $0x0  }
0x67: {  	s24 =	sadd.s32 s23, s14;
	[sflag:s18] =	ssyncadd.s32 $0xFFFFFF80  }
0x68: {  	[tilespmem:s3], [sflag:$0x1] =	stream.linear.gather [hbm4b:s24+s3], $0x80, $0x38;
	[tilespmem:$0x17D00] =	vst v63  }
0x69: {  	_ = 	snop  }
0x6a: {  	[spmem:s2] =	stream.indirect.scatter.add.f32 [tilespmem:s15], [sflag:$0x2], $0x80, s17, s17, $0xb8;
	[tilespmem:$0x17D00] =	vst v63  }
0x6b: {  	_ =	swait.ge [sflag:s16], $0x4000  }
.Ltmp2:
0x6c: {  	[sflag:s16] =	ssyncset.done $0x0;
	(pc) =	sbr.rel @p0 .LBB2_6-.Ltmp2, $4  }
0x6d: {  	[sflag:s16] =	ssyncadd.s32 $0xFFFFC000  }
0x6e: {  	_ =	swait.ge [sflag:s18], $0x80  }
0x6f: {  	[sflag:s18] =	ssyncset.done $0x0  }
0x70: {  	s23 =	sadd.s32 s23, s13;
	[sflag:s18] =	ssyncadd.s32 $0xFFFFFF80  }
0x71: {  	[tilespmem:s17], [sflag:$0x1] =	stream.linear.gather [hbm4b:s23+s3], $0x80, $0x38;
	[tilespmem:$0x17D00] =	vst v63  }
0x72: {  	_ = 	snop  }
0x73: {  	[spmem:s2] =	stream.indirect.scatter.add.f32 [tilespmem:s15], [sflag:$0x2], $0x80, s3, s17, $0xb8;
	[tilespmem:$0x17D00] =	vst v63  }
0x74: {  	_ =	swait.ge [sflag:s16], $0x4000  }
0x75: {  	[sflag:s16] =	ssyncset.done $0x0  }
0x76: {  	[sflag:s16] =	ssyncadd.s32 $0xFFFFC000  }
0x77: {  	_ =	swait.ge [sflag:s18], $0x80  }
0x78: {  	[sflag:s18] =	ssyncset.done $0x0  }
0x79: {  	[sflag:s18] =	ssyncadd.s32 $0xFFFFFF80  }
0x7a: {  	[spmem:s2] =	stream.indirect.scatter.add.f32 [tilespmem:s15], [sflag:$0x2], $0x80, s17, s17, $0xb8;
	[tilespmem:$0x17D00] =	vst v63  }
0x7b: {  	_ =	swait.ge [sflag:s16], $0x4000  }
0x7c: {  	s21 =	sadd.s32 $0x1, s21;
	[sflag:s16] =	ssyncset.done $0x0  }
0x7d: {  	p0 =	sne.s32 s21, s12;
	[sflag:s16] =	ssyncadd.s32 $0xFFFFC000  }
.Ltmp3:
0x7e: {  	[bflag:$0x0] =	sbarrier.arrive $0xFFFF;
	(pc) =	sbr.rel @p0 .LBB2_1-.Ltmp3, $4  }
0x7f: {  	[hbm:s11], [sflag:s19] =	dma.local [spmem:s20], $0x2780  }
0x80: {  	_ =	swait.ge [sflag:s16], $0x2780  }
0x81: {  	[sflag:s16] =	ssyncset.done $0x0  }
0x82: {  	[sflag:s16] =	ssyncadd.s32 $0xFFFFD880  }
0x83: {  	_ =	sfence.sel $0x180000  }
0x84: {  	[bflag:$0x0] =	sbarrier.arrive $0xFFFF  }
0x85: {  	p0 =	sne.s32 s0, $0x0;
	_ =	strace $0x90000047  }
0x86: {  	s0 =	sadd.s32 @!p0 $0x100000, s1;
	[bflag:$0x2] =	sbarrier.arrive $0xFFFF  }
0x87: {  	[sflag:s0] =	ssyncadd.tile.s32 @!p0 $0x1;
	_ =	shalt  }
.Lfunc_end2:
_tile_overlayer_lowered:
.L_overlay_start_2:
0x88: {  	(tag) =	ssettag $0x2  }
0x89: {  	s0 =	rddreg [dreg:$0x0];
	s2 =	stileid.u32  }
0x8a: {  	s1 =	rddreg [dreg:$0x1];
	p0 =	sne.s32 s2, $0x0  }
0x8b: {  	s3 =	rddreg [dreg:$0x2];
	[bflag:$0x3] =	sbarrier.arrive $0xFFFF;
	s2 =	simm.s32 @!p0 $0x1C02  }
0x8c: {  	[timem:s3], [sflag:s2] =	dma.local @!p0 [hbm:s0], s1  }
0x8d: {  	s0 =	simm.s32 @!p0 $0x2  }
0x8e: {  	_ =	swait.ge @!p0 [sflag:s0], s1  }
0x8f: {  	s1 =	ssub.s32 @!p0 $0x0, s1;
	[sflag:s0] =	ssyncset.done @!p0 $0x0  }
0x90: {  	[sflag:s0] =	ssyncadd.s32 @!p0 s1  }
0x91: {  	[bflag:$0x3] =	sbarrier.arrive $0xFFFF  }
0x92: {  	_ =	shalt  }

</sc_bundles>
